<compile_context>
chip_gen: v7x
topology: tpu7x:2x2x1
jax: 0.10.2.dev20260603
libtpu: 0.0.44.dev20260713+nightly
codegen_flags: <defaults>
</compile_context>

<pallas_src>
import functools

import jax
import jax.numpy as jnp
from jax import lax
from jax.experimental import pallas as pl
from jax.experimental.pallas import tpu as pltpu
from jax.experimental.pallas import tpu_sc as plsc

N = 10000
E = 320000
D = 128
HD = D // 2
OUT = 128

NC = 2
NS = 16
NW = NC * NS
SUB = 64
LOAD = 128
LOADS_PER_TILE = 80
E_PAD = NW * LOADS_PER_TILE * LOAD
NCHUNKS = E_PAD // LOAD
L_FAST, L_SLOW = 140, 20
P = 10240
DUMMY_DST = N + 50
ROWS_PER_TILE = P // NS
NRCHUNK = ROWS_PER_TILE // SUB


def _iota_fill(buf, base):
    for j in range(SUB // 16):
        buf[pl.ds(j * 16, 16)] = (
            jnp.arange(16, dtype=jnp.int32) + (base + j * 16))


def _sc_body(h_hbm, pk_hbm, zsum_hbm, ones_hbm,
             sum_out, cnt_out,
             idx_p, idx_s0, idx_d0, idx_s1, idx_d1, idx_d2, idx_d3,
             rows0, rows1, acc, sem_g, sem_s0, sem_s1, sem_s2, sem_s3):
    c = lax.axis_index("c")
    s = lax.axis_index("s")
    wid = c * NS + s
    r0 = s * ROWS_PER_TILE

    def unpack(half, i_s, i_d):
        for j in range(SUB // 16):
            v = idx_p[pl.ds(half * SUB + j * 16, 16)]
            if i_s is not None:
                i_s[pl.ds(j * 16, 16)] = lax.shift_right_logical(v, 14)
            i_d[pl.ds(j * 16, 16)] = lax.bitwise_and(v, 16383)

    def drain(sem, rows):
        pltpu.make_async_copy(zsum_hbm, rows, sem).wait()

    def zero_acc():
        pltpu.sync_copy(zsum_hbm, rows0)
        for k in range(NRCHUNK):
            _iota_fill(idx_s0, r0 + k * SUB)
            pltpu.sync_copy(rows0, acc.at[idx_s0])

    def readback(out3):
        for k in range(NRCHUNK):
            base = r0 + k * SUB
            _iota_fill(idx_s0, base)
            pltpu.async_copy(acc.at[idx_s0], rows0, sem_g).wait()
            pltpu.sync_copy(rows0, sum_out.at[c, pl.ds(base, SUB)]
                            if out3 is None else out3.at[c, pl.ds(base, SUB)])

    zero_acc()
    plsc.subcore_barrier()

    base1 = jnp.where(c == 0, s * L_FAST, NS * L_FAST + s * L_SLOW)
    n1 = jnp.where(c == 0, L_FAST, L_SLOW)

    def body1(i, first):
        if not first:
            drain(sem_s0, rows0)
        pltpu.sync_copy(pk_hbm.at[base1 + i], idx_p)
        unpack(0, idx_s0, idx_d0)
        g0 = pltpu.async_copy(h_hbm.at[idx_s0], rows0, sem_g)
        if not first:
            drain(sem_s1, rows1)
        unpack(1, idx_s1, idx_d1)
        g0.wait()
        pltpu.async_copy(rows0, acc.at[idx_d0], sem_s0, add=True)
        g1 = pltpu.async_copy(h_hbm.at[idx_s1], rows1, sem_g)
        g1.wait()
        pltpu.async_copy(rows1, acc.at[idx_d1], sem_s1, add=True)

    body1(0, True)
    lax.fori_loop(1, n1, lambda i, _: (body1(i, False), 0)[1], 0)
    drain(sem_s0, rows0)
    drain(sem_s1, rows1)
    plsc.subcore_barrier()
    readback(sum_out)
    plsc.subcore_barrier()

    zero_acc()
    plsc.subcore_barrier()
    pltpu.sync_copy(ones_hbm, rows0)

    idx_rings = (idx_d0, idx_d1, idx_d2, idx_d3)
    sem_rings = (sem_s0, sem_s1, sem_s2, sem_s3)

    def body2(i, first):
        for u in range(2):
            pltpu.sync_copy(pk_hbm.at[wid * LOADS_PER_TILE + 2 * i + u],
                            idx_p)
            for hh in range(2):
                r = 2 * u + hh
                if not first:
                    drain(sem_rings[r], rows1)
                unpack(hh, None, idx_rings[r])
                pltpu.async_copy(rows0, acc.at[idx_rings[r]],
                                 sem_rings[r], add=True)

    body2(0, True)
    lax.fori_loop(1, LOADS_PER_TILE // 2,
                  lambda i, _: (body2(i, False), 0)[1], 0)
    for r in range(4):
        drain(sem_rings[r], rows1)
    plsc.subcore_barrier()
    readback(cnt_out)


_sc_aggregate = functools.partial(
    pl.kernel,
    out_type=[
        jax.ShapeDtypeStruct((NC, P, D), jnp.float32),
        jax.ShapeDtypeStruct((NC, P, D), jnp.float32),
    ],
    mesh=plsc.VectorSubcoreMesh(core_axis_name="c", subcore_axis_name="s"),
    scratch_types=[
        pltpu.VMEM((LOAD,), jnp.int32),
        pltpu.VMEM((SUB,), jnp.int32),
        pltpu.VMEM((SUB,), jnp.int32),
        pltpu.VMEM((SUB,), jnp.int32),
        pltpu.VMEM((SUB,), jnp.int32),
        pltpu.VMEM((SUB,), jnp.int32),
        pltpu.VMEM((SUB,), jnp.int32),
        pltpu.VMEM((SUB, D), jnp.float32),
        pltpu.VMEM((SUB, D), jnp.float32),
        pltpu.VMEM_SHARED((P, D), jnp.float32),
        pltpu.SemaphoreType.DMA,
        pltpu.SemaphoreType.DMA,
        pltpu.SemaphoreType.DMA,
        pltpu.SemaphoreType.DMA,
        pltpu.SemaphoreType.DMA,
    ],
)(_sc_body)


ROW_BLK = 2048


def _tc_body(h_ref, sum_ref, cnt_ref, w_ref, b_ref, out_ref):
    ssum = sum_ref[0] + sum_ref[1]
    count = cnt_ref[0, :, 0:1] + cnt_ref[1, :, 0:1]
    h_neigh = ssum / jnp.maximum(count, 1.0)
    acc = jnp.dot(h_ref[...], w_ref[0:D, :], preferred_element_type=jnp.float32)
    acc = acc + jnp.dot(h_neigh, w_ref[D:2 * D, :],
                        preferred_element_type=jnp.float32)
    out_ref[...] = jnp.maximum(acc + b_ref[...], 0.0)


def _tc_combine(h, sum_p, cnt_p, W, b):
    return pl.pallas_call(
        _tc_body,
        grid=(pl.cdiv(N, ROW_BLK),),
        in_specs=[
            pl.BlockSpec((ROW_BLK, D), lambda i: (i, 0)),
            pl.BlockSpec((NC, ROW_BLK, D), lambda i: (0, i, 0)),
            pl.BlockSpec((NC, ROW_BLK, D), lambda i: (0, i, 0)),
            pl.BlockSpec((2 * D, OUT), lambda i: (0, 0)),
            pl.BlockSpec((OUT,), lambda i: (0,)),
        ],
        out_specs=pl.BlockSpec((ROW_BLK, OUT), lambda i: (i, 0)),
        out_shape=jax.ShapeDtypeStruct((N, OUT), jnp.float32),
    )(h, sum_p, cnt_p, W, b)


def kernel(h, edge_index, num_dst, W, b):
    src = edge_index[0]
    dst = edge_index[1]
    shift = jnp.asarray(num_dst, jnp.int32) - jnp.int32(N)
    dst = dst + shift

    packed = jnp.left_shift(src, 14) | dst
    packed = jnp.concatenate(
        [packed, jnp.full((E_PAD - E,), DUMMY_DST, jnp.int32)])
    pk3 = packed.reshape(NCHUNKS, LOAD)

    zsum = jnp.zeros((SUB, D), jnp.float32)
    ones = jnp.ones((SUB, D), jnp.float32)

    sum_p, cnt_p = _sc_aggregate(h, pk3, zsum, ones)
    return _tc_combine(h, sum_p, cnt_p, W, b)

# --- scband reference (transcript-rebuilt; emitter-appended) ---
"""Pipeline reference for scband-my-graph-conv-86749749444624 (READ-ONLY COPY).

The authoritative reference and input builder live on the scoring server;
editing this copy changes nothing except your own understanding.
"""

import jax, jax.numpy as jnp
import numpy as np

N = 10000
E = 320000
D = 128
OUT = 128


def setup_inputs(seed: int = 0) -> dict:
    key = jax.random.key(seed)
    k1, k2, k3 = jax.random.split(key, 3)
    h = jax.random.normal(k1, (N, D), dtype=jnp.float32)
    edge_index = jax.random.randint(k2, (2, E), 0, N, dtype=jnp.int32)
    # Learned parameters for nn.Linear(in_feats*2, out_feats)
    W = jax.random.normal(k3, (2 * D, OUT), dtype=jnp.float32) * 0.05
    b = jnp.zeros((OUT,), dtype=jnp.float32)
    return {"h": h, "edge_index": edge_index, "num_dst": N, "W": W, "b": b}


def reference(h, edge_index, num_dst, W, b):
    # DGL block semantics: dst nodes are the first num_dst nodes of the src set.
    src = edge_index[0]
    dst = edge_index[1]
    num_dst_static = h.shape[0]
    dst = dst + (jnp.asarray(num_dst, dtype=dst.dtype) - jnp.asarray(num_dst_static, dtype=dst.dtype))
    h_dst = h[:num_dst_static]
    # copy_u('h','m'): gather source features along edges
    msgs = jnp.take(h, src, axis=0)
    # mean('m','h_neigh'): scatter-add then divide by in-degree
    summed = jax.ops.segment_sum(msgs, dst, num_segments=num_dst_static)
    count = jax.ops.segment_sum(jnp.ones((msgs.shape[0],), dtype=h.dtype), dst, num_segments=num_dst_static)
    h_neigh = summed / jnp.maximum(count, 1.0)[:, None]
    # W(cat([h_dst, h_neigh], 1)) followed by relu activation
    out = jnp.concatenate([h_dst, h_neigh], axis=1) @ W + b
    return jax.nn.relu(out)

if __name__ == "__main__":
    import jax
    _d = setup_inputs()
    print(jax.jit(kernel)(*tuple(_d.values())))

</pallas_src>

<mosaic_0001>
#map = affine_map<(d0, d1) -> (0, 0)>
#map1 = affine_map<(d0, d1) -> (0, 0, 0)>
module attributes {stable_mosaic.version = 14 : i64} {
  func.func @_sc_body(%arg0: i32, %arg1: i32, %arg2: memref<10000x128xf32, #tpu.memory_space<hbm>>, %arg3: memref<2560x128xi32, #tpu.memory_space<hbm>>, %arg4: memref<64x128xf32, #tpu.memory_space<hbm>>, %arg5: memref<64x128xf32, #tpu.memory_space<hbm>>, %arg6: memref<2x10240x128xf32, #tpu.memory_space<hbm>>, %arg7: memref<2x10240x128xf32, #tpu.memory_space<hbm>>, %arg8: memref<128xi32, #tpu.memory_space<vmem>>, %arg9: memref<64xi32, #tpu.memory_space<vmem>>, %arg10: memref<64xi32, #tpu.memory_space<vmem>>, %arg11: memref<64xi32, #tpu.memory_space<vmem>>, %arg12: memref<64xi32, #tpu.memory_space<vmem>>, %arg13: memref<64xi32, #tpu.memory_space<vmem>>, %arg14: memref<64xi32, #tpu.memory_space<vmem>>, %arg15: memref<64x128xf32, #tpu.memory_space<vmem>>, %arg16: memref<64x128xf32, #tpu.memory_space<vmem>>, %arg17: memref<10240x128xf32, #tpu.memory_space<vmem_shared>>, %arg18: memref<!tpu.dma_semaphore, #tpu.memory_space<semaphore_mem>>, %arg19: memref<!tpu.dma_semaphore, #tpu.memory_space<semaphore_mem>>, %arg20: memref<!tpu.dma_semaphore, #tpu.memory_space<semaphore_mem>>, %arg21: memref<!tpu.dma_semaphore, #tpu.memory_space<semaphore_mem>>, %arg22: memref<!tpu.dma_semaphore, #tpu.memory_space<semaphore_mem>>) attributes {dimension_semantics = [#tpu.dimension_semantics<core_parallel>, #tpu.dimension_semantics<subcore_parallel>], iteration_bounds = array<i64: 2, 16>, scalar_prefetch = 0 : i64, scratch_operands = 15 : i64, tpu.core_type = #tpu.core_type<sc_vector_subcore>, window_params = [{transform_indices = #map}, {transform_indices = #map}, {transform_indices = #map}, {transform_indices = #map}, {transform_indices = #map1}, {transform_indices = #map1}]} {
    %mul3A = arith.constant 16 : i32
    %mul3A_0 = arith.muli %arg0, %mul3A : i32
    %add3A = arith.addi %mul3A_0, %arg1 : i32
    %mul3A_1 = arith.constant 640 : i32
    %mul3A_2 = arith.muli %arg1, %mul3A_1 : i32
    "tpu.region"() ({
      %run_scoped3A = tpu.sem_alloc : memref<!tpu.dma_semaphore, #tpu.memory_space<semaphore_mem>>
      tpu.enqueue_dma source(%arg4 : memref<64x128xf32, #tpu.memory_space<hbm>>) target(%arg15 : memref<64x128xf32, #tpu.memory_space<vmem>>) target_semaphore(%run_scoped3A : memref<!tpu.dma_semaphore, #tpu.memory_space<semaphore_mem>>)
      tpu.wait_dma2 semaphore(%run_scoped3A : memref<!tpu.dma_semaphore, #tpu.memory_space<semaphore_mem>>) src(%arg4 : memref<64x128xf32, #tpu.memory_space<hbm>>) dst(%arg15 : memref<64x128xf32, #tpu.memory_space<vmem>>)
      tpu.yield
    }) : () -> ()
    %add3A_3 = arith.constant 0 : i32
    %add3A_4 = arith.addi %mul3A_2, %add3A_3 : i32
    %iota3A = tpu.iota {dimensions = array<i32: 0>} : vector<16xi32>
    %add3A_5 = arith.constant 0 : i32
    %add3A_6 = arith.addi %add3A_4, %add3A_5 : i32
    %add3A_7 = vector.broadcast %add3A_6 : i32 to vector<16xi32>
    %add3A_8 = arith.addi %iota3A, %add3A_7 : vector<16xi32>
    %swap3A = arith.constant 0 : index
    %swap3A_9 = tpu.vector_load %arg9[%swap3A] {strides = array<i32>} : memref<64xi32, #tpu.memory_space<vmem>>, vector<16xi32>,
    %swap3A_10 = vector.shape_cast %swap3A_9 : vector<16xi32> to vector<16xi32>
    %swap3A_11 = vector.shape_cast %add3A_8 : vector<16xi32> to vector<16xi32>
    tpu.vector_store %arg9[%swap3A], %swap3A_11 {strides = array<i32>} : memref<64xi32, #tpu.memory_space<vmem>>, vector<16xi32>,
    %iota3A_12 = tpu.iota {dimensions = array<i32: 0>} : vector<16xi32>
    %add3A_13 = arith.constant 16 : i32
    %add3A_14 = arith.addi %add3A_4, %add3A_13 : i32
    %add3A_15 = vector.broadcast %add3A_14 : i32 to vector<16xi32>
    %add3A_16 = arith.addi %iota3A_12, %add3A_15 : vector<16xi32>
    %swap3A_17 = arith.constant 16 : index
    %swap3A_18 = tpu.vector_load %arg9[%swap3A_17] {strides = array<i32>} : memref<64xi32, #tpu.memory_space<vmem>>, vector<16xi32>,
    %swap3A_19 = vector.shape_cast %swap3A_18 : vector<16xi32> to vector<16xi32>
    %swap3A_20 = vector.shape_cast %add3A_16 : vector<16xi32> to vector<16xi32>
    tpu.vector_store %arg9[%swap3A_17], %swap3A_20 {strides = array<i32>} : memref<64xi32, #tpu.memory_space<vmem>>, vector<16xi32>,
    %iota3A_21 = tpu.iota {dimensions = array<i32: 0>} : vector<16xi32>
    %add3A_22 = arith.constant 32 : i32
    %add3A_23 = arith.addi %add3A_4, %add3A_22 : i32
    %add3A_24 = vector.broadcast %add3A_23 : i32 to vector<16xi32>
    %add3A_25 = arith.addi %iota3A_21, %add3A_24 : vector<16xi32>
    %swap3A_26 = arith.constant 32 : index
    %swap3A_27 = tpu.vector_load %arg9[%swap3A_26] {strides = array<i32>} : memref<64xi32, #tpu.memory_space<vmem>>, vector<16xi32>,
    %swap3A_28 = vector.shape_cast %swap3A_27 : vector<16xi32> to vector<16xi32>
    %swap3A_29 = vector.shape_cast %add3A_25 : vector<16xi32> to vector<16xi32>
    tpu.vector_store %arg9[%swap3A_26], %swap3A_29 {strides = array<i32>} : memref<64xi32, #tpu.memory_space<vmem>>, vector<16xi32>,
    %iota3A_30 = tpu.iota {dimensions = array<i32: 0>} : vector<16xi32>
    %add3A_31 = arith.constant 48 : i32
    %add3A_32 = arith.addi %add3A_4, %add3A_31 : i32
    %add3A_33 = vector.broadcast %add3A_32 : i32 to vector<16xi32>
    %add3A_34 = arith.addi %iota3A_30, %add3A_33 : vector<16xi32>
    %swap3A_35 = arith.constant 48 : index
    %swap3A_36 = tpu.vector_load %arg9[%swap3A_35] {strides = array<i32>} : memref<64xi32, #tpu.memory_space<vmem>>, vector<16xi32>,
    %swap3A_37 = vector.shape_cast %swap3A_36 : vector<16xi32> to vector<16xi32>
    %swap3A_38 = vector.shape_cast %add3A_34 : vector<16xi32> to vector<16xi32>
    tpu.vector_store %arg9[%swap3A_35], %swap3A_38 {strides = array<i32>} : memref<64xi32, #tpu.memory_space<vmem>>, vector<16xi32>,
    "tpu.region"() ({
      %run_scoped3A = tpu.sem_alloc : memref<!tpu.dma_semaphore, #tpu.memory_space<semaphore_mem>>
      %dma_start3A_2008 = arith.constant 0 : i32
      %dma_start3A_2009 = arith.constant 0 : i32
      %dma_start3A_2010 = tpu.memref_slice %arg17[%dma_start3A_2008, %dma_start3A_2009] : memref<10240x128xf32, #tpu.memory_space<vmem_shared>> -> memref<10240x128xf32, #tpu.memory_space<vmem_shared>>
      tpu.enqueue_indirect_dma source(%arg15 : memref<64x128xf32, #tpu.memory_space<vmem>>) target(%dma_start3A_2010 : memref<10240x128xf32, #tpu.memory_space<vmem_shared>>) offsets(%arg9 : memref<64xi32, #tpu.memory_space<vmem>>) semaphore(%run_scoped3A : memref<!tpu.dma_semaphore, #tpu.memory_space<semaphore_mem>>)
      %dma_wait3A_2011 = arith.constant 0 : i32
      %dma_wait3A_2012 = arith.constant 0 : i32
      %dma_wait3A_2013 = tpu.memref_slice %arg17[%dma_wait3A_2011, %dma_wait3A_2012] : memref<10240x128xf32, #tpu.memory_space<vmem_shared>> -> memref<10240x128xf32, #tpu.memory_space<vmem_shared>>
      tpu.wait_indirect_dma semaphore(%run_scoped3A : memref<!tpu.dma_semaphore, #tpu.memory_space<semaphore_mem>>) src(%arg15 : memref<64x128xf32, #tpu.memory_space<vmem>>) dst(%dma_wait3A_2013 : memref<10240x128xf32, #tpu.memory_space<vmem_shared>>)
      tpu.yield
    }) : () -> ()
    %add3A_39 = arith.constant 64 : i32
    %add3A_40 = arith.addi %mul3A_2, %add3A_39 : i32
    %iota3A_41 = tpu.iota {dimensions = array<i32: 0>} : vector<16xi32>
    %add3A_42 = arith.constant 0 : i32
    %add3A_43 = arith.addi %add3A_40, %add3A_42 : i32
    %add3A_44 = vector.broadcast %add3A_43 : i32 to vector<16xi32>
    %add3A_45 = arith.addi %iota3A_41, %add3A_44 : vector<16xi32>
    %swap3A_46 = arith.constant 0 : index
    %swap3A_47 = tpu.vector_load %arg9[%swap3A_46] {strides = array<i32>} : memref<64xi32, #tpu.memory_space<vmem>>, vector<16xi32>,
    %swap3A_48 = vector.shape_cast %swap3A_47 : vector<16xi32> to vector<16xi32>
    %swap3A_49 = vector.shape_cast %add3A_45 : vector<16xi32> to vector<16xi32>
    tpu.vector_store %arg9[%swap3A_46], %swap3A_49 {strides = array<i32>} : memref<64xi32, #tpu.memory_space<vmem>>, vector<16xi32>,
    %iota3A_50 = tpu.iota {dimensions = array<i32: 0>} : vector<16xi32>
    %add3A_51 = arith.constant 16 : i32
    %add3A_52 = arith.addi %add3A_40, %add3A_51 : i32
    %add3A_53 = vector.broadcast %add3A_52 : i32 to vector<16xi32>
    %add3A_54 = arith.addi %iota3A_50, %add3A_53 : vector<16xi32>
    %swap3A_55 = arith.constant 16 : index
    %swap3A_56 = tpu.vector_load %arg9[%swap3A_55] {strides = array<i32>} : memref<64xi32, #tpu.memory_space<vmem>>, vector<16xi32>,
    %swap3A_57 = vector.shape_cast %swap3A_56 : vector<16xi32> to vector<16xi32>
    %swap3A_58 = vector.shape_cast %add3A_54 : vector<16xi32> to vector<16xi32>
    tpu.vector_store %arg9[%swap3A_55], %swap3A_58 {strides = array<i32>} : memref<64xi32, #tpu.memory_space<vmem>>, vector<16xi32>,
    %iota3A_59 = tpu.iota {dimensions = array<i32: 0>} : vector<16xi32>
    %add3A_60 = arith.constant 32 : i32
    %add3A_61 = arith.addi %add3A_40, %add3A_60 : i32
    %add3A_62 = vector.broadcast %add3A_61 : i32 to vector<16xi32>
    %add3A_63 = arith.addi %iota3A_59, %add3A_62 : vector<16xi32>
    %swap3A_64 = arith.constant 32 : index
    %swap3A_65 = tpu.vector_load %arg9[%swap3A_64] {strides = array<i32>} : memref<64xi32, #tpu.memory_space<vmem>>, vector<16xi32>,
    %swap3A_66 = vector.shape_cast %swap3A_65 : vector<16xi32> to vector<16xi32>
    %swap3A_67 = vector.shape_cast %add3A_63 : vector<16xi32> to vector<16xi32>
    tpu.vector_store %arg9[%swap3A_64], %swap3A_67 {strides = array<i32>} : memref<64xi32, #tpu.memory_space<vmem>>, vector<16xi32>,
    %iota3A_68 = tpu.iota {dimensions = array<i32: 0>} : vector<16xi32>
    %add3A_69 = arith.constant 48 : i32
    %add3A_70 = arith.addi %add3A_40, %add3A_69 : i32
    %add3A_71 = vector.broadcast %add3A_70 : i32 to vector<16xi32>
    %add3A_72 = arith.addi %iota3A_68, %add3A_71 : vector<16xi32>
    %swap3A_73 = arith.constant 48 : index
    %swap3A_74 = tpu.vector_load %arg9[%swap3A_73] {strides = array<i32>} : memref<64xi32, #tpu.memory_space<vmem>>, vector<16xi32>,
    %swap3A_75 = vector.shape_cast %swap3A_74 : vector<16xi32> to vector<16xi32>
    %swap3A_76 = vector.shape_cast %add3A_72 : vector<16xi32> to vector<16xi32>
    tpu.vector_store %arg9[%swap3A_73], %swap3A_76 {strides = array<i32>} : memref<64xi32, #tpu.memory_space<vmem>>, vector<16xi32>,
    "tpu.region"() ({
      %run_scoped3A = tpu.sem_alloc : memref<!tpu.dma_semaphore, #tpu.memory_space<semaphore_mem>>
      %dma_start3A_2008 = arith.constant 0 : i32
      %dma_start3A_2009 = arith.constant 0 : i32
      %dma_start3A_2010 = tpu.memref_slice %arg17[%dma_start3A_2008, %dma_start3A_2009] : memref<10240x128xf32, #tpu.memory_space<vmem_shared>> -> memref<10240x128xf32, #tpu.memory_space<vmem_shared>>
      tpu.enqueue_indirect_dma source(%arg15 : memref<64x128xf32, #tpu.memory_space<vmem>>) target(%dma_start3A_2010 : memref<10240x128xf32, #tpu.memory_space<vmem_shared>>) offsets(%arg9 : memref<64xi32, #tpu.memory_space<vmem>>) semaphore(%run_scoped3A : memref<!tpu.dma_semaphore, #tpu.memory_space<semaphore_mem>>)
      %dma_wait3A_2011 = arith.constant 0 : i32
      %dma_wait3A_2012 = arith.constant 0 : i32
      %dma_wait3A_2013 = tpu.memref_slice %arg17[%dma_wait3A_2011, %dma_wait3A_2012] : memref<10240x128xf32, #tpu.memory_space<vmem_shared>> -> memref<10240x128xf32, #tpu.memory_space<vmem_shared>>
      tpu.wait_indirect_dma semaphore(%run_scoped3A : memref<!tpu.dma_semaphore, #tpu.memory_space<semaphore_mem>>) src(%arg15 : memref<64x128xf32, #tpu.memory_space<vmem>>) dst(%dma_wait3A_2013 : memref<10240x128xf32, #tpu.memory_space<vmem_shared>>)
      tpu.yield
    }) : () -> ()
    %add3A_77 = arith.constant 128 : i32
    %add3A_78 = arith.addi %mul3A_2, %add3A_77 : i32
    %iota3A_79 = tpu.iota {dimensions = array<i32: 0>} : vector<16xi32>
    %add3A_80 = arith.constant 0 : i32
    %add3A_81 = arith.addi %add3A_78, %add3A_80 : i32
    %add3A_82 = vector.broadcast %add3A_81 : i32 to vector<16xi32>
    %add3A_83 = arith.addi %iota3A_79, %add3A_82 : vector<16xi32>
    %swap3A_84 = arith.constant 0 : index
    %swap3A_85 = tpu.vector_load %arg9[%swap3A_84] {strides = array<i32>} : memref<64xi32, #tpu.memory_space<vmem>>, vector<16xi32>,
    %swap3A_86 = vector.shape_cast %swap3A_85 : vector<16xi32> to vector<16xi32>
    %swap3A_87 = vector.shape_cast %add3A_83 : vector<16xi32> to vector<16xi32>
    tpu.vector_store %arg9[%swap3A_84], %swap3A_87 {strides = array<i32>} : memref<64xi32, #tpu.memory_space<vmem>>, vector<16xi32>,
    %iota3A_88 = tpu.iota {dimensions = array<i32: 0>} : vector<16xi32>
    %add3A_89 = arith.constant 16 : i32
    %add3A_90 = arith.addi %add3A_78, %add3A_89 : i32
    %add3A_91 = vector.broadcast %add3A_90 : i32 to vector<16xi32>
    %add3A_92 = arith.addi %iota3A_88, %add3A_91 : vector<16xi32>
    %swap3A_93 = arith.constant 16 : index
    %swap3A_94 = tpu.vector_load %arg9[%swap3A_93] {strides = array<i32>} : memref<64xi32, #tpu.memory_space<vmem>>, vector<16xi32>,
    %swap3A_95 = vector.shape_cast %swap3A_94 : vector<16xi32> to vector<16xi32>
    %swap3A_96 = vector.shape_cast %add3A_92 : vector<16xi32> to vector<16xi32>
    tpu.vector_store %arg9[%swap3A_93], %swap3A_96 {strides = array<i32>} : memref<64xi32, #tpu.memory_space<vmem>>, vector<16xi32>,
    %iota3A_97 = tpu.iota {dimensions = array<i32: 0>} : vector<16xi32>
    %add3A_98 = arith.constant 32 : i32
    %add3A_99 = arith.addi %add3A_78, %add3A_98 : i32
    %add3A_100 = vector.broadcast %add3A_99 : i32 to vector<16xi32>
    %add3A_101 = arith.addi %iota3A_97, %add3A_100 : vector<16xi32>
    %swap3A_102 = arith.constant 32 : index
    %swap3A_103 = tpu.vector_load %arg9[%swap3A_102] {strides = array<i32>} : memref<64xi32, #tpu.memory_space<vmem>>, vector<16xi32>,
    %swap3A_104 = vector.shape_cast %swap3A_103 : vector<16xi32> to vector<16xi32>
    %swap3A_105 = vector.shape_cast %add3A_101 : vector<16xi32> to vector<16xi32>
    tpu.vector_store %arg9[%swap3A_102], %swap3A_105 {strides = array<i32>} : memref<64xi32, #tpu.memory_space<vmem>>, vector<16xi32>,
    %iota3A_106 = tpu.iota {dimensions = array<i32: 0>} : vector<16xi32>
    %add3A_107 = arith.constant 48 : i32
    %add3A_108 = arith.addi %add3A_78, %add3A_107 : i32
    %add3A_109 = vector.broadcast %add3A_108 : i32 to vector<16xi32>
    %add3A_110 = arith.addi %iota3A_106, %add3A_109 : vector<16xi32>
    %swap3A_111 = arith.constant 48 : index
    %swap3A_112 = tpu.vector_load %arg9[%swap3A_111] {strides = array<i32>} : memref<64xi32, #tpu.memory_space<vmem>>, vector<16xi32>,
    %swap3A_113 = vector.shape_cast %swap3A_112 : vector<16xi32> to vector<16xi32>
    %swap3A_114 = vector.shape_cast %add3A_110 : vector<16xi32> to vector<16xi32>
    tpu.vector_store %arg9[%swap3A_111], %swap3A_114 {strides = array<i32>} : memref<64xi32, #tpu.memory_space<vmem>>, vector<16xi32>,
    "tpu.region"() ({
      %run_scoped3A = tpu.sem_alloc : memref<!tpu.dma_semaphore, #tpu.memory_space<semaphore_mem>>
      %dma_start3A_2008 = arith.constant 0 : i32
      %dma_start3A_2009 = arith.constant 0 : i32
      %dma_start3A_2010 = tpu.memref_slice %arg17[%dma_start3A_2008, %dma_start3A_2009] : memref<10240x128xf32, #tpu.memory_space<vmem_shared>> -> memref<10240x128xf32, #tpu.memory_space<vmem_shared>>
      tpu.enqueue_indirect_dma source(%arg15 : memref<64x128xf32, #tpu.memory_space<vmem>>) target(%dma_start3A_2010 : memref<10240x128xf32, #tpu.memory_space<vmem_shared>>) offsets(%arg9 : memref<64xi32, #tpu.memory_space<vmem>>) semaphore(%run_scoped3A : memref<!tpu.dma_semaphore, #tpu.memory_space<semaphore_mem>>)
      %dma_wait3A_2011 = arith.constant 0 : i32
      %dma_wait3A_2012 = arith.constant 0 : i32
      %dma_wait3A_2013 = tpu.memref_slice %arg17[%dma_wait3A_2011, %dma_wait3A_2012] : memref<10240x128xf32, #tpu.memory_space<vmem_shared>> -> memref<10240x128xf32, #tpu.memory_space<vmem_shared>>
      tpu.wait_indirect_dma semaphore(%run_scoped3A : memref<!tpu.dma_semaphore, #tpu.memory_space<semaphore_mem>>) src(%arg15 : memref<64x128xf32, #tpu.memory_space<vmem>>) dst(%dma_wait3A_2013 : memref<10240x128xf32, #tpu.memory_space<vmem_shared>>)
      tpu.yield
    }) : () -> ()
    %add3A_115 = arith.constant 192 : i32
    %add3A_116 = arith.addi %mul3A_2, %add3A_115 : i32
    %iota3A_117 = tpu.iota {dimensions = array<i32: 0>} : vector<16xi32>
    %add3A_118 = arith.constant 0 : i32
    %add3A_119 = arith.addi %add3A_116, %add3A_118 : i32
    %add3A_120 = vector.broadcast %add3A_119 : i32 to vector<16xi32>
    %add3A_121 = arith.addi %iota3A_117, %add3A_120 : vector<16xi32>
    %swap3A_122 = arith.constant 0 : index
    %swap3A_123 = tpu.vector_load %arg9[%swap3A_122] {strides = array<i32>} : memref<64xi32, #tpu.memory_space<vmem>>, vector<16xi32>,
    %swap3A_124 = vector.shape_cast %swap3A_123 : vector<16xi32> to vector<16xi32>
    %swap3A_125 = vector.shape_cast %add3A_121 : vector<16xi32> to vector<16xi32>
    tpu.vector_store %arg9[%swap3A_122], %swap3A_125 {strides = array<i32>} : memref<64xi32, #tpu.memory_space<vmem>>, vector<16xi32>,
    %iota3A_126 = tpu.iota {dimensions = array<i32: 0>} : vector<16xi32>
    %add3A_127 = arith.constant 16 : i32
    %add3A_128 = arith.addi %add3A_116, %add3A_127 : i32
    %add3A_129 = vector.broadcast %add3A_128 : i32 to vector<16xi32>
    %add3A_130 = arith.addi %iota3A_126, %add3A_129 : vector<16xi32>
    %swap3A_131 = arith.constant 16 : index
    %swap3A_132 = tpu.vector_load %arg9[%swap3A_131] {strides = array<i32>} : memref<64xi32, #tpu.memory_space<vmem>>, vector<16xi32>,
    %swap3A_133 = vector.shape_cast %swap3A_132 : vector<16xi32> to vector<16xi32>
    %swap3A_134 = vector.shape_cast %add3A_130 : vector<16xi32> to vector<16xi32>
    tpu.vector_store %arg9[%swap3A_131], %swap3A_134 {strides = array<i32>} : memref<64xi32, #tpu.memory_space<vmem>>, vector<16xi32>,
    %iota3A_135 = tpu.iota {dimensions = array<i32: 0>} : vector<16xi32>
    %add3A_136 = arith.constant 32 : i32
    %add3A_137 = arith.addi %add3A_116, %add3A_136 : i32
    %add3A_138 = vector.broadcast %add3A_137 : i32 to vector<16xi32>
    %add3A_139 = arith.addi %iota3A_135, %add3A_138 : vector<16xi32>
    %swap3A_140 = arith.constant 32 : index
    %swap3A_141 = tpu.vector_load %arg9[%swap3A_140] {strides = array<i32>} : memref<64xi32, #tpu.memory_space<vmem>>, vector<16xi32>,
    %swap3A_142 = vector.shape_cast %swap3A_141 : vector<16xi32> to vector<16xi32>
    %swap3A_143 = vector.shape_cast %add3A_139 : vector<16xi32> to vector<16xi32>
    tpu.vector_store %arg9[%swap3A_140], %swap3A_143 {strides = array<i32>} : memref<64xi32, #tpu.memory_space<vmem>>, vector<16xi32>,
    %iota3A_144 = tpu.iota {dimensions = array<i32: 0>} : vector<16xi32>
    %add3A_145 = arith.constant 48 : i32
    %add3A_146 = arith.addi %add3A_116, %add3A_145 : i32
    %add3A_147 = vector.broadcast %add3A_146 : i32 to vector<16xi32>
    %add3A_148 = arith.addi %iota3A_144, %add3A_147 : vector<16xi32>
    %swap3A_149 = arith.constant 48 : index
    %swap3A_150 = tpu.vector_load %arg9[%swap3A_149] {strides = array<i32>} : memref<64xi32, #tpu.memory_space<vmem>>, vector<16xi32>,
    %swap3A_151 = vector.shape_cast %swap3A_150 : vector<16xi32> to vector<16xi32>
    %swap3A_152 = vector.shape_cast %add3A_148 : vector<16xi32> to vector<16xi32>
    tpu.vector_store %arg9[%swap3A_149], %swap3A_152 {strides = array<i32>} : memref<64xi32, #tpu.memory_space<vmem>>, vector<16xi32>,
    "tpu.region"() ({
      %run_scoped3A = tpu.sem_alloc : memref<!tpu.dma_semaphore, #tpu.memory_space<semaphore_mem>>
      %dma_start3A_2008 = arith.constant 0 : i32
      %dma_start3A_2009 = arith.constant 0 : i32
      %dma_start3A_2010 = tpu.memref_slice %arg17[%dma_start3A_2008, %dma_start3A_2009] : memref<10240x128xf32, #tpu.memory_space<vmem_shared>> -> memref<10240x128xf32, #tpu.memory_space<vmem_shared>>
      tpu.enqueue_indirect_dma source(%arg15 : memref<64x128xf32, #tpu.memory_space<vmem>>) target(%dma_start3A_2010 : memref<10240x128xf32, #tpu.memory_space<vmem_shared>>) offsets(%arg9 : memref<64xi32, #tpu.memory_space<vmem>>) semaphore(%run_scoped3A : memref<!tpu.dma_semaphore, #tpu.memory_space<semaphore_mem>>)
      %dma_wait3A_2011 = arith.constant 0 : i32
      %dma_wait3A_2012 = arith.constant 0 : i32
      %dma_wait3A_2013 = tpu.memref_slice %arg17[%dma_wait3A_2011, %dma_wait3A_2012] : memref<10240x128xf32, #tpu.memory_space<vmem_shared>> -> memref<10240x128xf32, #tpu.memory_space<vmem_shared>>
      tpu.wait_indirect_dma semaphore(%run_scoped3A : memref<!tpu.dma_semaphore, #tpu.memory_space<semaphore_mem>>) src(%arg15 : memref<64x128xf32, #tpu.memory_space<vmem>>) dst(%dma_wait3A_2013 : memref<10240x128xf32, #tpu.memory_space<vmem_shared>>)
      tpu.yield
    }) : () -> ()
    %add3A_153 = arith.constant 256 : i32
    %add3A_154 = arith.addi %mul3A_2, %add3A_153 : i32
    %iota3A_155 = tpu.iota {dimensions = array<i32: 0>} : vector<16xi32>
    %add3A_156 = arith.constant 0 : i32
    %add3A_157 = arith.addi %add3A_154, %add3A_156 : i32
    %add3A_158 = vector.broadcast %add3A_157 : i32 to vector<16xi32>
    %add3A_159 = arith.addi %iota3A_155, %add3A_158 : vector<16xi32>
    %swap3A_160 = arith.constant 0 : index
    %swap3A_161 = tpu.vector_load %arg9[%swap3A_160] {strides = array<i32>} : memref<64xi32, #tpu.memory_space<vmem>>, vector<16xi32>,
    %swap3A_162 = vector.shape_cast %swap3A_161 : vector<16xi32> to vector<16xi32>
    %swap3A_163 = vector.shape_cast %add3A_159 : vector<16xi32> to vector<16xi32>
    tpu.vector_store %arg9[%swap3A_160], %swap3A_163 {strides = array<i32>} : memref<64xi32, #tpu.memory_space<vmem>>, vector<16xi32>,
    %iota3A_164 = tpu.iota {dimensions = array<i32: 0>} : vector<16xi32>
    %add3A_165 = arith.constant 16 : i32
    %add3A_166 = arith.addi %add3A_154, %add3A_165 : i32
    %add3A_167 = vector.broadcast %add3A_166 : i32 to vector<16xi32>
    %add3A_168 = arith.addi %iota3A_164, %add3A_167 : vector<16xi32>
    %swap3A_169 = arith.constant 16 : index
    %swap3A_170 = tpu.vector_load %arg9[%swap3A_169] {strides = array<i32>} : memref<64xi32, #tpu.memory_space<vmem>>, vector<16xi32>,
    %swap3A_171 = vector.shape_cast %swap3A_170 : vector<16xi32> to vector<16xi32>
    %swap3A_172 = vector.shape_cast %add3A_168 : vector<16xi32> to vector<16xi32>
    tpu.vector_store %arg9[%swap3A_169], %swap3A_172 {strides = array<i32>} : memref<64xi32, #tpu.memory_space<vmem>>, vector<16xi32>,
    %iota3A_173 = tpu.iota {dimensions = array<i32: 0>} : vector<16xi32>
    %add3A_174 = arith.constant 32 : i32
    %add3A_175 = arith.addi %add3A_154, %add3A_174 : i32
    %add3A_176 = vector.broadcast %add3A_175 : i32 to vector<16xi32>
    %add3A_177 = arith.addi %iota3A_173, %add3A_176 : vector<16xi32>
    %swap3A_178 = arith.constant 32 : index
    %swap3A_179 = tpu.vector_load %arg9[%swap3A_178] {strides = array<i32>} : memref<64xi32, #tpu.memory_space<vmem>>, vector<16xi32>,
    %swap3A_180 = vector.shape_cast %swap3A_179 : vector<16xi32> to vector<16xi32>
    %swap3A_181 = vector.shape_cast %add3A_177 : vector<16xi32> to vector<16xi32>
    tpu.vector_store %arg9[%swap3A_178], %swap3A_181 {strides = array<i32>} : memref<64xi32, #tpu.memory_space<vmem>>, vector<16xi32>,
    %iota3A_182 = tpu.iota {dimensions = array<i32: 0>} : vector<16xi32>
    %add3A_183 = arith.constant 48 : i32
    %add3A_184 = arith.addi %add3A_154, %add3A_183 : i32
    %add3A_185 = vector.broadcast %add3A_184 : i32 to vector<16xi32>
    %add3A_186 = arith.addi %iota3A_182, %add3A_185 : vector<16xi32>
    %swap3A_187 = arith.constant 48 : index
    %swap3A_188 = tpu.vector_load %arg9[%swap3A_187] {strides = array<i32>} : memref<64xi32, #tpu.memory_space<vmem>>, vector<16xi32>,
    %swap3A_189 = vector.shape_cast %swap3A_188 : vector<16xi32> to vector<16xi32>
    %swap3A_190 = vector.shape_cast %add3A_186 : vector<16xi32> to vector<16xi32>
    tpu.vector_store %arg9[%swap3A_187], %swap3A_190 {strides = array<i32>} : memref<64xi32, #tpu.memory_space<vmem>>, vector<16xi32>,
    "tpu.region"() ({
      %run_scoped3A = tpu.sem_alloc : memref<!tpu.dma_semaphore, #tpu.memory_space<semaphore_mem>>
      %dma_start3A_2008 = arith.constant 0 : i32
      %dma_start3A_2009 = arith.constant 0 : i32
      %dma_start3A_2010 = tpu.memref_slice %arg17[%dma_start3A_2008, %dma_start3A_2009] : memref<10240x128xf32, #tpu.memory_space<vmem_shared>> -> memref<10240x128xf32, #tpu.memory_space<vmem_shared>>
      tpu.enqueue_indirect_dma source(%arg15 : memref<64x128xf32, #tpu.memory_space<vmem>>) target(%dma_start3A_2010 : memref<10240x128xf32, #tpu.memory_space<vmem_shared>>) offsets(%arg9 : memref<64xi32, #tpu.memory_space<vmem>>) semaphore(%run_scoped3A : memref<!tpu.dma_semaphore, #tpu.memory_space<semaphore_mem>>)
      %dma_wait3A_2011 = arith.constant 0 : i32
      %dma_wait3A_2012 = arith.constant 0 : i32
      %dma_wait3A_2013 = tpu.memref_slice %arg17[%dma_wait3A_2011, %dma_wait3A_2012] : memref<10240x128xf32, #tpu.memory_space<vmem_shared>> -> memref<10240x128xf32, #tpu.memory_space<vmem_shared>>
      tpu.wait_indirect_dma semaphore(%run_scoped3A : memref<!tpu.dma_semaphore, #tpu.memory_space<semaphore_mem>>) src(%arg15 : memref<64x128xf32, #tpu.memory_space<vmem>>) dst(%dma_wait3A_2013 : memref<10240x128xf32, #tpu.memory_space<vmem_shared>>)
      tpu.yield
    }) : () -> ()
    %add3A_191 = arith.constant 320 : i32
    %add3A_192 = arith.addi %mul3A_2, %add3A_191 : i32
    %iota3A_193 = tpu.iota {dimensions = array<i32: 0>} : vector<16xi32>
    %add3A_194 = arith.constant 0 : i32
    %add3A_195 = arith.addi %add3A_192, %add3A_194 : i32
    %add3A_196 = vector.broadcast %add3A_195 : i32 to vector<16xi32>
    %add3A_197 = arith.addi %iota3A_193, %add3A_196 : vector<16xi32>
    %swap3A_198 = arith.constant 0 : index
    %swap3A_199 = tpu.vector_load %arg9[%swap3A_198] {strides = array<i32>} : memref<64xi32, #tpu.memory_space<vmem>>, vector<16xi32>,
    %swap3A_200 = vector.shape_cast %swap3A_199 : vector<16xi32> to vector<16xi32>
    %swap3A_201 = vector.shape_cast %add3A_197 : vector<16xi32> to vector<16xi32>
    tpu.vector_store %arg9[%swap3A_198], %swap3A_201 {strides = array<i32>} : memref<64xi32, #tpu.memory_space<vmem>>, vector<16xi32>,
    %iota3A_202 = tpu.iota {dimensions = array<i32: 0>} : vector<16xi32>
    %add3A_203 = arith.constant 16 : i32
    %add3A_204 = arith.addi %add3A_192, %add3A_203 : i32
    %add3A_205 = vector.broadcast %add3A_204 : i32 to vector<16xi32>
    %add3A_206 = arith.addi %iota3A_202, %add3A_205 : vector<16xi32>
    %swap3A_207 = arith.constant 16 : index
    %swap3A_208 = tpu.vector_load %arg9[%swap3A_207] {strides = array<i32>} : memref<64xi32, #tpu.memory_space<vmem>>, vector<16xi32>,
    %swap3A_209 = vector.shape_cast %swap3A_208 : vector<16xi32> to vector<16xi32>
    %swap3A_210 = vector.shape_cast %add3A_206 : vector<16xi32> to vector<16xi32>
    tpu.vector_store %arg9[%swap3A_207], %swap3A_210 {strides = array<i32>} : memref<64xi32, #tpu.memory_space<vmem>>, vector<16xi32>,
    %iota3A_211 = tpu.iota {dimensions = array<i32: 0>} : vector<16xi32>
    %add3A_212 = arith.constant 32 : i32
    %add3A_213 = arith.addi %add3A_192, %add3A_212 : i32
    %add3A_214 = vector.broadcast %add3A_213 : i32 to vector<16xi32>
    %add3A_215 = arith.addi %iota3A_211, %add3A_214 : vector<16xi32>
    %swap3A_216 = arith.constant 32 : index
    %swap3A_217 = tpu.vector_load %arg9[%swap3A_216] {strides = array<i32>} : memref<64xi32, #tpu.memory_space<vmem>>, vector<16xi32>,
    %swap3A_218 = vector.shape_cast %swap3A_217 : vector<16xi32> to vector<16xi32>
    %swap3A_219 = vector.shape_cast %add3A_215 : vector<16xi32> to vector<16xi32>
    tpu.vector_store %arg9[%swap3A_216], %swap3A_219 {strides = array<i32>} : memref<64xi32, #tpu.memory_space<vmem>>, vector<16xi32>,
    %iota3A_220 = tpu.iota {dimensions = array<i32: 0>} : vector<16xi32>
    %add3A_221 = arith.constant 48 : i32
    %add3A_222 = arith.addi %add3A_192, %add3A_221 : i32
    %add3A_223 = vector.broadcast %add3A_222 : i32 to vector<16xi32>
    %add3A_224 = arith.addi %iota3A_220, %add3A_223 : vector<16xi32>
    %swap3A_225 = arith.constant 48 : index
    %swap3A_226 = tpu.vector_load %arg9[%swap3A_225] {strides = array<i32>} : memref<64xi32, #tpu.memory_space<vmem>>, vector<16xi32>,
    %swap3A_227 = vector.shape_cast %swap3A_226 : vector<16xi32> to vector<16xi32>
    %swap3A_228 = vector.shape_cast %add3A_224 : vector<16xi32> to vector<16xi32>
    tpu.vector_store %arg9[%swap3A_225], %swap3A_228 {strides = array<i32>} : memref<64xi32, #tpu.memory_space<vmem>>, vector<16xi32>,
    "tpu.region"() ({
      %run_scoped3A = tpu.sem_alloc : memref<!tpu.dma_semaphore, #tpu.memory_space<semaphore_mem>>
      %dma_start3A_2008 = arith.constant 0 : i32
      %dma_start3A_2009 = arith.constant 0 : i32
      %dma_start3A_2010 = tpu.memref_slice %arg17[%dma_start3A_2008, %dma_start3A_2009] : memref<10240x128xf32, #tpu.memory_space<vmem_shared>> -> memref<10240x128xf32, #tpu.memory_space<vmem_shared>>
      tpu.enqueue_indirect_dma source(%arg15 : memref<64x128xf32, #tpu.memory_space<vmem>>) target(%dma_start3A_2010 : memref<10240x128xf32, #tpu.memory_space<vmem_shared>>) offsets(%arg9 : memref<64xi32, #tpu.memory_space<vmem>>) semaphore(%run_scoped3A : memref<!tpu.dma_semaphore, #tpu.memory_space<semaphore_mem>>)
      %dma_wait3A_2011 = arith.constant 0 : i32
      %dma_wait3A_2012 = arith.constant 0 : i32
      %dma_wait3A_2013 = tpu.memref_slice %arg17[%dma_wait3A_2011, %dma_wait3A_2012] : memref<10240x128xf32, #tpu.memory_space<vmem_shared>> -> memref<10240x128xf32, #tpu.memory_space<vmem_shared>>
      tpu.wait_indirect_dma semaphore(%run_scoped3A : memref<!tpu.dma_semaphore, #tpu.memory_space<semaphore_mem>>) src(%arg15 : memref<64x128xf32, #tpu.memory_space<vmem>>) dst(%dma_wait3A_2013 : memref<10240x128xf32, #tpu.memory_space<vmem_shared>>)
      tpu.yield
    }) : () -> ()
    %add3A_229 = arith.constant 384 : i32
    %add3A_230 = arith.addi %mul3A_2, %add3A_229 : i32
    %iota3A_231 = tpu.iota {dimensions = array<i32: 0>} : vector<16xi32>
    %add3A_232 = arith.constant 0 : i32
    %add3A_233 = arith.addi %add3A_230, %add3A_232 : i32
    %add3A_234 = vector.broadcast %add3A_233 : i32 to vector<16xi32>
    %add3A_235 = arith.addi %iota3A_231, %add3A_234 : vector<16xi32>
    %swap3A_236 = arith.constant 0 : index
    %swap3A_237 = tpu.vector_load %arg9[%swap3A_236] {strides = array<i32>} : memref<64xi32, #tpu.memory_space<vmem>>, vector<16xi32>,
    %swap3A_238 = vector.shape_cast %swap3A_237 : vector<16xi32> to vector<16xi32>
    %swap3A_239 = vector.shape_cast %add3A_235 : vector<16xi32> to vector<16xi32>
    tpu.vector_store %arg9[%swap3A_236], %swap3A_239 {strides = array<i32>} : memref<64xi32, #tpu.memory_space<vmem>>, vector<16xi32>,
    %iota3A_240 = tpu.iota {dimensions = array<i32: 0>} : vector<16xi32>
    %add3A_241 = arith.constant 16 : i32
    %add3A_242 = arith.addi %add3A_230, %add3A_241 : i32
    %add3A_243 = vector.broadcast %add3A_242 : i32 to vector<16xi32>
    %add3A_244 = arith.addi %iota3A_240, %add3A_243 : vector<16xi32>
    %swap3A_245 = arith.constant 16 : index
    %swap3A_246 = tpu.vector_load %arg9[%swap3A_245] {strides = array<i32>} : memref<64xi32, #tpu.memory_space<vmem>>, vector<16xi32>,
    %swap3A_247 = vector.shape_cast %swap3A_246 : vector<16xi32> to vector<16xi32>
    %swap3A_248 = vector.shape_cast %add3A_244 : vector<16xi32> to vector<16xi32>
    tpu.vector_store %arg9[%swap3A_245], %swap3A_248 {strides = array<i32>} : memref<64xi32, #tpu.memory_space<vmem>>, vector<16xi32>,
    %iota3A_249 = tpu.iota {dimensions = array<i32: 0>} : vector<16xi32>
    %add3A_250 = arith.constant 32 : i32
    %add3A_251 = arith.addi %add3A_230, %add3A_250 : i32
    %add3A_252 = vector.broadcast %add3A_251 : i32 to vector<16xi32>
    %add3A_253 = arith.addi %iota3A_249, %add3A_252 : vector<16xi32>
    %swap3A_254 = arith.constant 32 : index
    %swap3A_255 = tpu.vector_load %arg9[%swap3A_254] {strides = array<i32>} : memref<64xi32, #tpu.memory_space<vmem>>, vector<16xi32>,
    %swap3A_256 = vector.shape_cast %swap3A_255 : vector<16xi32> to vector<16xi32>
    %swap3A_257 = vector.shape_cast %add3A_253 : vector<16xi32> to vector<16xi32>
    tpu.vector_store %arg9[%swap3A_254], %swap3A_257 {strides = array<i32>} : memref<64xi32, #tpu.memory_space<vmem>>, vector<16xi32>,
    %iota3A_258 = tpu.iota {dimensions = array<i32: 0>} : vector<16xi32>
    %add3A_259 = arith.constant 48 : i32
    %add3A_260 = arith.addi %add3A_230, %add3A_259 : i32
    %add3A_261 = vector.broadcast %add3A_260 : i32 to vector<16xi32>
    %add3A_262 = arith.addi %iota3A_258, %add3A_261 : vector<16xi32>
    %swap3A_263 = arith.constant 48 : index
    %swap3A_264 = tpu.vector_load %arg9[%swap3A_263] {strides = array<i32>} : memref<64xi32, #tpu.memory_space<vmem>>, vector<16xi32>,
    %swap3A_265 = vector.shape_cast %swap3A_264 : vector<16xi32> to vector<16xi32>
    %swap3A_266 = vector.shape_cast %add3A_262 : vector<16xi32> to vector<16xi32>
    tpu.vector_store %arg9[%swap3A_263], %swap3A_266 {strides = array<i32>} : memref<64xi32, #tpu.memory_space<vmem>>, vector<16xi32>,
    "tpu.region"() ({
      %run_scoped3A = tpu.sem_alloc : memref<!tpu.dma_semaphore, #tpu.memory_space<semaphore_mem>>
      %dma_start3A_2008 = arith.constant 0 : i32
      %dma_start3A_2009 = arith.constant 0 : i32
      %dma_start3A_2010 = tpu.memref_slice %arg17[%dma_start3A_2008, %dma_start3A_2009] : memref<10240x128xf32, #tpu.memory_space<vmem_shared>> -> memref<10240x128xf32, #tpu.memory_space<vmem_shared>>
      tpu.enqueue_indirect_dma source(%arg15 : memref<64x128xf32, #tpu.memory_space<vmem>>) target(%dma_start3A_2010 : memref<10240x128xf32, #tpu.memory_space<vmem_shared>>) offsets(%arg9 : memref<64xi32, #tpu.memory_space<vmem>>) semaphore(%run_scoped3A : memref<!tpu.dma_semaphore, #tpu.memory_space<semaphore_mem>>)
      %dma_wait3A_2011 = arith.constant 0 : i32
      %dma_wait3A_2012 = arith.constant 0 : i32
      %dma_wait3A_2013 = tpu.memref_slice %arg17[%dma_wait3A_2011, %dma_wait3A_2012] : memref<10240x128xf32, #tpu.memory_space<vmem_shared>> -> memref<10240x128xf32, #tpu.memory_space<vmem_shared>>
      tpu.wait_indirect_dma semaphore(%run_scoped3A : memref<!tpu.dma_semaphore, #tpu.memory_space<semaphore_mem>>) src(%arg15 : memref<64x128xf32, #tpu.memory_space<vmem>>) dst(%dma_wait3A_2013 : memref<10240x128xf32, #tpu.memory_space<vmem_shared>>)
      tpu.yield
    }) : () -> ()
    %add3A_267 = arith.constant 448 : i32
    %add3A_268 = arith.addi %mul3A_2, %add3A_267 : i32
    %iota3A_269 = tpu.iota {dimensions = array<i32: 0>} : vector<16xi32>
    %add3A_270 = arith.constant 0 : i32
    %add3A_271 = arith.addi %add3A_268, %add3A_270 : i32
    %add3A_272 = vector.broadcast %add3A_271 : i32 to vector<16xi32>
    %add3A_273 = arith.addi %iota3A_269, %add3A_272 : vector<16xi32>
    %swap3A_274 = arith.constant 0 : index
    %swap3A_275 = tpu.vector_load %arg9[%swap3A_274] {strides = array<i32>} : memref<64xi32, #tpu.memory_space<vmem>>, vector<16xi32>,
    %swap3A_276 = vector.shape_cast %swap3A_275 : vector<16xi32> to vector<16xi32>
    %swap3A_277 = vector.shape_cast %add3A_273 : vector<16xi32> to vector<16xi32>
    tpu.vector_store %arg9[%swap3A_274], %swap3A_277 {strides = array<i32>} : memref<64xi32, #tpu.memory_space<vmem>>, vector<16xi32>,
    %iota3A_278 = tpu.iota {dimensions = array<i32: 0>} : vector<16xi32>
    %add3A_279 = arith.constant 16 : i32
    %add3A_280 = arith.addi %add3A_268, %add3A_279 : i32
    %add3A_281 = vector.broadcast %add3A_280 : i32 to vector<16xi32>
    %add3A_282 = arith.addi %iota3A_278, %add3A_281 : vector<16xi32>
    %swap3A_283 = arith.constant 16 : index
    %swap3A_284 = tpu.vector_load %arg9[%swap3A_283] {strides = array<i32>} : memref<64xi32, #tpu.memory_space<vmem>>, vector<16xi32>,
    %swap3A_285 = vector.shape_cast %swap3A_284 : vector<16xi32> to vector<16xi32>
    %swap3A_286 = vector.shape_cast %add3A_282 : vector<16xi32> to vector<16xi32>
    tpu.vector_store %arg9[%swap3A_283], %swap3A_286 {strides = array<i32>} : memref<64xi32, #tpu.memory_space<vmem>>, vector<16xi32>,
    %iota3A_287 = tpu.iota {dimensions = array<i32: 0>} : vector<16xi32>
    %add3A_288 = arith.constant 32 : i32
    %add3A_289 = arith.addi %add3A_268, %add3A_288 : i32
    %add3A_290 = vector.broadcast %add3A_289 : i32 to vector<16xi32>
    %add3A_291 = arith.addi %iota3A_287, %add3A_290 : vector<16xi32>
    %swap3A_292 = arith.constant 32 : index
    %swap3A_293 = tpu.vector_load %arg9[%swap3A_292] {strides = array<i32>} : memref<64xi32, #tpu.memory_space<vmem>>, vector<16xi32>,
    %swap3A_294 = vector.shape_cast %swap3A_293 : vector<16xi32> to vector<16xi32>
    %swap3A_295 = vector.shape_cast %add3A_291 : vector<16xi32> to vector<16xi32>
    tpu.vector_store %arg9[%swap3A_292], %swap3A_295 {strides = array<i32>} : memref<64xi32, #tpu.memory_space<vmem>>, vector<16xi32>,
    %iota3A_296 = tpu.iota {dimensions = array<i32: 0>} : vector<16xi32>
    %add3A_297 = arith.constant 48 : i32
    %add3A_298 = arith.addi %add3A_268, %add3A_297 : i32
    %add3A_299 = vector.broadcast %add3A_298 : i32 to vector<16xi32>
    %add3A_300 = arith.addi %iota3A_296, %add3A_299 : vector<16xi32>
    %swap3A_301 = arith.constant 48 : index
    %swap3A_302 = tpu.vector_load %arg9[%swap3A_301] {strides = array<i32>} : memref<64xi32, #tpu.memory_space<vmem>>, vector<16xi32>,
    %swap3A_303 = vector.shape_cast %swap3A_302 : vector<16xi32> to vector<16xi32>
    %swap3A_304 = vector.shape_cast %add3A_300 : vector<16xi32> to vector<16xi32>
    tpu.vector_store %arg9[%swap3A_301], %swap3A_304 {strides = array<i32>} : memref<64xi32, #tpu.memory_space<vmem>>, vector<16xi32>,
    "tpu.region"() ({
      %run_scoped3A = tpu.sem_alloc : memref<!tpu.dma_semaphore, #tpu.memory_space<semaphore_mem>>
      %dma_start3A_2008 = arith.constant 0 : i32
      %dma_start3A_2009 = arith.constant 0 : i32
      %dma_start3A_2010 = tpu.memref_slice %arg17[%dma_start3A_2008, %dma_start3A_2009] : memref<10240x128xf32, #tpu.memory_space<vmem_shared>> -> memref<10240x128xf32, #tpu.memory_space<vmem_shared>>
      tpu.enqueue_indirect_dma source(%arg15 : memref<64x128xf32, #tpu.memory_space<vmem>>) target(%dma_start3A_2010 : memref<10240x128xf32, #tpu.memory_space<vmem_shared>>) offsets(%arg9 : memref<64xi32, #tpu.memory_space<vmem>>) semaphore(%run_scoped3A : memref<!tpu.dma_semaphore, #tpu.memory_space<semaphore_mem>>)
      %dma_wait3A_2011 = arith.constant 0 : i32
      %dma_wait3A_2012 = arith.constant 0 : i32
      %dma_wait3A_2013 = tpu.memref_slice %arg17[%dma_wait3A_2011, %dma_wait3A_2012] : memref<10240x128xf32, #tpu.memory_space<vmem_shared>> -> memref<10240x128xf32, #tpu.memory_space<vmem_shared>>
      tpu.wait_indirect_dma semaphore(%run_scoped3A : memref<!tpu.dma_semaphore, #tpu.memory_space<semaphore_mem>>) src(%arg15 : memref<64x128xf32, #tpu.memory_space<vmem>>) dst(%dma_wait3A_2013 : memref<10240x128xf32, #tpu.memory_space<vmem_shared>>)
      tpu.yield
    }) : () -> ()
    %add3A_305 = arith.constant 512 : i32
    %add3A_306 = arith.addi %mul3A_2, %add3A_305 : i32
    %iota3A_307 = tpu.iota {dimensions = array<i32: 0>} : vector<16xi32>
    %add3A_308 = arith.constant 0 : i32
    %add3A_309 = arith.addi %add3A_306, %add3A_308 : i32
    %add3A_310 = vector.broadcast %add3A_309 : i32 to vector<16xi32>
    %add3A_311 = arith.addi %iota3A_307, %add3A_310 : vector<16xi32>
    %swap3A_312 = arith.constant 0 : index
    %swap3A_313 = tpu.vector_load %arg9[%swap3A_312] {strides = array<i32>} : memref<64xi32, #tpu.memory_space<vmem>>, vector<16xi32>,
    %swap3A_314 = vector.shape_cast %swap3A_313 : vector<16xi32> to vector<16xi32>
    %swap3A_315 = vector.shape_cast %add3A_311 : vector<16xi32> to vector<16xi32>
    tpu.vector_store %arg9[%swap3A_312], %swap3A_315 {strides = array<i32>} : memref<64xi32, #tpu.memory_space<vmem>>, vector<16xi32>,
    %iota3A_316 = tpu.iota {dimensions = array<i32: 0>} : vector<16xi32>
    %add3A_317 = arith.constant 16 : i32
    %add3A_318 = arith.addi %add3A_306, %add3A_317 : i32
    %add3A_319 = vector.broadcast %add3A_318 : i32 to vector<16xi32>
    %add3A_320 = arith.addi %iota3A_316, %add3A_319 : vector<16xi32>
    %swap3A_321 = arith.constant 16 : index
    %swap3A_322 = tpu.vector_load %arg9[%swap3A_321] {strides = array<i32>} : memref<64xi32, #tpu.memory_space<vmem>>, vector<16xi32>,
    %swap3A_323 = vector.shape_cast %swap3A_322 : vector<16xi32> to vector<16xi32>
    %swap3A_324 = vector.shape_cast %add3A_320 : vector<16xi32> to vector<16xi32>
    tpu.vector_store %arg9[%swap3A_321], %swap3A_324 {strides = array<i32>} : memref<64xi32, #tpu.memory_space<vmem>>, vector<16xi32>,
    %iota3A_325 = tpu.iota {dimensions = array<i32: 0>} : vector<16xi32>
    %add3A_326 = arith.constant 32 : i32
    %add3A_327 = arith.addi %add3A_306, %add3A_326 : i32
    %add3A_328 = vector.broadcast %add3A_327 : i32 to vector<16xi32>
    %add3A_329 = arith.addi %iota3A_325, %add3A_328 : vector<16xi32>
    %swap3A_330 = arith.constant 32 : index
    %swap3A_331 = tpu.vector_load %arg9[%swap3A_330] {strides = array<i32>} : memref<64xi32, #tpu.memory_space<vmem>>, vector<16xi32>,
    %swap3A_332 = vector.shape_cast %swap3A_331 : vector<16xi32> to vector<16xi32>
    %swap3A_333 = vector.shape_cast %add3A_329 : vector<16xi32> to vector<16xi32>
    tpu.vector_store %arg9[%swap3A_330], %swap3A_333 {strides = array<i32>} : memref<64xi32, #tpu.memory_space<vmem>>, vector<16xi32>,
    %iota3A_334 = tpu.iota {dimensions = array<i32: 0>} : vector<16xi32>
    %add3A_335 = arith.constant 48 : i32
    %add3A_336 = arith.addi %add3A_306, %add3A_335 : i32
    %add3A_337 = vector.broadcast %add3A_336 : i32 to vector<16xi32>
    %add3A_338 = arith.addi %iota3A_334, %add3A_337 : vector<16xi32>
    %swap3A_339 = arith.constant 48 : index
    %swap3A_340 = tpu.vector_load %arg9[%swap3A_339] {strides = array<i32>} : memref<64xi32, #tpu.memory_space<vmem>>, vector<16xi32>,
    %swap3A_341 = vector.shape_cast %swap3A_340 : vector<16xi32> to vector<16xi32>
    %swap3A_342 = vector.shape_cast %add3A_338 : vector<16xi32> to vector<16xi32>
    tpu.vector_store %arg9[%swap3A_339], %swap3A_342 {strides = array<i32>} : memref<64xi32, #tpu.memory_space<vmem>>, vector<16xi32>,
    "tpu.region"() ({
      %run_scoped3A = tpu.sem_alloc : memref<!tpu.dma_semaphore, #tpu.memory_space<semaphore_mem>>
      %dma_start3A_2008 = arith.constant 0 : i32
      %dma_start3A_2009 = arith.constant 0 : i32
      %dma_start3A_2010 = tpu.memref_slice %arg17[%dma_start3A_2008, %dma_start3A_2009] : memref<10240x128xf32, #tpu.memory_space<vmem_shared>> -> memref<10240x128xf32, #tpu.memory_space<vmem_shared>>
      tpu.enqueue_indirect_dma source(%arg15 : memref<64x128xf32, #tpu.memory_space<vmem>>) target(%dma_start3A_2010 : memref<10240x128xf32, #tpu.memory_space<vmem_shared>>) offsets(%arg9 : memref<64xi32, #tpu.memory_space<vmem>>) semaphore(%run_scoped3A : memref<!tpu.dma_semaphore, #tpu.memory_space<semaphore_mem>>)
      %dma_wait3A_2011 = arith.constant 0 : i32
      %dma_wait3A_2012 = arith.constant 0 : i32
      %dma_wait3A_2013 = tpu.memref_slice %arg17[%dma_wait3A_2011, %dma_wait3A_2012] : memref<10240x128xf32, #tpu.memory_space<vmem_shared>> -> memref<10240x128xf32, #tpu.memory_space<vmem_shared>>
      tpu.wait_indirect_dma semaphore(%run_scoped3A : memref<!tpu.dma_semaphore, #tpu.memory_space<semaphore_mem>>) src(%arg15 : memref<64x128xf32, #tpu.memory_space<vmem>>) dst(%dma_wait3A_2013 : memref<10240x128xf32, #tpu.memory_space<vmem_shared>>)
      tpu.yield
    }) : () -> ()
    %add3A_343 = arith.constant 576 : i32
    %add3A_344 = arith.addi %mul3A_2, %add3A_343 : i32
    %iota3A_345 = tpu.iota {dimensions = array<i32: 0>} : vector<16xi32>
    %add3A_346 = arith.constant 0 : i32
    %add3A_347 = arith.addi %add3A_344, %add3A_346 : i32
    %add3A_348 = vector.broadcast %add3A_347 : i32 to vector<16xi32>
    %add3A_349 = arith.addi %iota3A_345, %add3A_348 : vector<16xi32>
    %swap3A_350 = arith.constant 0 : index
    %swap3A_351 = tpu.vector_load %arg9[%swap3A_350] {strides = array<i32>} : memref<64xi32, #tpu.memory_space<vmem>>, vector<16xi32>,
    %swap3A_352 = vector.shape_cast %swap3A_351 : vector<16xi32> to vector<16xi32>
    %swap3A_353 = vector.shape_cast %add3A_349 : vector<16xi32> to vector<16xi32>
    tpu.vector_store %arg9[%swap3A_350], %swap3A_353 {strides = array<i32>} : memref<64xi32, #tpu.memory_space<vmem>>, vector<16xi32>,
    %iota3A_354 = tpu.iota {dimensions = array<i32: 0>} : vector<16xi32>
    %add3A_355 = arith.constant 16 : i32
    %add3A_356 = arith.addi %add3A_344, %add3A_355 : i32
    %add3A_357 = vector.broadcast %add3A_356 : i32 to vector<16xi32>
    %add3A_358 = arith.addi %iota3A_354, %add3A_357 : vector<16xi32>
    %swap3A_359 = arith.constant 16 : index
    %swap3A_360 = tpu.vector_load %arg9[%swap3A_359] {strides = array<i32>} : memref<64xi32, #tpu.memory_space<vmem>>, vector<16xi32>,
    %swap3A_361 = vector.shape_cast %swap3A_360 : vector<16xi32> to vector<16xi32>
    %swap3A_362 = vector.shape_cast %add3A_358 : vector<16xi32> to vector<16xi32>
    tpu.vector_store %arg9[%swap3A_359], %swap3A_362 {strides = array<i32>} : memref<64xi32, #tpu.memory_space<vmem>>, vector<16xi32>,
    %iota3A_363 = tpu.iota {dimensions = array<i32: 0>} : vector<16xi32>
    %add3A_364 = arith.constant 32 : i32
    %add3A_365 = arith.addi %add3A_344, %add3A_364 : i32
    %add3A_366 = vector.broadcast %add3A_365 : i32 to vector<16xi32>
    %add3A_367 = arith.addi %iota3A_363, %add3A_366 : vector<16xi32>
    %swap3A_368 = arith.constant 32 : index
    %swap3A_369 = tpu.vector_load %arg9[%swap3A_368] {strides = array<i32>} : memref<64xi32, #tpu.memory_space<vmem>>, vector<16xi32>,
    %swap3A_370 = vector.shape_cast %swap3A_369 : vector<16xi32> to vector<16xi32>
    %swap3A_371 = vector.shape_cast %add3A_367 : vector<16xi32> to vector<16xi32>
    tpu.vector_store %arg9[%swap3A_368], %swap3A_371 {strides = array<i32>} : memref<64xi32, #tpu.memory_space<vmem>>, vector<16xi32>,
    %iota3A_372 = tpu.iota {dimensions = array<i32: 0>} : vector<16xi32>
    %add3A_373 = arith.constant 48 : i32
    %add3A_374 = arith.addi %add3A_344, %add3A_373 : i32
    %add3A_375 = vector.broadcast %add3A_374 : i32 to vector<16xi32>
    %add3A_376 = arith.addi %iota3A_372, %add3A_375 : vector<16xi32>
    %swap3A_377 = arith.constant 48 : index
    %swap3A_378 = tpu.vector_load %arg9[%swap3A_377] {strides = array<i32>} : memref<64xi32, #tpu.memory_space<vmem>>, vector<16xi32>,
    %swap3A_379 = vector.shape_cast %swap3A_378 : vector<16xi32> to vector<16xi32>
    %swap3A_380 = vector.shape_cast %add3A_376 : vector<16xi32> to vector<16xi32>
    tpu.vector_store %arg9[%swap3A_377], %swap3A_380 {strides = array<i32>} : memref<64xi32, #tpu.memory_space<vmem>>, vector<16xi32>,
    "tpu.region"() ({
      %run_scoped3A = tpu.sem_alloc : memref<!tpu.dma_semaphore, #tpu.memory_space<semaphore_mem>>
      %dma_start3A_2008 = arith.constant 0 : i32
      %dma_start3A_2009 = arith.constant 0 : i32
      %dma_start3A_2010 = tpu.memref_slice %arg17[%dma_start3A_2008, %dma_start3A_2009] : memref<10240x128xf32, #tpu.memory_space<vmem_shared>> -> memref<10240x128xf32, #tpu.memory_space<vmem_shared>>
      tpu.enqueue_indirect_dma source(%arg15 : memref<64x128xf32, #tpu.memory_space<vmem>>) target(%dma_start3A_2010 : memref<10240x128xf32, #tpu.memory_space<vmem_shared>>) offsets(%arg9 : memref<64xi32, #tpu.memory_space<vmem>>) semaphore(%run_scoped3A : memref<!tpu.dma_semaphore, #tpu.memory_space<semaphore_mem>>)
      %dma_wait3A_2011 = arith.constant 0 : i32
      %dma_wait3A_2012 = arith.constant 0 : i32
      %dma_wait3A_2013 = tpu.memref_slice %arg17[%dma_wait3A_2011, %dma_wait3A_2012] : memref<10240x128xf32, #tpu.memory_space<vmem_shared>> -> memref<10240x128xf32, #tpu.memory_space<vmem_shared>>
      tpu.wait_indirect_dma semaphore(%run_scoped3A : memref<!tpu.dma_semaphore, #tpu.memory_space<semaphore_mem>>) src(%arg15 : memref<64x128xf32, #tpu.memory_space<vmem>>) dst(%dma_wait3A_2013 : memref<10240x128xf32, #tpu.memory_space<vmem_shared>>)
      tpu.yield
    }) : () -> ()
    %barrier3A = arith.constant 0 : index
    tpu.barrier barrier_id(%barrier3A)
    %eq3A = arith.constant 0 : i32
    %eq3A_381 = arith.cmpi eq, %arg0, %eq3A : i32
    %mul3A_382 = arith.constant 140 : i32
    %mul3A_383 = arith.muli %arg1, %mul3A_382 : i32
    %mul3A_384 = arith.constant 20 : i32
    %mul3A_385 = arith.muli %arg1, %mul3A_384 : i32
    %add3A_386 = arith.constant 2240 : i32
    %add3A_387 = arith.addi %add3A_386, %mul3A_385 : i32
    %select_n3A = arith.select %eq3A_381, %mul3A_383, %add3A_387 : i32
    %eq3A_388 = arith.constant 0 : i32
    %eq3A_389 = arith.cmpi eq, %arg0, %eq3A_388 : i32
    %jit3A = arith.constant 140 : i32
    %jit3A_390 = arith.constant 20 : i32
    %select_n3A_391 = arith.select %eq3A_389, %jit3A, %jit3A_390 : i32
    %add3A_392 = arith.constant 0 : i32
    %add3A_393 = arith.addi %select_n3A, %add3A_392 : i32
    "tpu.region"() ({
      %run_scoped3A = tpu.sem_alloc : memref<!tpu.dma_semaphore, #tpu.memory_space<semaphore_mem>>
      %dma_start3A_2008 = arith.constant 0 : i32
      %dma_start3A_2009 = tpu.memref_slice %arg3[%add3A_393, %dma_start3A_2008] : memref<2560x128xi32, #tpu.memory_space<hbm>> -> memref<1x128xi32, #tpu.memory_space<hbm>>
      %dma_start3A_2010 = tpu.memref_squeeze %dma_start3A_2009 : memref<1x128xi32, #tpu.memory_space<hbm>> -> memref<128xi32, #tpu.memory_space<hbm>>
      %dma_start3A_2011 = arith.constant 0 : i32
      %dma_start3A_2012 = tpu.memref_slice %arg3[%add3A_393, %dma_start3A_2011] : memref<2560x128xi32, #tpu.memory_space<hbm>> -> memref<1x128xi32, #tpu.memory_space<hbm>>
      %dma_start3A_2013 = tpu.memref_squeeze %dma_start3A_2012 : memref<1x128xi32, #tpu.memory_space<hbm>> -> memref<128xi32, #tpu.memory_space<hbm>>
      tpu.enqueue_dma source(%dma_start3A_2013 : memref<128xi32, #tpu.memory_space<hbm>>) target(%arg8 : memref<128xi32, #tpu.memory_space<vmem>>) target_semaphore(%run_scoped3A : memref<!tpu.dma_semaphore, #tpu.memory_space<semaphore_mem>>)
      %dma_wait3A_2014 = arith.constant 0 : i32
      %dma_wait3A_2015 = tpu.memref_slice %arg3[%add3A_393, %dma_wait3A_2014] : memref<2560x128xi32, #tpu.memory_space<hbm>> -> memref<1x128xi32, #tpu.memory_space<hbm>>
      %dma_wait3A_2016 = tpu.memref_squeeze %dma_wait3A_2015 : memref<1x128xi32, #tpu.memory_space<hbm>> -> memref<128xi32, #tpu.memory_space<hbm>>
      %dma_wait3A_2017 = arith.constant 0 : i32
      %dma_wait3A_2018 = tpu.memref_slice %arg3[%add3A_393, %dma_wait3A_2017] : memref<2560x128xi32, #tpu.memory_space<hbm>> -> memref<1x128xi32, #tpu.memory_space<hbm>>
      %dma_wait3A_2019 = tpu.memref_squeeze %dma_wait3A_2018 : memref<1x128xi32, #tpu.memory_space<hbm>> -> memref<128xi32, #tpu.memory_space<hbm>>
      tpu.wait_dma2 semaphore(%run_scoped3A : memref<!tpu.dma_semaphore, #tpu.memory_space<semaphore_mem>>) src(%dma_wait3A_2019 : memref<128xi32, #tpu.memory_space<hbm>>) dst(%arg8 : memref<128xi32, #tpu.memory_space<vmem>>)
      tpu.yield
    }) : () -> ()
    %get3A = arith.constant 0 : index
    %get3A_394 = tpu.vector_load %arg8[%get3A] {strides = array<i32>} : memref<128xi32, #tpu.memory_space<vmem>>, vector<16xi32>,
    %get3A_395 = vector.shape_cast %get3A_394 : vector<16xi32> to vector<16xi32>
    %shift_right_logical3A = arith.constant 14 : i32
    %shift_right_logical3A_396 = vector.broadcast %shift_right_logical3A : i32 to vector<16xi32>
    %shift_right_logical3A_397 = arith.shrui %get3A_395, %shift_right_logical3A_396 : vector<16xi32>
    %swap3A_398 = arith.constant 0 : index
    %swap3A_399 = tpu.vector_load %arg9[%swap3A_398] {strides = array<i32>} : memref<64xi32, #tpu.memory_space<vmem>>, vector<16xi32>,
    %swap3A_400 = vector.shape_cast %swap3A_399 : vector<16xi32> to vector<16xi32>
    %swap3A_401 = vector.shape_cast %shift_right_logical3A_397 : vector<16xi32> to vector<16xi32>
    tpu.vector_store %arg9[%swap3A_398], %swap3A_401 {strides = array<i32>} : memref<64xi32, #tpu.memory_space<vmem>>, vector<16xi32>,
    %and3A = arith.constant 16383 : i32
    %and3A_402 = vector.broadcast %and3A : i32 to vector<16xi32>
    %and3A_403 = arith.andi %get3A_395, %and3A_402 : vector<16xi32>
    %swap3A_404 = arith.constant 0 : index
    %swap3A_405 = tpu.vector_load %arg10[%swap3A_404] {strides = array<i32>} : memref<64xi32, #tpu.memory_space<vmem>>, vector<16xi32>,
    %swap3A_406 = vector.shape_cast %swap3A_405 : vector<16xi32> to vector<16xi32>
    %swap3A_407 = vector.shape_cast %and3A_403 : vector<16xi32> to vector<16xi32>
    tpu.vector_store %arg10[%swap3A_404], %swap3A_407 {strides = array<i32>} : memref<64xi32, #tpu.memory_space<vmem>>, vector<16xi32>,
    %get3A_408 = arith.constant 16 : index
    %get3A_409 = tpu.vector_load %arg8[%get3A_408] {strides = array<i32>} : memref<128xi32, #tpu.memory_space<vmem>>, vector<16xi32>,
    %get3A_410 = vector.shape_cast %get3A_409 : vector<16xi32> to vector<16xi32>
    %shift_right_logical3A_411 = arith.constant 14 : i32
    %shift_right_logical3A_412 = vector.broadcast %shift_right_logical3A_411 : i32 to vector<16xi32>
    %shift_right_logical3A_413 = arith.shrui %get3A_410, %shift_right_logical3A_412 : vector<16xi32>
    %swap3A_414 = arith.constant 16 : index
    %swap3A_415 = tpu.vector_load %arg9[%swap3A_414] {strides = array<i32>} : memref<64xi32, #tpu.memory_space<vmem>>, vector<16xi32>,
    %swap3A_416 = vector.shape_cast %swap3A_415 : vector<16xi32> to vector<16xi32>
    %swap3A_417 = vector.shape_cast %shift_right_logical3A_413 : vector<16xi32> to vector<16xi32>
    tpu.vector_store %arg9[%swap3A_414], %swap3A_417 {strides = array<i32>} : memref<64xi32, #tpu.memory_space<vmem>>, vector<16xi32>,
    %and3A_418 = arith.constant 16383 : i32
    %and3A_419 = vector.broadcast %and3A_418 : i32 to vector<16xi32>
    %and3A_420 = arith.andi %get3A_410, %and3A_419 : vector<16xi32>
    %swap3A_421 = arith.constant 16 : index
    %swap3A_422 = tpu.vector_load %arg10[%swap3A_421] {strides = array<i32>} : memref<64xi32, #tpu.memory_space<vmem>>, vector<16xi32>,
    %swap3A_423 = vector.shape_cast %swap3A_422 : vector<16xi32> to vector<16xi32>
    %swap3A_424 = vector.shape_cast %and3A_420 : vector<16xi32> to vector<16xi32>
    tpu.vector_store %arg10[%swap3A_421], %swap3A_424 {strides = array<i32>} : memref<64xi32, #tpu.memory_space<vmem>>, vector<16xi32>,
    %get3A_425 = arith.constant 32 : index
    %get3A_426 = tpu.vector_load %arg8[%get3A_425] {strides = array<i32>} : memref<128xi32, #tpu.memory_space<vmem>>, vector<16xi32>,
    %get3A_427 = vector.shape_cast %get3A_426 : vector<16xi32> to vector<16xi32>
    %shift_right_logical3A_428 = arith.constant 14 : i32
    %shift_right_logical3A_429 = vector.broadcast %shift_right_logical3A_428 : i32 to vector<16xi32>
    %shift_right_logical3A_430 = arith.shrui %get3A_427, %shift_right_logical3A_429 : vector<16xi32>
    %swap3A_431 = arith.constant 32 : index
    %swap3A_432 = tpu.vector_load %arg9[%swap3A_431] {strides = array<i32>} : memref<64xi32, #tpu.memory_space<vmem>>, vector<16xi32>,
    %swap3A_433 = vector.shape_cast %swap3A_432 : vector<16xi32> to vector<16xi32>
    %swap3A_434 = vector.shape_cast %shift_right_logical3A_430 : vector<16xi32> to vector<16xi32>
    tpu.vector_store %arg9[%swap3A_431], %swap3A_434 {strides = array<i32>} : memref<64xi32, #tpu.memory_space<vmem>>, vector<16xi32>,
    %and3A_435 = arith.constant 16383 : i32
    %and3A_436 = vector.broadcast %and3A_435 : i32 to vector<16xi32>
    %and3A_437 = arith.andi %get3A_427, %and3A_436 : vector<16xi32>
    %swap3A_438 = arith.constant 32 : index
    %swap3A_439 = tpu.vector_load %arg10[%swap3A_438] {strides = array<i32>} : memref<64xi32, #tpu.memory_space<vmem>>, vector<16xi32>,
    %swap3A_440 = vector.shape_cast %swap3A_439 : vector<16xi32> to vector<16xi32>
    %swap3A_441 = vector.shape_cast %and3A_437 : vector<16xi32> to vector<16xi32>
    tpu.vector_store %arg10[%swap3A_438], %swap3A_441 {strides = array<i32>} : memref<64xi32, #tpu.memory_space<vmem>>, vector<16xi32>,
    %get3A_442 = arith.constant 48 : index
    %get3A_443 = tpu.vector_load %arg8[%get3A_442] {strides = array<i32>} : memref<128xi32, #tpu.memory_space<vmem>>, vector<16xi32>,
    %get3A_444 = vector.shape_cast %get3A_443 : vector<16xi32> to vector<16xi32>
    %shift_right_logical3A_445 = arith.constant 14 : i32
    %shift_right_logical3A_446 = vector.broadcast %shift_right_logical3A_445 : i32 to vector<16xi32>
    %shift_right_logical3A_447 = arith.shrui %get3A_444, %shift_right_logical3A_446 : vector<16xi32>
    %swap3A_448 = arith.constant 48 : index
    %swap3A_449 = tpu.vector_load %arg9[%swap3A_448] {strides = array<i32>} : memref<64xi32, #tpu.memory_space<vmem>>, vector<16xi32>,
    %swap3A_450 = vector.shape_cast %swap3A_449 : vector<16xi32> to vector<16xi32>
    %swap3A_451 = vector.shape_cast %shift_right_logical3A_447 : vector<16xi32> to vector<16xi32>
    tpu.vector_store %arg9[%swap3A_448], %swap3A_451 {strides = array<i32>} : memref<64xi32, #tpu.memory_space<vmem>>, vector<16xi32>,
    %and3A_452 = arith.constant 16383 : i32
    %and3A_453 = vector.broadcast %and3A_452 : i32 to vector<16xi32>
    %and3A_454 = arith.andi %get3A_444, %and3A_453 : vector<16xi32>
    %swap3A_455 = arith.constant 48 : index
    %swap3A_456 = tpu.vector_load %arg10[%swap3A_455] {strides = array<i32>} : memref<64xi32, #tpu.memory_space<vmem>>, vector<16xi32>,
    %swap3A_457 = vector.shape_cast %swap3A_456 : vector<16xi32> to vector<16xi32>
    %swap3A_458 = vector.shape_cast %and3A_454 : vector<16xi32> to vector<16xi32>
    tpu.vector_store %arg10[%swap3A_455], %swap3A_458 {strides = array<i32>} : memref<64xi32, #tpu.memory_space<vmem>>, vector<16xi32>,
    %dma_start3A = arith.constant 0 : i32
    %dma_start3A_459 = arith.constant 0 : i32
    %dma_start3A_460 = tpu.memref_slice %arg2[%dma_start3A, %dma_start3A_459] : memref<10000x128xf32, #tpu.memory_space<hbm>> -> memref<10000x128xf32, #tpu.memory_space<hbm>>
    tpu.enqueue_indirect_dma source(%dma_start3A_460 : memref<10000x128xf32, #tpu.memory_space<hbm>>) target(%arg15 : memref<64x128xf32, #tpu.memory_space<vmem>>) offsets(%arg9 : memref<64xi32, #tpu.memory_space<vmem>>) semaphore(%arg18 : memref<!tpu.dma_semaphore, #tpu.memory_space<semaphore_mem>>)
    %get3A_461 = arith.constant 64 : index
    %get3A_462 = tpu.vector_load %arg8[%get3A_461] {strides = array<i32>} : memref<128xi32, #tpu.memory_space<vmem>>, vector<16xi32>,
    %get3A_463 = vector.shape_cast %get3A_462 : vector<16xi32> to vector<16xi32>
    %shift_right_logical3A_464 = arith.constant 14 : i32
    %shift_right_logical3A_465 = vector.broadcast %shift_right_logical3A_464 : i32 to vector<16xi32>
    %shift_right_logical3A_466 = arith.shrui %get3A_463, %shift_right_logical3A_465 : vector<16xi32>
    %swap3A_467 = arith.constant 0 : index
    %swap3A_468 = tpu.vector_load %arg11[%swap3A_467] {strides = array<i32>} : memref<64xi32, #tpu.memory_space<vmem>>, vector<16xi32>,
    %swap3A_469 = vector.shape_cast %swap3A_468 : vector<16xi32> to vector<16xi32>
    %swap3A_470 = vector.shape_cast %shift_right_logical3A_466 : vector<16xi32> to vector<16xi32>
    tpu.vector_store %arg11[%swap3A_467], %swap3A_470 {strides = array<i32>} : memref<64xi32, #tpu.memory_space<vmem>>, vector<16xi32>,
    %and3A_471 = arith.constant 16383 : i32
    %and3A_472 = vector.broadcast %and3A_471 : i32 to vector<16xi32>
    %and3A_473 = arith.andi %get3A_463, %and3A_472 : vector<16xi32>
    %swap3A_474 = arith.constant 0 : index
    %swap3A_475 = tpu.vector_load %arg12[%swap3A_474] {strides = array<i32>} : memref<64xi32, #tpu.memory_space<vmem>>, vector<16xi32>,
    %swap3A_476 = vector.shape_cast %swap3A_475 : vector<16xi32> to vector<16xi32>
    %swap3A_477 = vector.shape_cast %and3A_473 : vector<16xi32> to vector<16xi32>
    tpu.vector_store %arg12[%swap3A_474], %swap3A_477 {strides = array<i32>} : memref<64xi32, #tpu.memory_space<vmem>>, vector<16xi32>,
    %get3A_478 = arith.constant 80 : index
    %get3A_479 = tpu.vector_load %arg8[%get3A_478] {strides = array<i32>} : memref<128xi32, #tpu.memory_space<vmem>>, vector<16xi32>,
    %get3A_480 = vector.shape_cast %get3A_479 : vector<16xi32> to vector<16xi32>
    %shift_right_logical3A_481 = arith.constant 14 : i32
    %shift_right_logical3A_482 = vector.broadcast %shift_right_logical3A_481 : i32 to vector<16xi32>
    %shift_right_logical3A_483 = arith.shrui %get3A_480, %shift_right_logical3A_482 : vector<16xi32>
    %swap3A_484 = arith.constant 16 : index
    %swap3A_485 = tpu.vector_load %arg11[%swap3A_484] {strides = array<i32>} : memref<64xi32, #tpu.memory_space<vmem>>, vector<16xi32>,
    %swap3A_486 = vector.shape_cast %swap3A_485 : vector<16xi32> to vector<16xi32>
    %swap3A_487 = vector.shape_cast %shift_right_logical3A_483 : vector<16xi32> to vector<16xi32>
    tpu.vector_store %arg11[%swap3A_484], %swap3A_487 {strides = array<i32>} : memref<64xi32, #tpu.memory_space<vmem>>, vector<16xi32>,
    %and3A_488 = arith.constant 16383 : i32
    %and3A_489 = vector.broadcast %and3A_488 : i32 to vector<16xi32>
    %and3A_490 = arith.andi %get3A_480, %and3A_489 : vector<16xi32>
    %swap3A_491 = arith.constant 16 : index
    %swap3A_492 = tpu.vector_load %arg12[%swap3A_491] {strides = array<i32>} : memref<64xi32, #tpu.memory_space<vmem>>, vector<16xi32>,
    %swap3A_493 = vector.shape_cast %swap3A_492 : vector<16xi32> to vector<16xi32>
    %swap3A_494 = vector.shape_cast %and3A_490 : vector<16xi32> to vector<16xi32>
    tpu.vector_store %arg12[%swap3A_491], %swap3A_494 {strides = array<i32>} : memref<64xi32, #tpu.memory_space<vmem>>, vector<16xi32>,
    %get3A_495 = arith.constant 96 : index
    %get3A_496 = tpu.vector_load %arg8[%get3A_495] {strides = array<i32>} : memref<128xi32, #tpu.memory_space<vmem>>, vector<16xi32>,
    %get3A_497 = vector.shape_cast %get3A_496 : vector<16xi32> to vector<16xi32>
    %shift_right_logical3A_498 = arith.constant 14 : i32
    %shift_right_logical3A_499 = vector.broadcast %shift_right_logical3A_498 : i32 to vector<16xi32>
    %shift_right_logical3A_500 = arith.shrui %get3A_497, %shift_right_logical3A_499 : vector<16xi32>
    %swap3A_501 = arith.constant 32 : index
    %swap3A_502 = tpu.vector_load %arg11[%swap3A_501] {strides = array<i32>} : memref<64xi32, #tpu.memory_space<vmem>>, vector<16xi32>,
    %swap3A_503 = vector.shape_cast %swap3A_502 : vector<16xi32> to vector<16xi32>
    %swap3A_504 = vector.shape_cast %shift_right_logical3A_500 : vector<16xi32> to vector<16xi32>
    tpu.vector_store %arg11[%swap3A_501], %swap3A_504 {strides = array<i32>} : memref<64xi32, #tpu.memory_space<vmem>>, vector<16xi32>,
    %and3A_505 = arith.constant 16383 : i32
    %and3A_506 = vector.broadcast %and3A_505 : i32 to vector<16xi32>
    %and3A_507 = arith.andi %get3A_497, %and3A_506 : vector<16xi32>
    %swap3A_508 = arith.constant 32 : index
    %swap3A_509 = tpu.vector_load %arg12[%swap3A_508] {strides = array<i32>} : memref<64xi32, #tpu.memory_space<vmem>>, vector<16xi32>,
    %swap3A_510 = vector.shape_cast %swap3A_509 : vector<16xi32> to vector<16xi32>
    %swap3A_511 = vector.shape_cast %and3A_507 : vector<16xi32> to vector<16xi32>
    tpu.vector_store %arg12[%swap3A_508], %swap3A_511 {strides = array<i32>} : memref<64xi32, #tpu.memory_space<vmem>>, vector<16xi32>,
    %get3A_512 = arith.constant 112 : index
    %get3A_513 = tpu.vector_load %arg8[%get3A_512] {strides = array<i32>} : memref<128xi32, #tpu.memory_space<vmem>>, vector<16xi32>,
    %get3A_514 = vector.shape_cast %get3A_513 : vector<16xi32> to vector<16xi32>
    %shift_right_logical3A_515 = arith.constant 14 : i32
    %shift_right_logical3A_516 = vector.broadcast %shift_right_logical3A_515 : i32 to vector<16xi32>
    %shift_right_logical3A_517 = arith.shrui %get3A_514, %shift_right_logical3A_516 : vector<16xi32>
    %swap3A_518 = arith.constant 48 : index
    %swap3A_519 = tpu.vector_load %arg11[%swap3A_518] {strides = array<i32>} : memref<64xi32, #tpu.memory_space<vmem>>, vector<16xi32>,
    %swap3A_520 = vector.shape_cast %swap3A_519 : vector<16xi32> to vector<16xi32>
    %swap3A_521 = vector.shape_cast %shift_right_logical3A_517 : vector<16xi32> to vector<16xi32>
    tpu.vector_store %arg11[%swap3A_518], %swap3A_521 {strides = array<i32>} : memref<64xi32, #tpu.memory_space<vmem>>, vector<16xi32>,
    %and3A_522 = arith.constant 16383 : i32
    %and3A_523 = vector.broadcast %and3A_522 : i32 to vector<16xi32>
    %and3A_524 = arith.andi %get3A_514, %and3A_523 : vector<16xi32>
    %swap3A_525 = arith.constant 48 : index
    %swap3A_526 = tpu.vector_load %arg12[%swap3A_525] {strides = array<i32>} : memref<64xi32, #tpu.memory_space<vmem>>, vector<16xi32>,
    %swap3A_527 = vector.shape_cast %swap3A_526 : vector<16xi32> to vector<16xi32>
    %swap3A_528 = vector.shape_cast %and3A_524 : vector<16xi32> to vector<16xi32>
    tpu.vector_store %arg12[%swap3A_525], %swap3A_528 {strides = array<i32>} : memref<64xi32, #tpu.memory_space<vmem>>, vector<16xi32>,
    %dma_wait3A = arith.constant 0 : i32
    %dma_wait3A_529 = arith.constant 0 : i32
    %dma_wait3A_530 = tpu.memref_slice %arg2[%dma_wait3A, %dma_wait3A_529] : memref<10000x128xf32, #tpu.memory_space<hbm>> -> memref<10000x128xf32, #tpu.memory_space<hbm>>
    tpu.wait_indirect_dma semaphore(%arg18 : memref<!tpu.dma_semaphore, #tpu.memory_space<semaphore_mem>>) src(%dma_wait3A_530 : memref<10000x128xf32, #tpu.memory_space<hbm>>) dst(%arg15 : memref<64x128xf32, #tpu.memory_space<vmem>>)
    %dma_start3A_531 = arith.constant 0 : i32
    %dma_start3A_532 = arith.constant 0 : i32
    %dma_start3A_533 = tpu.memref_slice %arg17[%dma_start3A_531, %dma_start3A_532] : memref<10240x128xf32, #tpu.memory_space<vmem_shared>> -> memref<10240x128xf32, #tpu.memory_space<vmem_shared>>
    tpu.enqueue_indirect_dma source(%arg15 : memref<64x128xf32, #tpu.memory_space<vmem>>) target(%dma_start3A_533 : memref<10240x128xf32, #tpu.memory_space<vmem_shared>>) offsets(%arg10 : memref<64xi32, #tpu.memory_space<vmem>>) semaphore(%arg19 : memref<!tpu.dma_semaphore, #tpu.memory_space<semaphore_mem>>) {add = true}
    %dma_start3A_534 = arith.constant 0 : i32
    %dma_start3A_535 = arith.constant 0 : i32
    %dma_start3A_536 = tpu.memref_slice %arg2[%dma_start3A_534, %dma_start3A_535] : memref<10000x128xf32, #tpu.memory_space<hbm>> -> memref<10000x128xf32, #tpu.memory_space<hbm>>
    tpu.enqueue_indirect_dma source(%dma_start3A_536 : memref<10000x128xf32, #tpu.memory_space<hbm>>) target(%arg16 : memref<64x128xf32, #tpu.memory_space<vmem>>) offsets(%arg11 : memref<64xi32, #tpu.memory_space<vmem>>) semaphore(%arg18 : memref<!tpu.dma_semaphore, #tpu.memory_space<semaphore_mem>>)
    %dma_wait3A_537 = arith.constant 0 : i32
    %dma_wait3A_538 = arith.constant 0 : i32
    %dma_wait3A_539 = tpu.memref_slice %arg2[%dma_wait3A_537, %dma_wait3A_538] : memref<10000x128xf32, #tpu.memory_space<hbm>> -> memref<10000x128xf32, #tpu.memory_space<hbm>>
    tpu.wait_indirect_dma semaphore(%arg18 : memref<!tpu.dma_semaphore, #tpu.memory_space<semaphore_mem>>) src(%dma_wait3A_539 : memref<10000x128xf32, #tpu.memory_space<hbm>>) dst(%arg16 : memref<64x128xf32, #tpu.memory_space<vmem>>)
    %dma_start3A_540 = arith.constant 0 : i32
    %dma_start3A_541 = arith.constant 0 : i32
    %dma_start3A_542 = tpu.memref_slice %arg17[%dma_start3A_540, %dma_start3A_541] : memref<10240x128xf32, #tpu.memory_space<vmem_shared>> -> memref<10240x128xf32, #tpu.memory_space<vmem_shared>>
    tpu.enqueue_indirect_dma source(%arg16 : memref<64x128xf32, #tpu.memory_space<vmem>>) target(%dma_start3A_542 : memref<10240x128xf32, #tpu.memory_space<vmem_shared>>) offsets(%arg12 : memref<64xi32, #tpu.memory_space<vmem>>) semaphore(%arg20 : memref<!tpu.dma_semaphore, #tpu.memory_space<semaphore_mem>>) {add = true}
    %while3A = arith.constant 1 : i32
    %while3A_543 = arith.constant 0 : i32
    %while3A_544 = arith.subi %select_n3A_391, %while3A : i32
    %while3A_545 = arith.addi %while3A, %while3A_544 : i32
    %while3A_546 = arith.constant 1 : i32
    %while3A_547 = arith.divsi %while3A_544, %while3A_546 : i32
    %while3A_548 = arith.muli %while3A_547, %while3A_546 : i32
    %while3A_549 = arith.addi %while3A, %while3A_548 : i32
    %while3A_550 = arith.constant 1 : i32
    %while3A_551 = scf.for %while3A_2008 = %while3A to %while3A_549 step %while3A_550 iter_args(%while3A_2009 = %while3A_543) -> (i32)  : i32 {
      tpu.wait_dma2 semaphore(%arg19 : memref<!tpu.dma_semaphore, #tpu.memory_space<semaphore_mem>>) src(%arg4 : memref<64x128xf32, #tpu.memory_space<hbm>>) dst(%arg15 : memref<64x128xf32, #tpu.memory_space<vmem>>)
      %add3A_2010 = arith.addi %select_n3A, %while3A_2008 : i32
      "tpu.region"() ({
        %run_scoped3A = tpu.sem_alloc : memref<!tpu.dma_semaphore, #tpu.memory_space<semaphore_mem>>
        %dma_start3A_2166 = arith.constant 0 : i32
        %dma_start3A_2167 = tpu.memref_slice %arg3[%add3A_2010, %dma_start3A_2166] : memref<2560x128xi32, #tpu.memory_space<hbm>> -> memref<1x128xi32, #tpu.memory_space<hbm>>
        %dma_start3A_2168 = tpu.memref_squeeze %dma_start3A_2167 : memref<1x128xi32, #tpu.memory_space<hbm>> -> memref<128xi32, #tpu.memory_space<hbm>>
        %dma_start3A_2169 = arith.constant 0 : i32
        %dma_start3A_2170 = tpu.memref_slice %arg3[%add3A_2010, %dma_start3A_2169] : memref<2560x128xi32, #tpu.memory_space<hbm>> -> memref<1x128xi32, #tpu.memory_space<hbm>>
        %dma_start3A_2171 = tpu.memref_squeeze %dma_start3A_2170 : memref<1x128xi32, #tpu.memory_space<hbm>> -> memref<128xi32, #tpu.memory_space<hbm>>
        tpu.enqueue_dma source(%dma_start3A_2171 : memref<128xi32, #tpu.memory_space<hbm>>) target(%arg8 : memref<128xi32, #tpu.memory_space<vmem>>) target_semaphore(%run_scoped3A : memref<!tpu.dma_semaphore, #tpu.memory_space<semaphore_mem>>)
        %dma_wait3A_2172 = arith.constant 0 : i32
        %dma_wait3A_2173 = tpu.memref_slice %arg3[%add3A_2010, %dma_wait3A_2172] : memref<2560x128xi32, #tpu.memory_space<hbm>> -> memref<1x128xi32, #tpu.memory_space<hbm>>
        %dma_wait3A_2174 = tpu.memref_squeeze %dma_wait3A_2173 : memref<1x128xi32, #tpu.memory_space<hbm>> -> memref<128xi32, #tpu.memory_space<hbm>>
        %dma_wait3A_2175 = arith.constant 0 : i32
        %dma_wait3A_2176 = tpu.memref_slice %arg3[%add3A_2010, %dma_wait3A_2175] : memref<2560x128xi32, #tpu.memory_space<hbm>> -> memref<1x128xi32, #tpu.memory_space<hbm>>
        %dma_wait3A_2177 = tpu.memref_squeeze %dma_wait3A_2176 : memref<1x128xi32, #tpu.memory_space<hbm>> -> memref<128xi32, #tpu.memory_space<hbm>>
        tpu.wait_dma2 semaphore(%run_scoped3A : memref<!tpu.dma_semaphore, #tpu.memory_space<semaphore_mem>>) src(%dma_wait3A_2177 : memref<128xi32, #tpu.memory_space<hbm>>) dst(%arg8 : memref<128xi32, #tpu.memory_space<vmem>>)
        tpu.yield
      }) : () -> ()
      %get3A_2011 = arith.constant 0 : index
      %get3A_2012 = tpu.vector_load %arg8[%get3A_2011] {strides = array<i32>} : memref<128xi32, #tpu.memory_space<vmem>>, vector<16xi32>,
      %get3A_2013 = vector.shape_cast %get3A_2012 : vector<16xi32> to vector<16xi32>
      %shift_right_logical3A_2014 = arith.constant 14 : i32
      %shift_right_logical3A_2015 = vector.broadcast %shift_right_logical3A_2014 : i32 to vector<16xi32>
      %shift_right_logical3A_2016 = arith.shrui %get3A_2013, %shift_right_logical3A_2015 : vector<16xi32>
      %swap3A_2017 = arith.constant 0 : index
      %swap3A_2018 = tpu.vector_load %arg9[%swap3A_2017] {strides = array<i32>} : memref<64xi32, #tpu.memory_space<vmem>>, vector<16xi32>,
      %swap3A_2019 = vector.shape_cast %swap3A_2018 : vector<16xi32> to vector<16xi32>
      %swap3A_2020 = vector.shape_cast %shift_right_logical3A_2016 : vector<16xi32> to vector<16xi32>
      tpu.vector_store %arg9[%swap3A_2017], %swap3A_2020 {strides = array<i32>} : memref<64xi32, #tpu.memory_space<vmem>>, vector<16xi32>,
      %and3A_2021 = arith.constant 16383 : i32
      %and3A_2022 = vector.broadcast %and3A_2021 : i32 to vector<16xi32>
      %and3A_2023 = arith.andi %get3A_2013, %and3A_2022 : vector<16xi32>
      %swap3A_2024 = arith.constant 0 : index
      %swap3A_2025 = tpu.vector_load %arg10[%swap3A_2024] {strides = array<i32>} : memref<64xi32, #tpu.memory_space<vmem>>, vector<16xi32>,
      %swap3A_2026 = vector.shape_cast %swap3A_2025 : vector<16xi32> to vector<16xi32>
      %swap3A_2027 = vector.shape_cast %and3A_2023 : vector<16xi32> to vector<16xi32>
      tpu.vector_store %arg10[%swap3A_2024], %swap3A_2027 {strides = array<i32>} : memref<64xi32, #tpu.memory_space<vmem>>, vector<16xi32>,
      %get3A_2028 = arith.constant 16 : index
      %get3A_2029 = tpu.vector_load %arg8[%get3A_2028] {strides = array<i32>} : memref<128xi32, #tpu.memory_space<vmem>>, vector<16xi32>,
      %get3A_2030 = vector.shape_cast %get3A_2029 : vector<16xi32> to vector<16xi32>
      %shift_right_logical3A_2031 = arith.constant 14 : i32
      %shift_right_logical3A_2032 = vector.broadcast %shift_right_logical3A_2031 : i32 to vector<16xi32>
      %shift_right_logical3A_2033 = arith.shrui %get3A_2030, %shift_right_logical3A_2032 : vector<16xi32>
      %swap3A_2034 = arith.constant 16 : index
      %swap3A_2035 = tpu.vector_load %arg9[%swap3A_2034] {strides = array<i32>} : memref<64xi32, #tpu.memory_space<vmem>>, vector<16xi32>,
      %swap3A_2036 = vector.shape_cast %swap3A_2035 : vector<16xi32> to vector<16xi32>
      %swap3A_2037 = vector.shape_cast %shift_right_logical3A_2033 : vector<16xi32> to vector<16xi32>
      tpu.vector_store %arg9[%swap3A_2034], %swap3A_2037 {strides = array<i32>} : memref<64xi32, #tpu.memory_space<vmem>>, vector<16xi32>,
      %and3A_2038 = arith.constant 16383 : i32
      %and3A_2039 = vector.broadcast %and3A_2038 : i32 to vector<16xi32>
      %and3A_2040 = arith.andi %get3A_2030, %and3A_2039 : vector<16xi32>
      %swap3A_2041 = arith.constant 16 : index
      %swap3A_2042 = tpu.vector_load %arg10[%swap3A_2041] {strides = array<i32>} : memref<64xi32, #tpu.memory_space<vmem>>, vector<16xi32>,
      %swap3A_2043 = vector.shape_cast %swap3A_2042 : vector<16xi32> to vector<16xi32>
      %swap3A_2044 = vector.shape_cast %and3A_2040 : vector<16xi32> to vector<16xi32>
      tpu.vector_store %arg10[%swap3A_2041], %swap3A_2044 {strides = array<i32>} : memref<64xi32, #tpu.memory_space<vmem>>, vector<16xi32>,
      %get3A_2045 = arith.constant 32 : index
      %get3A_2046 = tpu.vector_load %arg8[%get3A_2045] {strides = array<i32>} : memref<128xi32, #tpu.memory_space<vmem>>, vector<16xi32>,
      %get3A_2047 = vector.shape_cast %get3A_2046 : vector<16xi32> to vector<16xi32>
      %shift_right_logical3A_2048 = arith.constant 14 : i32
      %shift_right_logical3A_2049 = vector.broadcast %shift_right_logical3A_2048 : i32 to vector<16xi32>
      %shift_right_logical3A_2050 = arith.shrui %get3A_2047, %shift_right_logical3A_2049 : vector<16xi32>
      %swap3A_2051 = arith.constant 32 : index
      %swap3A_2052 = tpu.vector_load %arg9[%swap3A_2051] {strides = array<i32>} : memref<64xi32, #tpu.memory_space<vmem>>, vector<16xi32>,
      %swap3A_2053 = vector.shape_cast %swap3A_2052 : vector<16xi32> to vector<16xi32>
      %swap3A_2054 = vector.shape_cast %shift_right_logical3A_2050 : vector<16xi32> to vector<16xi32>
      tpu.vector_store %arg9[%swap3A_2051], %swap3A_2054 {strides = array<i32>} : memref<64xi32, #tpu.memory_space<vmem>>, vector<16xi32>,
      %and3A_2055 = arith.constant 16383 : i32
      %and3A_2056 = vector.broadcast %and3A_2055 : i32 to vector<16xi32>
      %and3A_2057 = arith.andi %get3A_2047, %and3A_2056 : vector<16xi32>
      %swap3A_2058 = arith.constant 32 : index
      %swap3A_2059 = tpu.vector_load %arg10[%swap3A_2058] {strides = array<i32>} : memref<64xi32, #tpu.memory_space<vmem>>, vector<16xi32>,
      %swap3A_2060 = vector.shape_cast %swap3A_2059 : vector<16xi32> to vector<16xi32>
      %swap3A_2061 = vector.shape_cast %and3A_2057 : vector<16xi32> to vector<16xi32>
      tpu.vector_store %arg10[%swap3A_2058], %swap3A_2061 {strides = array<i32>} : memref<64xi32, #tpu.memory_space<vmem>>, vector<16xi32>,
      %get3A_2062 = arith.constant 48 : index
      %get3A_2063 = tpu.vector_load %arg8[%get3A_2062] {strides = array<i32>} : memref<128xi32, #tpu.memory_space<vmem>>, vector<16xi32>,
      %get3A_2064 = vector.shape_cast %get3A_2063 : vector<16xi32> to vector<16xi32>
      %shift_right_logical3A_2065 = arith.constant 14 : i32
      %shift_right_logical3A_2066 = vector.broadcast %shift_right_logical3A_2065 : i32 to vector<16xi32>
      %shift_right_logical3A_2067 = arith.shrui %get3A_2064, %shift_right_logical3A_2066 : vector<16xi32>
      %swap3A_2068 = arith.constant 48 : index
      %swap3A_2069 = tpu.vector_load %arg9[%swap3A_2068] {strides = array<i32>} : memref<64xi32, #tpu.memory_space<vmem>>, vector<16xi32>,
      %swap3A_2070 = vector.shape_cast %swap3A_2069 : vector<16xi32> to vector<16xi32>
      %swap3A_2071 = vector.shape_cast %shift_right_logical3A_2067 : vector<16xi32> to vector<16xi32>
      tpu.vector_store %arg9[%swap3A_2068], %swap3A_2071 {strides = array<i32>} : memref<64xi32, #tpu.memory_space<vmem>>, vector<16xi32>,
      %and3A_2072 = arith.constant 16383 : i32
      %and3A_2073 = vector.broadcast %and3A_2072 : i32 to vector<16xi32>
      %and3A_2074 = arith.andi %get3A_2064, %and3A_2073 : vector<16xi32>
      %swap3A_2075 = arith.constant 48 : index
      %swap3A_2076 = tpu.vector_load %arg10[%swap3A_2075] {strides = array<i32>} : memref<64xi32, #tpu.memory_space<vmem>>, vector<16xi32>,
      %swap3A_2077 = vector.shape_cast %swap3A_2076 : vector<16xi32> to vector<16xi32>
      %swap3A_2078 = vector.shape_cast %and3A_2074 : vector<16xi32> to vector<16xi32>
      tpu.vector_store %arg10[%swap3A_2075], %swap3A_2078 {strides = array<i32>} : memref<64xi32, #tpu.memory_space<vmem>>, vector<16xi32>,
      %dma_start3A_2079 = arith.constant 0 : i32
      %dma_start3A_2080 = arith.constant 0 : i32
      %dma_start3A_2081 = tpu.memref_slice %arg2[%dma_start3A_2079, %dma_start3A_2080] : memref<10000x128xf32, #tpu.memory_space<hbm>> -> memref<10000x128xf32, #tpu.memory_space<hbm>>
      tpu.enqueue_indirect_dma source(%dma_start3A_2081 : memref<10000x128xf32, #tpu.memory_space<hbm>>) target(%arg15 : memref<64x128xf32, #tpu.memory_space<vmem>>) offsets(%arg9 : memref<64xi32, #tpu.memory_space<vmem>>) semaphore(%arg18 : memref<!tpu.dma_semaphore, #tpu.memory_space<semaphore_mem>>)
      tpu.wait_dma2 semaphore(%arg20 : memref<!tpu.dma_semaphore, #tpu.memory_space<semaphore_mem>>) src(%arg4 : memref<64x128xf32, #tpu.memory_space<hbm>>) dst(%arg16 : memref<64x128xf32, #tpu.memory_space<vmem>>)
      %get3A_2082 = arith.constant 64 : index
      %get3A_2083 = tpu.vector_load %arg8[%get3A_2082] {strides = array<i32>} : memref<128xi32, #tpu.memory_space<vmem>>, vector<16xi32>,
      %get3A_2084 = vector.shape_cast %get3A_2083 : vector<16xi32> to vector<16xi32>
      %shift_right_logical3A_2085 = arith.constant 14 : i32
      %shift_right_logical3A_2086 = vector.broadcast %shift_right_logical3A_2085 : i32 to vector<16xi32>
      %shift_right_logical3A_2087 = arith.shrui %get3A_2084, %shift_right_logical3A_2086 : vector<16xi32>
      %swap3A_2088 = arith.constant 0 : index
      %swap3A_2089 = tpu.vector_load %arg11[%swap3A_2088] {strides = array<i32>} : memref<64xi32, #tpu.memory_space<vmem>>, vector<16xi32>,
      %swap3A_2090 = vector.shape_cast %swap3A_2089 : vector<16xi32> to vector<16xi32>
      %swap3A_2091 = vector.shape_cast %shift_right_logical3A_2087 : vector<16xi32> to vector<16xi32>
      tpu.vector_store %arg11[%swap3A_2088], %swap3A_2091 {strides = array<i32>} : memref<64xi32, #tpu.memory_space<vmem>>, vector<16xi32>,
      %and3A_2092 = arith.constant 16383 : i32
      %and3A_2093 = vector.broadcast %and3A_2092 : i32 to vector<16xi32>
      %and3A_2094 = arith.andi %get3A_2084, %and3A_2093 : vector<16xi32>
      %swap3A_2095 = arith.constant 0 : index
      %swap3A_2096 = tpu.vector_load %arg12[%swap3A_2095] {strides = array<i32>} : memref<64xi32, #tpu.memory_space<vmem>>, vector<16xi32>,
      %swap3A_2097 = vector.shape_cast %swap3A_2096 : vector<16xi32> to vector<16xi32>
      %swap3A_2098 = vector.shape_cast %and3A_2094 : vector<16xi32> to vector<16xi32>
      tpu.vector_store %arg12[%swap3A_2095], %swap3A_2098 {strides = array<i32>} : memref<64xi32, #tpu.memory_space<vmem>>, vector<16xi32>,
      %get3A_2099 = arith.constant 80 : index
      %get3A_2100 = tpu.vector_load %arg8[%get3A_2099] {strides = array<i32>} : memref<128xi32, #tpu.memory_space<vmem>>, vector<16xi32>,
      %get3A_2101 = vector.shape_cast %get3A_2100 : vector<16xi32> to vector<16xi32>
      %shift_right_logical3A_2102 = arith.constant 14 : i32
      %shift_right_logical3A_2103 = vector.broadcast %shift_right_logical3A_2102 : i32 to vector<16xi32>
      %shift_right_logical3A_2104 = arith.shrui %get3A_2101, %shift_right_logical3A_2103 : vector<16xi32>
      %swap3A_2105 = arith.constant 16 : index
      %swap3A_2106 = tpu.vector_load %arg11[%swap3A_2105] {strides = array<i32>} : memref<64xi32, #tpu.memory_space<vmem>>, vector<16xi32>,
      %swap3A_2107 = vector.shape_cast %swap3A_2106 : vector<16xi32> to vector<16xi32>
      %swap3A_2108 = vector.shape_cast %shift_right_logical3A_2104 : vector<16xi32> to vector<16xi32>
      tpu.vector_store %arg11[%swap3A_2105], %swap3A_2108 {strides = array<i32>} : memref<64xi32, #tpu.memory_space<vmem>>, vector<16xi32>,
      %and3A_2109 = arith.constant 16383 : i32
      %and3A_2110 = vector.broadcast %and3A_2109 : i32 to vector<16xi32>
      %and3A_2111 = arith.andi %get3A_2101, %and3A_2110 : vector<16xi32>
      %swap3A_2112 = arith.constant 16 : index
      %swap3A_2113 = tpu.vector_load %arg12[%swap3A_2112] {strides = array<i32>} : memref<64xi32, #tpu.memory_space<vmem>>, vector<16xi32>,
      %swap3A_2114 = vector.shape_cast %swap3A_2113 : vector<16xi32> to vector<16xi32>
      %swap3A_2115 = vector.shape_cast %and3A_2111 : vector<16xi32> to vector<16xi32>
      tpu.vector_store %arg12[%swap3A_2112], %swap3A_2115 {strides = array<i32>} : memref<64xi32, #tpu.memory_space<vmem>>, vector<16xi32>,
      %get3A_2116 = arith.constant 96 : index
      %get3A_2117 = tpu.vector_load %arg8[%get3A_2116] {strides = array<i32>} : memref<128xi32, #tpu.memory_space<vmem>>, vector<16xi32>,
      %get3A_2118 = vector.shape_cast %get3A_2117 : vector<16xi32> to vector<16xi32>
      %shift_right_logical3A_2119 = arith.constant 14 : i32
      %shift_right_logical3A_2120 = vector.broadcast %shift_right_logical3A_2119 : i32 to vector<16xi32>
      %shift_right_logical3A_2121 = arith.shrui %get3A_2118, %shift_right_logical3A_2120 : vector<16xi32>
      %swap3A_2122 = arith.constant 32 : index
      %swap3A_2123 = tpu.vector_load %arg11[%swap3A_2122] {strides = array<i32>} : memref<64xi32, #tpu.memory_space<vmem>>, vector<16xi32>,
      %swap3A_2124 = vector.shape_cast %swap3A_2123 : vector<16xi32> to vector<16xi32>
      %swap3A_2125 = vector.shape_cast %shift_right_logical3A_2121 : vector<16xi32> to vector<16xi32>
      tpu.vector_store %arg11[%swap3A_2122], %swap3A_2125 {strides = array<i32>} : memref<64xi32, #tpu.memory_space<vmem>>, vector<16xi32>,
      %and3A_2126 = arith.constant 16383 : i32
      %and3A_2127 = vector.broadcast %and3A_2126 : i32 to vector<16xi32>
      %and3A_2128 = arith.andi %get3A_2118, %and3A_2127 : vector<16xi32>
      %swap3A_2129 = arith.constant 32 : index
      %swap3A_2130 = tpu.vector_load %arg12[%swap3A_2129] {strides = array<i32>} : memref<64xi32, #tpu.memory_space<vmem>>, vector<16xi32>,
      %swap3A_2131 = vector.shape_cast %swap3A_2130 : vector<16xi32> to vector<16xi32>
      %swap3A_2132 = vector.shape_cast %and3A_2128 : vector<16xi32> to vector<16xi32>
      tpu.vector_store %arg12[%swap3A_2129], %swap3A_2132 {strides = array<i32>} : memref<64xi32, #tpu.memory_space<vmem>>, vector<16xi32>,
      %get3A_2133 = arith.constant 112 : index
      %get3A_2134 = tpu.vector_load %arg8[%get3A_2133] {strides = array<i32>} : memref<128xi32, #tpu.memory_space<vmem>>, vector<16xi32>,
      %get3A_2135 = vector.shape_cast %get3A_2134 : vector<16xi32> to vector<16xi32>
      %shift_right_logical3A_2136 = arith.constant 14 : i32
      %shift_right_logical3A_2137 = vector.broadcast %shift_right_logical3A_2136 : i32 to vector<16xi32>
      %shift_right_logical3A_2138 = arith.shrui %get3A_2135, %shift_right_logical3A_2137 : vector<16xi32>
      %swap3A_2139 = arith.constant 48 : index
      %swap3A_2140 = tpu.vector_load %arg11[%swap3A_2139] {strides = array<i32>} : memref<64xi32, #tpu.memory_space<vmem>>, vector<16xi32>,
      %swap3A_2141 = vector.shape_cast %swap3A_2140 : vector<16xi32> to vector<16xi32>
      %swap3A_2142 = vector.shape_cast %shift_right_logical3A_2138 : vector<16xi32> to vector<16xi32>
      tpu.vector_store %arg11[%swap3A_2139], %swap3A_2142 {strides = array<i32>} : memref<64xi32, #tpu.memory_space<vmem>>, vector<16xi32>,
      %and3A_2143 = arith.constant 16383 : i32
      %and3A_2144 = vector.broadcast %and3A_2143 : i32 to vector<16xi32>
      %and3A_2145 = arith.andi %get3A_2135, %and3A_2144 : vector<16xi32>
      %swap3A_2146 = arith.constant 48 : index
      %swap3A_2147 = tpu.vector_load %arg12[%swap3A_2146] {strides = array<i32>} : memref<64xi32, #tpu.memory_space<vmem>>, vector<16xi32>,
      %swap3A_2148 = vector.shape_cast %swap3A_2147 : vector<16xi32> to vector<16xi32>
      %swap3A_2149 = vector.shape_cast %and3A_2145 : vector<16xi32> to vector<16xi32>
      tpu.vector_store %arg12[%swap3A_2146], %swap3A_2149 {strides = array<i32>} : memref<64xi32, #tpu.memory_space<vmem>>, vector<16xi32>,
      %dma_wait3A_2150 = arith.constant 0 : i32
      %dma_wait3A_2151 = arith.constant 0 : i32
      %dma_wait3A_2152 = tpu.memref_slice %arg2[%dma_wait3A_2150, %dma_wait3A_2151] : memref<10000x128xf32, #tpu.memory_space<hbm>> -> memref<10000x128xf32, #tpu.memory_space<hbm>>
      tpu.wait_indirect_dma semaphore(%arg18 : memref<!tpu.dma_semaphore, #tpu.memory_space<semaphore_mem>>) src(%dma_wait3A_2152 : memref<10000x128xf32, #tpu.memory_space<hbm>>) dst(%arg15 : memref<64x128xf32, #tpu.memory_space<vmem>>)
      %dma_start3A_2153 = arith.constant 0 : i32
      %dma_start3A_2154 = arith.constant 0 : i32
      %dma_start3A_2155 = tpu.memref_slice %arg17[%dma_start3A_2153, %dma_start3A_2154] : memref<10240x128xf32, #tpu.memory_space<vmem_shared>> -> memref<10240x128xf32, #tpu.memory_space<vmem_shared>>
      tpu.enqueue_indirect_dma source(%arg15 : memref<64x128xf32, #tpu.memory_space<vmem>>) target(%dma_start3A_2155 : memref<10240x128xf32, #tpu.memory_space<vmem_shared>>) offsets(%arg10 : memref<64xi32, #tpu.memory_space<vmem>>) semaphore(%arg19 : memref<!tpu.dma_semaphore, #tpu.memory_space<semaphore_mem>>) {add = true}
      %dma_start3A_2156 = arith.constant 0 : i32
      %dma_start3A_2157 = arith.constant 0 : i32
      %dma_start3A_2158 = tpu.memref_slice %arg2[%dma_start3A_2156, %dma_start3A_2157] : memref<10000x128xf32, #tpu.memory_space<hbm>> -> memref<10000x128xf32, #tpu.memory_space<hbm>>
      tpu.enqueue_indirect_dma source(%dma_start3A_2158 : memref<10000x128xf32, #tpu.memory_space<hbm>>) target(%arg16 : memref<64x128xf32, #tpu.memory_space<vmem>>) offsets(%arg11 : memref<64xi32, #tpu.memory_space<vmem>>) semaphore(%arg18 : memref<!tpu.dma_semaphore, #tpu.memory_space<semaphore_mem>>)
      %dma_wait3A_2159 = arith.constant 0 : i32
      %dma_wait3A_2160 = arith.constant 0 : i32
      %dma_wait3A_2161 = tpu.memref_slice %arg2[%dma_wait3A_2159, %dma_wait3A_2160] : memref<10000x128xf32, #tpu.memory_space<hbm>> -> memref<10000x128xf32, #tpu.memory_space<hbm>>
      tpu.wait_indirect_dma semaphore(%arg18 : memref<!tpu.dma_semaphore, #tpu.memory_space<semaphore_mem>>) src(%dma_wait3A_2161 : memref<10000x128xf32, #tpu.memory_space<hbm>>) dst(%arg16 : memref<64x128xf32, #tpu.memory_space<vmem>>)
      %dma_start3A_2162 = arith.constant 0 : i32
      %dma_start3A_2163 = arith.constant 0 : i32
      %dma_start3A_2164 = tpu.memref_slice %arg17[%dma_start3A_2162, %dma_start3A_2163] : memref<10240x128xf32, #tpu.memory_space<vmem_shared>> -> memref<10240x128xf32, #tpu.memory_space<vmem_shared>>
      tpu.enqueue_indirect_dma source(%arg16 : memref<64x128xf32, #tpu.memory_space<vmem>>) target(%dma_start3A_2164 : memref<10240x128xf32, #tpu.memory_space<vmem_shared>>) offsets(%arg12 : memref<64xi32, #tpu.memory_space<vmem>>) semaphore(%arg20 : memref<!tpu.dma_semaphore, #tpu.memory_space<semaphore_mem>>) {add = true}
      %while3A_2165 = arith.constant 0 : i32
      scf.yield %while3A_2165 : i32
    }
    %while3A_552 = arith.constant 1 : i32
    %while3A_553 = scf.for %while3A_2008 = %while3A_549 to %while3A_545 step %while3A_552 iter_args(%while3A_2009 = %while3A_551) -> (i32)  : i32 {
      tpu.wait_dma2 semaphore(%arg19 : memref<!tpu.dma_semaphore, #tpu.memory_space<semaphore_mem>>) src(%arg4 : memref<64x128xf32, #tpu.memory_space<hbm>>) dst(%arg15 : memref<64x128xf32, #tpu.memory_space<vmem>>)
      %add3A_2010 = arith.addi %select_n3A, %while3A_2008 : i32
      "tpu.region"() ({
        %run_scoped3A = tpu.sem_alloc : memref<!tpu.dma_semaphore, #tpu.memory_space<semaphore_mem>>
        %dma_start3A_2166 = arith.constant 0 : i32
        %dma_start3A_2167 = tpu.memref_slice %arg3[%add3A_2010, %dma_start3A_2166] : memref<2560x128xi32, #tpu.memory_space<hbm>> -> memref<1x128xi32, #tpu.memory_space<hbm>>
        %dma_start3A_2168 = tpu.memref_squeeze %dma_start3A_2167 : memref<1x128xi32, #tpu.memory_space<hbm>> -> memref<128xi32, #tpu.memory_space<hbm>>
        %dma_start3A_2169 = arith.constant 0 : i32
        %dma_start3A_2170 = tpu.memref_slice %arg3[%add3A_2010, %dma_start3A_2169] : memref<2560x128xi32, #tpu.memory_space<hbm>> -> memref<1x128xi32, #tpu.memory_space<hbm>>
        %dma_start3A_2171 = tpu.memref_squeeze %dma_start3A_2170 : memref<1x128xi32, #tpu.memory_space<hbm>> -> memref<128xi32, #tpu.memory_space<hbm>>
        tpu.enqueue_dma source(%dma_start3A_2171 : memref<128xi32, #tpu.memory_space<hbm>>) target(%arg8 : memref<128xi32, #tpu.memory_space<vmem>>) target_semaphore(%run_scoped3A : memref<!tpu.dma_semaphore, #tpu.memory_space<semaphore_mem>>)
        %dma_wait3A_2172 = arith.constant 0 : i32
        %dma_wait3A_2173 = tpu.memref_slice %arg3[%add3A_2010, %dma_wait3A_2172] : memref<2560x128xi32, #tpu.memory_space<hbm>> -> memref<1x128xi32, #tpu.memory_space<hbm>>
        %dma_wait3A_2174 = tpu.memref_squeeze %dma_wait3A_2173 : memref<1x128xi32, #tpu.memory_space<hbm>> -> memref<128xi32, #tpu.memory_space<hbm>>
        %dma_wait3A_2175 = arith.constant 0 : i32
        %dma_wait3A_2176 = tpu.memref_slice %arg3[%add3A_2010, %dma_wait3A_2175] : memref<2560x128xi32, #tpu.memory_space<hbm>> -> memref<1x128xi32, #tpu.memory_space<hbm>>
        %dma_wait3A_2177 = tpu.memref_squeeze %dma_wait3A_2176 : memref<1x128xi32, #tpu.memory_space<hbm>> -> memref<128xi32, #tpu.memory_space<hbm>>
        tpu.wait_dma2 semaphore(%run_scoped3A : memref<!tpu.dma_semaphore, #tpu.memory_space<semaphore_mem>>) src(%dma_wait3A_2177 : memref<128xi32, #tpu.memory_space<hbm>>) dst(%arg8 : memref<128xi32, #tpu.memory_space<vmem>>)
        tpu.yield
      }) : () -> ()
      %get3A_2011 = arith.constant 0 : index
      %get3A_2012 = tpu.vector_load %arg8[%get3A_2011] {strides = array<i32>} : memref<128xi32, #tpu.memory_space<vmem>>, vector<16xi32>,
      %get3A_2013 = vector.shape_cast %get3A_2012 : vector<16xi32> to vector<16xi32>
      %shift_right_logical3A_2014 = arith.constant 14 : i32
      %shift_right_logical3A_2015 = vector.broadcast %shift_right_logical3A_2014 : i32 to vector<16xi32>
      %shift_right_logical3A_2016 = arith.shrui %get3A_2013, %shift_right_logical3A_2015 : vector<16xi32>
      %swap3A_2017 = arith.constant 0 : index
      %swap3A_2018 = tpu.vector_load %arg9[%swap3A_2017] {strides = array<i32>} : memref<64xi32, #tpu.memory_space<vmem>>, vector<16xi32>,
      %swap3A_2019 = vector.shape_cast %swap3A_2018 : vector<16xi32> to vector<16xi32>
      %swap3A_2020 = vector.shape_cast %shift_right_logical3A_2016 : vector<16xi32> to vector<16xi32>
      tpu.vector_store %arg9[%swap3A_2017], %swap3A_2020 {strides = array<i32>} : memref<64xi32, #tpu.memory_space<vmem>>, vector<16xi32>,
      %and3A_2021 = arith.constant 16383 : i32
      %and3A_2022 = vector.broadcast %and3A_2021 : i32 to vector<16xi32>
      %and3A_2023 = arith.andi %get3A_2013, %and3A_2022 : vector<16xi32>
      %swap3A_2024 = arith.constant 0 : index
      %swap3A_2025 = tpu.vector_load %arg10[%swap3A_2024] {strides = array<i32>} : memref<64xi32, #tpu.memory_space<vmem>>, vector<16xi32>,
      %swap3A_2026 = vector.shape_cast %swap3A_2025 : vector<16xi32> to vector<16xi32>
      %swap3A_2027 = vector.shape_cast %and3A_2023 : vector<16xi32> to vector<16xi32>
      tpu.vector_store %arg10[%swap3A_2024], %swap3A_2027 {strides = array<i32>} : memref<64xi32, #tpu.memory_space<vmem>>, vector<16xi32>,
      %get3A_2028 = arith.constant 16 : index
      %get3A_2029 = tpu.vector_load %arg8[%get3A_2028] {strides = array<i32>} : memref<128xi32, #tpu.memory_space<vmem>>, vector<16xi32>,
      %get3A_2030 = vector.shape_cast %get3A_2029 : vector<16xi32> to vector<16xi32>
      %shift_right_logical3A_2031 = arith.constant 14 : i32
      %shift_right_logical3A_2032 = vector.broadcast %shift_right_logical3A_2031 : i32 to vector<16xi32>
      %shift_right_logical3A_2033 = arith.shrui %get3A_2030, %shift_right_logical3A_2032 : vector<16xi32>
      %swap3A_2034 = arith.constant 16 : index
      %swap3A_2035 = tpu.vector_load %arg9[%swap3A_2034] {strides = array<i32>} : memref<64xi32, #tpu.memory_space<vmem>>, vector<16xi32>,
      %swap3A_2036 = vector.shape_cast %swap3A_2035 : vector<16xi32> to vector<16xi32>
      %swap3A_2037 = vector.shape_cast %shift_right_logical3A_2033 : vector<16xi32> to vector<16xi32>
      tpu.vector_store %arg9[%swap3A_2034], %swap3A_2037 {strides = array<i32>} : memref<64xi32, #tpu.memory_space<vmem>>, vector<16xi32>,
      %and3A_2038 = arith.constant 16383 : i32
      %and3A_2039 = vector.broadcast %and3A_2038 : i32 to vector<16xi32>
      %and3A_2040 = arith.andi %get3A_2030, %and3A_2039 : vector<16xi32>
      %swap3A_2041 = arith.constant 16 : index
      %swap3A_2042 = tpu.vector_load %arg10[%swap3A_2041] {strides = array<i32>} : memref<64xi32, #tpu.memory_space<vmem>>, vector<16xi32>,
      %swap3A_2043 = vector.shape_cast %swap3A_2042 : vector<16xi32> to vector<16xi32>
      %swap3A_2044 = vector.shape_cast %and3A_2040 : vector<16xi32> to vector<16xi32>
      tpu.vector_store %arg10[%swap3A_2041], %swap3A_2044 {strides = array<i32>} : memref<64xi32, #tpu.memory_space<vmem>>, vector<16xi32>,
      %get3A_2045 = arith.constant 32 : index
      %get3A_2046 = tpu.vector_load %arg8[%get3A_2045] {strides = array<i32>} : memref<128xi32, #tpu.memory_space<vmem>>, vector<16xi32>,
      %get3A_2047 = vector.shape_cast %get3A_2046 : vector<16xi32> to vector<16xi32>
      %shift_right_logical3A_2048 = arith.constant 14 : i32
      %shift_right_logical3A_2049 = vector.broadcast %shift_right_logical3A_2048 : i32 to vector<16xi32>
      %shift_right_logical3A_2050 = arith.shrui %get3A_2047, %shift_right_logical3A_2049 : vector<16xi32>
      %swap3A_2051 = arith.constant 32 : index
      %swap3A_2052 = tpu.vector_load %arg9[%swap3A_2051] {strides = array<i32>} : memref<64xi32, #tpu.memory_space<vmem>>, vector<16xi32>,
      %swap3A_2053 = vector.shape_cast %swap3A_2052 : vector<16xi32> to vector<16xi32>
      %swap3A_2054 = vector.shape_cast %shift_right_logical3A_2050 : vector<16xi32> to vector<16xi32>
      tpu.vector_store %arg9[%swap3A_2051], %swap3A_2054 {strides = array<i32>} : memref<64xi32, #tpu.memory_space<vmem>>, vector<16xi32>,
      %and3A_2055 = arith.constant 16383 : i32
      %and3A_2056 = vector.broadcast %and3A_2055 : i32 to vector<16xi32>
      %and3A_2057 = arith.andi %get3A_2047, %and3A_2056 : vector<16xi32>
      %swap3A_2058 = arith.constant 32 : index
      %swap3A_2059 = tpu.vector_load %arg10[%swap3A_2058] {strides = array<i32>} : memref<64xi32, #tpu.memory_space<vmem>>, vector<16xi32>,
      %swap3A_2060 = vector.shape_cast %swap3A_2059 : vector<16xi32> to vector<16xi32>
      %swap3A_2061 = vector.shape_cast %and3A_2057 : vector<16xi32> to vector<16xi32>
      tpu.vector_store %arg10[%swap3A_2058], %swap3A_2061 {strides = array<i32>} : memref<64xi32, #tpu.memory_space<vmem>>, vector<16xi32>,
      %get3A_2062 = arith.constant 48 : index
      %get3A_2063 = tpu.vector_load %arg8[%get3A_2062] {strides = array<i32>} : memref<128xi32, #tpu.memory_space<vmem>>, vector<16xi32>,
      %get3A_2064 = vector.shape_cast %get3A_2063 : vector<16xi32> to vector<16xi32>
      %shift_right_logical3A_2065 = arith.constant 14 : i32
      %shift_right_logical3A_2066 = vector.broadcast %shift_right_logical3A_2065 : i32 to vector<16xi32>
      %shift_right_logical3A_2067 = arith.shrui %get3A_2064, %shift_right_logical3A_2066 : vector<16xi32>
      %swap3A_2068 = arith.constant 48 : index
      %swap3A_2069 = tpu.vector_load %arg9[%swap3A_2068] {strides = array<i32>} : memref<64xi32, #tpu.memory_space<vmem>>, vector<16xi32>,
      %swap3A_2070 = vector.shape_cast %swap3A_2069 : vector<16xi32> to vector<16xi32>
      %swap3A_2071 = vector.shape_cast %shift_right_logical3A_2067 : vector<16xi32> to vector<16xi32>
      tpu.vector_store %arg9[%swap3A_2068], %swap3A_2071 {strides = array<i32>} : memref<64xi32, #tpu.memory_space<vmem>>, vector<16xi32>,
      %and3A_2072 = arith.constant 16383 : i32
      %and3A_2073 = vector.broadcast %and3A_2072 : i32 to vector<16xi32>
      %and3A_2074 = arith.andi %get3A_2064, %and3A_2073 : vector<16xi32>
      %swap3A_2075 = arith.constant 48 : index
      %swap3A_2076 = tpu.vector_load %arg10[%swap3A_2075] {strides = array<i32>} : memref<64xi32, #tpu.memory_space<vmem>>, vector<16xi32>,
      %swap3A_2077 = vector.shape_cast %swap3A_2076 : vector<16xi32> to vector<16xi32>
      %swap3A_2078 = vector.shape_cast %and3A_2074 : vector<16xi32> to vector<16xi32>
      tpu.vector_store %arg10[%swap3A_2075], %swap3A_2078 {strides = array<i32>} : memref<64xi32, #tpu.memory_space<vmem>>, vector<16xi32>,
      %dma_start3A_2079 = arith.constant 0 : i32
      %dma_start3A_2080 = arith.constant 0 : i32
      %dma_start3A_2081 = tpu.memref_slice %arg2[%dma_start3A_2079, %dma_start3A_2080] : memref<10000x128xf32, #tpu.memory_space<hbm>> -> memref<10000x128xf32, #tpu.memory_space<hbm>>
      tpu.enqueue_indirect_dma source(%dma_start3A_2081 : memref<10000x128xf32, #tpu.memory_space<hbm>>) target(%arg15 : memref<64x128xf32, #tpu.memory_space<vmem>>) offsets(%arg9 : memref<64xi32, #tpu.memory_space<vmem>>) semaphore(%arg18 : memref<!tpu.dma_semaphore, #tpu.memory_space<semaphore_mem>>)
      tpu.wait_dma2 semaphore(%arg20 : memref<!tpu.dma_semaphore, #tpu.memory_space<semaphore_mem>>) src(%arg4 : memref<64x128xf32, #tpu.memory_space<hbm>>) dst(%arg16 : memref<64x128xf32, #tpu.memory_space<vmem>>)
      %get3A_2082 = arith.constant 64 : index
      %get3A_2083 = tpu.vector_load %arg8[%get3A_2082] {strides = array<i32>} : memref<128xi32, #tpu.memory_space<vmem>>, vector<16xi32>,
      %get3A_2084 = vector.shape_cast %get3A_2083 : vector<16xi32> to vector<16xi32>
      %shift_right_logical3A_2085 = arith.constant 14 : i32
      %shift_right_logical3A_2086 = vector.broadcast %shift_right_logical3A_2085 : i32 to vector<16xi32>
      %shift_right_logical3A_2087 = arith.shrui %get3A_2084, %shift_right_logical3A_2086 : vector<16xi32>
      %swap3A_2088 = arith.constant 0 : index
      %swap3A_2089 = tpu.vector_load %arg11[%swap3A_2088] {strides = array<i32>} : memref<64xi32, #tpu.memory_space<vmem>>, vector<16xi32>,
      %swap3A_2090 = vector.shape_cast %swap3A_2089 : vector<16xi32> to vector<16xi32>
      %swap3A_2091 = vector.shape_cast %shift_right_logical3A_2087 : vector<16xi32> to vector<16xi32>
      tpu.vector_store %arg11[%swap3A_2088], %swap3A_2091 {strides = array<i32>} : memref<64xi32, #tpu.memory_space<vmem>>, vector<16xi32>,
      %and3A_2092 = arith.constant 16383 : i32
      %and3A_2093 = vector.broadcast %and3A_2092 : i32 to vector<16xi32>
      %and3A_2094 = arith.andi %get3A_2084, %and3A_2093 : vector<16xi32>
      %swap3A_2095 = arith.constant 0 : index
      %swap3A_2096 = tpu.vector_load %arg12[%swap3A_2095] {strides = array<i32>} : memref<64xi32, #tpu.memory_space<vmem>>, vector<16xi32>,
      %swap3A_2097 = vector.shape_cast %swap3A_2096 : vector<16xi32> to vector<16xi32>
      %swap3A_2098 = vector.shape_cast %and3A_2094 : vector<16xi32> to vector<16xi32>
      tpu.vector_store %arg12[%swap3A_2095], %swap3A_2098 {strides = array<i32>} : memref<64xi32, #tpu.memory_space<vmem>>, vector<16xi32>,
      %get3A_2099 = arith.constant 80 : index
      %get3A_2100 = tpu.vector_load %arg8[%get3A_2099] {strides = array<i32>} : memref<128xi32, #tpu.memory_space<vmem>>, vector<16xi32>,
      %get3A_2101 = vector.shape_cast %get3A_2100 : vector<16xi32> to vector<16xi32>
      %shift_right_logical3A_2102 = arith.constant 14 : i32
      %shift_right_logical3A_2103 = vector.broadcast %shift_right_logical3A_2102 : i32 to vector<16xi32>
      %shift_right_logical3A_2104 = arith.shrui %get3A_2101, %shift_right_logical3A_2103 : vector<16xi32>
      %swap3A_2105 = arith.constant 16 : index
      %swap3A_2106 = tpu.vector_load %arg11[%swap3A_2105] {strides = array<i32>} : memref<64xi32, #tpu.memory_space<vmem>>, vector<16xi32>,
      %swap3A_2107 = vector.shape_cast %swap3A_2106 : vector<16xi32> to vector<16xi32>
      %swap3A_2108 = vector.shape_cast %shift_right_logical3A_2104 : vector<16xi32> to vector<16xi32>
      tpu.vector_store %arg11[%swap3A_2105], %swap3A_2108 {strides = array<i32>} : memref<64xi32, #tpu.memory_space<vmem>>, vector<16xi32>,
      %and3A_2109 = arith.constant 16383 : i32
      %and3A_2110 = vector.broadcast %and3A_2109 : i32 to vector<16xi32>
      %and3A_2111 = arith.andi %get3A_2101, %and3A_2110 : vector<16xi32>
      %swap3A_2112 = arith.constant 16 : index
      %swap3A_2113 = tpu.vector_load %arg12[%swap3A_2112] {strides = array<i32>} : memref<64xi32, #tpu.memory_space<vmem>>, vector<16xi32>,
      %swap3A_2114 = vector.shape_cast %swap3A_2113 : vector<16xi32> to vector<16xi32>
      %swap3A_2115 = vector.shape_cast %and3A_2111 : vector<16xi32> to vector<16xi32>
      tpu.vector_store %arg12[%swap3A_2112], %swap3A_2115 {strides = array<i32>} : memref<64xi32, #tpu.memory_space<vmem>>, vector<16xi32>,
      %get3A_2116 = arith.constant 96 : index
      %get3A_2117 = tpu.vector_load %arg8[%get3A_2116] {strides = array<i32>} : memref<128xi32, #tpu.memory_space<vmem>>, vector<16xi32>,
      %get3A_2118 = vector.shape_cast %get3A_2117 : vector<16xi32> to vector<16xi32>
      %shift_right_logical3A_2119 = arith.constant 14 : i32
      %shift_right_logical3A_2120 = vector.broadcast %shift_right_logical3A_2119 : i32 to vector<16xi32>
      %shift_right_logical3A_2121 = arith.shrui %get3A_2118, %shift_right_logical3A_2120 : vector<16xi32>
      %swap3A_2122 = arith.constant 32 : index
      %swap3A_2123 = tpu.vector_load %arg11[%swap3A_2122] {strides = array<i32>} : memref<64xi32, #tpu.memory_space<vmem>>, vector<16xi32>,
      %swap3A_2124 = vector.shape_cast %swap3A_2123 : vector<16xi32> to vector<16xi32>
      %swap3A_2125 = vector.shape_cast %shift_right_logical3A_2121 : vector<16xi32> to vector<16xi32>
      tpu.vector_store %arg11[%swap3A_2122], %swap3A_2125 {strides = array<i32>} : memref<64xi32, #tpu.memory_space<vmem>>, vector<16xi32>,
      %and3A_2126 = arith.constant 16383 : i32
      %and3A_2127 = vector.broadcast %and3A_2126 : i32 to vector<16xi32>
      %and3A_2128 = arith.andi %get3A_2118, %and3A_2127 : vector<16xi32>
      %swap3A_2129 = arith.constant 32 : index
      %swap3A_2130 = tpu.vector_load %arg12[%swap3A_2129] {strides = array<i32>} : memref<64xi32, #tpu.memory_space<vmem>>, vector<16xi32>,
      %swap3A_2131 = vector.shape_cast %swap3A_2130 : vector<16xi32> to vector<16xi32>
      %swap3A_2132 = vector.shape_cast %and3A_2128 : vector<16xi32> to vector<16xi32>
      tpu.vector_store %arg12[%swap3A_2129], %swap3A_2132 {strides = array<i32>} : memref<64xi32, #tpu.memory_space<vmem>>, vector<16xi32>,
      %get3A_2133 = arith.constant 112 : index
      %get3A_2134 = tpu.vector_load %arg8[%get3A_2133] {strides = array<i32>} : memref<128xi32, #tpu.memory_space<vmem>>, vector<16xi32>,
      %get3A_2135 = vector.shape_cast %get3A_2134 : vector<16xi32> to vector<16xi32>
      %shift_right_logical3A_2136 = arith.constant 14 : i32
      %shift_right_logical3A_2137 = vector.broadcast %shift_right_logical3A_2136 : i32 to vector<16xi32>
      %shift_right_logical3A_2138 = arith.shrui %get3A_2135, %shift_right_logical3A_2137 : vector<16xi32>
      %swap3A_2139 = arith.constant 48 : index
      %swap3A_2140 = tpu.vector_load %arg11[%swap3A_2139] {strides = array<i32>} : memref<64xi32, #tpu.memory_space<vmem>>, vector<16xi32>,
      %swap3A_2141 = vector.shape_cast %swap3A_2140 : vector<16xi32> to vector<16xi32>
      %swap3A_2142 = vector.shape_cast %shift_right_logical3A_2138 : vector<16xi32> to vector<16xi32>
      tpu.vector_store %arg11[%swap3A_2139], %swap3A_2142 {strides = array<i32>} : memref<64xi32, #tpu.memory_space<vmem>>, vector<16xi32>,
      %and3A_2143 = arith.constant 16383 : i32
      %and3A_2144 = vector.broadcast %and3A_2143 : i32 to vector<16xi32>
      %and3A_2145 = arith.andi %get3A_2135, %and3A_2144 : vector<16xi32>
      %swap3A_2146 = arith.constant 48 : index
      %swap3A_2147 = tpu.vector_load %arg12[%swap3A_2146] {strides = array<i32>} : memref<64xi32, #tpu.memory_space<vmem>>, vector<16xi32>,
      %swap3A_2148 = vector.shape_cast %swap3A_2147 : vector<16xi32> to vector<16xi32>
      %swap3A_2149 = vector.shape_cast %and3A_2145 : vector<16xi32> to vector<16xi32>
      tpu.vector_store %arg12[%swap3A_2146], %swap3A_2149 {strides = array<i32>} : memref<64xi32, #tpu.memory_space<vmem>>, vector<16xi32>,
      %dma_wait3A_2150 = arith.constant 0 : i32
      %dma_wait3A_2151 = arith.constant 0 : i32
      %dma_wait3A_2152 = tpu.memref_slice %arg2[%dma_wait3A_2150, %dma_wait3A_2151] : memref<10000x128xf32, #tpu.memory_space<hbm>> -> memref<10000x128xf32, #tpu.memory_space<hbm>>
      tpu.wait_indirect_dma semaphore(%arg18 : memref<!tpu.dma_semaphore, #tpu.memory_space<semaphore_mem>>) src(%dma_wait3A_2152 : memref<10000x128xf32, #tpu.memory_space<hbm>>) dst(%arg15 : memref<64x128xf32, #tpu.memory_space<vmem>>)
      %dma_start3A_2153 = arith.constant 0 : i32
      %dma_start3A_2154 = arith.constant 0 : i32
      %dma_start3A_2155 = tpu.memref_slice %arg17[%dma_start3A_2153, %dma_start3A_2154] : memref<10240x128xf32, #tpu.memory_space<vmem_shared>> -> memref<10240x128xf32, #tpu.memory_space<vmem_shared>>
      tpu.enqueue_indirect_dma source(%arg15 : memref<64x128xf32, #tpu.memory_space<vmem>>) target(%dma_start3A_2155 : memref<10240x128xf32, #tpu.memory_space<vmem_shared>>) offsets(%arg10 : memref<64xi32, #tpu.memory_space<vmem>>) semaphore(%arg19 : memref<!tpu.dma_semaphore, #tpu.memory_space<semaphore_mem>>) {add = true}
      %dma_start3A_2156 = arith.constant 0 : i32
      %dma_start3A_2157 = arith.constant 0 : i32
      %dma_start3A_2158 = tpu.memref_slice %arg2[%dma_start3A_2156, %dma_start3A_2157] : memref<10000x128xf32, #tpu.memory_space<hbm>> -> memref<10000x128xf32, #tpu.memory_space<hbm>>
      tpu.enqueue_indirect_dma source(%dma_start3A_2158 : memref<10000x128xf32, #tpu.memory_space<hbm>>) target(%arg16 : memref<64x128xf32, #tpu.memory_space<vmem>>) offsets(%arg11 : memref<64xi32, #tpu.memory_space<vmem>>) semaphore(%arg18 : memref<!tpu.dma_semaphore, #tpu.memory_space<semaphore_mem>>)
      %dma_wait3A_2159 = arith.constant 0 : i32
      %dma_wait3A_2160 = arith.constant 0 : i32
      %dma_wait3A_2161 = tpu.memref_slice %arg2[%dma_wait3A_2159, %dma_wait3A_2160] : memref<10000x128xf32, #tpu.memory_space<hbm>> -> memref<10000x128xf32, #tpu.memory_space<hbm>>
      tpu.wait_indirect_dma semaphore(%arg18 : memref<!tpu.dma_semaphore, #tpu.memory_space<semaphore_mem>>) src(%dma_wait3A_2161 : memref<10000x128xf32, #tpu.memory_space<hbm>>) dst(%arg16 : memref<64x128xf32, #tpu.memory_space<vmem>>)
      %dma_start3A_2162 = arith.constant 0 : i32
      %dma_start3A_2163 = arith.constant 0 : i32
      %dma_start3A_2164 = tpu.memref_slice %arg17[%dma_start3A_2162, %dma_start3A_2163] : memref<10240x128xf32, #tpu.memory_space<vmem_shared>> -> memref<10240x128xf32, #tpu.memory_space<vmem_shared>>
      tpu.enqueue_indirect_dma source(%arg16 : memref<64x128xf32, #tpu.memory_space<vmem>>) target(%dma_start3A_2164 : memref<10240x128xf32, #tpu.memory_space<vmem_shared>>) offsets(%arg12 : memref<64xi32, #tpu.memory_space<vmem>>) semaphore(%arg20 : memref<!tpu.dma_semaphore, #tpu.memory_space<semaphore_mem>>) {add = true}
      %while3A_2165 = arith.constant 0 : i32
      scf.yield %while3A_2165 : i32
    }
    tpu.wait_dma2 semaphore(%arg19 : memref<!tpu.dma_semaphore, #tpu.memory_space<semaphore_mem>>) src(%arg4 : memref<64x128xf32, #tpu.memory_space<hbm>>) dst(%arg15 : memref<64x128xf32, #tpu.memory_space<vmem>>)
    tpu.wait_dma2 semaphore(%arg20 : memref<!tpu.dma_semaphore, #tpu.memory_space<semaphore_mem>>) src(%arg4 : memref<64x128xf32, #tpu.memory_space<hbm>>) dst(%arg16 : memref<64x128xf32, #tpu.memory_space<vmem>>)
    %barrier3A_554 = arith.constant 0 : index
    tpu.barrier barrier_id(%barrier3A_554)
    %add3A_555 = arith.constant 0 : i32
    %add3A_556 = arith.addi %mul3A_2, %add3A_555 : i32
    %iota3A_557 = tpu.iota {dimensions = array<i32: 0>} : vector<16xi32>
    %add3A_558 = arith.constant 0 : i32
    %add3A_559 = arith.addi %add3A_556, %add3A_558 : i32
    %add3A_560 = vector.broadcast %add3A_559 : i32 to vector<16xi32>
    %add3A_561 = arith.addi %iota3A_557, %add3A_560 : vector<16xi32>
    %swap3A_562 = arith.constant 0 : index
    %swap3A_563 = tpu.vector_load %arg9[%swap3A_562] {strides = array<i32>} : memref<64xi32, #tpu.memory_space<vmem>>, vector<16xi32>,
    %swap3A_564 = vector.shape_cast %swap3A_563 : vector<16xi32> to vector<16xi32>
    %swap3A_565 = vector.shape_cast %add3A_561 : vector<16xi32> to vector<16xi32>
    tpu.vector_store %arg9[%swap3A_562], %swap3A_565 {strides = array<i32>} : memref<64xi32, #tpu.memory_space<vmem>>, vector<16xi32>,
    %iota3A_566 = tpu.iota {dimensions = array<i32: 0>} : vector<16xi32>
    %add3A_567 = arith.constant 16 : i32
    %add3A_568 = arith.addi %add3A_556, %add3A_567 : i32
    %add3A_569 = vector.broadcast %add3A_568 : i32 to vector<16xi32>
    %add3A_570 = arith.addi %iota3A_566, %add3A_569 : vector<16xi32>
    %swap3A_571 = arith.constant 16 : index
    %swap3A_572 = tpu.vector_load %arg9[%swap3A_571] {strides = array<i32>} : memref<64xi32, #tpu.memory_space<vmem>>, vector<16xi32>,
    %swap3A_573 = vector.shape_cast %swap3A_572 : vector<16xi32> to vector<16xi32>
    %swap3A_574 = vector.shape_cast %add3A_570 : vector<16xi32> to vector<16xi32>
    tpu.vector_store %arg9[%swap3A_571], %swap3A_574 {strides = array<i32>} : memref<64xi32, #tpu.memory_space<vmem>>, vector<16xi32>,
    %iota3A_575 = tpu.iota {dimensions = array<i32: 0>} : vector<16xi32>
    %add3A_576 = arith.constant 32 : i32
    %add3A_577 = arith.addi %add3A_556, %add3A_576 : i32
    %add3A_578 = vector.broadcast %add3A_577 : i32 to vector<16xi32>
    %add3A_579 = arith.addi %iota3A_575, %add3A_578 : vector<16xi32>
    %swap3A_580 = arith.constant 32 : index
    %swap3A_581 = tpu.vector_load %arg9[%swap3A_580] {strides = array<i32>} : memref<64xi32, #tpu.memory_space<vmem>>, vector<16xi32>,
    %swap3A_582 = vector.shape_cast %swap3A_581 : vector<16xi32> to vector<16xi32>
    %swap3A_583 = vector.shape_cast %add3A_579 : vector<16xi32> to vector<16xi32>
    tpu.vector_store %arg9[%swap3A_580], %swap3A_583 {strides = array<i32>} : memref<64xi32, #tpu.memory_space<vmem>>, vector<16xi32>,
    %iota3A_584 = tpu.iota {dimensions = array<i32: 0>} : vector<16xi32>
    %add3A_585 = arith.constant 48 : i32
    %add3A_586 = arith.addi %add3A_556, %add3A_585 : i32
    %add3A_587 = vector.broadcast %add3A_586 : i32 to vector<16xi32>
    %add3A_588 = arith.addi %iota3A_584, %add3A_587 : vector<16xi32>
    %swap3A_589 = arith.constant 48 : index
    %swap3A_590 = tpu.vector_load %arg9[%swap3A_589] {strides = array<i32>} : memref<64xi32, #tpu.memory_space<vmem>>, vector<16xi32>,
    %swap3A_591 = vector.shape_cast %swap3A_590 : vector<16xi32> to vector<16xi32>
    %swap3A_592 = vector.shape_cast %add3A_588 : vector<16xi32> to vector<16xi32>
    tpu.vector_store %arg9[%swap3A_589], %swap3A_592 {strides = array<i32>} : memref<64xi32, #tpu.memory_space<vmem>>, vector<16xi32>,
    %dma_start3A_593 = arith.constant 0 : i32
    %dma_start3A_594 = arith.constant 0 : i32
    %dma_start3A_595 = tpu.memref_slice %arg17[%dma_start3A_593, %dma_start3A_594] : memref<10240x128xf32, #tpu.memory_space<vmem_shared>> -> memref<10240x128xf32, #tpu.memory_space<vmem_shared>>
    tpu.enqueue_indirect_dma source(%dma_start3A_595 : memref<10240x128xf32, #tpu.memory_space<vmem_shared>>) target(%arg15 : memref<64x128xf32, #tpu.memory_space<vmem>>) offsets(%arg9 : memref<64xi32, #tpu.memory_space<vmem>>) semaphore(%arg18 : memref<!tpu.dma_semaphore, #tpu.memory_space<semaphore_mem>>)
    %dma_wait3A_596 = arith.constant 0 : i32
    %dma_wait3A_597 = arith.constant 0 : i32
    %dma_wait3A_598 = tpu.memref_slice %arg17[%dma_wait3A_596, %dma_wait3A_597] : memref<10240x128xf32, #tpu.memory_space<vmem_shared>> -> memref<10240x128xf32, #tpu.memory_space<vmem_shared>>
    tpu.wait_indirect_dma semaphore(%arg18 : memref<!tpu.dma_semaphore, #tpu.memory_space<semaphore_mem>>) src(%dma_wait3A_598 : memref<10240x128xf32, #tpu.memory_space<vmem_shared>>) dst(%arg15 : memref<64x128xf32, #tpu.memory_space<vmem>>)
    "tpu.region"() ({
      %run_scoped3A = tpu.sem_alloc : memref<!tpu.dma_semaphore, #tpu.memory_space<semaphore_mem>>
      %dma_start3A_2008 = arith.constant 0 : i32
      %dma_start3A_2009 = tpu.memref_slice %arg6[%arg0, %add3A_556, %dma_start3A_2008] : memref<2x10240x128xf32, #tpu.memory_space<hbm>> -> memref<1x64x128xf32, #tpu.memory_space<hbm>>
      %dma_start3A_2010 = tpu.memref_squeeze %dma_start3A_2009 : memref<1x64x128xf32, #tpu.memory_space<hbm>> -> memref<64x128xf32, #tpu.memory_space<hbm>>
      %dma_start3A_2011 = arith.constant 0 : i32
      %dma_start3A_2012 = tpu.memref_slice %arg6[%arg0, %add3A_556, %dma_start3A_2011] : memref<2x10240x128xf32, #tpu.memory_space<hbm>> -> memref<1x64x128xf32, #tpu.memory_space<hbm>>
      %dma_start3A_2013 = tpu.memref_squeeze %dma_start3A_2012 : memref<1x64x128xf32, #tpu.memory_space<hbm>> -> memref<64x128xf32, #tpu.memory_space<hbm>>
      tpu.enqueue_dma source(%arg15 : memref<64x128xf32, #tpu.memory_space<vmem>>) target(%dma_start3A_2013 : memref<64x128xf32, #tpu.memory_space<hbm>>) target_semaphore(%run_scoped3A : memref<!tpu.dma_semaphore, #tpu.memory_space<semaphore_mem>>)
      %dma_wait3A_2014 = arith.constant 0 : i32
      %dma_wait3A_2015 = tpu.memref_slice %arg6[%arg0, %add3A_556, %dma_wait3A_2014] : memref<2x10240x128xf32, #tpu.memory_space<hbm>> -> memref<1x64x128xf32, #tpu.memory_space<hbm>>
      %dma_wait3A_2016 = tpu.memref_squeeze %dma_wait3A_2015 : memref<1x64x128xf32, #tpu.memory_space<hbm>> -> memref<64x128xf32, #tpu.memory_space<hbm>>
      %dma_wait3A_2017 = arith.constant 0 : i32
      %dma_wait3A_2018 = tpu.memref_slice %arg6[%arg0, %add3A_556, %dma_wait3A_2017] : memref<2x10240x128xf32, #tpu.memory_space<hbm>> -> memref<1x64x128xf32, #tpu.memory_space<hbm>>
      %dma_wait3A_2019 = tpu.memref_squeeze %dma_wait3A_2018 : memref<1x64x128xf32, #tpu.memory_space<hbm>> -> memref<64x128xf32, #tpu.memory_space<hbm>>
      tpu.wait_dma2 semaphore(%run_scoped3A : memref<!tpu.dma_semaphore, #tpu.memory_space<semaphore_mem>>) src(%arg15 : memref<64x128xf32, #tpu.memory_space<vmem>>) dst(%dma_wait3A_2019 : memref<64x128xf32, #tpu.memory_space<hbm>>)
      tpu.yield
    }) : () -> ()
    %add3A_599 = arith.constant 64 : i32
    %add3A_600 = arith.addi %mul3A_2, %add3A_599 : i32
    %iota3A_601 = tpu.iota {dimensions = array<i32: 0>} : vector<16xi32>
    %add3A_602 = arith.constant 0 : i32
    %add3A_603 = arith.addi %add3A_600, %add3A_602 : i32
    %add3A_604 = vector.broadcast %add3A_603 : i32 to vector<16xi32>
    %add3A_605 = arith.addi %iota3A_601, %add3A_604 : vector<16xi32>
    %swap3A_606 = arith.constant 0 : index
    %swap3A_607 = tpu.vector_load %arg9[%swap3A_606] {strides = array<i32>} : memref<64xi32, #tpu.memory_space<vmem>>, vector<16xi32>,
    %swap3A_608 = vector.shape_cast %swap3A_607 : vector<16xi32> to vector<16xi32>
    %swap3A_609 = vector.shape_cast %add3A_605 : vector<16xi32> to vector<16xi32>
    tpu.vector_store %arg9[%swap3A_606], %swap3A_609 {strides = array<i32>} : memref<64xi32, #tpu.memory_space<vmem>>, vector<16xi32>,
    %iota3A_610 = tpu.iota {dimensions = array<i32: 0>} : vector<16xi32>
    %add3A_611 = arith.constant 16 : i32
    %add3A_612 = arith.addi %add3A_600, %add3A_611 : i32
    %add3A_613 = vector.broadcast %add3A_612 : i32 to vector<16xi32>
    %add3A_614 = arith.addi %iota3A_610, %add3A_613 : vector<16xi32>
    %swap3A_615 = arith.constant 16 : index
    %swap3A_616 = tpu.vector_load %arg9[%swap3A_615] {strides = array<i32>} : memref<64xi32, #tpu.memory_space<vmem>>, vector<16xi32>,
    %swap3A_617 = vector.shape_cast %swap3A_616 : vector<16xi32> to vector<16xi32>
    %swap3A_618 = vector.shape_cast %add3A_614 : vector<16xi32> to vector<16xi32>
    tpu.vector_store %arg9[%swap3A_615], %swap3A_618 {strides = array<i32>} : memref<64xi32, #tpu.memory_space<vmem>>, vector<16xi32>,
    %iota3A_619 = tpu.iota {dimensions = array<i32: 0>} : vector<16xi32>
    %add3A_620 = arith.constant 32 : i32
    %add3A_621 = arith.addi %add3A_600, %add3A_620 : i32
    %add3A_622 = vector.broadcast %add3A_621 : i32 to vector<16xi32>
    %add3A_623 = arith.addi %iota3A_619, %add3A_622 : vector<16xi32>
    %swap3A_624 = arith.constant 32 : index
    %swap3A_625 = tpu.vector_load %arg9[%swap3A_624] {strides = array<i32>} : memref<64xi32, #tpu.memory_space<vmem>>, vector<16xi32>,
    %swap3A_626 = vector.shape_cast %swap3A_625 : vector<16xi32> to vector<16xi32>
    %swap3A_627 = vector.shape_cast %add3A_623 : vector<16xi32> to vector<16xi32>
    tpu.vector_store %arg9[%swap3A_624], %swap3A_627 {strides = array<i32>} : memref<64xi32, #tpu.memory_space<vmem>>, vector<16xi32>,
    %iota3A_628 = tpu.iota {dimensions = array<i32: 0>} : vector<16xi32>
    %add3A_629 = arith.constant 48 : i32
    %add3A_630 = arith.addi %add3A_600, %add3A_629 : i32
    %add3A_631 = vector.broadcast %add3A_630 : i32 to vector<16xi32>
    %add3A_632 = arith.addi %iota3A_628, %add3A_631 : vector<16xi32>
    %swap3A_633 = arith.constant 48 : index
    %swap3A_634 = tpu.vector_load %arg9[%swap3A_633] {strides = array<i32>} : memref<64xi32, #tpu.memory_space<vmem>>, vector<16xi32>,
    %swap3A_635 = vector.shape_cast %swap3A_634 : vector<16xi32> to vector<16xi32>
    %swap3A_636 = vector.shape_cast %add3A_632 : vector<16xi32> to vector<16xi32>
    tpu.vector_store %arg9[%swap3A_633], %swap3A_636 {strides = array<i32>} : memref<64xi32, #tpu.memory_space<vmem>>, vector<16xi32>,
    %dma_start3A_637 = arith.constant 0 : i32
    %dma_start3A_638 = arith.constant 0 : i32
    %dma_start3A_639 = tpu.memref_slice %arg17[%dma_start3A_637, %dma_start3A_638] : memref<10240x128xf32, #tpu.memory_space<vmem_shared>> -> memref<10240x128xf32, #tpu.memory_space<vmem_shared>>
    tpu.enqueue_indirect_dma source(%dma_start3A_639 : memref<10240x128xf32, #tpu.memory_space<vmem_shared>>) target(%arg15 : memref<64x128xf32, #tpu.memory_space<vmem>>) offsets(%arg9 : memref<64xi32, #tpu.memory_space<vmem>>) semaphore(%arg18 : memref<!tpu.dma_semaphore, #tpu.memory_space<semaphore_mem>>)
    %dma_wait3A_640 = arith.constant 0 : i32
    %dma_wait3A_641 = arith.constant 0 : i32
    %dma_wait3A_642 = tpu.memref_slice %arg17[%dma_wait3A_640, %dma_wait3A_641] : memref<10240x128xf32, #tpu.memory_space<vmem_shared>> -> memref<10240x128xf32, #tpu.memory_space<vmem_shared>>
    tpu.wait_indirect_dma semaphore(%arg18 : memref<!tpu.dma_semaphore, #tpu.memory_space<semaphore_mem>>) src(%dma_wait3A_642 : memref<10240x128xf32, #tpu.memory_space<vmem_shared>>) dst(%arg15 : memref<64x128xf32, #tpu.memory_space<vmem>>)
    "tpu.region"() ({
      %run_scoped3A = tpu.sem_alloc : memref<!tpu.dma_semaphore, #tpu.memory_space<semaphore_mem>>
      %dma_start3A_2008 = arith.constant 0 : i32
      %dma_start3A_2009 = tpu.memref_slice %arg6[%arg0, %add3A_600, %dma_start3A_2008] : memref<2x10240x128xf32, #tpu.memory_space<hbm>> -> memref<1x64x128xf32, #tpu.memory_space<hbm>>
      %dma_start3A_2010 = tpu.memref_squeeze %dma_start3A_2009 : memref<1x64x128xf32, #tpu.memory_space<hbm>> -> memref<64x128xf32, #tpu.memory_space<hbm>>
      %dma_start3A_2011 = arith.constant 0 : i32
      %dma_start3A_2012 = tpu.memref_slice %arg6[%arg0, %add3A_600, %dma_start3A_2011] : memref<2x10240x128xf32, #tpu.memory_space<hbm>> -> memref<1x64x128xf32, #tpu.memory_space<hbm>>
      %dma_start3A_2013 = tpu.memref_squeeze %dma_start3A_2012 : memref<1x64x128xf32, #tpu.memory_space<hbm>> -> memref<64x128xf32, #tpu.memory_space<hbm>>
      tpu.enqueue_dma source(%arg15 : memref<64x128xf32, #tpu.memory_space<vmem>>) target(%dma_start3A_2013 : memref<64x128xf32, #tpu.memory_space<hbm>>) target_semaphore(%run_scoped3A : memref<!tpu.dma_semaphore, #tpu.memory_space<semaphore_mem>>)
      %dma_wait3A_2014 = arith.constant 0 : i32
      %dma_wait3A_2015 = tpu.memref_slice %arg6[%arg0, %add3A_600, %dma_wait3A_2014] : memref<2x10240x128xf32, #tpu.memory_space<hbm>> -> memref<1x64x128xf32, #tpu.memory_space<hbm>>
      %dma_wait3A_2016 = tpu.memref_squeeze %dma_wait3A_2015 : memref<1x64x128xf32, #tpu.memory_space<hbm>> -> memref<64x128xf32, #tpu.memory_space<hbm>>
      %dma_wait3A_2017 = arith.constant 0 : i32
      %dma_wait3A_2018 = tpu.memref_slice %arg6[%arg0, %add3A_600, %dma_wait3A_2017] : memref<2x10240x128xf32, #tpu.memory_space<hbm>> -> memref<1x64x128xf32, #tpu.memory_space<hbm>>
      %dma_wait3A_2019 = tpu.memref_squeeze %dma_wait3A_2018 : memref<1x64x128xf32, #tpu.memory_space<hbm>> -> memref<64x128xf32, #tpu.memory_space<hbm>>
      tpu.wait_dma2 semaphore(%run_scoped3A : memref<!tpu.dma_semaphore, #tpu.memory_space<semaphore_mem>>) src(%arg15 : memref<64x128xf32, #tpu.memory_space<vmem>>) dst(%dma_wait3A_2019 : memref<64x128xf32, #tpu.memory_space<hbm>>)
      tpu.yield
    }) : () -> ()
    %add3A_643 = arith.constant 128 : i32
    %add3A_644 = arith.addi %mul3A_2, %add3A_643 : i32
    %iota3A_645 = tpu.iota {dimensions = array<i32: 0>} : vector<16xi32>
    %add3A_646 = arith.constant 0 : i32
    %add3A_647 = arith.addi %add3A_644, %add3A_646 : i32
    %add3A_648 = vector.broadcast %add3A_647 : i32 to vector<16xi32>
    %add3A_649 = arith.addi %iota3A_645, %add3A_648 : vector<16xi32>
    %swap3A_650 = arith.constant 0 : index
    %swap3A_651 = tpu.vector_load %arg9[%swap3A_650] {strides = array<i32>} : memref<64xi32, #tpu.memory_space<vmem>>, vector<16xi32>,
    %swap3A_652 = vector.shape_cast %swap3A_651 : vector<16xi32> to vector<16xi32>
    %swap3A_653 = vector.shape_cast %add3A_649 : vector<16xi32> to vector<16xi32>
    tpu.vector_store %arg9[%swap3A_650], %swap3A_653 {strides = array<i32>} : memref<64xi32, #tpu.memory_space<vmem>>, vector<16xi32>,
    %iota3A_654 = tpu.iota {dimensions = array<i32: 0>} : vector<16xi32>
    %add3A_655 = arith.constant 16 : i32
    %add3A_656 = arith.addi %add3A_644, %add3A_655 : i32
    %add3A_657 = vector.broadcast %add3A_656 : i32 to vector<16xi32>
    %add3A_658 = arith.addi %iota3A_654, %add3A_657 : vector<16xi32>
    %swap3A_659 = arith.constant 16 : index
    %swap3A_660 = tpu.vector_load %arg9[%swap3A_659] {strides = array<i32>} : memref<64xi32, #tpu.memory_space<vmem>>, vector<16xi32>,
    %swap3A_661 = vector.shape_cast %swap3A_660 : vector<16xi32> to vector<16xi32>
    %swap3A_662 = vector.shape_cast %add3A_658 : vector<16xi32> to vector<16xi32>
    tpu.vector_store %arg9[%swap3A_659], %swap3A_662 {strides = array<i32>} : memref<64xi32, #tpu.memory_space<vmem>>, vector<16xi32>,
    %iota3A_663 = tpu.iota {dimensions = array<i32: 0>} : vector<16xi32>
    %add3A_664 = arith.constant 32 : i32
    %add3A_665 = arith.addi %add3A_644, %add3A_664 : i32
    %add3A_666 = vector.broadcast %add3A_665 : i32 to vector<16xi32>
    %add3A_667 = arith.addi %iota3A_663, %add3A_666 : vector<16xi32>
    %swap3A_668 = arith.constant 32 : index
    %swap3A_669 = tpu.vector_load %arg9[%swap3A_668] {strides = array<i32>} : memref<64xi32, #tpu.memory_space<vmem>>, vector<16xi32>,
    %swap3A_670 = vector.shape_cast %swap3A_669 : vector<16xi32> to vector<16xi32>
    %swap3A_671 = vector.shape_cast %add3A_667 : vector<16xi32> to vector<16xi32>
    tpu.vector_store %arg9[%swap3A_668], %swap3A_671 {strides = array<i32>} : memref<64xi32, #tpu.memory_space<vmem>>, vector<16xi32>,
    %iota3A_672 = tpu.iota {dimensions = array<i32: 0>} : vector<16xi32>
    %add3A_673 = arith.constant 48 : i32
    %add3A_674 = arith.addi %add3A_644, %add3A_673 : i32
    %add3A_675 = vector.broadcast %add3A_674 : i32 to vector<16xi32>
    %add3A_676 = arith.addi %iota3A_672, %add3A_675 : vector<16xi32>
    %swap3A_677 = arith.constant 48 : index
    %swap3A_678 = tpu.vector_load %arg9[%swap3A_677] {strides = array<i32>} : memref<64xi32, #tpu.memory_space<vmem>>, vector<16xi32>,
    %swap3A_679 = vector.shape_cast %swap3A_678 : vector<16xi32> to vector<16xi32>
    %swap3A_680 = vector.shape_cast %add3A_676 : vector<16xi32> to vector<16xi32>
    tpu.vector_store %arg9[%swap3A_677], %swap3A_680 {strides = array<i32>} : memref<64xi32, #tpu.memory_space<vmem>>, vector<16xi32>,
    %dma_start3A_681 = arith.constant 0 : i32
    %dma_start3A_682 = arith.constant 0 : i32
    %dma_start3A_683 = tpu.memref_slice %arg17[%dma_start3A_681, %dma_start3A_682] : memref<10240x128xf32, #tpu.memory_space<vmem_shared>> -> memref<10240x128xf32, #tpu.memory_space<vmem_shared>>
    tpu.enqueue_indirect_dma source(%dma_start3A_683 : memref<10240x128xf32, #tpu.memory_space<vmem_shared>>) target(%arg15 : memref<64x128xf32, #tpu.memory_space<vmem>>) offsets(%arg9 : memref<64xi32, #tpu.memory_space<vmem>>) semaphore(%arg18 : memref<!tpu.dma_semaphore, #tpu.memory_space<semaphore_mem>>)
    %dma_wait3A_684 = arith.constant 0 : i32
    %dma_wait3A_685 = arith.constant 0 : i32
    %dma_wait3A_686 = tpu.memref_slice %arg17[%dma_wait3A_684, %dma_wait3A_685] : memref<10240x128xf32, #tpu.memory_space<vmem_shared>> -> memref<10240x128xf32, #tpu.memory_space<vmem_shared>>
    tpu.wait_indirect_dma semaphore(%arg18 : memref<!tpu.dma_semaphore, #tpu.memory_space<semaphore_mem>>) src(%dma_wait3A_686 : memref<10240x128xf32, #tpu.memory_space<vmem_shared>>) dst(%arg15 : memref<64x128xf32, #tpu.memory_space<vmem>>)
    "tpu.region"() ({
      %run_scoped3A = tpu.sem_alloc : memref<!tpu.dma_semaphore, #tpu.memory_space<semaphore_mem>>
      %dma_start3A_2008 = arith.constant 0 : i32
      %dma_start3A_2009 = tpu.memref_slice %arg6[%arg0, %add3A_644, %dma_start3A_2008] : memref<2x10240x128xf32, #tpu.memory_space<hbm>> -> memref<1x64x128xf32, #tpu.memory_space<hbm>>
      %dma_start3A_2010 = tpu.memref_squeeze %dma_start3A_2009 : memref<1x64x128xf32, #tpu.memory_space<hbm>> -> memref<64x128xf32, #tpu.memory_space<hbm>>
      %dma_start3A_2011 = arith.constant 0 : i32
      %dma_start3A_2012 = tpu.memref_slice %arg6[%arg0, %add3A_644, %dma_start3A_2011] : memref<2x10240x128xf32, #tpu.memory_space<hbm>> -> memref<1x64x128xf32, #tpu.memory_space<hbm>>
      %dma_start3A_2013 = tpu.memref_squeeze %dma_start3A_2012 : memref<1x64x128xf32, #tpu.memory_space<hbm>> -> memref<64x128xf32, #tpu.memory_space<hbm>>
      tpu.enqueue_dma source(%arg15 : memref<64x128xf32, #tpu.memory_space<vmem>>) target(%dma_start3A_2013 : memref<64x128xf32, #tpu.memory_space<hbm>>) target_semaphore(%run_scoped3A : memref<!tpu.dma_semaphore, #tpu.memory_space<semaphore_mem>>)
      %dma_wait3A_2014 = arith.constant 0 : i32
      %dma_wait3A_2015 = tpu.memref_slice %arg6[%arg0, %add3A_644, %dma_wait3A_2014] : memref<2x10240x128xf32, #tpu.memory_space<hbm>> -> memref<1x64x128xf32, #tpu.memory_space<hbm>>
      %dma_wait3A_2016 = tpu.memref_squeeze %dma_wait3A_2015 : memref<1x64x128xf32, #tpu.memory_space<hbm>> -> memref<64x128xf32, #tpu.memory_space<hbm>>
      %dma_wait3A_2017 = arith.constant 0 : i32
      %dma_wait3A_2018 = tpu.memref_slice %arg6[%arg0, %add3A_644, %dma_wait3A_2017] : memref<2x10240x128xf32, #tpu.memory_space<hbm>> -> memref<1x64x128xf32, #tpu.memory_space<hbm>>
      %dma_wait3A_2019 = tpu.memref_squeeze %dma_wait3A_2018 : memref<1x64x128xf32, #tpu.memory_space<hbm>> -> memref<64x128xf32, #tpu.memory_space<hbm>>
      tpu.wait_dma2 semaphore(%run_scoped3A : memref<!tpu.dma_semaphore, #tpu.memory_space<semaphore_mem>>) src(%arg15 : memref<64x128xf32, #tpu.memory_space<vmem>>) dst(%dma_wait3A_2019 : memref<64x128xf32, #tpu.memory_space<hbm>>)
      tpu.yield
    }) : () -> ()
    %add3A_687 = arith.constant 192 : i32
    %add3A_688 = arith.addi %mul3A_2, %add3A_687 : i32
    %iota3A_689 = tpu.iota {dimensions = array<i32: 0>} : vector<16xi32>
    %add3A_690 = arith.constant 0 : i32
    %add3A_691 = arith.addi %add3A_688, %add3A_690 : i32
    %add3A_692 = vector.broadcast %add3A_691 : i32 to vector<16xi32>
    %add3A_693 = arith.addi %iota3A_689, %add3A_692 : vector<16xi32>
    %swap3A_694 = arith.constant 0 : index
    %swap3A_695 = tpu.vector_load %arg9[%swap3A_694] {strides = array<i32>} : memref<64xi32, #tpu.memory_space<vmem>>, vector<16xi32>,
    %swap3A_696 = vector.shape_cast %swap3A_695 : vector<16xi32> to vector<16xi32>
    %swap3A_697 = vector.shape_cast %add3A_693 : vector<16xi32> to vector<16xi32>
    tpu.vector_store %arg9[%swap3A_694], %swap3A_697 {strides = array<i32>} : memref<64xi32, #tpu.memory_space<vmem>>, vector<16xi32>,
    %iota3A_698 = tpu.iota {dimensions = array<i32: 0>} : vector<16xi32>
    %add3A_699 = arith.constant 16 : i32
    %add3A_700 = arith.addi %add3A_688, %add3A_699 : i32
    %add3A_701 = vector.broadcast %add3A_700 : i32 to vector<16xi32>
    %add3A_702 = arith.addi %iota3A_698, %add3A_701 : vector<16xi32>
    %swap3A_703 = arith.constant 16 : index
    %swap3A_704 = tpu.vector_load %arg9[%swap3A_703] {strides = array<i32>} : memref<64xi32, #tpu.memory_space<vmem>>, vector<16xi32>,
    %swap3A_705 = vector.shape_cast %swap3A_704 : vector<16xi32> to vector<16xi32>
    %swap3A_706 = vector.shape_cast %add3A_702 : vector<16xi32> to vector<16xi32>
    tpu.vector_store %arg9[%swap3A_703], %swap3A_706 {strides = array<i32>} : memref<64xi32, #tpu.memory_space<vmem>>, vector<16xi32>,
    %iota3A_707 = tpu.iota {dimensions = array<i32: 0>} : vector<16xi32>
    %add3A_708 = arith.constant 32 : i32
    %add3A_709 = arith.addi %add3A_688, %add3A_708 : i32
    %add3A_710 = vector.broadcast %add3A_709 : i32 to vector<16xi32>
    %add3A_711 = arith.addi %iota3A_707, %add3A_710 : vector<16xi32>
    %swap3A_712 = arith.constant 32 : index
    %swap3A_713 = tpu.vector_load %arg9[%swap3A_712] {strides = array<i32>} : memref<64xi32, #tpu.memory_space<vmem>>, vector<16xi32>,
    %swap3A_714 = vector.shape_cast %swap3A_713 : vector<16xi32> to vector<16xi32>
    %swap3A_715 = vector.shape_cast %add3A_711 : vector<16xi32> to vector<16xi32>
    tpu.vector_store %arg9[%swap3A_712], %swap3A_715 {strides = array<i32>} : memref<64xi32, #tpu.memory_space<vmem>>, vector<16xi32>,
    %iota3A_716 = tpu.iota {dimensions = array<i32: 0>} : vector<16xi32>
    %add3A_717 = arith.constant 48 : i32
    %add3A_718 = arith.addi %add3A_688, %add3A_717 : i32
    %add3A_719 = vector.broadcast %add3A_718 : i32 to vector<16xi32>
    %add3A_720 = arith.addi %iota3A_716, %add3A_719 : vector<16xi32>
    %swap3A_721 = arith.constant 48 : index
    %swap3A_722 = tpu.vector_load %arg9[%swap3A_721] {strides = array<i32>} : memref<64xi32, #tpu.memory_space<vmem>>, vector<16xi32>,
    %swap3A_723 = vector.shape_cast %swap3A_722 : vector<16xi32> to vector<16xi32>
    %swap3A_724 = vector.shape_cast %add3A_720 : vector<16xi32> to vector<16xi32>
    tpu.vector_store %arg9[%swap3A_721], %swap3A_724 {strides = array<i32>} : memref<64xi32, #tpu.memory_space<vmem>>, vector<16xi32>,
    %dma_start3A_725 = arith.constant 0 : i32
    %dma_start3A_726 = arith.constant 0 : i32
    %dma_start3A_727 = tpu.memref_slice %arg17[%dma_start3A_725, %dma_start3A_726] : memref<10240x128xf32, #tpu.memory_space<vmem_shared>> -> memref<10240x128xf32, #tpu.memory_space<vmem_shared>>
    tpu.enqueue_indirect_dma source(%dma_start3A_727 : memref<10240x128xf32, #tpu.memory_space<vmem_shared>>) target(%arg15 : memref<64x128xf32, #tpu.memory_space<vmem>>) offsets(%arg9 : memref<64xi32, #tpu.memory_space<vmem>>) semaphore(%arg18 : memref<!tpu.dma_semaphore, #tpu.memory_space<semaphore_mem>>)
    %dma_wait3A_728 = arith.constant 0 : i32
    %dma_wait3A_729 = arith.constant 0 : i32
    %dma_wait3A_730 = tpu.memref_slice %arg17[%dma_wait3A_728, %dma_wait3A_729] : memref<10240x128xf32, #tpu.memory_space<vmem_shared>> -> memref<10240x128xf32, #tpu.memory_space<vmem_shared>>
    tpu.wait_indirect_dma semaphore(%arg18 : memref<!tpu.dma_semaphore, #tpu.memory_space<semaphore_mem>>) src(%dma_wait3A_730 : memref<10240x128xf32, #tpu.memory_space<vmem_shared>>) dst(%arg15 : memref<64x128xf32, #tpu.memory_space<vmem>>)
    "tpu.region"() ({
      %run_scoped3A = tpu.sem_alloc : memref<!tpu.dma_semaphore, #tpu.memory_space<semaphore_mem>>
      %dma_start3A_2008 = arith.constant 0 : i32
      %dma_start3A_2009 = tpu.memref_slice %arg6[%arg0, %add3A_688, %dma_start3A_2008] : memref<2x10240x128xf32, #tpu.memory_space<hbm>> -> memref<1x64x128xf32, #tpu.memory_space<hbm>>
      %dma_start3A_2010 = tpu.memref_squeeze %dma_start3A_2009 : memref<1x64x128xf32, #tpu.memory_space<hbm>> -> memref<64x128xf32, #tpu.memory_space<hbm>>
      %dma_start3A_2011 = arith.constant 0 : i32
      %dma_start3A_2012 = tpu.memref_slice %arg6[%arg0, %add3A_688, %dma_start3A_2011] : memref<2x10240x128xf32, #tpu.memory_space<hbm>> -> memref<1x64x128xf32, #tpu.memory_space<hbm>>
      %dma_start3A_2013 = tpu.memref_squeeze %dma_start3A_2012 : memref<1x64x128xf32, #tpu.memory_space<hbm>> -> memref<64x128xf32, #tpu.memory_space<hbm>>
      tpu.enqueue_dma source(%arg15 : memref<64x128xf32, #tpu.memory_space<vmem>>) target(%dma_start3A_2013 : memref<64x128xf32, #tpu.memory_space<hbm>>) target_semaphore(%run_scoped3A : memref<!tpu.dma_semaphore, #tpu.memory_space<semaphore_mem>>)
      %dma_wait3A_2014 = arith.constant 0 : i32
      %dma_wait3A_2015 = tpu.memref_slice %arg6[%arg0, %add3A_688, %dma_wait3A_2014] : memref<2x10240x128xf32, #tpu.memory_space<hbm>> -> memref<1x64x128xf32, #tpu.memory_space<hbm>>
      %dma_wait3A_2016 = tpu.memref_squeeze %dma_wait3A_2015 : memref<1x64x128xf32, #tpu.memory_space<hbm>> -> memref<64x128xf32, #tpu.memory_space<hbm>>
      %dma_wait3A_2017 = arith.constant 0 : i32
      %dma_wait3A_2018 = tpu.memref_slice %arg6[%arg0, %add3A_688, %dma_wait3A_2017] : memref<2x10240x128xf32, #tpu.memory_space<hbm>> -> memref<1x64x128xf32, #tpu.memory_space<hbm>>
      %dma_wait3A_2019 = tpu.memref_squeeze %dma_wait3A_2018 : memref<1x64x128xf32, #tpu.memory_space<hbm>> -> memref<64x128xf32, #tpu.memory_space<hbm>>
      tpu.wait_dma2 semaphore(%run_scoped3A : memref<!tpu.dma_semaphore, #tpu.memory_space<semaphore_mem>>) src(%arg15 : memref<64x128xf32, #tpu.memory_space<vmem>>) dst(%dma_wait3A_2019 : memref<64x128xf32, #tpu.memory_space<hbm>>)
      tpu.yield
    }) : () -> ()
    %add3A_731 = arith.constant 256 : i32
    %add3A_732 = arith.addi %mul3A_2, %add3A_731 : i32
    %iota3A_733 = tpu.iota {dimensions = array<i32: 0>} : vector<16xi32>
    %add3A_734 = arith.constant 0 : i32
    %add3A_735 = arith.addi %add3A_732, %add3A_734 : i32
    %add3A_736 = vector.broadcast %add3A_735 : i32 to vector<16xi32>
    %add3A_737 = arith.addi %iota3A_733, %add3A_736 : vector<16xi32>
    %swap3A_738 = arith.constant 0 : index
    %swap3A_739 = tpu.vector_load %arg9[%swap3A_738] {strides = array<i32>} : memref<64xi32, #tpu.memory_space<vmem>>, vector<16xi32>,
    %swap3A_740 = vector.shape_cast %swap3A_739 : vector<16xi32> to vector<16xi32>
    %swap3A_741 = vector.shape_cast %add3A_737 : vector<16xi32> to vector<16xi32>
    tpu.vector_store %arg9[%swap3A_738], %swap3A_741 {strides = array<i32>} : memref<64xi32, #tpu.memory_space<vmem>>, vector<16xi32>,
    %iota3A_742 = tpu.iota {dimensions = array<i32: 0>} : vector<16xi32>
    %add3A_743 = arith.constant 16 : i32
    %add3A_744 = arith.addi %add3A_732, %add3A_743 : i32
    %add3A_745 = vector.broadcast %add3A_744 : i32 to vector<16xi32>
    %add3A_746 = arith.addi %iota3A_742, %add3A_745 : vector<16xi32>
    %swap3A_747 = arith.constant 16 : index
    %swap3A_748 = tpu.vector_load %arg9[%swap3A_747] {strides = array<i32>} : memref<64xi32, #tpu.memory_space<vmem>>, vector<16xi32>,
    %swap3A_749 = vector.shape_cast %swap3A_748 : vector<16xi32> to vector<16xi32>
    %swap3A_750 = vector.shape_cast %add3A_746 : vector<16xi32> to vector<16xi32>
    tpu.vector_store %arg9[%swap3A_747], %swap3A_750 {strides = array<i32>} : memref<64xi32, #tpu.memory_space<vmem>>, vector<16xi32>,
    %iota3A_751 = tpu.iota {dimensions = array<i32: 0>} : vector<16xi32>
    %add3A_752 = arith.constant 32 : i32
    %add3A_753 = arith.addi %add3A_732, %add3A_752 : i32
    %add3A_754 = vector.broadcast %add3A_753 : i32 to vector<16xi32>
    %add3A_755 = arith.addi %iota3A_751, %add3A_754 : vector<16xi32>
    %swap3A_756 = arith.constant 32 : index
    %swap3A_757 = tpu.vector_load %arg9[%swap3A_756] {strides = array<i32>} : memref<64xi32, #tpu.memory_space<vmem>>, vector<16xi32>,
    %swap3A_758 = vector.shape_cast %swap3A_757 : vector<16xi32> to vector<16xi32>
    %swap3A_759 = vector.shape_cast %add3A_755 : vector<16xi32> to vector<16xi32>
    tpu.vector_store %arg9[%swap3A_756], %swap3A_759 {strides = array<i32>} : memref<64xi32, #tpu.memory_space<vmem>>, vector<16xi32>,
    %iota3A_760 = tpu.iota {dimensions = array<i32: 0>} : vector<16xi32>
    %add3A_761 = arith.constant 48 : i32
    %add3A_762 = arith.addi %add3A_732, %add3A_761 : i32
    %add3A_763 = vector.broadcast %add3A_762 : i32 to vector<16xi32>
    %add3A_764 = arith.addi %iota3A_760, %add3A_763 : vector<16xi32>
    %swap3A_765 = arith.constant 48 : index
    %swap3A_766 = tpu.vector_load %arg9[%swap3A_765] {strides = array<i32>} : memref<64xi32, #tpu.memory_space<vmem>>, vector<16xi32>,
    %swap3A_767 = vector.shape_cast %swap3A_766 : vector<16xi32> to vector<16xi32>
    %swap3A_768 = vector.shape_cast %add3A_764 : vector<16xi32> to vector<16xi32>
    tpu.vector_store %arg9[%swap3A_765], %swap3A_768 {strides = array<i32>} : memref<64xi32, #tpu.memory_space<vmem>>, vector<16xi32>,
    %dma_start3A_769 = arith.constant 0 : i32
    %dma_start3A_770 = arith.constant 0 : i32
    %dma_start3A_771 = tpu.memref_slice %arg17[%dma_start3A_769, %dma_start3A_770] : memref<10240x128xf32, #tpu.memory_space<vmem_shared>> -> memref<10240x128xf32, #tpu.memory_space<vmem_shared>>
    tpu.enqueue_indirect_dma source(%dma_start3A_771 : memref<10240x128xf32, #tpu.memory_space<vmem_shared>>) target(%arg15 : memref<64x128xf32, #tpu.memory_space<vmem>>) offsets(%arg9 : memref<64xi32, #tpu.memory_space<vmem>>) semaphore(%arg18 : memref<!tpu.dma_semaphore, #tpu.memory_space<semaphore_mem>>)
    %dma_wait3A_772 = arith.constant 0 : i32
    %dma_wait3A_773 = arith.constant 0 : i32
    %dma_wait3A_774 = tpu.memref_slice %arg17[%dma_wait3A_772, %dma_wait3A_773] : memref<10240x128xf32, #tpu.memory_space<vmem_shared>> -> memref<10240x128xf32, #tpu.memory_space<vmem_shared>>
    tpu.wait_indirect_dma semaphore(%arg18 : memref<!tpu.dma_semaphore, #tpu.memory_space<semaphore_mem>>) src(%dma_wait3A_774 : memref<10240x128xf32, #tpu.memory_space<vmem_shared>>) dst(%arg15 : memref<64x128xf32, #tpu.memory_space<vmem>>)
    "tpu.region"() ({
      %run_scoped3A = tpu.sem_alloc : memref<!tpu.dma_semaphore, #tpu.memory_space<semaphore_mem>>
      %dma_start3A_2008 = arith.constant 0 : i32
      %dma_start3A_2009 = tpu.memref_slice %arg6[%arg0, %add3A_732, %dma_start3A_2008] : memref<2x10240x128xf32, #tpu.memory_space<hbm>> -> memref<1x64x128xf32, #tpu.memory_space<hbm>>
      %dma_start3A_2010 = tpu.memref_squeeze %dma_start3A_2009 : memref<1x64x128xf32, #tpu.memory_space<hbm>> -> memref<64x128xf32, #tpu.memory_space<hbm>>
      %dma_start3A_2011 = arith.constant 0 : i32
      %dma_start3A_2012 = tpu.memref_slice %arg6[%arg0, %add3A_732, %dma_start3A_2011] : memref<2x10240x128xf32, #tpu.memory_space<hbm>> -> memref<1x64x128xf32, #tpu.memory_space<hbm>>
      %dma_start3A_2013 = tpu.memref_squeeze %dma_start3A_2012 : memref<1x64x128xf32, #tpu.memory_space<hbm>> -> memref<64x128xf32, #tpu.memory_space<hbm>>
      tpu.enqueue_dma source(%arg15 : memref<64x128xf32, #tpu.memory_space<vmem>>) target(%dma_start3A_2013 : memref<64x128xf32, #tpu.memory_space<hbm>>) target_semaphore(%run_scoped3A : memref<!tpu.dma_semaphore, #tpu.memory_space<semaphore_mem>>)
      %dma_wait3A_2014 = arith.constant 0 : i32
      %dma_wait3A_2015 = tpu.memref_slice %arg6[%arg0, %add3A_732, %dma_wait3A_2014] : memref<2x10240x128xf32, #tpu.memory_space<hbm>> -> memref<1x64x128xf32, #tpu.memory_space<hbm>>
      %dma_wait3A_2016 = tpu.memref_squeeze %dma_wait3A_2015 : memref<1x64x128xf32, #tpu.memory_space<hbm>> -> memref<64x128xf32, #tpu.memory_space<hbm>>
      %dma_wait3A_2017 = arith.constant 0 : i32
      %dma_wait3A_2018 = tpu.memref_slice %arg6[%arg0, %add3A_732, %dma_wait3A_2017] : memref<2x10240x128xf32, #tpu.memory_space<hbm>> -> memref<1x64x128xf32, #tpu.memory_space<hbm>>
      %dma_wait3A_2019 = tpu.memref_squeeze %dma_wait3A_2018 : memref<1x64x128xf32, #tpu.memory_space<hbm>> -> memref<64x128xf32, #tpu.memory_space<hbm>>
      tpu.wait_dma2 semaphore(%run_scoped3A : memref<!tpu.dma_semaphore, #tpu.memory_space<semaphore_mem>>) src(%arg15 : memref<64x128xf32, #tpu.memory_space<vmem>>) dst(%dma_wait3A_2019 : memref<64x128xf32, #tpu.memory_space<hbm>>)
      tpu.yield
    }) : () -> ()
    %add3A_775 = arith.constant 320 : i32
    %add3A_776 = arith.addi %mul3A_2, %add3A_775 : i32
    %iota3A_777 = tpu.iota {dimensions = array<i32: 0>} : vector<16xi32>
    %add3A_778 = arith.constant 0 : i32
    %add3A_779 = arith.addi %add3A_776, %add3A_778 : i32
    %add3A_780 = vector.broadcast %add3A_779 : i32 to vector<16xi32>
    %add3A_781 = arith.addi %iota3A_777, %add3A_780 : vector<16xi32>
    %swap3A_782 = arith.constant 0 : index
    %swap3A_783 = tpu.vector_load %arg9[%swap3A_782] {strides = array<i32>} : memref<64xi32, #tpu.memory_space<vmem>>, vector<16xi32>,
    %swap3A_784 = vector.shape_cast %swap3A_783 : vector<16xi32> to vector<16xi32>
    %swap3A_785 = vector.shape_cast %add3A_781 : vector<16xi32> to vector<16xi32>
    tpu.vector_store %arg9[%swap3A_782], %swap3A_785 {strides = array<i32>} : memref<64xi32, #tpu.memory_space<vmem>>, vector<16xi32>,
    %iota3A_786 = tpu.iota {dimensions = array<i32: 0>} : vector<16xi32>
    %add3A_787 = arith.constant 16 : i32
    %add3A_788 = arith.addi %add3A_776, %add3A_787 : i32
    %add3A_789 = vector.broadcast %add3A_788 : i32 to vector<16xi32>
    %add3A_790 = arith.addi %iota3A_786, %add3A_789 : vector<16xi32>
    %swap3A_791 = arith.constant 16 : index
    %swap3A_792 = tpu.vector_load %arg9[%swap3A_791] {strides = array<i32>} : memref<64xi32, #tpu.memory_space<vmem>>, vector<16xi32>,
    %swap3A_793 = vector.shape_cast %swap3A_792 : vector<16xi32> to vector<16xi32>
    %swap3A_794 = vector.shape_cast %add3A_790 : vector<16xi32> to vector<16xi32>
    tpu.vector_store %arg9[%swap3A_791], %swap3A_794 {strides = array<i32>} : memref<64xi32, #tpu.memory_space<vmem>>, vector<16xi32>,
    %iota3A_795 = tpu.iota {dimensions = array<i32: 0>} : vector<16xi32>
    %add3A_796 = arith.constant 32 : i32
    %add3A_797 = arith.addi %add3A_776, %add3A_796 : i32
    %add3A_798 = vector.broadcast %add3A_797 : i32 to vector<16xi32>
    %add3A_799 = arith.addi %iota3A_795, %add3A_798 : vector<16xi32>
    %swap3A_800 = arith.constant 32 : index
    %swap3A_801 = tpu.vector_load %arg9[%swap3A_800] {strides = array<i32>} : memref<64xi32, #tpu.memory_space<vmem>>, vector<16xi32>,
    %swap3A_802 = vector.shape_cast %swap3A_801 : vector<16xi32> to vector<16xi32>
    %swap3A_803 = vector.shape_cast %add3A_799 : vector<16xi32> to vector<16xi32>
    tpu.vector_store %arg9[%swap3A_800], %swap3A_803 {strides = array<i32>} : memref<64xi32, #tpu.memory_space<vmem>>, vector<16xi32>,
    %iota3A_804 = tpu.iota {dimensions = array<i32: 0>} : vector<16xi32>
    %add3A_805 = arith.constant 48 : i32
    %add3A_806 = arith.addi %add3A_776, %add3A_805 : i32
    %add3A_807 = vector.broadcast %add3A_806 : i32 to vector<16xi32>
    %add3A_808 = arith.addi %iota3A_804, %add3A_807 : vector<16xi32>
    %swap3A_809 = arith.constant 48 : index
    %swap3A_810 = tpu.vector_load %arg9[%swap3A_809] {strides = array<i32>} : memref<64xi32, #tpu.memory_space<vmem>>, vector<16xi32>,
    %swap3A_811 = vector.shape_cast %swap3A_810 : vector<16xi32> to vector<16xi32>
    %swap3A_812 = vector.shape_cast %add3A_808 : vector<16xi32> to vector<16xi32>
    tpu.vector_store %arg9[%swap3A_809], %swap3A_812 {strides = array<i32>} : memref<64xi32, #tpu.memory_space<vmem>>, vector<16xi32>,
    %dma_start3A_813 = arith.constant 0 : i32
    %dma_start3A_814 = arith.constant 0 : i32
    %dma_start3A_815 = tpu.memref_slice %arg17[%dma_start3A_813, %dma_start3A_814] : memref<10240x128xf32, #tpu.memory_space<vmem_shared>> -> memref<10240x128xf32, #tpu.memory_space<vmem_shared>>
    tpu.enqueue_indirect_dma source(%dma_start3A_815 : memref<10240x128xf32, #tpu.memory_space<vmem_shared>>) target(%arg15 : memref<64x128xf32, #tpu.memory_space<vmem>>) offsets(%arg9 : memref<64xi32, #tpu.memory_space<vmem>>) semaphore(%arg18 : memref<!tpu.dma_semaphore, #tpu.memory_space<semaphore_mem>>)
    %dma_wait3A_816 = arith.constant 0 : i32
    %dma_wait3A_817 = arith.constant 0 : i32
    %dma_wait3A_818 = tpu.memref_slice %arg17[%dma_wait3A_816, %dma_wait3A_817] : memref<10240x128xf32, #tpu.memory_space<vmem_shared>> -> memref<10240x128xf32, #tpu.memory_space<vmem_shared>>
    tpu.wait_indirect_dma semaphore(%arg18 : memref<!tpu.dma_semaphore, #tpu.memory_space<semaphore_mem>>) src(%dma_wait3A_818 : memref<10240x128xf32, #tpu.memory_space<vmem_shared>>) dst(%arg15 : memref<64x128xf32, #tpu.memory_space<vmem>>)
    "tpu.region"() ({
      %run_scoped3A = tpu.sem_alloc : memref<!tpu.dma_semaphore, #tpu.memory_space<semaphore_mem>>
      %dma_start3A_2008 = arith.constant 0 : i32
      %dma_start3A_2009 = tpu.memref_slice %arg6[%arg0, %add3A_776, %dma_start3A_2008] : memref<2x10240x128xf32, #tpu.memory_space<hbm>> -> memref<1x64x128xf32, #tpu.memory_space<hbm>>
      %dma_start3A_2010 = tpu.memref_squeeze %dma_start3A_2009 : memref<1x64x128xf32, #tpu.memory_space<hbm>> -> memref<64x128xf32, #tpu.memory_space<hbm>>
      %dma_start3A_2011 = arith.constant 0 : i32
      %dma_start3A_2012 = tpu.memref_slice %arg6[%arg0, %add3A_776, %dma_start3A_2011] : memref<2x10240x128xf32, #tpu.memory_space<hbm>> -> memref<1x64x128xf32, #tpu.memory_space<hbm>>
      %dma_start3A_2013 = tpu.memref_squeeze %dma_start3A_2012 : memref<1x64x128xf32, #tpu.memory_space<hbm>> -> memref<64x128xf32, #tpu.memory_space<hbm>>
      tpu.enqueue_dma source(%arg15 : memref<64x128xf32, #tpu.memory_space<vmem>>) target(%dma_start3A_2013 : memref<64x128xf32, #tpu.memory_space<hbm>>) target_semaphore(%run_scoped3A : memref<!tpu.dma_semaphore, #tpu.memory_space<semaphore_mem>>)
      %dma_wait3A_2014 = arith.constant 0 : i32
      %dma_wait3A_2015 = tpu.memref_slice %arg6[%arg0, %add3A_776, %dma_wait3A_2014] : memref<2x10240x128xf32, #tpu.memory_space<hbm>> -> memref<1x64x128xf32, #tpu.memory_space<hbm>>
      %dma_wait3A_2016 = tpu.memref_squeeze %dma_wait3A_2015 : memref<1x64x128xf32, #tpu.memory_space<hbm>> -> memref<64x128xf32, #tpu.memory_space<hbm>>
      %dma_wait3A_2017 = arith.constant 0 : i32
      %dma_wait3A_2018 = tpu.memref_slice %arg6[%arg0, %add3A_776, %dma_wait3A_2017] : memref<2x10240x128xf32, #tpu.memory_space<hbm>> -> memref<1x64x128xf32, #tpu.memory_space<hbm>>
      %dma_wait3A_2019 = tpu.memref_squeeze %dma_wait3A_2018 : memref<1x64x128xf32, #tpu.memory_space<hbm>> -> memref<64x128xf32, #tpu.memory_space<hbm>>
      tpu.wait_dma2 semaphore(%run_scoped3A : memref<!tpu.dma_semaphore, #tpu.memory_space<semaphore_mem>>) src(%arg15 : memref<64x128xf32, #tpu.memory_space<vmem>>) dst(%dma_wait3A_2019 : memref<64x128xf32, #tpu.memory_space<hbm>>)
      tpu.yield
    }) : () -> ()
    %add3A_819 = arith.constant 384 : i32
    %add3A_820 = arith.addi %mul3A_2, %add3A_819 : i32
    %iota3A_821 = tpu.iota {dimensions = array<i32: 0>} : vector<16xi32>
    %add3A_822 = arith.constant 0 : i32
    %add3A_823 = arith.addi %add3A_820, %add3A_822 : i32
    %add3A_824 = vector.broadcast %add3A_823 : i32 to vector<16xi32>
    %add3A_825 = arith.addi %iota3A_821, %add3A_824 : vector<16xi32>
    %swap3A_826 = arith.constant 0 : index
    %swap3A_827 = tpu.vector_load %arg9[%swap3A_826] {strides = array<i32>} : memref<64xi32, #tpu.memory_space<vmem>>, vector<16xi32>,
    %swap3A_828 = vector.shape_cast %swap3A_827 : vector<16xi32> to vector<16xi32>
    %swap3A_829 = vector.shape_cast %add3A_825 : vector<16xi32> to vector<16xi32>
    tpu.vector_store %arg9[%swap3A_826], %swap3A_829 {strides = array<i32>} : memref<64xi32, #tpu.memory_space<vmem>>, vector<16xi32>,
    %iota3A_830 = tpu.iota {dimensions = array<i32: 0>} : vector<16xi32>
    %add3A_831 = arith.constant 16 : i32
    %add3A_832 = arith.addi %add3A_820, %add3A_831 : i32
    %add3A_833 = vector.broadcast %add3A_832 : i32 to vector<16xi32>
    %add3A_834 = arith.addi %iota3A_830, %add3A_833 : vector<16xi32>
    %swap3A_835 = arith.constant 16 : index
    %swap3A_836 = tpu.vector_load %arg9[%swap3A_835] {strides = array<i32>} : memref<64xi32, #tpu.memory_space<vmem>>, vector<16xi32>,
    %swap3A_837 = vector.shape_cast %swap3A_836 : vector<16xi32> to vector<16xi32>
    %swap3A_838 = vector.shape_cast %add3A_834 : vector<16xi32> to vector<16xi32>
    tpu.vector_store %arg9[%swap3A_835], %swap3A_838 {strides = array<i32>} : memref<64xi32, #tpu.memory_space<vmem>>, vector<16xi32>,
    %iota3A_839 = tpu.iota {dimensions = array<i32: 0>} : vector<16xi32>
    %add3A_840 = arith.constant 32 : i32
    %add3A_841 = arith.addi %add3A_820, %add3A_840 : i32
    %add3A_842 = vector.broadcast %add3A_841 : i32 to vector<16xi32>
    %add3A_843 = arith.addi %iota3A_839, %add3A_842 : vector<16xi32>
    %swap3A_844 = arith.constant 32 : index
    %swap3A_845 = tpu.vector_load %arg9[%swap3A_844] {strides = array<i32>} : memref<64xi32, #tpu.memory_space<vmem>>, vector<16xi32>,
    %swap3A_846 = vector.shape_cast %swap3A_845 : vector<16xi32> to vector<16xi32>
    %swap3A_847 = vector.shape_cast %add3A_843 : vector<16xi32> to vector<16xi32>
    tpu.vector_store %arg9[%swap3A_844], %swap3A_847 {strides = array<i32>} : memref<64xi32, #tpu.memory_space<vmem>>, vector<16xi32>,
    %iota3A_848 = tpu.iota {dimensions = array<i32: 0>} : vector<16xi32>
    %add3A_849 = arith.constant 48 : i32
    %add3A_850 = arith.addi %add3A_820, %add3A_849 : i32
    %add3A_851 = vector.broadcast %add3A_850 : i32 to vector<16xi32>
    %add3A_852 = arith.addi %iota3A_848, %add3A_851 : vector<16xi32>
    %swap3A_853 = arith.constant 48 : index
    %swap3A_854 = tpu.vector_load %arg9[%swap3A_853] {strides = array<i32>} : memref<64xi32, #tpu.memory_space<vmem>>, vector<16xi32>,
    %swap3A_855 = vector.shape_cast %swap3A_854 : vector<16xi32> to vector<16xi32>
    %swap3A_856 = vector.shape_cast %add3A_852 : vector<16xi32> to vector<16xi32>
    tpu.vector_store %arg9[%swap3A_853], %swap3A_856 {strides = array<i32>} : memref<64xi32, #tpu.memory_space<vmem>>, vector<16xi32>,
    %dma_start3A_857 = arith.constant 0 : i32
    %dma_start3A_858 = arith.constant 0 : i32
    %dma_start3A_859 = tpu.memref_slice %arg17[%dma_start3A_857, %dma_start3A_858] : memref<10240x128xf32, #tpu.memory_space<vmem_shared>> -> memref<10240x128xf32, #tpu.memory_space<vmem_shared>>
    tpu.enqueue_indirect_dma source(%dma_start3A_859 : memref<10240x128xf32, #tpu.memory_space<vmem_shared>>) target(%arg15 : memref<64x128xf32, #tpu.memory_space<vmem>>) offsets(%arg9 : memref<64xi32, #tpu.memory_space<vmem>>) semaphore(%arg18 : memref<!tpu.dma_semaphore, #tpu.memory_space<semaphore_mem>>)
    %dma_wait3A_860 = arith.constant 0 : i32
    %dma_wait3A_861 = arith.constant 0 : i32
    %dma_wait3A_862 = tpu.memref_slice %arg17[%dma_wait3A_860, %dma_wait3A_861] : memref<10240x128xf32, #tpu.memory_space<vmem_shared>> -> memref<10240x128xf32, #tpu.memory_space<vmem_shared>>
    tpu.wait_indirect_dma semaphore(%arg18 : memref<!tpu.dma_semaphore, #tpu.memory_space<semaphore_mem>>) src(%dma_wait3A_862 : memref<10240x128xf32, #tpu.memory_space<vmem_shared>>) dst(%arg15 : memref<64x128xf32, #tpu.memory_space<vmem>>)
    "tpu.region"() ({
      %run_scoped3A = tpu.sem_alloc : memref<!tpu.dma_semaphore, #tpu.memory_space<semaphore_mem>>
      %dma_start3A_2008 = arith.constant 0 : i32
      %dma_start3A_2009 = tpu.memref_slice %arg6[%arg0, %add3A_820, %dma_start3A_2008] : memref<2x10240x128xf32, #tpu.memory_space<hbm>> -> memref<1x64x128xf32, #tpu.memory_space<hbm>>
      %dma_start3A_2010 = tpu.memref_squeeze %dma_start3A_2009 : memref<1x64x128xf32, #tpu.memory_space<hbm>> -> memref<64x128xf32, #tpu.memory_space<hbm>>
      %dma_start3A_2011 = arith.constant 0 : i32
      %dma_start3A_2012 = tpu.memref_slice %arg6[%arg0, %add3A_820, %dma_start3A_2011] : memref<2x10240x128xf32, #tpu.memory_space<hbm>> -> memref<1x64x128xf32, #tpu.memory_space<hbm>>
      %dma_start3A_2013 = tpu.memref_squeeze %dma_start3A_2012 : memref<1x64x128xf32, #tpu.memory_space<hbm>> -> memref<64x128xf32, #tpu.memory_space<hbm>>
      tpu.enqueue_dma source(%arg15 : memref<64x128xf32, #tpu.memory_space<vmem>>) target(%dma_start3A_2013 : memref<64x128xf32, #tpu.memory_space<hbm>>) target_semaphore(%run_scoped3A : memref<!tpu.dma_semaphore, #tpu.memory_space<semaphore_mem>>)
      %dma_wait3A_2014 = arith.constant 0 : i32
      %dma_wait3A_2015 = tpu.memref_slice %arg6[%arg0, %add3A_820, %dma_wait3A_2014] : memref<2x10240x128xf32, #tpu.memory_space<hbm>> -> memref<1x64x128xf32, #tpu.memory_space<hbm>>
      %dma_wait3A_2016 = tpu.memref_squeeze %dma_wait3A_2015 : memref<1x64x128xf32, #tpu.memory_space<hbm>> -> memref<64x128xf32, #tpu.memory_space<hbm>>
      %dma_wait3A_2017 = arith.constant 0 : i32
      %dma_wait3A_2018 = tpu.memref_slice %arg6[%arg0, %add3A_820, %dma_wait3A_2017] : memref<2x10240x128xf32, #tpu.memory_space<hbm>> -> memref<1x64x128xf32, #tpu.memory_space<hbm>>
      %dma_wait3A_2019 = tpu.memref_squeeze %dma_wait3A_2018 : memref<1x64x128xf32, #tpu.memory_space<hbm>> -> memref<64x128xf32, #tpu.memory_space<hbm>>
      tpu.wait_dma2 semaphore(%run_scoped3A : memref<!tpu.dma_semaphore, #tpu.memory_space<semaphore_mem>>) src(%arg15 : memref<64x128xf32, #tpu.memory_space<vmem>>) dst(%dma_wait3A_2019 : memref<64x128xf32, #tpu.memory_space<hbm>>)
      tpu.yield
    }) : () -> ()
    %add3A_863 = arith.constant 448 : i32
    %add3A_864 = arith.addi %mul3A_2, %add3A_863 : i32
    %iota3A_865 = tpu.iota {dimensions = array<i32: 0>} : vector<16xi32>
    %add3A_866 = arith.constant 0 : i32
    %add3A_867 = arith.addi %add3A_864, %add3A_866 : i32
    %add3A_868 = vector.broadcast %add3A_867 : i32 to vector<16xi32>
    %add3A_869 = arith.addi %iota3A_865, %add3A_868 : vector<16xi32>
    %swap3A_870 = arith.constant 0 : index
    %swap3A_871 = tpu.vector_load %arg9[%swap3A_870] {strides = array<i32>} : memref<64xi32, #tpu.memory_space<vmem>>, vector<16xi32>,
    %swap3A_872 = vector.shape_cast %swap3A_871 : vector<16xi32> to vector<16xi32>
    %swap3A_873 = vector.shape_cast %add3A_869 : vector<16xi32> to vector<16xi32>
    tpu.vector_store %arg9[%swap3A_870], %swap3A_873 {strides = array<i32>} : memref<64xi32, #tpu.memory_space<vmem>>, vector<16xi32>,
    %iota3A_874 = tpu.iota {dimensions = array<i32: 0>} : vector<16xi32>
    %add3A_875 = arith.constant 16 : i32
    %add3A_876 = arith.addi %add3A_864, %add3A_875 : i32
    %add3A_877 = vector.broadcast %add3A_876 : i32 to vector<16xi32>
    %add3A_878 = arith.addi %iota3A_874, %add3A_877 : vector<16xi32>
    %swap3A_879 = arith.constant 16 : index
    %swap3A_880 = tpu.vector_load %arg9[%swap3A_879] {strides = array<i32>} : memref<64xi32, #tpu.memory_space<vmem>>, vector<16xi32>,
    %swap3A_881 = vector.shape_cast %swap3A_880 : vector<16xi32> to vector<16xi32>
    %swap3A_882 = vector.shape_cast %add3A_878 : vector<16xi32> to vector<16xi32>
    tpu.vector_store %arg9[%swap3A_879], %swap3A_882 {strides = array<i32>} : memref<64xi32, #tpu.memory_space<vmem>>, vector<16xi32>,
    %iota3A_883 = tpu.iota {dimensions = array<i32: 0>} : vector<16xi32>
    %add3A_884 = arith.constant 32 : i32
    %add3A_885 = arith.addi %add3A_864, %add3A_884 : i32
    %add3A_886 = vector.broadcast %add3A_885 : i32 to vector<16xi32>
    %add3A_887 = arith.addi %iota3A_883, %add3A_886 : vector<16xi32>
    %swap3A_888 = arith.constant 32 : index
    %swap3A_889 = tpu.vector_load %arg9[%swap3A_888] {strides = array<i32>} : memref<64xi32, #tpu.memory_space<vmem>>, vector<16xi32>,
    %swap3A_890 = vector.shape_cast %swap3A_889 : vector<16xi32> to vector<16xi32>
    %swap3A_891 = vector.shape_cast %add3A_887 : vector<16xi32> to vector<16xi32>
    tpu.vector_store %arg9[%swap3A_888], %swap3A_891 {strides = array<i32>} : memref<64xi32, #tpu.memory_space<vmem>>, vector<16xi32>,
    %iota3A_892 = tpu.iota {dimensions = array<i32: 0>} : vector<16xi32>
    %add3A_893 = arith.constant 48 : i32
    %add3A_894 = arith.addi %add3A_864, %add3A_893 : i32
    %add3A_895 = vector.broadcast %add3A_894 : i32 to vector<16xi32>
    %add3A_896 = arith.addi %iota3A_892, %add3A_895 : vector<16xi32>
    %swap3A_897 = arith.constant 48 : index
    %swap3A_898 = tpu.vector_load %arg9[%swap3A_897] {strides = array<i32>} : memref<64xi32, #tpu.memory_space<vmem>>, vector<16xi32>,
    %swap3A_899 = vector.shape_cast %swap3A_898 : vector<16xi32> to vector<16xi32>
    %swap3A_900 = vector.shape_cast %add3A_896 : vector<16xi32> to vector<16xi32>
    tpu.vector_store %arg9[%swap3A_897], %swap3A_900 {strides = array<i32>} : memref<64xi32, #tpu.memory_space<vmem>>, vector<16xi32>,
    %dma_start3A_901 = arith.constant 0 : i32
    %dma_start3A_902 = arith.constant 0 : i32
    %dma_start3A_903 = tpu.memref_slice %arg17[%dma_start3A_901, %dma_start3A_902] : memref<10240x128xf32, #tpu.memory_space<vmem_shared>> -> memref<10240x128xf32, #tpu.memory_space<vmem_shared>>
    tpu.enqueue_indirect_dma source(%dma_start3A_903 : memref<10240x128xf32, #tpu.memory_space<vmem_shared>>) target(%arg15 : memref<64x128xf32, #tpu.memory_space<vmem>>) offsets(%arg9 : memref<64xi32, #tpu.memory_space<vmem>>) semaphore(%arg18 : memref<!tpu.dma_semaphore, #tpu.memory_space<semaphore_mem>>)
    %dma_wait3A_904 = arith.constant 0 : i32
    %dma_wait3A_905 = arith.constant 0 : i32
    %dma_wait3A_906 = tpu.memref_slice %arg17[%dma_wait3A_904, %dma_wait3A_905] : memref<10240x128xf32, #tpu.memory_space<vmem_shared>> -> memref<10240x128xf32, #tpu.memory_space<vmem_shared>>
    tpu.wait_indirect_dma semaphore(%arg18 : memref<!tpu.dma_semaphore, #tpu.memory_space<semaphore_mem>>) src(%dma_wait3A_906 : memref<10240x128xf32, #tpu.memory_space<vmem_shared>>) dst(%arg15 : memref<64x128xf32, #tpu.memory_space<vmem>>)
    "tpu.region"() ({
      %run_scoped3A = tpu.sem_alloc : memref<!tpu.dma_semaphore, #tpu.memory_space<semaphore_mem>>
      %dma_start3A_2008 = arith.constant 0 : i32
      %dma_start3A_2009 = tpu.memref_slice %arg6[%arg0, %add3A_864, %dma_start3A_2008] : memref<2x10240x128xf32, #tpu.memory_space<hbm>> -> memref<1x64x128xf32, #tpu.memory_space<hbm>>
      %dma_start3A_2010 = tpu.memref_squeeze %dma_start3A_2009 : memref<1x64x128xf32, #tpu.memory_space<hbm>> -> memref<64x128xf32, #tpu.memory_space<hbm>>
      %dma_start3A_2011 = arith.constant 0 : i32
      %dma_start3A_2012 = tpu.memref_slice %arg6[%arg0, %add3A_864, %dma_start3A_2011] : memref<2x10240x128xf32, #tpu.memory_space<hbm>> -> memref<1x64x128xf32, #tpu.memory_space<hbm>>
      %dma_start3A_2013 = tpu.memref_squeeze %dma_start3A_2012 : memref<1x64x128xf32, #tpu.memory_space<hbm>> -> memref<64x128xf32, #tpu.memory_space<hbm>>
      tpu.enqueue_dma source(%arg15 : memref<64x128xf32, #tpu.memory_space<vmem>>) target(%dma_start3A_2013 : memref<64x128xf32, #tpu.memory_space<hbm>>) target_semaphore(%run_scoped3A : memref<!tpu.dma_semaphore, #tpu.memory_space<semaphore_mem>>)
      %dma_wait3A_2014 = arith.constant 0 : i32
      %dma_wait3A_2015 = tpu.memref_slice %arg6[%arg0, %add3A_864, %dma_wait3A_2014] : memref<2x10240x128xf32, #tpu.memory_space<hbm>> -> memref<1x64x128xf32, #tpu.memory_space<hbm>>
      %dma_wait3A_2016 = tpu.memref_squeeze %dma_wait3A_2015 : memref<1x64x128xf32, #tpu.memory_space<hbm>> -> memref<64x128xf32, #tpu.memory_space<hbm>>
      %dma_wait3A_2017 = arith.constant 0 : i32
      %dma_wait3A_2018 = tpu.memref_slice %arg6[%arg0, %add3A_864, %dma_wait3A_2017] : memref<2x10240x128xf32, #tpu.memory_space<hbm>> -> memref<1x64x128xf32, #tpu.memory_space<hbm>>
      %dma_wait3A_2019 = tpu.memref_squeeze %dma_wait3A_2018 : memref<1x64x128xf32, #tpu.memory_space<hbm>> -> memref<64x128xf32, #tpu.memory_space<hbm>>
      tpu.wait_dma2 semaphore(%run_scoped3A : memref<!tpu.dma_semaphore, #tpu.memory_space<semaphore_mem>>) src(%arg15 : memref<64x128xf32, #tpu.memory_space<vmem>>) dst(%dma_wait3A_2019 : memref<64x128xf32, #tpu.memory_space<hbm>>)
      tpu.yield
    }) : () -> ()
    %add3A_907 = arith.constant 512 : i32
    %add3A_908 = arith.addi %mul3A_2, %add3A_907 : i32
    %iota3A_909 = tpu.iota {dimensions = array<i32: 0>} : vector<16xi32>
    %add3A_910 = arith.constant 0 : i32
    %add3A_911 = arith.addi %add3A_908, %add3A_910 : i32
    %add3A_912 = vector.broadcast %add3A_911 : i32 to vector<16xi32>
    %add3A_913 = arith.addi %iota3A_909, %add3A_912 : vector<16xi32>
    %swap3A_914 = arith.constant 0 : index
    %swap3A_915 = tpu.vector_load %arg9[%swap3A_914] {strides = array<i32>} : memref<64xi32, #tpu.memory_space<vmem>>, vector<16xi32>,
    %swap3A_916 = vector.shape_cast %swap3A_915 : vector<16xi32> to vector<16xi32>
    %swap3A_917 = vector.shape_cast %add3A_913 : vector<16xi32> to vector<16xi32>
    tpu.vector_store %arg9[%swap3A_914], %swap3A_917 {strides = array<i32>} : memref<64xi32, #tpu.memory_space<vmem>>, vector<16xi32>,
    %iota3A_918 = tpu.iota {dimensions = array<i32: 0>} : vector<16xi32>
    %add3A_919 = arith.constant 16 : i32
    %add3A_920 = arith.addi %add3A_908, %add3A_919 : i32
    %add3A_921 = vector.broadcast %add3A_920 : i32 to vector<16xi32>
    %add3A_922 = arith.addi %iota3A_918, %add3A_921 : vector<16xi32>
    %swap3A_923 = arith.constant 16 : index
    %swap3A_924 = tpu.vector_load %arg9[%swap3A_923] {strides = array<i32>} : memref<64xi32, #tpu.memory_space<vmem>>, vector<16xi32>,
    %swap3A_925 = vector.shape_cast %swap3A_924 : vector<16xi32> to vector<16xi32>
    %swap3A_926 = vector.shape_cast %add3A_922 : vector<16xi32> to vector<16xi32>
    tpu.vector_store %arg9[%swap3A_923], %swap3A_926 {strides = array<i32>} : memref<64xi32, #tpu.memory_space<vmem>>, vector<16xi32>,
    %iota3A_927 = tpu.iota {dimensions = array<i32: 0>} : vector<16xi32>
    %add3A_928 = arith.constant 32 : i32
    %add3A_929 = arith.addi %add3A_908, %add3A_928 : i32
    %add3A_930 = vector.broadcast %add3A_929 : i32 to vector<16xi32>
    %add3A_931 = arith.addi %iota3A_927, %add3A_930 : vector<16xi32>
    %swap3A_932 = arith.constant 32 : index
    %swap3A_933 = tpu.vector_load %arg9[%swap3A_932] {strides = array<i32>} : memref<64xi32, #tpu.memory_space<vmem>>, vector<16xi32>,
    %swap3A_934 = vector.shape_cast %swap3A_933 : vector<16xi32> to vector<16xi32>
    %swap3A_935 = vector.shape_cast %add3A_931 : vector<16xi32> to vector<16xi32>
    tpu.vector_store %arg9[%swap3A_932], %swap3A_935 {strides = array<i32>} : memref<64xi32, #tpu.memory_space<vmem>>, vector<16xi32>,
    %iota3A_936 = tpu.iota {dimensions = array<i32: 0>} : vector<16xi32>
    %add3A_937 = arith.constant 48 : i32
    %add3A_938 = arith.addi %add3A_908, %add3A_937 : i32
    %add3A_939 = vector.broadcast %add3A_938 : i32 to vector<16xi32>
    %add3A_940 = arith.addi %iota3A_936, %add3A_939 : vector<16xi32>
    %swap3A_941 = arith.constant 48 : index
    %swap3A_942 = tpu.vector_load %arg9[%swap3A_941] {strides = array<i32>} : memref<64xi32, #tpu.memory_space<vmem>>, vector<16xi32>,
    %swap3A_943 = vector.shape_cast %swap3A_942 : vector<16xi32> to vector<16xi32>
    %swap3A_944 = vector.shape_cast %add3A_940 : vector<16xi32> to vector<16xi32>
    tpu.vector_store %arg9[%swap3A_941], %swap3A_944 {strides = array<i32>} : memref<64xi32, #tpu.memory_space<vmem>>, vector<16xi32>,
    %dma_start3A_945 = arith.constant 0 : i32
    %dma_start3A_946 = arith.constant 0 : i32
    %dma_start3A_947 = tpu.memref_slice %arg17[%dma_start3A_945, %dma_start3A_946] : memref<10240x128xf32, #tpu.memory_space<vmem_shared>> -> memref<10240x128xf32, #tpu.memory_space<vmem_shared>>
    tpu.enqueue_indirect_dma source(%dma_start3A_947 : memref<10240x128xf32, #tpu.memory_space<vmem_shared>>) target(%arg15 : memref<64x128xf32, #tpu.memory_space<vmem>>) offsets(%arg9 : memref<64xi32, #tpu.memory_space<vmem>>) semaphore(%arg18 : memref<!tpu.dma_semaphore, #tpu.memory_space<semaphore_mem>>)
    %dma_wait3A_948 = arith.constant 0 : i32
    %dma_wait3A_949 = arith.constant 0 : i32
    %dma_wait3A_950 = tpu.memref_slice %arg17[%dma_wait3A_948, %dma_wait3A_949] : memref<10240x128xf32, #tpu.memory_space<vmem_shared>> -> memref<10240x128xf32, #tpu.memory_space<vmem_shared>>
    tpu.wait_indirect_dma semaphore(%arg18 : memref<!tpu.dma_semaphore, #tpu.memory_space<semaphore_mem>>) src(%dma_wait3A_950 : memref<10240x128xf32, #tpu.memory_space<vmem_shared>>) dst(%arg15 : memref<64x128xf32, #tpu.memory_space<vmem>>)
    "tpu.region"() ({
      %run_scoped3A = tpu.sem_alloc : memref<!tpu.dma_semaphore, #tpu.memory_space<semaphore_mem>>
      %dma_start3A_2008 = arith.constant 0 : i32
      %dma_start3A_2009 = tpu.memref_slice %arg6[%arg0, %add3A_908, %dma_start3A_2008] : memref<2x10240x128xf32, #tpu.memory_space<hbm>> -> memref<1x64x128xf32, #tpu.memory_space<hbm>>
      %dma_start3A_2010 = tpu.memref_squeeze %dma_start3A_2009 : memref<1x64x128xf32, #tpu.memory_space<hbm>> -> memref<64x128xf32, #tpu.memory_space<hbm>>
      %dma_start3A_2011 = arith.constant 0 : i32
      %dma_start3A_2012 = tpu.memref_slice %arg6[%arg0, %add3A_908, %dma_start3A_2011] : memref<2x10240x128xf32, #tpu.memory_space<hbm>> -> memref<1x64x128xf32, #tpu.memory_space<hbm>>
      %dma_start3A_2013 = tpu.memref_squeeze %dma_start3A_2012 : memref<1x64x128xf32, #tpu.memory_space<hbm>> -> memref<64x128xf32, #tpu.memory_space<hbm>>
      tpu.enqueue_dma source(%arg15 : memref<64x128xf32, #tpu.memory_space<vmem>>) target(%dma_start3A_2013 : memref<64x128xf32, #tpu.memory_space<hbm>>) target_semaphore(%run_scoped3A : memref<!tpu.dma_semaphore, #tpu.memory_space<semaphore_mem>>)
      %dma_wait3A_2014 = arith.constant 0 : i32
      %dma_wait3A_2015 = tpu.memref_slice %arg6[%arg0, %add3A_908, %dma_wait3A_2014] : memref<2x10240x128xf32, #tpu.memory_space<hbm>> -> memref<1x64x128xf32, #tpu.memory_space<hbm>>
      %dma_wait3A_2016 = tpu.memref_squeeze %dma_wait3A_2015 : memref<1x64x128xf32, #tpu.memory_space<hbm>> -> memref<64x128xf32, #tpu.memory_space<hbm>>
      %dma_wait3A_2017 = arith.constant 0 : i32
      %dma_wait3A_2018 = tpu.memref_slice %arg6[%arg0, %add3A_908, %dma_wait3A_2017] : memref<2x10240x128xf32, #tpu.memory_space<hbm>> -> memref<1x64x128xf32, #tpu.memory_space<hbm>>
      %dma_wait3A_2019 = tpu.memref_squeeze %dma_wait3A_2018 : memref<1x64x128xf32, #tpu.memory_space<hbm>> -> memref<64x128xf32, #tpu.memory_space<hbm>>
      tpu.wait_dma2 semaphore(%run_scoped3A : memref<!tpu.dma_semaphore, #tpu.memory_space<semaphore_mem>>) src(%arg15 : memref<64x128xf32, #tpu.memory_space<vmem>>) dst(%dma_wait3A_2019 : memref<64x128xf32, #tpu.memory_space<hbm>>)
      tpu.yield
    }) : () -> ()
    %add3A_951 = arith.constant 576 : i32
    %add3A_952 = arith.addi %mul3A_2, %add3A_951 : i32
    %iota3A_953 = tpu.iota {dimensions = array<i32: 0>} : vector<16xi32>
    %add3A_954 = arith.constant 0 : i32
    %add3A_955 = arith.addi %add3A_952, %add3A_954 : i32
    %add3A_956 = vector.broadcast %add3A_955 : i32 to vector<16xi32>
    %add3A_957 = arith.addi %iota3A_953, %add3A_956 : vector<16xi32>
    %swap3A_958 = arith.constant 0 : index
    %swap3A_959 = tpu.vector_load %arg9[%swap3A_958] {strides = array<i32>} : memref<64xi32, #tpu.memory_space<vmem>>, vector<16xi32>,
    %swap3A_960 = vector.shape_cast %swap3A_959 : vector<16xi32> to vector<16xi32>
    %swap3A_961 = vector.shape_cast %add3A_957 : vector<16xi32> to vector<16xi32>
    tpu.vector_store %arg9[%swap3A_958], %swap3A_961 {strides = array<i32>} : memref<64xi32, #tpu.memory_space<vmem>>, vector<16xi32>,
    %iota3A_962 = tpu.iota {dimensions = array<i32: 0>} : vector<16xi32>
    %add3A_963 = arith.constant 16 : i32
    %add3A_964 = arith.addi %add3A_952, %add3A_963 : i32
    %add3A_965 = vector.broadcast %add3A_964 : i32 to vector<16xi32>
    %add3A_966 = arith.addi %iota3A_962, %add3A_965 : vector<16xi32>
    %swap3A_967 = arith.constant 16 : index
    %swap3A_968 = tpu.vector_load %arg9[%swap3A_967] {strides = array<i32>} : memref<64xi32, #tpu.memory_space<vmem>>, vector<16xi32>,
    %swap3A_969 = vector.shape_cast %swap3A_968 : vector<16xi32> to vector<16xi32>
    %swap3A_970 = vector.shape_cast %add3A_966 : vector<16xi32> to vector<16xi32>
    tpu.vector_store %arg9[%swap3A_967], %swap3A_970 {strides = array<i32>} : memref<64xi32, #tpu.memory_space<vmem>>, vector<16xi32>,
    %iota3A_971 = tpu.iota {dimensions = array<i32: 0>} : vector<16xi32>
    %add3A_972 = arith.constant 32 : i32
    %add3A_973 = arith.addi %add3A_952, %add3A_972 : i32
    %add3A_974 = vector.broadcast %add3A_973 : i32 to vector<16xi32>
    %add3A_975 = arith.addi %iota3A_971, %add3A_974 : vector<16xi32>
    %swap3A_976 = arith.constant 32 : index
    %swap3A_977 = tpu.vector_load %arg9[%swap3A_976] {strides = array<i32>} : memref<64xi32, #tpu.memory_space<vmem>>, vector<16xi32>,
    %swap3A_978 = vector.shape_cast %swap3A_977 : vector<16xi32> to vector<16xi32>
    %swap3A_979 = vector.shape_cast %add3A_975 : vector<16xi32> to vector<16xi32>
    tpu.vector_store %arg9[%swap3A_976], %swap3A_979 {strides = array<i32>} : memref<64xi32, #tpu.memory_space<vmem>>, vector<16xi32>,
    %iota3A_980 = tpu.iota {dimensions = array<i32: 0>} : vector<16xi32>
    %add3A_981 = arith.constant 48 : i32
    %add3A_982 = arith.addi %add3A_952, %add3A_981 : i32
    %add3A_983 = vector.broadcast %add3A_982 : i32 to vector<16xi32>
    %add3A_984 = arith.addi %iota3A_980, %add3A_983 : vector<16xi32>
    %swap3A_985 = arith.constant 48 : index
    %swap3A_986 = tpu.vector_load %arg9[%swap3A_985] {strides = array<i32>} : memref<64xi32, #tpu.memory_space<vmem>>, vector<16xi32>,
    %swap3A_987 = vector.shape_cast %swap3A_986 : vector<16xi32> to vector<16xi32>
    %swap3A_988 = vector.shape_cast %add3A_984 : vector<16xi32> to vector<16xi32>
    tpu.vector_store %arg9[%swap3A_985], %swap3A_988 {strides = array<i32>} : memref<64xi32, #tpu.memory_space<vmem>>, vector<16xi32>,
    %dma_start3A_989 = arith.constant 0 : i32
    %dma_start3A_990 = arith.constant 0 : i32
    %dma_start3A_991 = tpu.memref_slice %arg17[%dma_start3A_989, %dma_start3A_990] : memref<10240x128xf32, #tpu.memory_space<vmem_shared>> -> memref<10240x128xf32, #tpu.memory_space<vmem_shared>>
    tpu.enqueue_indirect_dma source(%dma_start3A_991 : memref<10240x128xf32, #tpu.memory_space<vmem_shared>>) target(%arg15 : memref<64x128xf32, #tpu.memory_space<vmem>>) offsets(%arg9 : memref<64xi32, #tpu.memory_space<vmem>>) semaphore(%arg18 : memref<!tpu.dma_semaphore, #tpu.memory_space<semaphore_mem>>)
    %dma_wait3A_992 = arith.constant 0 : i32
    %dma_wait3A_993 = arith.constant 0 : i32
    %dma_wait3A_994 = tpu.memref_slice %arg17[%dma_wait3A_992, %dma_wait3A_993] : memref<10240x128xf32, #tpu.memory_space<vmem_shared>> -> memref<10240x128xf32, #tpu.memory_space<vmem_shared>>
    tpu.wait_indirect_dma semaphore(%arg18 : memref<!tpu.dma_semaphore, #tpu.memory_space<semaphore_mem>>) src(%dma_wait3A_994 : memref<10240x128xf32, #tpu.memory_space<vmem_shared>>) dst(%arg15 : memref<64x128xf32, #tpu.memory_space<vmem>>)
    "tpu.region"() ({
      %run_scoped3A = tpu.sem_alloc : memref<!tpu.dma_semaphore, #tpu.memory_space<semaphore_mem>>
      %dma_start3A_2008 = arith.constant 0 : i32
      %dma_start3A_2009 = tpu.memref_slice %arg6[%arg0, %add3A_952, %dma_start3A_2008] : memref<2x10240x128xf32, #tpu.memory_space<hbm>> -> memref<1x64x128xf32, #tpu.memory_space<hbm>>
      %dma_start3A_2010 = tpu.memref_squeeze %dma_start3A_2009 : memref<1x64x128xf32, #tpu.memory_space<hbm>> -> memref<64x128xf32, #tpu.memory_space<hbm>>
      %dma_start3A_2011 = arith.constant 0 : i32
      %dma_start3A_2012 = tpu.memref_slice %arg6[%arg0, %add3A_952, %dma_start3A_2011] : memref<2x10240x128xf32, #tpu.memory_space<hbm>> -> memref<1x64x128xf32, #tpu.memory_space<hbm>>
      %dma_start3A_2013 = tpu.memref_squeeze %dma_start3A_2012 : memref<1x64x128xf32, #tpu.memory_space<hbm>> -> memref<64x128xf32, #tpu.memory_space<hbm>>
      tpu.enqueue_dma source(%arg15 : memref<64x128xf32, #tpu.memory_space<vmem>>) target(%dma_start3A_2013 : memref<64x128xf32, #tpu.memory_space<hbm>>) target_semaphore(%run_scoped3A : memref<!tpu.dma_semaphore, #tpu.memory_space<semaphore_mem>>)
      %dma_wait3A_2014 = arith.constant 0 : i32
      %dma_wait3A_2015 = tpu.memref_slice %arg6[%arg0, %add3A_952, %dma_wait3A_2014] : memref<2x10240x128xf32, #tpu.memory_space<hbm>> -> memref<1x64x128xf32, #tpu.memory_space<hbm>>
      %dma_wait3A_2016 = tpu.memref_squeeze %dma_wait3A_2015 : memref<1x64x128xf32, #tpu.memory_space<hbm>> -> memref<64x128xf32, #tpu.memory_space<hbm>>
      %dma_wait3A_2017 = arith.constant 0 : i32
      %dma_wait3A_2018 = tpu.memref_slice %arg6[%arg0, %add3A_952, %dma_wait3A_2017] : memref<2x10240x128xf32, #tpu.memory_space<hbm>> -> memref<1x64x128xf32, #tpu.memory_space<hbm>>
      %dma_wait3A_2019 = tpu.memref_squeeze %dma_wait3A_2018 : memref<1x64x128xf32, #tpu.memory_space<hbm>> -> memref<64x128xf32, #tpu.memory_space<hbm>>
      tpu.wait_dma2 semaphore(%run_scoped3A : memref<!tpu.dma_semaphore, #tpu.memory_space<semaphore_mem>>) src(%arg15 : memref<64x128xf32, #tpu.memory_space<vmem>>) dst(%dma_wait3A_2019 : memref<64x128xf32, #tpu.memory_space<hbm>>)
      tpu.yield
    }) : () -> ()
    %barrier3A_995 = arith.constant 0 : index
    tpu.barrier barrier_id(%barrier3A_995)
    "tpu.region"() ({
      %run_scoped3A = tpu.sem_alloc : memref<!tpu.dma_semaphore, #tpu.memory_space<semaphore_mem>>
      tpu.enqueue_dma source(%arg4 : memref<64x128xf32, #tpu.memory_space<hbm>>) target(%arg15 : memref<64x128xf32, #tpu.memory_space<vmem>>) target_semaphore(%run_scoped3A : memref<!tpu.dma_semaphore, #tpu.memory_space<semaphore_mem>>)
      tpu.wait_dma2 semaphore(%run_scoped3A : memref<!tpu.dma_semaphore, #tpu.memory_space<semaphore_mem>>) src(%arg4 : memref<64x128xf32, #tpu.memory_space<hbm>>) dst(%arg15 : memref<64x128xf32, #tpu.memory_space<vmem>>)
      tpu.yield
    }) : () -> ()
    %add3A_996 = arith.constant 0 : i32
    %add3A_997 = arith.addi %mul3A_2, %add3A_996 : i32
    %iota3A_998 = tpu.iota {dimensions = array<i32: 0>} : vector<16xi32>
    %add3A_999 = arith.constant 0 : i32
    %add3A_1000 = arith.addi %add3A_997, %add3A_999 : i32
    %add3A_1001 = vector.broadcast %add3A_1000 : i32 to vector<16xi32>
    %add3A_1002 = arith.addi %iota3A_998, %add3A_1001 : vector<16xi32>
    %swap3A_1003 = arith.constant 0 : index
    %swap3A_1004 = tpu.vector_load %arg9[%swap3A_1003] {strides = array<i32>} : memref<64xi32, #tpu.memory_space<vmem>>, vector<16xi32>,
    %swap3A_1005 = vector.shape_cast %swap3A_1004 : vector<16xi32> to vector<16xi32>
    %swap3A_1006 = vector.shape_cast %add3A_1002 : vector<16xi32> to vector<16xi32>
    tpu.vector_store %arg9[%swap3A_1003], %swap3A_1006 {strides = array<i32>} : memref<64xi32, #tpu.memory_space<vmem>>, vector<16xi32>,
    %iota3A_1007 = tpu.iota {dimensions = array<i32: 0>} : vector<16xi32>
    %add3A_1008 = arith.constant 16 : i32
    %add3A_1009 = arith.addi %add3A_997, %add3A_1008 : i32
    %add3A_1010 = vector.broadcast %add3A_1009 : i32 to vector<16xi32>
    %add3A_1011 = arith.addi %iota3A_1007, %add3A_1010 : vector<16xi32>
    %swap3A_1012 = arith.constant 16 : index
    %swap3A_1013 = tpu.vector_load %arg9[%swap3A_1012] {strides = array<i32>} : memref<64xi32, #tpu.memory_space<vmem>>, vector<16xi32>,
    %swap3A_1014 = vector.shape_cast %swap3A_1013 : vector<16xi32> to vector<16xi32>
    %swap3A_1015 = vector.shape_cast %add3A_1011 : vector<16xi32> to vector<16xi32>
    tpu.vector_store %arg9[%swap3A_1012], %swap3A_1015 {strides = array<i32>} : memref<64xi32, #tpu.memory_space<vmem>>, vector<16xi32>,
    %iota3A_1016 = tpu.iota {dimensions = array<i32: 0>} : vector<16xi32>
    %add3A_1017 = arith.constant 32 : i32
    %add3A_1018 = arith.addi %add3A_997, %add3A_1017 : i32
    %add3A_1019 = vector.broadcast %add3A_1018 : i32 to vector<16xi32>
    %add3A_1020 = arith.addi %iota3A_1016, %add3A_1019 : vector<16xi32>
    %swap3A_1021 = arith.constant 32 : index
    %swap3A_1022 = tpu.vector_load %arg9[%swap3A_1021] {strides = array<i32>} : memref<64xi32, #tpu.memory_space<vmem>>, vector<16xi32>,
    %swap3A_1023 = vector.shape_cast %swap3A_1022 : vector<16xi32> to vector<16xi32>
    %swap3A_1024 = vector.shape_cast %add3A_1020 : vector<16xi32> to vector<16xi32>
    tpu.vector_store %arg9[%swap3A_1021], %swap3A_1024 {strides = array<i32>} : memref<64xi32, #tpu.memory_space<vmem>>, vector<16xi32>,
    %iota3A_1025 = tpu.iota {dimensions = array<i32: 0>} : vector<16xi32>
    %add3A_1026 = arith.constant 48 : i32
    %add3A_1027 = arith.addi %add3A_997, %add3A_1026 : i32
    %add3A_1028 = vector.broadcast %add3A_1027 : i32 to vector<16xi32>
    %add3A_1029 = arith.addi %iota3A_1025, %add3A_1028 : vector<16xi32>
    %swap3A_1030 = arith.constant 48 : index
    %swap3A_1031 = tpu.vector_load %arg9[%swap3A_1030] {strides = array<i32>} : memref<64xi32, #tpu.memory_space<vmem>>, vector<16xi32>,
    %swap3A_1032 = vector.shape_cast %swap3A_1031 : vector<16xi32> to vector<16xi32>
    %swap3A_1033 = vector.shape_cast %add3A_1029 : vector<16xi32> to vector<16xi32>
    tpu.vector_store %arg9[%swap3A_1030], %swap3A_1033 {strides = array<i32>} : memref<64xi32, #tpu.memory_space<vmem>>, vector<16xi32>,
    "tpu.region"() ({
      %run_scoped3A = tpu.sem_alloc : memref<!tpu.dma_semaphore, #tpu.memory_space<semaphore_mem>>
      %dma_start3A_2008 = arith.constant 0 : i32
      %dma_start3A_2009 = arith.constant 0 : i32
      %dma_start3A_2010 = tpu.memref_slice %arg17[%dma_start3A_2008, %dma_start3A_2009] : memref<10240x128xf32, #tpu.memory_space<vmem_shared>> -> memref<10240x128xf32, #tpu.memory_space<vmem_shared>>
      tpu.enqueue_indirect_dma source(%arg15 : memref<64x128xf32, #tpu.memory_space<vmem>>) target(%dma_start3A_2010 : memref<10240x128xf32, #tpu.memory_space<vmem_shared>>) offsets(%arg9 : memref<64xi32, #tpu.memory_space<vmem>>) semaphore(%run_scoped3A : memref<!tpu.dma_semaphore, #tpu.memory_space<semaphore_mem>>)
      %dma_wait3A_2011 = arith.constant 0 : i32
      %dma_wait3A_2012 = arith.constant 0 : i32
      %dma_wait3A_2013 = tpu.memref_slice %arg17[%dma_wait3A_2011, %dma_wait3A_2012] : memref<10240x128xf32, #tpu.memory_space<vmem_shared>> -> memref<10240x128xf32, #tpu.memory_space<vmem_shared>>
      tpu.wait_indirect_dma semaphore(%run_scoped3A : memref<!tpu.dma_semaphore, #tpu.memory_space<semaphore_mem>>) src(%arg15 : memref<64x128xf32, #tpu.memory_space<vmem>>) dst(%dma_wait3A_2013 : memref<10240x128xf32, #tpu.memory_space<vmem_shared>>)
      tpu.yield
    }) : () -> ()
    %add3A_1034 = arith.constant 64 : i32
    %add3A_1035 = arith.addi %mul3A_2, %add3A_1034 : i32
    %iota3A_1036 = tpu.iota {dimensions = array<i32: 0>} : vector<16xi32>
    %add3A_1037 = arith.constant 0 : i32
    %add3A_1038 = arith.addi %add3A_1035, %add3A_1037 : i32
    %add3A_1039 = vector.broadcast %add3A_1038 : i32 to vector<16xi32>
    %add3A_1040 = arith.addi %iota3A_1036, %add3A_1039 : vector<16xi32>
    %swap3A_1041 = arith.constant 0 : index
    %swap3A_1042 = tpu.vector_load %arg9[%swap3A_1041] {strides = array<i32>} : memref<64xi32, #tpu.memory_space<vmem>>, vector<16xi32>,
    %swap3A_1043 = vector.shape_cast %swap3A_1042 : vector<16xi32> to vector<16xi32>
    %swap3A_1044 = vector.shape_cast %add3A_1040 : vector<16xi32> to vector<16xi32>
    tpu.vector_store %arg9[%swap3A_1041], %swap3A_1044 {strides = array<i32>} : memref<64xi32, #tpu.memory_space<vmem>>, vector<16xi32>,
    %iota3A_1045 = tpu.iota {dimensions = array<i32: 0>} : vector<16xi32>
    %add3A_1046 = arith.constant 16 : i32
    %add3A_1047 = arith.addi %add3A_1035, %add3A_1046 : i32
    %add3A_1048 = vector.broadcast %add3A_1047 : i32 to vector<16xi32>
    %add3A_1049 = arith.addi %iota3A_1045, %add3A_1048 : vector<16xi32>
    %swap3A_1050 = arith.constant 16 : index
    %swap3A_1051 = tpu.vector_load %arg9[%swap3A_1050] {strides = array<i32>} : memref<64xi32, #tpu.memory_space<vmem>>, vector<16xi32>,
    %swap3A_1052 = vector.shape_cast %swap3A_1051 : vector<16xi32> to vector<16xi32>
    %swap3A_1053 = vector.shape_cast %add3A_1049 : vector<16xi32> to vector<16xi32>
    tpu.vector_store %arg9[%swap3A_1050], %swap3A_1053 {strides = array<i32>} : memref<64xi32, #tpu.memory_space<vmem>>, vector<16xi32>,
    %iota3A_1054 = tpu.iota {dimensions = array<i32: 0>} : vector<16xi32>
    %add3A_1055 = arith.constant 32 : i32
    %add3A_1056 = arith.addi %add3A_1035, %add3A_1055 : i32
    %add3A_1057 = vector.broadcast %add3A_1056 : i32 to vector<16xi32>
    %add3A_1058 = arith.addi %iota3A_1054, %add3A_1057 : vector<16xi32>
    %swap3A_1059 = arith.constant 32 : index
    %swap3A_1060 = tpu.vector_load %arg9[%swap3A_1059] {strides = array<i32>} : memref<64xi32, #tpu.memory_space<vmem>>, vector<16xi32>,
    %swap3A_1061 = vector.shape_cast %swap3A_1060 : vector<16xi32> to vector<16xi32>
    %swap3A_1062 = vector.shape_cast %add3A_1058 : vector<16xi32> to vector<16xi32>
    tpu.vector_store %arg9[%swap3A_1059], %swap3A_1062 {strides = array<i32>} : memref<64xi32, #tpu.memory_space<vmem>>, vector<16xi32>,
    %iota3A_1063 = tpu.iota {dimensions = array<i32: 0>} : vector<16xi32>
    %add3A_1064 = arith.constant 48 : i32
    %add3A_1065 = arith.addi %add3A_1035, %add3A_1064 : i32
    %add3A_1066 = vector.broadcast %add3A_1065 : i32 to vector<16xi32>
    %add3A_1067 = arith.addi %iota3A_1063, %add3A_1066 : vector<16xi32>
    %swap3A_1068 = arith.constant 48 : index
    %swap3A_1069 = tpu.vector_load %arg9[%swap3A_1068] {strides = array<i32>} : memref<64xi32, #tpu.memory_space<vmem>>, vector<16xi32>,
    %swap3A_1070 = vector.shape_cast %swap3A_1069 : vector<16xi32> to vector<16xi32>
    %swap3A_1071 = vector.shape_cast %add3A_1067 : vector<16xi32> to vector<16xi32>
    tpu.vector_store %arg9[%swap3A_1068], %swap3A_1071 {strides = array<i32>} : memref<64xi32, #tpu.memory_space<vmem>>, vector<16xi32>,
    "tpu.region"() ({
      %run_scoped3A = tpu.sem_alloc : memref<!tpu.dma_semaphore, #tpu.memory_space<semaphore_mem>>
      %dma_start3A_2008 = arith.constant 0 : i32
      %dma_start3A_2009 = arith.constant 0 : i32
      %dma_start3A_2010 = tpu.memref_slice %arg17[%dma_start3A_2008, %dma_start3A_2009] : memref<10240x128xf32, #tpu.memory_space<vmem_shared>> -> memref<10240x128xf32, #tpu.memory_space<vmem_shared>>
      tpu.enqueue_indirect_dma source(%arg15 : memref<64x128xf32, #tpu.memory_space<vmem>>) target(%dma_start3A_2010 : memref<10240x128xf32, #tpu.memory_space<vmem_shared>>) offsets(%arg9 : memref<64xi32, #tpu.memory_space<vmem>>) semaphore(%run_scoped3A : memref<!tpu.dma_semaphore, #tpu.memory_space<semaphore_mem>>)
      %dma_wait3A_2011 = arith.constant 0 : i32
      %dma_wait3A_2012 = arith.constant 0 : i32
      %dma_wait3A_2013 = tpu.memref_slice %arg17[%dma_wait3A_2011, %dma_wait3A_2012] : memref<10240x128xf32, #tpu.memory_space<vmem_shared>> -> memref<10240x128xf32, #tpu.memory_space<vmem_shared>>
      tpu.wait_indirect_dma semaphore(%run_scoped3A : memref<!tpu.dma_semaphore, #tpu.memory_space<semaphore_mem>>) src(%arg15 : memref<64x128xf32, #tpu.memory_space<vmem>>) dst(%dma_wait3A_2013 : memref<10240x128xf32, #tpu.memory_space<vmem_shared>>)
      tpu.yield
    }) : () -> ()
    %add3A_1072 = arith.constant 128 : i32
    %add3A_1073 = arith.addi %mul3A_2, %add3A_1072 : i32
    %iota3A_1074 = tpu.iota {dimensions = array<i32: 0>} : vector<16xi32>
    %add3A_1075 = arith.constant 0 : i32
    %add3A_1076 = arith.addi %add3A_1073, %add3A_1075 : i32
    %add3A_1077 = vector.broadcast %add3A_1076 : i32 to vector<16xi32>
    %add3A_1078 = arith.addi %iota3A_1074, %add3A_1077 : vector<16xi32>
    %swap3A_1079 = arith.constant 0 : index
    %swap3A_1080 = tpu.vector_load %arg9[%swap3A_1079] {strides = array<i32>} : memref<64xi32, #tpu.memory_space<vmem>>, vector<16xi32>,
    %swap3A_1081 = vector.shape_cast %swap3A_1080 : vector<16xi32> to vector<16xi32>
    %swap3A_1082 = vector.shape_cast %add3A_1078 : vector<16xi32> to vector<16xi32>
    tpu.vector_store %arg9[%swap3A_1079], %swap3A_1082 {strides = array<i32>} : memref<64xi32, #tpu.memory_space<vmem>>, vector<16xi32>,
    %iota3A_1083 = tpu.iota {dimensions = array<i32: 0>} : vector<16xi32>
    %add3A_1084 = arith.constant 16 : i32
    %add3A_1085 = arith.addi %add3A_1073, %add3A_1084 : i32
    %add3A_1086 = vector.broadcast %add3A_1085 : i32 to vector<16xi32>
    %add3A_1087 = arith.addi %iota3A_1083, %add3A_1086 : vector<16xi32>
    %swap3A_1088 = arith.constant 16 : index
    %swap3A_1089 = tpu.vector_load %arg9[%swap3A_1088] {strides = array<i32>} : memref<64xi32, #tpu.memory_space<vmem>>, vector<16xi32>,
    %swap3A_1090 = vector.shape_cast %swap3A_1089 : vector<16xi32> to vector<16xi32>
    %swap3A_1091 = vector.shape_cast %add3A_1087 : vector<16xi32> to vector<16xi32>
    tpu.vector_store %arg9[%swap3A_1088], %swap3A_1091 {strides = array<i32>} : memref<64xi32, #tpu.memory_space<vmem>>, vector<16xi32>,
    %iota3A_1092 = tpu.iota {dimensions = array<i32: 0>} : vector<16xi32>
    %add3A_1093 = arith.constant 32 : i32
    %add3A_1094 = arith.addi %add3A_1073, %add3A_1093 : i32
    %add3A_1095 = vector.broadcast %add3A_1094 : i32 to vector<16xi32>
    %add3A_1096 = arith.addi %iota3A_1092, %add3A_1095 : vector<16xi32>
    %swap3A_1097 = arith.constant 32 : index
    %swap3A_1098 = tpu.vector_load %arg9[%swap3A_1097] {strides = array<i32>} : memref<64xi32, #tpu.memory_space<vmem>>, vector<16xi32>,
    %swap3A_1099 = vector.shape_cast %swap3A_1098 : vector<16xi32> to vector<16xi32>
    %swap3A_1100 = vector.shape_cast %add3A_1096 : vector<16xi32> to vector<16xi32>
    tpu.vector_store %arg9[%swap3A_1097], %swap3A_1100 {strides = array<i32>} : memref<64xi32, #tpu.memory_space<vmem>>, vector<16xi32>,
    %iota3A_1101 = tpu.iota {dimensions = array<i32: 0>} : vector<16xi32>
    %add3A_1102 = arith.constant 48 : i32
    %add3A_1103 = arith.addi %add3A_1073, %add3A_1102 : i32
    %add3A_1104 = vector.broadcast %add3A_1103 : i32 to vector<16xi32>
    %add3A_1105 = arith.addi %iota3A_1101, %add3A_1104 : vector<16xi32>
    %swap3A_1106 = arith.constant 48 : index
    %swap3A_1107 = tpu.vector_load %arg9[%swap3A_1106] {strides = array<i32>} : memref<64xi32, #tpu.memory_space<vmem>>, vector<16xi32>,
    %swap3A_1108 = vector.shape_cast %swap3A_1107 : vector<16xi32> to vector<16xi32>
    %swap3A_1109 = vector.shape_cast %add3A_1105 : vector<16xi32> to vector<16xi32>
    tpu.vector_store %arg9[%swap3A_1106], %swap3A_1109 {strides = array<i32>} : memref<64xi32, #tpu.memory_space<vmem>>, vector<16xi32>,
    "tpu.region"() ({
      %run_scoped3A = tpu.sem_alloc : memref<!tpu.dma_semaphore, #tpu.memory_space<semaphore_mem>>
      %dma_start3A_2008 = arith.constant 0 : i32
      %dma_start3A_2009 = arith.constant 0 : i32
      %dma_start3A_2010 = tpu.memref_slice %arg17[%dma_start3A_2008, %dma_start3A_2009] : memref<10240x128xf32, #tpu.memory_space<vmem_shared>> -> memref<10240x128xf32, #tpu.memory_space<vmem_shared>>
      tpu.enqueue_indirect_dma source(%arg15 : memref<64x128xf32, #tpu.memory_space<vmem>>) target(%dma_start3A_2010 : memref<10240x128xf32, #tpu.memory_space<vmem_shared>>) offsets(%arg9 : memref<64xi32, #tpu.memory_space<vmem>>) semaphore(%run_scoped3A : memref<!tpu.dma_semaphore, #tpu.memory_space<semaphore_mem>>)
      %dma_wait3A_2011 = arith.constant 0 : i32
      %dma_wait3A_2012 = arith.constant 0 : i32
      %dma_wait3A_2013 = tpu.memref_slice %arg17[%dma_wait3A_2011, %dma_wait3A_2012] : memref<10240x128xf32, #tpu.memory_space<vmem_shared>> -> memref<10240x128xf32, #tpu.memory_space<vmem_shared>>
      tpu.wait_indirect_dma semaphore(%run_scoped3A : memref<!tpu.dma_semaphore, #tpu.memory_space<semaphore_mem>>) src(%arg15 : memref<64x128xf32, #tpu.memory_space<vmem>>) dst(%dma_wait3A_2013 : memref<10240x128xf32, #tpu.memory_space<vmem_shared>>)
      tpu.yield
    }) : () -> ()
    %add3A_1110 = arith.constant 192 : i32
    %add3A_1111 = arith.addi %mul3A_2, %add3A_1110 : i32
    %iota3A_1112 = tpu.iota {dimensions = array<i32: 0>} : vector<16xi32>
    %add3A_1113 = arith.constant 0 : i32
    %add3A_1114 = arith.addi %add3A_1111, %add3A_1113 : i32
    %add3A_1115 = vector.broadcast %add3A_1114 : i32 to vector<16xi32>
    %add3A_1116 = arith.addi %iota3A_1112, %add3A_1115 : vector<16xi32>
    %swap3A_1117 = arith.constant 0 : index
    %swap3A_1118 = tpu.vector_load %arg9[%swap3A_1117] {strides = array<i32>} : memref<64xi32, #tpu.memory_space<vmem>>, vector<16xi32>,
    %swap3A_1119 = vector.shape_cast %swap3A_1118 : vector<16xi32> to vector<16xi32>
    %swap3A_1120 = vector.shape_cast %add3A_1116 : vector<16xi32> to vector<16xi32>
    tpu.vector_store %arg9[%swap3A_1117], %swap3A_1120 {strides = array<i32>} : memref<64xi32, #tpu.memory_space<vmem>>, vector<16xi32>,
    %iota3A_1121 = tpu.iota {dimensions = array<i32: 0>} : vector<16xi32>
    %add3A_1122 = arith.constant 16 : i32
    %add3A_1123 = arith.addi %add3A_1111, %add3A_1122 : i32
    %add3A_1124 = vector.broadcast %add3A_1123 : i32 to vector<16xi32>
    %add3A_1125 = arith.addi %iota3A_1121, %add3A_1124 : vector<16xi32>
    %swap3A_1126 = arith.constant 16 : index
    %swap3A_1127 = tpu.vector_load %arg9[%swap3A_1126] {strides = array<i32>} : memref<64xi32, #tpu.memory_space<vmem>>, vector<16xi32>,
    %swap3A_1128 = vector.shape_cast %swap3A_1127 : vector<16xi32> to vector<16xi32>
    %swap3A_1129 = vector.shape_cast %add3A_1125 : vector<16xi32> to vector<16xi32>
    tpu.vector_store %arg9[%swap3A_1126], %swap3A_1129 {strides = array<i32>} : memref<64xi32, #tpu.memory_space<vmem>>, vector<16xi32>,
    %iota3A_1130 = tpu.iota {dimensions = array<i32: 0>} : vector<16xi32>
    %add3A_1131 = arith.constant 32 : i32
    %add3A_1132 = arith.addi %add3A_1111, %add3A_1131 : i32
    %add3A_1133 = vector.broadcast %add3A_1132 : i32 to vector<16xi32>
    %add3A_1134 = arith.addi %iota3A_1130, %add3A_1133 : vector<16xi32>
    %swap3A_1135 = arith.constant 32 : index
    %swap3A_1136 = tpu.vector_load %arg9[%swap3A_1135] {strides = array<i32>} : memref<64xi32, #tpu.memory_space<vmem>>, vector<16xi32>,
    %swap3A_1137 = vector.shape_cast %swap3A_1136 : vector<16xi32> to vector<16xi32>
    %swap3A_1138 = vector.shape_cast %add3A_1134 : vector<16xi32> to vector<16xi32>
    tpu.vector_store %arg9[%swap3A_1135], %swap3A_1138 {strides = array<i32>} : memref<64xi32, #tpu.memory_space<vmem>>, vector<16xi32>,
    %iota3A_1139 = tpu.iota {dimensions = array<i32: 0>} : vector<16xi32>
    %add3A_1140 = arith.constant 48 : i32
    %add3A_1141 = arith.addi %add3A_1111, %add3A_1140 : i32
    %add3A_1142 = vector.broadcast %add3A_1141 : i32 to vector<16xi32>
    %add3A_1143 = arith.addi %iota3A_1139, %add3A_1142 : vector<16xi32>
    %swap3A_1144 = arith.constant 48 : index
    %swap3A_1145 = tpu.vector_load %arg9[%swap3A_1144] {strides = array<i32>} : memref<64xi32, #tpu.memory_space<vmem>>, vector<16xi32>,
    %swap3A_1146 = vector.shape_cast %swap3A_1145 : vector<16xi32> to vector<16xi32>
    %swap3A_1147 = vector.shape_cast %add3A_1143 : vector<16xi32> to vector<16xi32>
    tpu.vector_store %arg9[%swap3A_1144], %swap3A_1147 {strides = array<i32>} : memref<64xi32, #tpu.memory_space<vmem>>, vector<16xi32>,
    "tpu.region"() ({
      %run_scoped3A = tpu.sem_alloc : memref<!tpu.dma_semaphore, #tpu.memory_space<semaphore_mem>>
      %dma_start3A_2008 = arith.constant 0 : i32
      %dma_start3A_2009 = arith.constant 0 : i32
      %dma_start3A_2010 = tpu.memref_slice %arg17[%dma_start3A_2008, %dma_start3A_2009] : memref<10240x128xf32, #tpu.memory_space<vmem_shared>> -> memref<10240x128xf32, #tpu.memory_space<vmem_shared>>
      tpu.enqueue_indirect_dma source(%arg15 : memref<64x128xf32, #tpu.memory_space<vmem>>) target(%dma_start3A_2010 : memref<10240x128xf32, #tpu.memory_space<vmem_shared>>) offsets(%arg9 : memref<64xi32, #tpu.memory_space<vmem>>) semaphore(%run_scoped3A : memref<!tpu.dma_semaphore, #tpu.memory_space<semaphore_mem>>)
      %dma_wait3A_2011 = arith.constant 0 : i32
      %dma_wait3A_2012 = arith.constant 0 : i32
      %dma_wait3A_2013 = tpu.memref_slice %arg17[%dma_wait3A_2011, %dma_wait3A_2012] : memref<10240x128xf32, #tpu.memory_space<vmem_shared>> -> memref<10240x128xf32, #tpu.memory_space<vmem_shared>>
      tpu.wait_indirect_dma semaphore(%run_scoped3A : memref<!tpu.dma_semaphore, #tpu.memory_space<semaphore_mem>>) src(%arg15 : memref<64x128xf32, #tpu.memory_space<vmem>>) dst(%dma_wait3A_2013 : memref<10240x128xf32, #tpu.memory_space<vmem_shared>>)
      tpu.yield
    }) : () -> ()
    %add3A_1148 = arith.constant 256 : i32
    %add3A_1149 = arith.addi %mul3A_2, %add3A_1148 : i32
    %iota3A_1150 = tpu.iota {dimensions = array<i32: 0>} : vector<16xi32>
    %add3A_1151 = arith.constant 0 : i32
    %add3A_1152 = arith.addi %add3A_1149, %add3A_1151 : i32
    %add3A_1153 = vector.broadcast %add3A_1152 : i32 to vector<16xi32>
    %add3A_1154 = arith.addi %iota3A_1150, %add3A_1153 : vector<16xi32>
    %swap3A_1155 = arith.constant 0 : index
    %swap3A_1156 = tpu.vector_load %arg9[%swap3A_1155] {strides = array<i32>} : memref<64xi32, #tpu.memory_space<vmem>>, vector<16xi32>,
    %swap3A_1157 = vector.shape_cast %swap3A_1156 : vector<16xi32> to vector<16xi32>
    %swap3A_1158 = vector.shape_cast %add3A_1154 : vector<16xi32> to vector<16xi32>
    tpu.vector_store %arg9[%swap3A_1155], %swap3A_1158 {strides = array<i32>} : memref<64xi32, #tpu.memory_space<vmem>>, vector<16xi32>,
    %iota3A_1159 = tpu.iota {dimensions = array<i32: 0>} : vector<16xi32>
    %add3A_1160 = arith.constant 16 : i32
    %add3A_1161 = arith.addi %add3A_1149, %add3A_1160 : i32
    %add3A_1162 = vector.broadcast %add3A_1161 : i32 to vector<16xi32>
    %add3A_1163 = arith.addi %iota3A_1159, %add3A_1162 : vector<16xi32>
    %swap3A_1164 = arith.constant 16 : index
    %swap3A_1165 = tpu.vector_load %arg9[%swap3A_1164] {strides = array<i32>} : memref<64xi32, #tpu.memory_space<vmem>>, vector<16xi32>,
    %swap3A_1166 = vector.shape_cast %swap3A_1165 : vector<16xi32> to vector<16xi32>
    %swap3A_1167 = vector.shape_cast %add3A_1163 : vector<16xi32> to vector<16xi32>
    tpu.vector_store %arg9[%swap3A_1164], %swap3A_1167 {strides = array<i32>} : memref<64xi32, #tpu.memory_space<vmem>>, vector<16xi32>,
    %iota3A_1168 = tpu.iota {dimensions = array<i32: 0>} : vector<16xi32>
    %add3A_1169 = arith.constant 32 : i32
    %add3A_1170 = arith.addi %add3A_1149, %add3A_1169 : i32
    %add3A_1171 = vector.broadcast %add3A_1170 : i32 to vector<16xi32>
    %add3A_1172 = arith.addi %iota3A_1168, %add3A_1171 : vector<16xi32>
    %swap3A_1173 = arith.constant 32 : index
    %swap3A_1174 = tpu.vector_load %arg9[%swap3A_1173] {strides = array<i32>} : memref<64xi32, #tpu.memory_space<vmem>>, vector<16xi32>,
    %swap3A_1175 = vector.shape_cast %swap3A_1174 : vector<16xi32> to vector<16xi32>
    %swap3A_1176 = vector.shape_cast %add3A_1172 : vector<16xi32> to vector<16xi32>
    tpu.vector_store %arg9[%swap3A_1173], %swap3A_1176 {strides = array<i32>} : memref<64xi32, #tpu.memory_space<vmem>>, vector<16xi32>,
    %iota3A_1177 = tpu.iota {dimensions = array<i32: 0>} : vector<16xi32>
    %add3A_1178 = arith.constant 48 : i32
    %add3A_1179 = arith.addi %add3A_1149, %add3A_1178 : i32
    %add3A_1180 = vector.broadcast %add3A_1179 : i32 to vector<16xi32>
    %add3A_1181 = arith.addi %iota3A_1177, %add3A_1180 : vector<16xi32>
    %swap3A_1182 = arith.constant 48 : index
    %swap3A_1183 = tpu.vector_load %arg9[%swap3A_1182] {strides = array<i32>} : memref<64xi32, #tpu.memory_space<vmem>>, vector<16xi32>,
    %swap3A_1184 = vector.shape_cast %swap3A_1183 : vector<16xi32> to vector<16xi32>
    %swap3A_1185 = vector.shape_cast %add3A_1181 : vector<16xi32> to vector<16xi32>
    tpu.vector_store %arg9[%swap3A_1182], %swap3A_1185 {strides = array<i32>} : memref<64xi32, #tpu.memory_space<vmem>>, vector<16xi32>,
    "tpu.region"() ({
      %run_scoped3A = tpu.sem_alloc : memref<!tpu.dma_semaphore, #tpu.memory_space<semaphore_mem>>
      %dma_start3A_2008 = arith.constant 0 : i32
      %dma_start3A_2009 = arith.constant 0 : i32
      %dma_start3A_2010 = tpu.memref_slice %arg17[%dma_start3A_2008, %dma_start3A_2009] : memref<10240x128xf32, #tpu.memory_space<vmem_shared>> -> memref<10240x128xf32, #tpu.memory_space<vmem_shared>>
      tpu.enqueue_indirect_dma source(%arg15 : memref<64x128xf32, #tpu.memory_space<vmem>>) target(%dma_start3A_2010 : memref<10240x128xf32, #tpu.memory_space<vmem_shared>>) offsets(%arg9 : memref<64xi32, #tpu.memory_space<vmem>>) semaphore(%run_scoped3A : memref<!tpu.dma_semaphore, #tpu.memory_space<semaphore_mem>>)
      %dma_wait3A_2011 = arith.constant 0 : i32
      %dma_wait3A_2012 = arith.constant 0 : i32
      %dma_wait3A_2013 = tpu.memref_slice %arg17[%dma_wait3A_2011, %dma_wait3A_2012] : memref<10240x128xf32, #tpu.memory_space<vmem_shared>> -> memref<10240x128xf32, #tpu.memory_space<vmem_shared>>
      tpu.wait_indirect_dma semaphore(%run_scoped3A : memref<!tpu.dma_semaphore, #tpu.memory_space<semaphore_mem>>) src(%arg15 : memref<64x128xf32, #tpu.memory_space<vmem>>) dst(%dma_wait3A_2013 : memref<10240x128xf32, #tpu.memory_space<vmem_shared>>)
      tpu.yield
    }) : () -> ()
    %add3A_1186 = arith.constant 320 : i32
    %add3A_1187 = arith.addi %mul3A_2, %add3A_1186 : i32
    %iota3A_1188 = tpu.iota {dimensions = array<i32: 0>} : vector<16xi32>
    %add3A_1189 = arith.constant 0 : i32
    %add3A_1190 = arith.addi %add3A_1187, %add3A_1189 : i32
    %add3A_1191 = vector.broadcast %add3A_1190 : i32 to vector<16xi32>
    %add3A_1192 = arith.addi %iota3A_1188, %add3A_1191 : vector<16xi32>
    %swap3A_1193 = arith.constant 0 : index
    %swap3A_1194 = tpu.vector_load %arg9[%swap3A_1193] {strides = array<i32>} : memref<64xi32, #tpu.memory_space<vmem>>, vector<16xi32>,
    %swap3A_1195 = vector.shape_cast %swap3A_1194 : vector<16xi32> to vector<16xi32>
    %swap3A_1196 = vector.shape_cast %add3A_1192 : vector<16xi32> to vector<16xi32>
    tpu.vector_store %arg9[%swap3A_1193], %swap3A_1196 {strides = array<i32>} : memref<64xi32, #tpu.memory_space<vmem>>, vector<16xi32>,
    %iota3A_1197 = tpu.iota {dimensions = array<i32: 0>} : vector<16xi32>
    %add3A_1198 = arith.constant 16 : i32
    %add3A_1199 = arith.addi %add3A_1187, %add3A_1198 : i32
    %add3A_1200 = vector.broadcast %add3A_1199 : i32 to vector<16xi32>
    %add3A_1201 = arith.addi %iota3A_1197, %add3A_1200 : vector<16xi32>
    %swap3A_1202 = arith.constant 16 : index
    %swap3A_1203 = tpu.vector_load %arg9[%swap3A_1202] {strides = array<i32>} : memref<64xi32, #tpu.memory_space<vmem>>, vector<16xi32>,
    %swap3A_1204 = vector.shape_cast %swap3A_1203 : vector<16xi32> to vector<16xi32>
    %swap3A_1205 = vector.shape_cast %add3A_1201 : vector<16xi32> to vector<16xi32>
    tpu.vector_store %arg9[%swap3A_1202], %swap3A_1205 {strides = array<i32>} : memref<64xi32, #tpu.memory_space<vmem>>, vector<16xi32>,
    %iota3A_1206 = tpu.iota {dimensions = array<i32: 0>} : vector<16xi32>
    %add3A_1207 = arith.constant 32 : i32
    %add3A_1208 = arith.addi %add3A_1187, %add3A_1207 : i32
    %add3A_1209 = vector.broadcast %add3A_1208 : i32 to vector<16xi32>
    %add3A_1210 = arith.addi %iota3A_1206, %add3A_1209 : vector<16xi32>
    %swap3A_1211 = arith.constant 32 : index
    %swap3A_1212 = tpu.vector_load %arg9[%swap3A_1211] {strides = array<i32>} : memref<64xi32, #tpu.memory_space<vmem>>, vector<16xi32>,
    %swap3A_1213 = vector.shape_cast %swap3A_1212 : vector<16xi32> to vector<16xi32>
    %swap3A_1214 = vector.shape_cast %add3A_1210 : vector<16xi32> to vector<16xi32>
    tpu.vector_store %arg9[%swap3A_1211], %swap3A_1214 {strides = array<i32>} : memref<64xi32, #tpu.memory_space<vmem>>, vector<16xi32>,
    %iota3A_1215 = tpu.iota {dimensions = array<i32: 0>} : vector<16xi32>
    %add3A_1216 = arith.constant 48 : i32
    %add3A_1217 = arith.addi %add3A_1187, %add3A_1216 : i32
    %add3A_1218 = vector.broadcast %add3A_1217 : i32 to vector<16xi32>
    %add3A_1219 = arith.addi %iota3A_1215, %add3A_1218 : vector<16xi32>
    %swap3A_1220 = arith.constant 48 : index
    %swap3A_1221 = tpu.vector_load %arg9[%swap3A_1220] {strides = array<i32>} : memref<64xi32, #tpu.memory_space<vmem>>, vector<16xi32>,
    %swap3A_1222 = vector.shape_cast %swap3A_1221 : vector<16xi32> to vector<16xi32>
    %swap3A_1223 = vector.shape_cast %add3A_1219 : vector<16xi32> to vector<16xi32>
    tpu.vector_store %arg9[%swap3A_1220], %swap3A_1223 {strides = array<i32>} : memref<64xi32, #tpu.memory_space<vmem>>, vector<16xi32>,
    "tpu.region"() ({
      %run_scoped3A = tpu.sem_alloc : memref<!tpu.dma_semaphore, #tpu.memory_space<semaphore_mem>>
      %dma_start3A_2008 = arith.constant 0 : i32
      %dma_start3A_2009 = arith.constant 0 : i32
      %dma_start3A_2010 = tpu.memref_slice %arg17[%dma_start3A_2008, %dma_start3A_2009] : memref<10240x128xf32, #tpu.memory_space<vmem_shared>> -> memref<10240x128xf32, #tpu.memory_space<vmem_shared>>
      tpu.enqueue_indirect_dma source(%arg15 : memref<64x128xf32, #tpu.memory_space<vmem>>) target(%dma_start3A_2010 : memref<10240x128xf32, #tpu.memory_space<vmem_shared>>) offsets(%arg9 : memref<64xi32, #tpu.memory_space<vmem>>) semaphore(%run_scoped3A : memref<!tpu.dma_semaphore, #tpu.memory_space<semaphore_mem>>)
      %dma_wait3A_2011 = arith.constant 0 : i32
      %dma_wait3A_2012 = arith.constant 0 : i32
      %dma_wait3A_2013 = tpu.memref_slice %arg17[%dma_wait3A_2011, %dma_wait3A_2012] : memref<10240x128xf32, #tpu.memory_space<vmem_shared>> -> memref<10240x128xf32, #tpu.memory_space<vmem_shared>>
      tpu.wait_indirect_dma semaphore(%run_scoped3A : memref<!tpu.dma_semaphore, #tpu.memory_space<semaphore_mem>>) src(%arg15 : memref<64x128xf32, #tpu.memory_space<vmem>>) dst(%dma_wait3A_2013 : memref<10240x128xf32, #tpu.memory_space<vmem_shared>>)
      tpu.yield
    }) : () -> ()
    %add3A_1224 = arith.constant 384 : i32
    %add3A_1225 = arith.addi %mul3A_2, %add3A_1224 : i32
    %iota3A_1226 = tpu.iota {dimensions = array<i32: 0>} : vector<16xi32>
    %add3A_1227 = arith.constant 0 : i32
    %add3A_1228 = arith.addi %add3A_1225, %add3A_1227 : i32
    %add3A_1229 = vector.broadcast %add3A_1228 : i32 to vector<16xi32>
    %add3A_1230 = arith.addi %iota3A_1226, %add3A_1229 : vector<16xi32>
    %swap3A_1231 = arith.constant 0 : index
    %swap3A_1232 = tpu.vector_load %arg9[%swap3A_1231] {strides = array<i32>} : memref<64xi32, #tpu.memory_space<vmem>>, vector<16xi32>,
    %swap3A_1233 = vector.shape_cast %swap3A_1232 : vector<16xi32> to vector<16xi32>
    %swap3A_1234 = vector.shape_cast %add3A_1230 : vector<16xi32> to vector<16xi32>
    tpu.vector_store %arg9[%swap3A_1231], %swap3A_1234 {strides = array<i32>} : memref<64xi32, #tpu.memory_space<vmem>>, vector<16xi32>,
    %iota3A_1235 = tpu.iota {dimensions = array<i32: 0>} : vector<16xi32>
    %add3A_1236 = arith.constant 16 : i32
    %add3A_1237 = arith.addi %add3A_1225, %add3A_1236 : i32
    %add3A_1238 = vector.broadcast %add3A_1237 : i32 to vector<16xi32>
    %add3A_1239 = arith.addi %iota3A_1235, %add3A_1238 : vector<16xi32>
    %swap3A_1240 = arith.constant 16 : index
    %swap3A_1241 = tpu.vector_load %arg9[%swap3A_1240] {strides = array<i32>} : memref<64xi32, #tpu.memory_space<vmem>>, vector<16xi32>,
    %swap3A_1242 = vector.shape_cast %swap3A_1241 : vector<16xi32> to vector<16xi32>
    %swap3A_1243 = vector.shape_cast %add3A_1239 : vector<16xi32> to vector<16xi32>
    tpu.vector_store %arg9[%swap3A_1240], %swap3A_1243 {strides = array<i32>} : memref<64xi32, #tpu.memory_space<vmem>>, vector<16xi32>,
    %iota3A_1244 = tpu.iota {dimensions = array<i32: 0>} : vector<16xi32>
    %add3A_1245 = arith.constant 32 : i32
    %add3A_1246 = arith.addi %add3A_1225, %add3A_1245 : i32
    %add3A_1247 = vector.broadcast %add3A_1246 : i32 to vector<16xi32>
    %add3A_1248 = arith.addi %iota3A_1244, %add3A_1247 : vector<16xi32>
    %swap3A_1249 = arith.constant 32 : index
    %swap3A_1250 = tpu.vector_load %arg9[%swap3A_1249] {strides = array<i32>} : memref<64xi32, #tpu.memory_space<vmem>>, vector<16xi32>,
    %swap3A_1251 = vector.shape_cast %swap3A_1250 : vector<16xi32> to vector<16xi32>
    %swap3A_1252 = vector.shape_cast %add3A_1248 : vector<16xi32> to vector<16xi32>
    tpu.vector_store %arg9[%swap3A_1249], %swap3A_1252 {strides = array<i32>} : memref<64xi32, #tpu.memory_space<vmem>>, vector<16xi32>,
    %iota3A_1253 = tpu.iota {dimensions = array<i32: 0>} : vector<16xi32>
    %add3A_1254 = arith.constant 48 : i32
    %add3A_1255 = arith.addi %add3A_1225, %add3A_1254 : i32
    %add3A_1256 = vector.broadcast %add3A_1255 : i32 to vector<16xi32>
    %add3A_1257 = arith.addi %iota3A_1253, %add3A_1256 : vector<16xi32>
    %swap3A_1258 = arith.constant 48 : index
    %swap3A_1259 = tpu.vector_load %arg9[%swap3A_1258] {strides = array<i32>} : memref<64xi32, #tpu.memory_space<vmem>>, vector<16xi32>,
    %swap3A_1260 = vector.shape_cast %swap3A_1259 : vector<16xi32> to vector<16xi32>
    %swap3A_1261 = vector.shape_cast %add3A_1257 : vector<16xi32> to vector<16xi32>
    tpu.vector_store %arg9[%swap3A_1258], %swap3A_1261 {strides = array<i32>} : memref<64xi32, #tpu.memory_space<vmem>>, vector<16xi32>,
    "tpu.region"() ({
      %run_scoped3A = tpu.sem_alloc : memref<!tpu.dma_semaphore, #tpu.memory_space<semaphore_mem>>
      %dma_start3A_2008 = arith.constant 0 : i32
      %dma_start3A_2009 = arith.constant 0 : i32
      %dma_start3A_2010 = tpu.memref_slice %arg17[%dma_start3A_2008, %dma_start3A_2009] : memref<10240x128xf32, #tpu.memory_space<vmem_shared>> -> memref<10240x128xf32, #tpu.memory_space<vmem_shared>>
      tpu.enqueue_indirect_dma source(%arg15 : memref<64x128xf32, #tpu.memory_space<vmem>>) target(%dma_start3A_2010 : memref<10240x128xf32, #tpu.memory_space<vmem_shared>>) offsets(%arg9 : memref<64xi32, #tpu.memory_space<vmem>>) semaphore(%run_scoped3A : memref<!tpu.dma_semaphore, #tpu.memory_space<semaphore_mem>>)
      %dma_wait3A_2011 = arith.constant 0 : i32
      %dma_wait3A_2012 = arith.constant 0 : i32
      %dma_wait3A_2013 = tpu.memref_slice %arg17[%dma_wait3A_2011, %dma_wait3A_2012] : memref<10240x128xf32, #tpu.memory_space<vmem_shared>> -> memref<10240x128xf32, #tpu.memory_space<vmem_shared>>
      tpu.wait_indirect_dma semaphore(%run_scoped3A : memref<!tpu.dma_semaphore, #tpu.memory_space<semaphore_mem>>) src(%arg15 : memref<64x128xf32, #tpu.memory_space<vmem>>) dst(%dma_wait3A_2013 : memref<10240x128xf32, #tpu.memory_space<vmem_shared>>)
      tpu.yield
    }) : () -> ()
    %add3A_1262 = arith.constant 448 : i32
    %add3A_1263 = arith.addi %mul3A_2, %add3A_1262 : i32
    %iota3A_1264 = tpu.iota {dimensions = array<i32: 0>} : vector<16xi32>
    %add3A_1265 = arith.constant 0 : i32
    %add3A_1266 = arith.addi %add3A_1263, %add3A_1265 : i32
    %add3A_1267 = vector.broadcast %add3A_1266 : i32 to vector<16xi32>
    %add3A_1268 = arith.addi %iota3A_1264, %add3A_1267 : vector<16xi32>
    %swap3A_1269 = arith.constant 0 : index
    %swap3A_1270 = tpu.vector_load %arg9[%swap3A_1269] {strides = array<i32>} : memref<64xi32, #tpu.memory_space<vmem>>, vector<16xi32>,
    %swap3A_1271 = vector.shape_cast %swap3A_1270 : vector<16xi32> to vector<16xi32>
    %swap3A_1272 = vector.shape_cast %add3A_1268 : vector<16xi32> to vector<16xi32>
    tpu.vector_store %arg9[%swap3A_1269], %swap3A_1272 {strides = array<i32>} : memref<64xi32, #tpu.memory_space<vmem>>, vector<16xi32>,
    %iota3A_1273 = tpu.iota {dimensions = array<i32: 0>} : vector<16xi32>
    %add3A_1274 = arith.constant 16 : i32
    %add3A_1275 = arith.addi %add3A_1263, %add3A_1274 : i32
    %add3A_1276 = vector.broadcast %add3A_1275 : i32 to vector<16xi32>
    %add3A_1277 = arith.addi %iota3A_1273, %add3A_1276 : vector<16xi32>
    %swap3A_1278 = arith.constant 16 : index
    %swap3A_1279 = tpu.vector_load %arg9[%swap3A_1278] {strides = array<i32>} : memref<64xi32, #tpu.memory_space<vmem>>, vector<16xi32>,
    %swap3A_1280 = vector.shape_cast %swap3A_1279 : vector<16xi32> to vector<16xi32>
    %swap3A_1281 = vector.shape_cast %add3A_1277 : vector<16xi32> to vector<16xi32>
    tpu.vector_store %arg9[%swap3A_1278], %swap3A_1281 {strides = array<i32>} : memref<64xi32, #tpu.memory_space<vmem>>, vector<16xi32>,
    %iota3A_1282 = tpu.iota {dimensions = array<i32: 0>} : vector<16xi32>
    %add3A_1283 = arith.constant 32 : i32
    %add3A_1284 = arith.addi %add3A_1263, %add3A_1283 : i32
    %add3A_1285 = vector.broadcast %add3A_1284 : i32 to vector<16xi32>
    %add3A_1286 = arith.addi %iota3A_1282, %add3A_1285 : vector<16xi32>
    %swap3A_1287 = arith.constant 32 : index
    %swap3A_1288 = tpu.vector_load %arg9[%swap3A_1287] {strides = array<i32>} : memref<64xi32, #tpu.memory_space<vmem>>, vector<16xi32>,
    %swap3A_1289 = vector.shape_cast %swap3A_1288 : vector<16xi32> to vector<16xi32>
    %swap3A_1290 = vector.shape_cast %add3A_1286 : vector<16xi32> to vector<16xi32>
    tpu.vector_store %arg9[%swap3A_1287], %swap3A_1290 {strides = array<i32>} : memref<64xi32, #tpu.memory_space<vmem>>, vector<16xi32>,
    %iota3A_1291 = tpu.iota {dimensions = array<i32: 0>} : vector<16xi32>
    %add3A_1292 = arith.constant 48 : i32
    %add3A_1293 = arith.addi %add3A_1263, %add3A_1292 : i32
    %add3A_1294 = vector.broadcast %add3A_1293 : i32 to vector<16xi32>
    %add3A_1295 = arith.addi %iota3A_1291, %add3A_1294 : vector<16xi32>
    %swap3A_1296 = arith.constant 48 : index
    %swap3A_1297 = tpu.vector_load %arg9[%swap3A_1296] {strides = array<i32>} : memref<64xi32, #tpu.memory_space<vmem>>, vector<16xi32>,
    %swap3A_1298 = vector.shape_cast %swap3A_1297 : vector<16xi32> to vector<16xi32>
    %swap3A_1299 = vector.shape_cast %add3A_1295 : vector<16xi32> to vector<16xi32>
    tpu.vector_store %arg9[%swap3A_1296], %swap3A_1299 {strides = array<i32>} : memref<64xi32, #tpu.memory_space<vmem>>, vector<16xi32>,
    "tpu.region"() ({
      %run_scoped3A = tpu.sem_alloc : memref<!tpu.dma_semaphore, #tpu.memory_space<semaphore_mem>>
      %dma_start3A_2008 = arith.constant 0 : i32
      %dma_start3A_2009 = arith.constant 0 : i32
      %dma_start3A_2010 = tpu.memref_slice %arg17[%dma_start3A_2008, %dma_start3A_2009] : memref<10240x128xf32, #tpu.memory_space<vmem_shared>> -> memref<10240x128xf32, #tpu.memory_space<vmem_shared>>
      tpu.enqueue_indirect_dma source(%arg15 : memref<64x128xf32, #tpu.memory_space<vmem>>) target(%dma_start3A_2010 : memref<10240x128xf32, #tpu.memory_space<vmem_shared>>) offsets(%arg9 : memref<64xi32, #tpu.memory_space<vmem>>) semaphore(%run_scoped3A : memref<!tpu.dma_semaphore, #tpu.memory_space<semaphore_mem>>)
      %dma_wait3A_2011 = arith.constant 0 : i32
      %dma_wait3A_2012 = arith.constant 0 : i32
      %dma_wait3A_2013 = tpu.memref_slice %arg17[%dma_wait3A_2011, %dma_wait3A_2012] : memref<10240x128xf32, #tpu.memory_space<vmem_shared>> -> memref<10240x128xf32, #tpu.memory_space<vmem_shared>>
      tpu.wait_indirect_dma semaphore(%run_scoped3A : memref<!tpu.dma_semaphore, #tpu.memory_space<semaphore_mem>>) src(%arg15 : memref<64x128xf32, #tpu.memory_space<vmem>>) dst(%dma_wait3A_2013 : memref<10240x128xf32, #tpu.memory_space<vmem_shared>>)
      tpu.yield
    }) : () -> ()
    %add3A_1300 = arith.constant 512 : i32
    %add3A_1301 = arith.addi %mul3A_2, %add3A_1300 : i32
    %iota3A_1302 = tpu.iota {dimensions = array<i32: 0>} : vector<16xi32>
    %add3A_1303 = arith.constant 0 : i32
    %add3A_1304 = arith.addi %add3A_1301, %add3A_1303 : i32
    %add3A_1305 = vector.broadcast %add3A_1304 : i32 to vector<16xi32>
    %add3A_1306 = arith.addi %iota3A_1302, %add3A_1305 : vector<16xi32>
    %swap3A_1307 = arith.constant 0 : index
    %swap3A_1308 = tpu.vector_load %arg9[%swap3A_1307] {strides = array<i32>} : memref<64xi32, #tpu.memory_space<vmem>>, vector<16xi32>,
    %swap3A_1309 = vector.shape_cast %swap3A_1308 : vector<16xi32> to vector<16xi32>
    %swap3A_1310 = vector.shape_cast %add3A_1306 : vector<16xi32> to vector<16xi32>
    tpu.vector_store %arg9[%swap3A_1307], %swap3A_1310 {strides = array<i32>} : memref<64xi32, #tpu.memory_space<vmem>>, vector<16xi32>,
    %iota3A_1311 = tpu.iota {dimensions = array<i32: 0>} : vector<16xi32>
    %add3A_1312 = arith.constant 16 : i32
    %add3A_1313 = arith.addi %add3A_1301, %add3A_1312 : i32
    %add3A_1314 = vector.broadcast %add3A_1313 : i32 to vector<16xi32>
    %add3A_1315 = arith.addi %iota3A_1311, %add3A_1314 : vector<16xi32>
    %swap3A_1316 = arith.constant 16 : index
    %swap3A_1317 = tpu.vector_load %arg9[%swap3A_1316] {strides = array<i32>} : memref<64xi32, #tpu.memory_space<vmem>>, vector<16xi32>,
    %swap3A_1318 = vector.shape_cast %swap3A_1317 : vector<16xi32> to vector<16xi32>
    %swap3A_1319 = vector.shape_cast %add3A_1315 : vector<16xi32> to vector<16xi32>
    tpu.vector_store %arg9[%swap3A_1316], %swap3A_1319 {strides = array<i32>} : memref<64xi32, #tpu.memory_space<vmem>>, vector<16xi32>,
    %iota3A_1320 = tpu.iota {dimensions = array<i32: 0>} : vector<16xi32>
    %add3A_1321 = arith.constant 32 : i32
    %add3A_1322 = arith.addi %add3A_1301, %add3A_1321 : i32
    %add3A_1323 = vector.broadcast %add3A_1322 : i32 to vector<16xi32>
    %add3A_1324 = arith.addi %iota3A_1320, %add3A_1323 : vector<16xi32>
    %swap3A_1325 = arith.constant 32 : index
    %swap3A_1326 = tpu.vector_load %arg9[%swap3A_1325] {strides = array<i32>} : memref<64xi32, #tpu.memory_space<vmem>>, vector<16xi32>,
    %swap3A_1327 = vector.shape_cast %swap3A_1326 : vector<16xi32> to vector<16xi32>
    %swap3A_1328 = vector.shape_cast %add3A_1324 : vector<16xi32> to vector<16xi32>
    tpu.vector_store %arg9[%swap3A_1325], %swap3A_1328 {strides = array<i32>} : memref<64xi32, #tpu.memory_space<vmem>>, vector<16xi32>,
    %iota3A_1329 = tpu.iota {dimensions = array<i32: 0>} : vector<16xi32>
    %add3A_1330 = arith.constant 48 : i32
    %add3A_1331 = arith.addi %add3A_1301, %add3A_1330 : i32
    %add3A_1332 = vector.broadcast %add3A_1331 : i32 to vector<16xi32>
    %add3A_1333 = arith.addi %iota3A_1329, %add3A_1332 : vector<16xi32>
    %swap3A_1334 = arith.constant 48 : index
    %swap3A_1335 = tpu.vector_load %arg9[%swap3A_1334] {strides = array<i32>} : memref<64xi32, #tpu.memory_space<vmem>>, vector<16xi32>,
    %swap3A_1336 = vector.shape_cast %swap3A_1335 : vector<16xi32> to vector<16xi32>
    %swap3A_1337 = vector.shape_cast %add3A_1333 : vector<16xi32> to vector<16xi32>
    tpu.vector_store %arg9[%swap3A_1334], %swap3A_1337 {strides = array<i32>} : memref<64xi32, #tpu.memory_space<vmem>>, vector<16xi32>,
    "tpu.region"() ({
      %run_scoped3A = tpu.sem_alloc : memref<!tpu.dma_semaphore, #tpu.memory_space<semaphore_mem>>
      %dma_start3A_2008 = arith.constant 0 : i32
      %dma_start3A_2009 = arith.constant 0 : i32
      %dma_start3A_2010 = tpu.memref_slice %arg17[%dma_start3A_2008, %dma_start3A_2009] : memref<10240x128xf32, #tpu.memory_space<vmem_shared>> -> memref<10240x128xf32, #tpu.memory_space<vmem_shared>>
      tpu.enqueue_indirect_dma source(%arg15 : memref<64x128xf32, #tpu.memory_space<vmem>>) target(%dma_start3A_2010 : memref<10240x128xf32, #tpu.memory_space<vmem_shared>>) offsets(%arg9 : memref<64xi32, #tpu.memory_space<vmem>>) semaphore(%run_scoped3A : memref<!tpu.dma_semaphore, #tpu.memory_space<semaphore_mem>>)
      %dma_wait3A_2011 = arith.constant 0 : i32
      %dma_wait3A_2012 = arith.constant 0 : i32
      %dma_wait3A_2013 = tpu.memref_slice %arg17[%dma_wait3A_2011, %dma_wait3A_2012] : memref<10240x128xf32, #tpu.memory_space<vmem_shared>> -> memref<10240x128xf32, #tpu.memory_space<vmem_shared>>
      tpu.wait_indirect_dma semaphore(%run_scoped3A : memref<!tpu.dma_semaphore, #tpu.memory_space<semaphore_mem>>) src(%arg15 : memref<64x128xf32, #tpu.memory_space<vmem>>) dst(%dma_wait3A_2013 : memref<10240x128xf32, #tpu.memory_space<vmem_shared>>)
      tpu.yield
    }) : () -> ()
    %add3A_1338 = arith.constant 576 : i32
    %add3A_1339 = arith.addi %mul3A_2, %add3A_1338 : i32
    %iota3A_1340 = tpu.iota {dimensions = array<i32: 0>} : vector<16xi32>
    %add3A_1341 = arith.constant 0 : i32
    %add3A_1342 = arith.addi %add3A_1339, %add3A_1341 : i32
    %add3A_1343 = vector.broadcast %add3A_1342 : i32 to vector<16xi32>
    %add3A_1344 = arith.addi %iota3A_1340, %add3A_1343 : vector<16xi32>
    %swap3A_1345 = arith.constant 0 : index
    %swap3A_1346 = tpu.vector_load %arg9[%swap3A_1345] {strides = array<i32>} : memref<64xi32, #tpu.memory_space<vmem>>, vector<16xi32>,
    %swap3A_1347 = vector.shape_cast %swap3A_1346 : vector<16xi32> to vector<16xi32>
    %swap3A_1348 = vector.shape_cast %add3A_1344 : vector<16xi32> to vector<16xi32>
    tpu.vector_store %arg9[%swap3A_1345], %swap3A_1348 {strides = array<i32>} : memref<64xi32, #tpu.memory_space<vmem>>, vector<16xi32>,
    %iota3A_1349 = tpu.iota {dimensions = array<i32: 0>} : vector<16xi32>
    %add3A_1350 = arith.constant 16 : i32
    %add3A_1351 = arith.addi %add3A_1339, %add3A_1350 : i32
    %add3A_1352 = vector.broadcast %add3A_1351 : i32 to vector<16xi32>
    %add3A_1353 = arith.addi %iota3A_1349, %add3A_1352 : vector<16xi32>
    %swap3A_1354 = arith.constant 16 : index
    %swap3A_1355 = tpu.vector_load %arg9[%swap3A_1354] {strides = array<i32>} : memref<64xi32, #tpu.memory_space<vmem>>, vector<16xi32>,
    %swap3A_1356 = vector.shape_cast %swap3A_1355 : vector<16xi32> to vector<16xi32>
    %swap3A_1357 = vector.shape_cast %add3A_1353 : vector<16xi32> to vector<16xi32>
    tpu.vector_store %arg9[%swap3A_1354], %swap3A_1357 {strides = array<i32>} : memref<64xi32, #tpu.memory_space<vmem>>, vector<16xi32>,
    %iota3A_1358 = tpu.iota {dimensions = array<i32: 0>} : vector<16xi32>
    %add3A_1359 = arith.constant 32 : i32
    %add3A_1360 = arith.addi %add3A_1339, %add3A_1359 : i32
    %add3A_1361 = vector.broadcast %add3A_1360 : i32 to vector<16xi32>
    %add3A_1362 = arith.addi %iota3A_1358, %add3A_1361 : vector<16xi32>
    %swap3A_1363 = arith.constant 32 : index
    %swap3A_1364 = tpu.vector_load %arg9[%swap3A_1363] {strides = array<i32>} : memref<64xi32, #tpu.memory_space<vmem>>, vector<16xi32>,
    %swap3A_1365 = vector.shape_cast %swap3A_1364 : vector<16xi32> to vector<16xi32>
    %swap3A_1366 = vector.shape_cast %add3A_1362 : vector<16xi32> to vector<16xi32>
    tpu.vector_store %arg9[%swap3A_1363], %swap3A_1366 {strides = array<i32>} : memref<64xi32, #tpu.memory_space<vmem>>, vector<16xi32>,
    %iota3A_1367 = tpu.iota {dimensions = array<i32: 0>} : vector<16xi32>
    %add3A_1368 = arith.constant 48 : i32
    %add3A_1369 = arith.addi %add3A_1339, %add3A_1368 : i32
    %add3A_1370 = vector.broadcast %add3A_1369 : i32 to vector<16xi32>
    %add3A_1371 = arith.addi %iota3A_1367, %add3A_1370 : vector<16xi32>
    %swap3A_1372 = arith.constant 48 : index
    %swap3A_1373 = tpu.vector_load %arg9[%swap3A_1372] {strides = array<i32>} : memref<64xi32, #tpu.memory_space<vmem>>, vector<16xi32>,
    %swap3A_1374 = vector.shape_cast %swap3A_1373 : vector<16xi32> to vector<16xi32>
    %swap3A_1375 = vector.shape_cast %add3A_1371 : vector<16xi32> to vector<16xi32>
    tpu.vector_store %arg9[%swap3A_1372], %swap3A_1375 {strides = array<i32>} : memref<64xi32, #tpu.memory_space<vmem>>, vector<16xi32>,
    "tpu.region"() ({
      %run_scoped3A = tpu.sem_alloc : memref<!tpu.dma_semaphore, #tpu.memory_space<semaphore_mem>>
      %dma_start3A_2008 = arith.constant 0 : i32
      %dma_start3A_2009 = arith.constant 0 : i32
      %dma_start3A_2010 = tpu.memref_slice %arg17[%dma_start3A_2008, %dma_start3A_2009] : memref<10240x128xf32, #tpu.memory_space<vmem_shared>> -> memref<10240x128xf32, #tpu.memory_space<vmem_shared>>
      tpu.enqueue_indirect_dma source(%arg15 : memref<64x128xf32, #tpu.memory_space<vmem>>) target(%dma_start3A_2010 : memref<10240x128xf32, #tpu.memory_space<vmem_shared>>) offsets(%arg9 : memref<64xi32, #tpu.memory_space<vmem>>) semaphore(%run_scoped3A : memref<!tpu.dma_semaphore, #tpu.memory_space<semaphore_mem>>)
      %dma_wait3A_2011 = arith.constant 0 : i32
      %dma_wait3A_2012 = arith.constant 0 : i32
      %dma_wait3A_2013 = tpu.memref_slice %arg17[%dma_wait3A_2011, %dma_wait3A_2012] : memref<10240x128xf32, #tpu.memory_space<vmem_shared>> -> memref<10240x128xf32, #tpu.memory_space<vmem_shared>>
      tpu.wait_indirect_dma semaphore(%run_scoped3A : memref<!tpu.dma_semaphore, #tpu.memory_space<semaphore_mem>>) src(%arg15 : memref<64x128xf32, #tpu.memory_space<vmem>>) dst(%dma_wait3A_2013 : memref<10240x128xf32, #tpu.memory_space<vmem_shared>>)
      tpu.yield
    }) : () -> ()
    %barrier3A_1376 = arith.constant 0 : index
    tpu.barrier barrier_id(%barrier3A_1376)
    "tpu.region"() ({
      %run_scoped3A = tpu.sem_alloc : memref<!tpu.dma_semaphore, #tpu.memory_space<semaphore_mem>>
      tpu.enqueue_dma source(%arg5 : memref<64x128xf32, #tpu.memory_space<hbm>>) target(%arg15 : memref<64x128xf32, #tpu.memory_space<vmem>>) target_semaphore(%run_scoped3A : memref<!tpu.dma_semaphore, #tpu.memory_space<semaphore_mem>>)
      tpu.wait_dma2 semaphore(%run_scoped3A : memref<!tpu.dma_semaphore, #tpu.memory_space<semaphore_mem>>) src(%arg5 : memref<64x128xf32, #tpu.memory_space<hbm>>) dst(%arg15 : memref<64x128xf32, #tpu.memory_space<vmem>>)
      tpu.yield
    }) : () -> ()
    %mul3A_1377 = arith.constant 80 : i32
    %mul3A_1378 = arith.muli %add3A, %mul3A_1377 : i32
    %add3A_1379 = arith.constant 0 : i32
    %add3A_1380 = arith.addi %mul3A_1378, %add3A_1379 : i32
    %add3A_1381 = arith.constant 0 : i32
    %add3A_1382 = arith.addi %add3A_1380, %add3A_1381 : i32
    "tpu.region"() ({
      %run_scoped3A = tpu.sem_alloc : memref<!tpu.dma_semaphore, #tpu.memory_space<semaphore_mem>>
      %dma_start3A_2008 = arith.constant 0 : i32
      %dma_start3A_2009 = tpu.memref_slice %arg3[%add3A_1382, %dma_start3A_2008] : memref<2560x128xi32, #tpu.memory_space<hbm>> -> memref<1x128xi32, #tpu.memory_space<hbm>>
      %dma_start3A_2010 = tpu.memref_squeeze %dma_start3A_2009 : memref<1x128xi32, #tpu.memory_space<hbm>> -> memref<128xi32, #tpu.memory_space<hbm>>
      %dma_start3A_2011 = arith.constant 0 : i32
      %dma_start3A_2012 = tpu.memref_slice %arg3[%add3A_1382, %dma_start3A_2011] : memref<2560x128xi32, #tpu.memory_space<hbm>> -> memref<1x128xi32, #tpu.memory_space<hbm>>
      %dma_start3A_2013 = tpu.memref_squeeze %dma_start3A_2012 : memref<1x128xi32, #tpu.memory_space<hbm>> -> memref<128xi32, #tpu.memory_space<hbm>>
      tpu.enqueue_dma source(%dma_start3A_2013 : memref<128xi32, #tpu.memory_space<hbm>>) target(%arg8 : memref<128xi32, #tpu.memory_space<vmem>>) target_semaphore(%run_scoped3A : memref<!tpu.dma_semaphore, #tpu.memory_space<semaphore_mem>>)
      %dma_wait3A_2014 = arith.constant 0 : i32
      %dma_wait3A_2015 = tpu.memref_slice %arg3[%add3A_1382, %dma_wait3A_2014] : memref<2560x128xi32, #tpu.memory_space<hbm>> -> memref<1x128xi32, #tpu.memory_space<hbm>>
      %dma_wait3A_2016 = tpu.memref_squeeze %dma_wait3A_2015 : memref<1x128xi32, #tpu.memory_space<hbm>> -> memref<128xi32, #tpu.memory_space<hbm>>
      %dma_wait3A_2017 = arith.constant 0 : i32
      %dma_wait3A_2018 = tpu.memref_slice %arg3[%add3A_1382, %dma_wait3A_2017] : memref<2560x128xi32, #tpu.memory_space<hbm>> -> memref<1x128xi32, #tpu.memory_space<hbm>>
      %dma_wait3A_2019 = tpu.memref_squeeze %dma_wait3A_2018 : memref<1x128xi32, #tpu.memory_space<hbm>> -> memref<128xi32, #tpu.memory_space<hbm>>
      tpu.wait_dma2 semaphore(%run_scoped3A : memref<!tpu.dma_semaphore, #tpu.memory_space<semaphore_mem>>) src(%dma_wait3A_2019 : memref<128xi32, #tpu.memory_space<hbm>>) dst(%arg8 : memref<128xi32, #tpu.memory_space<vmem>>)
      tpu.yield
    }) : () -> ()
    %get3A_1383 = arith.constant 0 : index
    %get3A_1384 = tpu.vector_load %arg8[%get3A_1383] {strides = array<i32>} : memref<128xi32, #tpu.memory_space<vmem>>, vector<16xi32>,
    %get3A_1385 = vector.shape_cast %get3A_1384 : vector<16xi32> to vector<16xi32>
    %and3A_1386 = arith.constant 16383 : i32
    %and3A_1387 = vector.broadcast %and3A_1386 : i32 to vector<16xi32>
    %and3A_1388 = arith.andi %get3A_1385, %and3A_1387 : vector<16xi32>
    %swap3A_1389 = arith.constant 0 : index
    %swap3A_1390 = tpu.vector_load %arg10[%swap3A_1389] {strides = array<i32>} : memref<64xi32, #tpu.memory_space<vmem>>, vector<16xi32>,
    %swap3A_1391 = vector.shape_cast %swap3A_1390 : vector<16xi32> to vector<16xi32>
    %swap3A_1392 = vector.shape_cast %and3A_1388 : vector<16xi32> to vector<16xi32>
    tpu.vector_store %arg10[%swap3A_1389], %swap3A_1392 {strides = array<i32>} : memref<64xi32, #tpu.memory_space<vmem>>, vector<16xi32>,
    %get3A_1393 = arith.constant 16 : index
    %get3A_1394 = tpu.vector_load %arg8[%get3A_1393] {strides = array<i32>} : memref<128xi32, #tpu.memory_space<vmem>>, vector<16xi32>,
    %get3A_1395 = vector.shape_cast %get3A_1394 : vector<16xi32> to vector<16xi32>
    %and3A_1396 = arith.constant 16383 : i32
    %and3A_1397 = vector.broadcast %and3A_1396 : i32 to vector<16xi32>
    %and3A_1398 = arith.andi %get3A_1395, %and3A_1397 : vector<16xi32>
    %swap3A_1399 = arith.constant 16 : index
    %swap3A_1400 = tpu.vector_load %arg10[%swap3A_1399] {strides = array<i32>} : memref<64xi32, #tpu.memory_space<vmem>>, vector<16xi32>,
    %swap3A_1401 = vector.shape_cast %swap3A_1400 : vector<16xi32> to vector<16xi32>
    %swap3A_1402 = vector.shape_cast %and3A_1398 : vector<16xi32> to vector<16xi32>
    tpu.vector_store %arg10[%swap3A_1399], %swap3A_1402 {strides = array<i32>} : memref<64xi32, #tpu.memory_space<vmem>>, vector<16xi32>,
    %get3A_1403 = arith.constant 32 : index
    %get3A_1404 = tpu.vector_load %arg8[%get3A_1403] {strides = array<i32>} : memref<128xi32, #tpu.memory_space<vmem>>, vector<16xi32>,
    %get3A_1405 = vector.shape_cast %get3A_1404 : vector<16xi32> to vector<16xi32>
    %and3A_1406 = arith.constant 16383 : i32
    %and3A_1407 = vector.broadcast %and3A_1406 : i32 to vector<16xi32>
    %and3A_1408 = arith.andi %get3A_1405, %and3A_1407 : vector<16xi32>
    %swap3A_1409 = arith.constant 32 : index
    %swap3A_1410 = tpu.vector_load %arg10[%swap3A_1409] {strides = array<i32>} : memref<64xi32, #tpu.memory_space<vmem>>, vector<16xi32>,
    %swap3A_1411 = vector.shape_cast %swap3A_1410 : vector<16xi32> to vector<16xi32>
    %swap3A_1412 = vector.shape_cast %and3A_1408 : vector<16xi32> to vector<16xi32>
    tpu.vector_store %arg10[%swap3A_1409], %swap3A_1412 {strides = array<i32>} : memref<64xi32, #tpu.memory_space<vmem>>, vector<16xi32>,
    %get3A_1413 = arith.constant 48 : index
    %get3A_1414 = tpu.vector_load %arg8[%get3A_1413] {strides = array<i32>} : memref<128xi32, #tpu.memory_space<vmem>>, vector<16xi32>,
    %get3A_1415 = vector.shape_cast %get3A_1414 : vector<16xi32> to vector<16xi32>
    %and3A_1416 = arith.constant 16383 : i32
    %and3A_1417 = vector.broadcast %and3A_1416 : i32 to vector<16xi32>
    %and3A_1418 = arith.andi %get3A_1415, %and3A_1417 : vector<16xi32>
    %swap3A_1419 = arith.constant 48 : index
    %swap3A_1420 = tpu.vector_load %arg10[%swap3A_1419] {strides = array<i32>} : memref<64xi32, #tpu.memory_space<vmem>>, vector<16xi32>,
    %swap3A_1421 = vector.shape_cast %swap3A_1420 : vector<16xi32> to vector<16xi32>
    %swap3A_1422 = vector.shape_cast %and3A_1418 : vector<16xi32> to vector<16xi32>
    tpu.vector_store %arg10[%swap3A_1419], %swap3A_1422 {strides = array<i32>} : memref<64xi32, #tpu.memory_space<vmem>>, vector<16xi32>,
    %dma_start3A_1423 = arith.constant 0 : i32
    %dma_start3A_1424 = arith.constant 0 : i32
    %dma_start3A_1425 = tpu.memref_slice %arg17[%dma_start3A_1423, %dma_start3A_1424] : memref<10240x128xf32, #tpu.memory_space<vmem_shared>> -> memref<10240x128xf32, #tpu.memory_space<vmem_shared>>
    tpu.enqueue_indirect_dma source(%arg15 : memref<64x128xf32, #tpu.memory_space<vmem>>) target(%dma_start3A_1425 : memref<10240x128xf32, #tpu.memory_space<vmem_shared>>) offsets(%arg10 : memref<64xi32, #tpu.memory_space<vmem>>) semaphore(%arg19 : memref<!tpu.dma_semaphore, #tpu.memory_space<semaphore_mem>>) {add = true}
    %get3A_1426 = arith.constant 64 : index
    %get3A_1427 = tpu.vector_load %arg8[%get3A_1426] {strides = array<i32>} : memref<128xi32, #tpu.memory_space<vmem>>, vector<16xi32>,
    %get3A_1428 = vector.shape_cast %get3A_1427 : vector<16xi32> to vector<16xi32>
    %and3A_1429 = arith.constant 16383 : i32
    %and3A_1430 = vector.broadcast %and3A_1429 : i32 to vector<16xi32>
    %and3A_1431 = arith.andi %get3A_1428, %and3A_1430 : vector<16xi32>
    %swap3A_1432 = arith.constant 0 : index
    %swap3A_1433 = tpu.vector_load %arg12[%swap3A_1432] {strides = array<i32>} : memref<64xi32, #tpu.memory_space<vmem>>, vector<16xi32>,
    %swap3A_1434 = vector.shape_cast %swap3A_1433 : vector<16xi32> to vector<16xi32>
    %swap3A_1435 = vector.shape_cast %and3A_1431 : vector<16xi32> to vector<16xi32>
    tpu.vector_store %arg12[%swap3A_1432], %swap3A_1435 {strides = array<i32>} : memref<64xi32, #tpu.memory_space<vmem>>, vector<16xi32>,
    %get3A_1436 = arith.constant 80 : index
    %get3A_1437 = tpu.vector_load %arg8[%get3A_1436] {strides = array<i32>} : memref<128xi32, #tpu.memory_space<vmem>>, vector<16xi32>,
    %get3A_1438 = vector.shape_cast %get3A_1437 : vector<16xi32> to vector<16xi32>
    %and3A_1439 = arith.constant 16383 : i32
    %and3A_1440 = vector.broadcast %and3A_1439 : i32 to vector<16xi32>
    %and3A_1441 = arith.andi %get3A_1438, %and3A_1440 : vector<16xi32>
    %swap3A_1442 = arith.constant 16 : index
    %swap3A_1443 = tpu.vector_load %arg12[%swap3A_1442] {strides = array<i32>} : memref<64xi32, #tpu.memory_space<vmem>>, vector<16xi32>,
    %swap3A_1444 = vector.shape_cast %swap3A_1443 : vector<16xi32> to vector<16xi32>
    %swap3A_1445 = vector.shape_cast %and3A_1441 : vector<16xi32> to vector<16xi32>
    tpu.vector_store %arg12[%swap3A_1442], %swap3A_1445 {strides = array<i32>} : memref<64xi32, #tpu.memory_space<vmem>>, vector<16xi32>,
    %get3A_1446 = arith.constant 96 : index
    %get3A_1447 = tpu.vector_load %arg8[%get3A_1446] {strides = array<i32>} : memref<128xi32, #tpu.memory_space<vmem>>, vector<16xi32>,
    %get3A_1448 = vector.shape_cast %get3A_1447 : vector<16xi32> to vector<16xi32>
    %and3A_1449 = arith.constant 16383 : i32
    %and3A_1450 = vector.broadcast %and3A_1449 : i32 to vector<16xi32>
    %and3A_1451 = arith.andi %get3A_1448, %and3A_1450 : vector<16xi32>
    %swap3A_1452 = arith.constant 32 : index
    %swap3A_1453 = tpu.vector_load %arg12[%swap3A_1452] {strides = array<i32>} : memref<64xi32, #tpu.memory_space<vmem>>, vector<16xi32>,
    %swap3A_1454 = vector.shape_cast %swap3A_1453 : vector<16xi32> to vector<16xi32>
    %swap3A_1455 = vector.shape_cast %and3A_1451 : vector<16xi32> to vector<16xi32>
    tpu.vector_store %arg12[%swap3A_1452], %swap3A_1455 {strides = array<i32>} : memref<64xi32, #tpu.memory_space<vmem>>, vector<16xi32>,
    %get3A_1456 = arith.constant 112 : index
    %get3A_1457 = tpu.vector_load %arg8[%get3A_1456] {strides = array<i32>} : memref<128xi32, #tpu.memory_space<vmem>>, vector<16xi32>,
    %get3A_1458 = vector.shape_cast %get3A_1457 : vector<16xi32> to vector<16xi32>
    %and3A_1459 = arith.constant 16383 : i32
    %and3A_1460 = vector.broadcast %and3A_1459 : i32 to vector<16xi32>
    %and3A_1461 = arith.andi %get3A_1458, %and3A_1460 : vector<16xi32>
    %swap3A_1462 = arith.constant 48 : index
    %swap3A_1463 = tpu.vector_load %arg12[%swap3A_1462] {strides = array<i32>} : memref<64xi32, #tpu.memory_space<vmem>>, vector<16xi32>,
    %swap3A_1464 = vector.shape_cast %swap3A_1463 : vector<16xi32> to vector<16xi32>
    %swap3A_1465 = vector.shape_cast %and3A_1461 : vector<16xi32> to vector<16xi32>
    tpu.vector_store %arg12[%swap3A_1462], %swap3A_1465 {strides = array<i32>} : memref<64xi32, #tpu.memory_space<vmem>>, vector<16xi32>,
    %dma_start3A_1466 = arith.constant 0 : i32
    %dma_start3A_1467 = arith.constant 0 : i32
    %dma_start3A_1468 = tpu.memref_slice %arg17[%dma_start3A_1466, %dma_start3A_1467] : memref<10240x128xf32, #tpu.memory_space<vmem_shared>> -> memref<10240x128xf32, #tpu.memory_space<vmem_shared>>
    tpu.enqueue_indirect_dma source(%arg15 : memref<64x128xf32, #tpu.memory_space<vmem>>) target(%dma_start3A_1468 : memref<10240x128xf32, #tpu.memory_space<vmem_shared>>) offsets(%arg12 : memref<64xi32, #tpu.memory_space<vmem>>) semaphore(%arg20 : memref<!tpu.dma_semaphore, #tpu.memory_space<semaphore_mem>>) {add = true}
    %mul3A_1469 = arith.constant 80 : i32
    %mul3A_1470 = arith.muli %add3A, %mul3A_1469 : i32
    %add3A_1471 = arith.constant 0 : i32
    %add3A_1472 = arith.addi %mul3A_1470, %add3A_1471 : i32
    %add3A_1473 = arith.constant 1 : i32
    %add3A_1474 = arith.addi %add3A_1472, %add3A_1473 : i32
    "tpu.region"() ({
      %run_scoped3A = tpu.sem_alloc : memref<!tpu.dma_semaphore, #tpu.memory_space<semaphore_mem>>
      %dma_start3A_2008 = arith.constant 0 : i32
      %dma_start3A_2009 = tpu.memref_slice %arg3[%add3A_1474, %dma_start3A_2008] : memref<2560x128xi32, #tpu.memory_space<hbm>> -> memref<1x128xi32, #tpu.memory_space<hbm>>
      %dma_start3A_2010 = tpu.memref_squeeze %dma_start3A_2009 : memref<1x128xi32, #tpu.memory_space<hbm>> -> memref<128xi32, #tpu.memory_space<hbm>>
      %dma_start3A_2011 = arith.constant 0 : i32
      %dma_start3A_2012 = tpu.memref_slice %arg3[%add3A_1474, %dma_start3A_2011] : memref<2560x128xi32, #tpu.memory_space<hbm>> -> memref<1x128xi32, #tpu.memory_space<hbm>>
      %dma_start3A_2013 = tpu.memref_squeeze %dma_start3A_2012 : memref<1x128xi32, #tpu.memory_space<hbm>> -> memref<128xi32, #tpu.memory_space<hbm>>
      tpu.enqueue_dma source(%dma_start3A_2013 : memref<128xi32, #tpu.memory_space<hbm>>) target(%arg8 : memref<128xi32, #tpu.memory_space<vmem>>) target_semaphore(%run_scoped3A : memref<!tpu.dma_semaphore, #tpu.memory_space<semaphore_mem>>)
      %dma_wait3A_2014 = arith.constant 0 : i32
      %dma_wait3A_2015 = tpu.memref_slice %arg3[%add3A_1474, %dma_wait3A_2014] : memref<2560x128xi32, #tpu.memory_space<hbm>> -> memref<1x128xi32, #tpu.memory_space<hbm>>
      %dma_wait3A_2016 = tpu.memref_squeeze %dma_wait3A_2015 : memref<1x128xi32, #tpu.memory_space<hbm>> -> memref<128xi32, #tpu.memory_space<hbm>>
      %dma_wait3A_2017 = arith.constant 0 : i32
      %dma_wait3A_2018 = tpu.memref_slice %arg3[%add3A_1474, %dma_wait3A_2017] : memref<2560x128xi32, #tpu.memory_space<hbm>> -> memref<1x128xi32, #tpu.memory_space<hbm>>
      %dma_wait3A_2019 = tpu.memref_squeeze %dma_wait3A_2018 : memref<1x128xi32, #tpu.memory_space<hbm>> -> memref<128xi32, #tpu.memory_space<hbm>>
      tpu.wait_dma2 semaphore(%run_scoped3A : memref<!tpu.dma_semaphore, #tpu.memory_space<semaphore_mem>>) src(%dma_wait3A_2019 : memref<128xi32, #tpu.memory_space<hbm>>) dst(%arg8 : memref<128xi32, #tpu.memory_space<vmem>>)
      tpu.yield
    }) : () -> ()
    %get3A_1475 = arith.constant 0 : index
    %get3A_1476 = tpu.vector_load %arg8[%get3A_1475] {strides = array<i32>} : memref<128xi32, #tpu.memory_space<vmem>>, vector<16xi32>,
    %get3A_1477 = vector.shape_cast %get3A_1476 : vector<16xi32> to vector<16xi32>
    %and3A_1478 = arith.constant 16383 : i32
    %and3A_1479 = vector.broadcast %and3A_1478 : i32 to vector<16xi32>
    %and3A_1480 = arith.andi %get3A_1477, %and3A_1479 : vector<16xi32>
    %swap3A_1481 = arith.constant 0 : index
    %swap3A_1482 = tpu.vector_load %arg13[%swap3A_1481] {strides = array<i32>} : memref<64xi32, #tpu.memory_space<vmem>>, vector<16xi32>,
    %swap3A_1483 = vector.shape_cast %swap3A_1482 : vector<16xi32> to vector<16xi32>
    %swap3A_1484 = vector.shape_cast %and3A_1480 : vector<16xi32> to vector<16xi32>
    tpu.vector_store %arg13[%swap3A_1481], %swap3A_1484 {strides = array<i32>} : memref<64xi32, #tpu.memory_space<vmem>>, vector<16xi32>,
    %get3A_1485 = arith.constant 16 : index
    %get3A_1486 = tpu.vector_load %arg8[%get3A_1485] {strides = array<i32>} : memref<128xi32, #tpu.memory_space<vmem>>, vector<16xi32>,
    %get3A_1487 = vector.shape_cast %get3A_1486 : vector<16xi32> to vector<16xi32>
    %and3A_1488 = arith.constant 16383 : i32
    %and3A_1489 = vector.broadcast %and3A_1488 : i32 to vector<16xi32>
    %and3A_1490 = arith.andi %get3A_1487, %and3A_1489 : vector<16xi32>
    %swap3A_1491 = arith.constant 16 : index
    %swap3A_1492 = tpu.vector_load %arg13[%swap3A_1491] {strides = array<i32>} : memref<64xi32, #tpu.memory_space<vmem>>, vector<16xi32>,
    %swap3A_1493 = vector.shape_cast %swap3A_1492 : vector<16xi32> to vector<16xi32>
    %swap3A_1494 = vector.shape_cast %and3A_1490 : vector<16xi32> to vector<16xi32>
    tpu.vector_store %arg13[%swap3A_1491], %swap3A_1494 {strides = array<i32>} : memref<64xi32, #tpu.memory_space<vmem>>, vector<16xi32>,
    %get3A_1495 = arith.constant 32 : index
    %get3A_1496 = tpu.vector_load %arg8[%get3A_1495] {strides = array<i32>} : memref<128xi32, #tpu.memory_space<vmem>>, vector<16xi32>,
    %get3A_1497 = vector.shape_cast %get3A_1496 : vector<16xi32> to vector<16xi32>
    %and3A_1498 = arith.constant 16383 : i32
    %and3A_1499 = vector.broadcast %and3A_1498 : i32 to vector<16xi32>
    %and3A_1500 = arith.andi %get3A_1497, %and3A_1499 : vector<16xi32>
    %swap3A_1501 = arith.constant 32 : index
    %swap3A_1502 = tpu.vector_load %arg13[%swap3A_1501] {strides = array<i32>} : memref<64xi32, #tpu.memory_space<vmem>>, vector<16xi32>,
    %swap3A_1503 = vector.shape_cast %swap3A_1502 : vector<16xi32> to vector<16xi32>
    %swap3A_1504 = vector.shape_cast %and3A_1500 : vector<16xi32> to vector<16xi32>
    tpu.vector_store %arg13[%swap3A_1501], %swap3A_1504 {strides = array<i32>} : memref<64xi32, #tpu.memory_space<vmem>>, vector<16xi32>,
    %get3A_1505 = arith.constant 48 : index
    %get3A_1506 = tpu.vector_load %arg8[%get3A_1505] {strides = array<i32>} : memref<128xi32, #tpu.memory_space<vmem>>, vector<16xi32>,
    %get3A_1507 = vector.shape_cast %get3A_1506 : vector<16xi32> to vector<16xi32>
    %and3A_1508 = arith.constant 16383 : i32
    %and3A_1509 = vector.broadcast %and3A_1508 : i32 to vector<16xi32>
    %and3A_1510 = arith.andi %get3A_1507, %and3A_1509 : vector<16xi32>
    %swap3A_1511 = arith.constant 48 : index
    %swap3A_1512 = tpu.vector_load %arg13[%swap3A_1511] {strides = array<i32>} : memref<64xi32, #tpu.memory_space<vmem>>, vector<16xi32>,
    %swap3A_1513 = vector.shape_cast %swap3A_1512 : vector<16xi32> to vector<16xi32>
    %swap3A_1514 = vector.shape_cast %and3A_1510 : vector<16xi32> to vector<16xi32>
    tpu.vector_store %arg13[%swap3A_1511], %swap3A_1514 {strides = array<i32>} : memref<64xi32, #tpu.memory_space<vmem>>, vector<16xi32>,
    %dma_start3A_1515 = arith.constant 0 : i32
    %dma_start3A_1516 = arith.constant 0 : i32
    %dma_start3A_1517 = tpu.memref_slice %arg17[%dma_start3A_1515, %dma_start3A_1516] : memref<10240x128xf32, #tpu.memory_space<vmem_shared>> -> memref<10240x128xf32, #tpu.memory_space<vmem_shared>>
    tpu.enqueue_indirect_dma source(%arg15 : memref<64x128xf32, #tpu.memory_space<vmem>>) target(%dma_start3A_1517 : memref<10240x128xf32, #tpu.memory_space<vmem_shared>>) offsets(%arg13 : memref<64xi32, #tpu.memory_space<vmem>>) semaphore(%arg21 : memref<!tpu.dma_semaphore, #tpu.memory_space<semaphore_mem>>) {add = true}
    %get3A_1518 = arith.constant 64 : index
    %get3A_1519 = tpu.vector_load %arg8[%get3A_1518] {strides = array<i32>} : memref<128xi32, #tpu.memory_space<vmem>>, vector<16xi32>,
    %get3A_1520 = vector.shape_cast %get3A_1519 : vector<16xi32> to vector<16xi32>
    %and3A_1521 = arith.constant 16383 : i32
    %and3A_1522 = vector.broadcast %and3A_1521 : i32 to vector<16xi32>
    %and3A_1523 = arith.andi %get3A_1520, %and3A_1522 : vector<16xi32>
    %swap3A_1524 = arith.constant 0 : index
    %swap3A_1525 = tpu.vector_load %arg14[%swap3A_1524] {strides = array<i32>} : memref<64xi32, #tpu.memory_space<vmem>>, vector<16xi32>,
    %swap3A_1526 = vector.shape_cast %swap3A_1525 : vector<16xi32> to vector<16xi32>
    %swap3A_1527 = vector.shape_cast %and3A_1523 : vector<16xi32> to vector<16xi32>
    tpu.vector_store %arg14[%swap3A_1524], %swap3A_1527 {strides = array<i32>} : memref<64xi32, #tpu.memory_space<vmem>>, vector<16xi32>,
    %get3A_1528 = arith.constant 80 : index
    %get3A_1529 = tpu.vector_load %arg8[%get3A_1528] {strides = array<i32>} : memref<128xi32, #tpu.memory_space<vmem>>, vector<16xi32>,
    %get3A_1530 = vector.shape_cast %get3A_1529 : vector<16xi32> to vector<16xi32>
    %and3A_1531 = arith.constant 16383 : i32
    %and3A_1532 = vector.broadcast %and3A_1531 : i32 to vector<16xi32>
    %and3A_1533 = arith.andi %get3A_1530, %and3A_1532 : vector<16xi32>
    %swap3A_1534 = arith.constant 16 : index
    %swap3A_1535 = tpu.vector_load %arg14[%swap3A_1534] {strides = array<i32>} : memref<64xi32, #tpu.memory_space<vmem>>, vector<16xi32>,
    %swap3A_1536 = vector.shape_cast %swap3A_1535 : vector<16xi32> to vector<16xi32>
    %swap3A_1537 = vector.shape_cast %and3A_1533 : vector<16xi32> to vector<16xi32>
    tpu.vector_store %arg14[%swap3A_1534], %swap3A_1537 {strides = array<i32>} : memref<64xi32, #tpu.memory_space<vmem>>, vector<16xi32>,
    %get3A_1538 = arith.constant 96 : index
    %get3A_1539 = tpu.vector_load %arg8[%get3A_1538] {strides = array<i32>} : memref<128xi32, #tpu.memory_space<vmem>>, vector<16xi32>,
    %get3A_1540 = vector.shape_cast %get3A_1539 : vector<16xi32> to vector<16xi32>
    %and3A_1541 = arith.constant 16383 : i32
    %and3A_1542 = vector.broadcast %and3A_1541 : i32 to vector<16xi32>
    %and3A_1543 = arith.andi %get3A_1540, %and3A_1542 : vector<16xi32>
    %swap3A_1544 = arith.constant 32 : index
    %swap3A_1545 = tpu.vector_load %arg14[%swap3A_1544] {strides = array<i32>} : memref<64xi32, #tpu.memory_space<vmem>>, vector<16xi32>,
    %swap3A_1546 = vector.shape_cast %swap3A_1545 : vector<16xi32> to vector<16xi32>
    %swap3A_1547 = vector.shape_cast %and3A_1543 : vector<16xi32> to vector<16xi32>
    tpu.vector_store %arg14[%swap3A_1544], %swap3A_1547 {strides = array<i32>} : memref<64xi32, #tpu.memory_space<vmem>>, vector<16xi32>,
    %get3A_1548 = arith.constant 112 : index
    %get3A_1549 = tpu.vector_load %arg8[%get3A_1548] {strides = array<i32>} : memref<128xi32, #tpu.memory_space<vmem>>, vector<16xi32>,
    %get3A_1550 = vector.shape_cast %get3A_1549 : vector<16xi32> to vector<16xi32>
    %and3A_1551 = arith.constant 16383 : i32
    %and3A_1552 = vector.broadcast %and3A_1551 : i32 to vector<16xi32>
    %and3A_1553 = arith.andi %get3A_1550, %and3A_1552 : vector<16xi32>
    %swap3A_1554 = arith.constant 48 : index
    %swap3A_1555 = tpu.vector_load %arg14[%swap3A_1554] {strides = array<i32>} : memref<64xi32, #tpu.memory_space<vmem>>, vector<16xi32>,
    %swap3A_1556 = vector.shape_cast %swap3A_1555 : vector<16xi32> to vector<16xi32>
    %swap3A_1557 = vector.shape_cast %and3A_1553 : vector<16xi32> to vector<16xi32>
    tpu.vector_store %arg14[%swap3A_1554], %swap3A_1557 {strides = array<i32>} : memref<64xi32, #tpu.memory_space<vmem>>, vector<16xi32>,
    %dma_start3A_1558 = arith.constant 0 : i32
    %dma_start3A_1559 = arith.constant 0 : i32
    %dma_start3A_1560 = tpu.memref_slice %arg17[%dma_start3A_1558, %dma_start3A_1559] : memref<10240x128xf32, #tpu.memory_space<vmem_shared>> -> memref<10240x128xf32, #tpu.memory_space<vmem_shared>>
    tpu.enqueue_indirect_dma source(%arg15 : memref<64x128xf32, #tpu.memory_space<vmem>>) target(%dma_start3A_1560 : memref<10240x128xf32, #tpu.memory_space<vmem_shared>>) offsets(%arg14 : memref<64xi32, #tpu.memory_space<vmem>>) semaphore(%arg22 : memref<!tpu.dma_semaphore, #tpu.memory_space<semaphore_mem>>) {add = true}
    %scan3A = arith.constant 0 : i32
    %scan3A_1561 = arith.constant 1 : i32
    %scan3A_1562 = arith.constant 39 : i32
    %scan3A_1563 = arith.addi %scan3A_1561, %scan3A_1562 : i32
    %scan3A_1564 = arith.constant 1 : i32
    %scan3A_1565 = scf.for %scan3A_2008 = %scan3A_1561 to %scan3A_1563 step %scan3A_1564 iter_args(%scan3A_2009 = %scan3A) -> (i32)  : i32 {
      %mul3A_2010 = arith.constant 80 : i32
      %mul3A_2011 = arith.muli %add3A, %mul3A_2010 : i32
      %mul3A_2012 = arith.constant 2 : i32
      %mul3A_2013 = arith.muli %mul3A_2012, %scan3A_2008 : i32
      %add3A_2014 = arith.addi %mul3A_2011, %mul3A_2013 : i32
      %add3A_2015 = arith.constant 0 : i32
      %add3A_2016 = arith.addi %add3A_2014, %add3A_2015 : i32
      "tpu.region"() ({
        %run_scoped3A = tpu.sem_alloc : memref<!tpu.dma_semaphore, #tpu.memory_space<semaphore_mem>>
        %dma_start3A_2197 = arith.constant 0 : i32
        %dma_start3A_2198 = tpu.memref_slice %arg3[%add3A_2016, %dma_start3A_2197] : memref<2560x128xi32, #tpu.memory_space<hbm>> -> memref<1x128xi32, #tpu.memory_space<hbm>>
        %dma_start3A_2199 = tpu.memref_squeeze %dma_start3A_2198 : memref<1x128xi32, #tpu.memory_space<hbm>> -> memref<128xi32, #tpu.memory_space<hbm>>
        %dma_start3A_2200 = arith.constant 0 : i32
        %dma_start3A_2201 = tpu.memref_slice %arg3[%add3A_2016, %dma_start3A_2200] : memref<2560x128xi32, #tpu.memory_space<hbm>> -> memref<1x128xi32, #tpu.memory_space<hbm>>
        %dma_start3A_2202 = tpu.memref_squeeze %dma_start3A_2201 : memref<1x128xi32, #tpu.memory_space<hbm>> -> memref<128xi32, #tpu.memory_space<hbm>>
        tpu.enqueue_dma source(%dma_start3A_2202 : memref<128xi32, #tpu.memory_space<hbm>>) target(%arg8 : memref<128xi32, #tpu.memory_space<vmem>>) target_semaphore(%run_scoped3A : memref<!tpu.dma_semaphore, #tpu.memory_space<semaphore_mem>>)
        %dma_wait3A_2203 = arith.constant 0 : i32
        %dma_wait3A_2204 = tpu.memref_slice %arg3[%add3A_2016, %dma_wait3A_2203] : memref<2560x128xi32, #tpu.memory_space<hbm>> -> memref<1x128xi32, #tpu.memory_space<hbm>>
        %dma_wait3A_2205 = tpu.memref_squeeze %dma_wait3A_2204 : memref<1x128xi32, #tpu.memory_space<hbm>> -> memref<128xi32, #tpu.memory_space<hbm>>
        %dma_wait3A_2206 = arith.constant 0 : i32
        %dma_wait3A_2207 = tpu.memref_slice %arg3[%add3A_2016, %dma_wait3A_2206] : memref<2560x128xi32, #tpu.memory_space<hbm>> -> memref<1x128xi32, #tpu.memory_space<hbm>>
        %dma_wait3A_2208 = tpu.memref_squeeze %dma_wait3A_2207 : memref<1x128xi32, #tpu.memory_space<hbm>> -> memref<128xi32, #tpu.memory_space<hbm>>
        tpu.wait_dma2 semaphore(%run_scoped3A : memref<!tpu.dma_semaphore, #tpu.memory_space<semaphore_mem>>) src(%dma_wait3A_2208 : memref<128xi32, #tpu.memory_space<hbm>>) dst(%arg8 : memref<128xi32, #tpu.memory_space<vmem>>)
        tpu.yield
      }) : () -> ()
      tpu.wait_dma2 semaphore(%arg19 : memref<!tpu.dma_semaphore, #tpu.memory_space<semaphore_mem>>) src(%arg4 : memref<64x128xf32, #tpu.memory_space<hbm>>) dst(%arg16 : memref<64x128xf32, #tpu.memory_space<vmem>>)
      %get3A_2017 = arith.constant 0 : index
      %get3A_2018 = tpu.vector_load %arg8[%get3A_2017] {strides = array<i32>} : memref<128xi32, #tpu.memory_space<vmem>>, vector<16xi32>,
      %get3A_2019 = vector.shape_cast %get3A_2018 : vector<16xi32> to vector<16xi32>
      %and3A_2020 = arith.constant 16383 : i32
      %and3A_2021 = vector.broadcast %and3A_2020 : i32 to vector<16xi32>
      %and3A_2022 = arith.andi %get3A_2019, %and3A_2021 : vector<16xi32>
      %swap3A_2023 = arith.constant 0 : index
      %swap3A_2024 = tpu.vector_load %arg10[%swap3A_2023] {strides = array<i32>} : memref<64xi32, #tpu.memory_space<vmem>>, vector<16xi32>,
      %swap3A_2025 = vector.shape_cast %swap3A_2024 : vector<16xi32> to vector<16xi32>
      %swap3A_2026 = vector.shape_cast %and3A_2022 : vector<16xi32> to vector<16xi32>
      tpu.vector_store %arg10[%swap3A_2023], %swap3A_2026 {strides = array<i32>} : memref<64xi32, #tpu.memory_space<vmem>>, vector<16xi32>,
      %get3A_2027 = arith.constant 16 : index
      %get3A_2028 = tpu.vector_load %arg8[%get3A_2027] {strides = array<i32>} : memref<128xi32, #tpu.memory_space<vmem>>, vector<16xi32>,
      %get3A_2029 = vector.shape_cast %get3A_2028 : vector<16xi32> to vector<16xi32>
      %and3A_2030 = arith.constant 16383 : i32
      %and3A_2031 = vector.broadcast %and3A_2030 : i32 to vector<16xi32>
      %and3A_2032 = arith.andi %get3A_2029, %and3A_2031 : vector<16xi32>
      %swap3A_2033 = arith.constant 16 : index
      %swap3A_2034 = tpu.vector_load %arg10[%swap3A_2033] {strides = array<i32>} : memref<64xi32, #tpu.memory_space<vmem>>, vector<16xi32>,
      %swap3A_2035 = vector.shape_cast %swap3A_2034 : vector<16xi32> to vector<16xi32>
      %swap3A_2036 = vector.shape_cast %and3A_2032 : vector<16xi32> to vector<16xi32>
      tpu.vector_store %arg10[%swap3A_2033], %swap3A_2036 {strides = array<i32>} : memref<64xi32, #tpu.memory_space<vmem>>, vector<16xi32>,
      %get3A_2037 = arith.constant 32 : index
      %get3A_2038 = tpu.vector_load %arg8[%get3A_2037] {strides = array<i32>} : memref<128xi32, #tpu.memory_space<vmem>>, vector<16xi32>,
      %get3A_2039 = vector.shape_cast %get3A_2038 : vector<16xi32> to vector<16xi32>
      %and3A_2040 = arith.constant 16383 : i32
      %and3A_2041 = vector.broadcast %and3A_2040 : i32 to vector<16xi32>
      %and3A_2042 = arith.andi %get3A_2039, %and3A_2041 : vector<16xi32>
      %swap3A_2043 = arith.constant 32 : index
      %swap3A_2044 = tpu.vector_load %arg10[%swap3A_2043] {strides = array<i32>} : memref<64xi32, #tpu.memory_space<vmem>>, vector<16xi32>,
      %swap3A_2045 = vector.shape_cast %swap3A_2044 : vector<16xi32> to vector<16xi32>
      %swap3A_2046 = vector.shape_cast %and3A_2042 : vector<16xi32> to vector<16xi32>
      tpu.vector_store %arg10[%swap3A_2043], %swap3A_2046 {strides = array<i32>} : memref<64xi32, #tpu.memory_space<vmem>>, vector<16xi32>,
      %get3A_2047 = arith.constant 48 : index
      %get3A_2048 = tpu.vector_load %arg8[%get3A_2047] {strides = array<i32>} : memref<128xi32, #tpu.memory_space<vmem>>, vector<16xi32>,
      %get3A_2049 = vector.shape_cast %get3A_2048 : vector<16xi32> to vector<16xi32>
      %and3A_2050 = arith.constant 16383 : i32
      %and3A_2051 = vector.broadcast %and3A_2050 : i32 to vector<16xi32>
      %and3A_2052 = arith.andi %get3A_2049, %and3A_2051 : vector<16xi32>
      %swap3A_2053 = arith.constant 48 : index
      %swap3A_2054 = tpu.vector_load %arg10[%swap3A_2053] {strides = array<i32>} : memref<64xi32, #tpu.memory_space<vmem>>, vector<16xi32>,
      %swap3A_2055 = vector.shape_cast %swap3A_2054 : vector<16xi32> to vector<16xi32>
      %swap3A_2056 = vector.shape_cast %and3A_2052 : vector<16xi32> to vector<16xi32>
      tpu.vector_store %arg10[%swap3A_2053], %swap3A_2056 {strides = array<i32>} : memref<64xi32, #tpu.memory_space<vmem>>, vector<16xi32>,
      %dma_start3A_2057 = arith.constant 0 : i32
      %dma_start3A_2058 = arith.constant 0 : i32
      %dma_start3A_2059 = tpu.memref_slice %arg17[%dma_start3A_2057, %dma_start3A_2058] : memref<10240x128xf32, #tpu.memory_space<vmem_shared>> -> memref<10240x128xf32, #tpu.memory_space<vmem_shared>>
      tpu.enqueue_indirect_dma source(%arg15 : memref<64x128xf32, #tpu.memory_space<vmem>>) target(%dma_start3A_2059 : memref<10240x128xf32, #tpu.memory_space<vmem_shared>>) offsets(%arg10 : memref<64xi32, #tpu.memory_space<vmem>>) semaphore(%arg19 : memref<!tpu.dma_semaphore, #tpu.memory_space<semaphore_mem>>) {add = true}
      tpu.wait_dma2 semaphore(%arg20 : memref<!tpu.dma_semaphore, #tpu.memory_space<semaphore_mem>>) src(%arg4 : memref<64x128xf32, #tpu.memory_space<hbm>>) dst(%arg16 : memref<64x128xf32, #tpu.memory_space<vmem>>)
      %get3A_2060 = arith.constant 64 : index
      %get3A_2061 = tpu.vector_load %arg8[%get3A_2060] {strides = array<i32>} : memref<128xi32, #tpu.memory_space<vmem>>, vector<16xi32>,
      %get3A_2062 = vector.shape_cast %get3A_2061 : vector<16xi32> to vector<16xi32>
      %and3A_2063 = arith.constant 16383 : i32
      %and3A_2064 = vector.broadcast %and3A_2063 : i32 to vector<16xi32>
      %and3A_2065 = arith.andi %get3A_2062, %and3A_2064 : vector<16xi32>
      %swap3A_2066 = arith.constant 0 : index
      %swap3A_2067 = tpu.vector_load %arg12[%swap3A_2066] {strides = array<i32>} : memref<64xi32, #tpu.memory_space<vmem>>, vector<16xi32>,
      %swap3A_2068 = vector.shape_cast %swap3A_2067 : vector<16xi32> to vector<16xi32>
      %swap3A_2069 = vector.shape_cast %and3A_2065 : vector<16xi32> to vector<16xi32>
      tpu.vector_store %arg12[%swap3A_2066], %swap3A_2069 {strides = array<i32>} : memref<64xi32, #tpu.memory_space<vmem>>, vector<16xi32>,
      %get3A_2070 = arith.constant 80 : index
      %get3A_2071 = tpu.vector_load %arg8[%get3A_2070] {strides = array<i32>} : memref<128xi32, #tpu.memory_space<vmem>>, vector<16xi32>,
      %get3A_2072 = vector.shape_cast %get3A_2071 : vector<16xi32> to vector<16xi32>
      %and3A_2073 = arith.constant 16383 : i32
      %and3A_2074 = vector.broadcast %and3A_2073 : i32 to vector<16xi32>
      %and3A_2075 = arith.andi %get3A_2072, %and3A_2074 : vector<16xi32>
      %swap3A_2076 = arith.constant 16 : index
      %swap3A_2077 = tpu.vector_load %arg12[%swap3A_2076] {strides = array<i32>} : memref<64xi32, #tpu.memory_space<vmem>>, vector<16xi32>,
      %swap3A_2078 = vector.shape_cast %swap3A_2077 : vector<16xi32> to vector<16xi32>
      %swap3A_2079 = vector.shape_cast %and3A_2075 : vector<16xi32> to vector<16xi32>
      tpu.vector_store %arg12[%swap3A_2076], %swap3A_2079 {strides = array<i32>} : memref<64xi32, #tpu.memory_space<vmem>>, vector<16xi32>,
      %get3A_2080 = arith.constant 96 : index
      %get3A_2081 = tpu.vector_load %arg8[%get3A_2080] {strides = array<i32>} : memref<128xi32, #tpu.memory_space<vmem>>, vector<16xi32>,
      %get3A_2082 = vector.shape_cast %get3A_2081 : vector<16xi32> to vector<16xi32>
      %and3A_2083 = arith.constant 16383 : i32
      %and3A_2084 = vector.broadcast %and3A_2083 : i32 to vector<16xi32>
      %and3A_2085 = arith.andi %get3A_2082, %and3A_2084 : vector<16xi32>
      %swap3A_2086 = arith.constant 32 : index
      %swap3A_2087 = tpu.vector_load %arg12[%swap3A_2086] {strides = array<i32>} : memref<64xi32, #tpu.memory_space<vmem>>, vector<16xi32>,
      %swap3A_2088 = vector.shape_cast %swap3A_2087 : vector<16xi32> to vector<16xi32>
      %swap3A_2089 = vector.shape_cast %and3A_2085 : vector<16xi32> to vector<16xi32>
      tpu.vector_store %arg12[%swap3A_2086], %swap3A_2089 {strides = array<i32>} : memref<64xi32, #tpu.memory_space<vmem>>, vector<16xi32>,
      %get3A_2090 = arith.constant 112 : index
      %get3A_2091 = tpu.vector_load %arg8[%get3A_2090] {strides = array<i32>} : memref<128xi32, #tpu.memory_space<vmem>>, vector<16xi32>,
      %get3A_2092 = vector.shape_cast %get3A_2091 : vector<16xi32> to vector<16xi32>
      %and3A_2093 = arith.constant 16383 : i32
      %and3A_2094 = vector.broadcast %and3A_2093 : i32 to vector<16xi32>
      %and3A_2095 = arith.andi %get3A_2092, %and3A_2094 : vector<16xi32>
      %swap3A_2096 = arith.constant 48 : index
      %swap3A_2097 = tpu.vector_load %arg12[%swap3A_2096] {strides = array<i32>} : memref<64xi32, #tpu.memory_space<vmem>>, vector<16xi32>,
      %swap3A_2098 = vector.shape_cast %swap3A_2097 : vector<16xi32> to vector<16xi32>
      %swap3A_2099 = vector.shape_cast %and3A_2095 : vector<16xi32> to vector<16xi32>
      tpu.vector_store %arg12[%swap3A_2096], %swap3A_2099 {strides = array<i32>} : memref<64xi32, #tpu.memory_space<vmem>>, vector<16xi32>,
      %dma_start3A_2100 = arith.constant 0 : i32
      %dma_start3A_2101 = arith.constant 0 : i32
      %dma_start3A_2102 = tpu.memref_slice %arg17[%dma_start3A_2100, %dma_start3A_2101] : memref<10240x128xf32, #tpu.memory_space<vmem_shared>> -> memref<10240x128xf32, #tpu.memory_space<vmem_shared>>
      tpu.enqueue_indirect_dma source(%arg15 : memref<64x128xf32, #tpu.memory_space<vmem>>) target(%dma_start3A_2102 : memref<10240x128xf32, #tpu.memory_space<vmem_shared>>) offsets(%arg12 : memref<64xi32, #tpu.memory_space<vmem>>) semaphore(%arg20 : memref<!tpu.dma_semaphore, #tpu.memory_space<semaphore_mem>>) {add = true}
      %mul3A_2103 = arith.constant 80 : i32
      %mul3A_2104 = arith.muli %add3A, %mul3A_2103 : i32
      %mul3A_2105 = arith.constant 2 : i32
      %mul3A_2106 = arith.muli %mul3A_2105, %scan3A_2008 : i32
      %add3A_2107 = arith.addi %mul3A_2104, %mul3A_2106 : i32
      %add3A_2108 = arith.constant 1 : i32
      %add3A_2109 = arith.addi %add3A_2107, %add3A_2108 : i32
      "tpu.region"() ({
        %run_scoped3A = tpu.sem_alloc : memref<!tpu.dma_semaphore, #tpu.memory_space<semaphore_mem>>
        %dma_start3A_2197 = arith.constant 0 : i32
        %dma_start3A_2198 = tpu.memref_slice %arg3[%add3A_2109, %dma_start3A_2197] : memref<2560x128xi32, #tpu.memory_space<hbm>> -> memref<1x128xi32, #tpu.memory_space<hbm>>
        %dma_start3A_2199 = tpu.memref_squeeze %dma_start3A_2198 : memref<1x128xi32, #tpu.memory_space<hbm>> -> memref<128xi32, #tpu.memory_space<hbm>>
        %dma_start3A_2200 = arith.constant 0 : i32
        %dma_start3A_2201 = tpu.memref_slice %arg3[%add3A_2109, %dma_start3A_2200] : memref<2560x128xi32, #tpu.memory_space<hbm>> -> memref<1x128xi32, #tpu.memory_space<hbm>>
        %dma_start3A_2202 = tpu.memref_squeeze %dma_start3A_2201 : memref<1x128xi32, #tpu.memory_space<hbm>> -> memref<128xi32, #tpu.memory_space<hbm>>
        tpu.enqueue_dma source(%dma_start3A_2202 : memref<128xi32, #tpu.memory_space<hbm>>) target(%arg8 : memref<128xi32, #tpu.memory_space<vmem>>) target_semaphore(%run_scoped3A : memref<!tpu.dma_semaphore, #tpu.memory_space<semaphore_mem>>)
        %dma_wait3A_2203 = arith.constant 0 : i32
        %dma_wait3A_2204 = tpu.memref_slice %arg3[%add3A_2109, %dma_wait3A_2203] : memref<2560x128xi32, #tpu.memory_space<hbm>> -> memref<1x128xi32, #tpu.memory_space<hbm>>
        %dma_wait3A_2205 = tpu.memref_squeeze %dma_wait3A_2204 : memref<1x128xi32, #tpu.memory_space<hbm>> -> memref<128xi32, #tpu.memory_space<hbm>>
        %dma_wait3A_2206 = arith.constant 0 : i32
        %dma_wait3A_2207 = tpu.memref_slice %arg3[%add3A_2109, %dma_wait3A_2206] : memref<2560x128xi32, #tpu.memory_space<hbm>> -> memref<1x128xi32, #tpu.memory_space<hbm>>
        %dma_wait3A_2208 = tpu.memref_squeeze %dma_wait3A_2207 : memref<1x128xi32, #tpu.memory_space<hbm>> -> memref<128xi32, #tpu.memory_space<hbm>>
        tpu.wait_dma2 semaphore(%run_scoped3A : memref<!tpu.dma_semaphore, #tpu.memory_space<semaphore_mem>>) src(%dma_wait3A_2208 : memref<128xi32, #tpu.memory_space<hbm>>) dst(%arg8 : memref<128xi32, #tpu.memory_space<vmem>>)
        tpu.yield
      }) : () -> ()
      tpu.wait_dma2 semaphore(%arg21 : memref<!tpu.dma_semaphore, #tpu.memory_space<semaphore_mem>>) src(%arg4 : memref<64x128xf32, #tpu.memory_space<hbm>>) dst(%arg16 : memref<64x128xf32, #tpu.memory_space<vmem>>)
      %get3A_2110 = arith.constant 0 : index
      %get3A_2111 = tpu.vector_load %arg8[%get3A_2110] {strides = array<i32>} : memref<128xi32, #tpu.memory_space<vmem>>, vector<16xi32>,
      %get3A_2112 = vector.shape_cast %get3A_2111 : vector<16xi32> to vector<16xi32>
      %and3A_2113 = arith.constant 16383 : i32
      %and3A_2114 = vector.broadcast %and3A_2113 : i32 to vector<16xi32>
      %and3A_2115 = arith.andi %get3A_2112, %and3A_2114 : vector<16xi32>
      %swap3A_2116 = arith.constant 0 : index
      %swap3A_2117 = tpu.vector_load %arg13[%swap3A_2116] {strides = array<i32>} : memref<64xi32, #tpu.memory_space<vmem>>, vector<16xi32>,
      %swap3A_2118 = vector.shape_cast %swap3A_2117 : vector<16xi32> to vector<16xi32>
      %swap3A_2119 = vector.shape_cast %and3A_2115 : vector<16xi32> to vector<16xi32>
      tpu.vector_store %arg13[%swap3A_2116], %swap3A_2119 {strides = array<i32>} : memref<64xi32, #tpu.memory_space<vmem>>, vector<16xi32>,
      %get3A_2120 = arith.constant 16 : index
      %get3A_2121 = tpu.vector_load %arg8[%get3A_2120] {strides = array<i32>} : memref<128xi32, #tpu.memory_space<vmem>>, vector<16xi32>,
      %get3A_2122 = vector.shape_cast %get3A_2121 : vector<16xi32> to vector<16xi32>
      %and3A_2123 = arith.constant 16383 : i32
      %and3A_2124 = vector.broadcast %and3A_2123 : i32 to vector<16xi32>
      %and3A_2125 = arith.andi %get3A_2122, %and3A_2124 : vector<16xi32>
      %swap3A_2126 = arith.constant 16 : index
      %swap3A_2127 = tpu.vector_load %arg13[%swap3A_2126] {strides = array<i32>} : memref<64xi32, #tpu.memory_space<vmem>>, vector<16xi32>,
      %swap3A_2128 = vector.shape_cast %swap3A_2127 : vector<16xi32> to vector<16xi32>
      %swap3A_2129 = vector.shape_cast %and3A_2125 : vector<16xi32> to vector<16xi32>
      tpu.vector_store %arg13[%swap3A_2126], %swap3A_2129 {strides = array<i32>} : memref<64xi32, #tpu.memory_space<vmem>>, vector<16xi32>,
      %get3A_2130 = arith.constant 32 : index
      %get3A_2131 = tpu.vector_load %arg8[%get3A_2130] {strides = array<i32>} : memref<128xi32, #tpu.memory_space<vmem>>, vector<16xi32>,
      %get3A_2132 = vector.shape_cast %get3A_2131 : vector<16xi32> to vector<16xi32>
      %and3A_2133 = arith.constant 16383 : i32
      %and3A_2134 = vector.broadcast %and3A_2133 : i32 to vector<16xi32>
      %and3A_2135 = arith.andi %get3A_2132, %and3A_2134 : vector<16xi32>
      %swap3A_2136 = arith.constant 32 : index
      %swap3A_2137 = tpu.vector_load %arg13[%swap3A_2136] {strides = array<i32>} : memref<64xi32, #tpu.memory_space<vmem>>, vector<16xi32>,
      %swap3A_2138 = vector.shape_cast %swap3A_2137 : vector<16xi32> to vector<16xi32>
      %swap3A_2139 = vector.shape_cast %and3A_2135 : vector<16xi32> to vector<16xi32>
      tpu.vector_store %arg13[%swap3A_2136], %swap3A_2139 {strides = array<i32>} : memref<64xi32, #tpu.memory_space<vmem>>, vector<16xi32>,
      %get3A_2140 = arith.constant 48 : index
      %get3A_2141 = tpu.vector_load %arg8[%get3A_2140] {strides = array<i32>} : memref<128xi32, #tpu.memory_space<vmem>>, vector<16xi32>,
      %get3A_2142 = vector.shape_cast %get3A_2141 : vector<16xi32> to vector<16xi32>
      %and3A_2143 = arith.constant 16383 : i32
      %and3A_2144 = vector.broadcast %and3A_2143 : i32 to vector<16xi32>
      %and3A_2145 = arith.andi %get3A_2142, %and3A_2144 : vector<16xi32>
      %swap3A_2146 = arith.constant 48 : index
      %swap3A_2147 = tpu.vector_load %arg13[%swap3A_2146] {strides = array<i32>} : memref<64xi32, #tpu.memory_space<vmem>>, vector<16xi32>,
      %swap3A_2148 = vector.shape_cast %swap3A_2147 : vector<16xi32> to vector<16xi32>
      %swap3A_2149 = vector.shape_cast %and3A_2145 : vector<16xi32> to vector<16xi32>
      tpu.vector_store %arg13[%swap3A_2146], %swap3A_2149 {strides = array<i32>} : memref<64xi32, #tpu.memory_space<vmem>>, vector<16xi32>,
      %dma_start3A_2150 = arith.constant 0 : i32
      %dma_start3A_2151 = arith.constant 0 : i32
      %dma_start3A_2152 = tpu.memref_slice %arg17[%dma_start3A_2150, %dma_start3A_2151] : memref<10240x128xf32, #tpu.memory_space<vmem_shared>> -> memref<10240x128xf32, #tpu.memory_space<vmem_shared>>
      tpu.enqueue_indirect_dma source(%arg15 : memref<64x128xf32, #tpu.memory_space<vmem>>) target(%dma_start3A_2152 : memref<10240x128xf32, #tpu.memory_space<vmem_shared>>) offsets(%arg13 : memref<64xi32, #tpu.memory_space<vmem>>) semaphore(%arg21 : memref<!tpu.dma_semaphore, #tpu.memory_space<semaphore_mem>>) {add = true}
      tpu.wait_dma2 semaphore(%arg22 : memref<!tpu.dma_semaphore, #tpu.memory_space<semaphore_mem>>) src(%arg4 : memref<64x128xf32, #tpu.memory_space<hbm>>) dst(%arg16 : memref<64x128xf32, #tpu.memory_space<vmem>>)
      %get3A_2153 = arith.constant 64 : index
      %get3A_2154 = tpu.vector_load %arg8[%get3A_2153] {strides = array<i32>} : memref<128xi32, #tpu.memory_space<vmem>>, vector<16xi32>,
      %get3A_2155 = vector.shape_cast %get3A_2154 : vector<16xi32> to vector<16xi32>
      %and3A_2156 = arith.constant 16383 : i32
      %and3A_2157 = vector.broadcast %and3A_2156 : i32 to vector<16xi32>
      %and3A_2158 = arith.andi %get3A_2155, %and3A_2157 : vector<16xi32>
      %swap3A_2159 = arith.constant 0 : index
      %swap3A_2160 = tpu.vector_load %arg14[%swap3A_2159] {strides = array<i32>} : memref<64xi32, #tpu.memory_space<vmem>>, vector<16xi32>,
      %swap3A_2161 = vector.shape_cast %swap3A_2160 : vector<16xi32> to vector<16xi32>
      %swap3A_2162 = vector.shape_cast %and3A_2158 : vector<16xi32> to vector<16xi32>
      tpu.vector_store %arg14[%swap3A_2159], %swap3A_2162 {strides = array<i32>} : memref<64xi32, #tpu.memory_space<vmem>>, vector<16xi32>,
      %get3A_2163 = arith.constant 80 : index
      %get3A_2164 = tpu.vector_load %arg8[%get3A_2163] {strides = array<i32>} : memref<128xi32, #tpu.memory_space<vmem>>, vector<16xi32>,
      %get3A_2165 = vector.shape_cast %get3A_2164 : vector<16xi32> to vector<16xi32>
      %and3A_2166 = arith.constant 16383 : i32
      %and3A_2167 = vector.broadcast %and3A_2166 : i32 to vector<16xi32>
      %and3A_2168 = arith.andi %get3A_2165, %and3A_2167 : vector<16xi32>
      %swap3A_2169 = arith.constant 16 : index
      %swap3A_2170 = tpu.vector_load %arg14[%swap3A_2169] {strides = array<i32>} : memref<64xi32, #tpu.memory_space<vmem>>, vector<16xi32>,
      %swap3A_2171 = vector.shape_cast %swap3A_2170 : vector<16xi32> to vector<16xi32>
      %swap3A_2172 = vector.shape_cast %and3A_2168 : vector<16xi32> to vector<16xi32>
      tpu.vector_store %arg14[%swap3A_2169], %swap3A_2172 {strides = array<i32>} : memref<64xi32, #tpu.memory_space<vmem>>, vector<16xi32>,
      %get3A_2173 = arith.constant 96 : index
      %get3A_2174 = tpu.vector_load %arg8[%get3A_2173] {strides = array<i32>} : memref<128xi32, #tpu.memory_space<vmem>>, vector<16xi32>,
      %get3A_2175 = vector.shape_cast %get3A_2174 : vector<16xi32> to vector<16xi32>
      %and3A_2176 = arith.constant 16383 : i32
      %and3A_2177 = vector.broadcast %and3A_2176 : i32 to vector<16xi32>
      %and3A_2178 = arith.andi %get3A_2175, %and3A_2177 : vector<16xi32>
      %swap3A_2179 = arith.constant 32 : index
      %swap3A_2180 = tpu.vector_load %arg14[%swap3A_2179] {strides = array<i32>} : memref<64xi32, #tpu.memory_space<vmem>>, vector<16xi32>,
      %swap3A_2181 = vector.shape_cast %swap3A_2180 : vector<16xi32> to vector<16xi32>
      %swap3A_2182 = vector.shape_cast %and3A_2178 : vector<16xi32> to vector<16xi32>
      tpu.vector_store %arg14[%swap3A_2179], %swap3A_2182 {strides = array<i32>} : memref<64xi32, #tpu.memory_space<vmem>>, vector<16xi32>,
      %get3A_2183 = arith.constant 112 : index
      %get3A_2184 = tpu.vector_load %arg8[%get3A_2183] {strides = array<i32>} : memref<128xi32, #tpu.memory_space<vmem>>, vector<16xi32>,
      %get3A_2185 = vector.shape_cast %get3A_2184 : vector<16xi32> to vector<16xi32>
      %and3A_2186 = arith.constant 16383 : i32
      %and3A_2187 = vector.broadcast %and3A_2186 : i32 to vector<16xi32>
      %and3A_2188 = arith.andi %get3A_2185, %and3A_2187 : vector<16xi32>
      %swap3A_2189 = arith.constant 48 : index
      %swap3A_2190 = tpu.vector_load %arg14[%swap3A_2189] {strides = array<i32>} : memref<64xi32, #tpu.memory_space<vmem>>, vector<16xi32>,
      %swap3A_2191 = vector.shape_cast %swap3A_2190 : vector<16xi32> to vector<16xi32>
      %swap3A_2192 = vector.shape_cast %and3A_2188 : vector<16xi32> to vector<16xi32>
      tpu.vector_store %arg14[%swap3A_2189], %swap3A_2192 {strides = array<i32>} : memref<64xi32, #tpu.memory_space<vmem>>, vector<16xi32>,
      %dma_start3A_2193 = arith.constant 0 : i32
      %dma_start3A_2194 = arith.constant 0 : i32
      %dma_start3A_2195 = tpu.memref_slice %arg17[%dma_start3A_2193, %dma_start3A_2194] : memref<10240x128xf32, #tpu.memory_space<vmem_shared>> -> memref<10240x128xf32, #tpu.memory_space<vmem_shared>>
      tpu.enqueue_indirect_dma source(%arg15 : memref<64x128xf32, #tpu.memory_space<vmem>>) target(%dma_start3A_2195 : memref<10240x128xf32, #tpu.memory_space<vmem_shared>>) offsets(%arg14 : memref<64xi32, #tpu.memory_space<vmem>>) semaphore(%arg22 : memref<!tpu.dma_semaphore, #tpu.memory_space<semaphore_mem>>) {add = true}
      %scan3A_2196 = arith.constant 0 : i32
      scf.yield %scan3A_2196 : i32
    }
    %scan3A_1566 = arith.constant 39 : i32
    tpu.wait_dma2 semaphore(%arg19 : memref<!tpu.dma_semaphore, #tpu.memory_space<semaphore_mem>>) src(%arg4 : memref<64x128xf32, #tpu.memory_space<hbm>>) dst(%arg16 : memref<64x128xf32, #tpu.memory_space<vmem>>)
    tpu.wait_dma2 semaphore(%arg20 : memref<!tpu.dma_semaphore, #tpu.memory_space<semaphore_mem>>) src(%arg4 : memref<64x128xf32, #tpu.memory_space<hbm>>) dst(%arg16 : memref<64x128xf32, #tpu.memory_space<vmem>>)
    tpu.wait_dma2 semaphore(%arg21 : memref<!tpu.dma_semaphore, #tpu.memory_space<semaphore_mem>>) src(%arg4 : memref<64x128xf32, #tpu.memory_space<hbm>>) dst(%arg16 : memref<64x128xf32, #tpu.memory_space<vmem>>)
    tpu.wait_dma2 semaphore(%arg22 : memref<!tpu.dma_semaphore, #tpu.memory_space<semaphore_mem>>) src(%arg4 : memref<64x128xf32, #tpu.memory_space<hbm>>) dst(%arg16 : memref<64x128xf32, #tpu.memory_space<vmem>>)
    %barrier3A_1567 = arith.constant 0 : index
    tpu.barrier barrier_id(%barrier3A_1567)
    %add3A_1568 = arith.constant 0 : i32
    %add3A_1569 = arith.addi %mul3A_2, %add3A_1568 : i32
    %iota3A_1570 = tpu.iota {dimensions = array<i32: 0>} : vector<16xi32>
    %add3A_1571 = arith.constant 0 : i32
    %add3A_1572 = arith.addi %add3A_1569, %add3A_1571 : i32
    %add3A_1573 = vector.broadcast %add3A_1572 : i32 to vector<16xi32>
    %add3A_1574 = arith.addi %iota3A_1570, %add3A_1573 : vector<16xi32>
    %swap3A_1575 = arith.constant 0 : index
    %swap3A_1576 = tpu.vector_load %arg9[%swap3A_1575] {strides = array<i32>} : memref<64xi32, #tpu.memory_space<vmem>>, vector<16xi32>,
    %swap3A_1577 = vector.shape_cast %swap3A_1576 : vector<16xi32> to vector<16xi32>
    %swap3A_1578 = vector.shape_cast %add3A_1574 : vector<16xi32> to vector<16xi32>
    tpu.vector_store %arg9[%swap3A_1575], %swap3A_1578 {strides = array<i32>} : memref<64xi32, #tpu.memory_space<vmem>>, vector<16xi32>,
    %iota3A_1579 = tpu.iota {dimensions = array<i32: 0>} : vector<16xi32>
    %add3A_1580 = arith.constant 16 : i32
    %add3A_1581 = arith.addi %add3A_1569, %add3A_1580 : i32
    %add3A_1582 = vector.broadcast %add3A_1581 : i32 to vector<16xi32>
    %add3A_1583 = arith.addi %iota3A_1579, %add3A_1582 : vector<16xi32>
    %swap3A_1584 = arith.constant 16 : index
    %swap3A_1585 = tpu.vector_load %arg9[%swap3A_1584] {strides = array<i32>} : memref<64xi32, #tpu.memory_space<vmem>>, vector<16xi32>,
    %swap3A_1586 = vector.shape_cast %swap3A_1585 : vector<16xi32> to vector<16xi32>
    %swap3A_1587 = vector.shape_cast %add3A_1583 : vector<16xi32> to vector<16xi32>
    tpu.vector_store %arg9[%swap3A_1584], %swap3A_1587 {strides = array<i32>} : memref<64xi32, #tpu.memory_space<vmem>>, vector<16xi32>,
    %iota3A_1588 = tpu.iota {dimensions = array<i32: 0>} : vector<16xi32>
    %add3A_1589 = arith.constant 32 : i32
    %add3A_1590 = arith.addi %add3A_1569, %add3A_1589 : i32
    %add3A_1591 = vector.broadcast %add3A_1590 : i32 to vector<16xi32>
    %add3A_1592 = arith.addi %iota3A_1588, %add3A_1591 : vector<16xi32>
    %swap3A_1593 = arith.constant 32 : index
    %swap3A_1594 = tpu.vector_load %arg9[%swap3A_1593] {strides = array<i32>} : memref<64xi32, #tpu.memory_space<vmem>>, vector<16xi32>,
    %swap3A_1595 = vector.shape_cast %swap3A_1594 : vector<16xi32> to vector<16xi32>
    %swap3A_1596 = vector.shape_cast %add3A_1592 : vector<16xi32> to vector<16xi32>
    tpu.vector_store %arg9[%swap3A_1593], %swap3A_1596 {strides = array<i32>} : memref<64xi32, #tpu.memory_space<vmem>>, vector<16xi32>,
    %iota3A_1597 = tpu.iota {dimensions = array<i32: 0>} : vector<16xi32>
    %add3A_1598 = arith.constant 48 : i32
    %add3A_1599 = arith.addi %add3A_1569, %add3A_1598 : i32
    %add3A_1600 = vector.broadcast %add3A_1599 : i32 to vector<16xi32>
    %add3A_1601 = arith.addi %iota3A_1597, %add3A_1600 : vector<16xi32>
    %swap3A_1602 = arith.constant 48 : index
    %swap3A_1603 = tpu.vector_load %arg9[%swap3A_1602] {strides = array<i32>} : memref<64xi32, #tpu.memory_space<vmem>>, vector<16xi32>,
    %swap3A_1604 = vector.shape_cast %swap3A_1603 : vector<16xi32> to vector<16xi32>
    %swap3A_1605 = vector.shape_cast %add3A_1601 : vector<16xi32> to vector<16xi32>
    tpu.vector_store %arg9[%swap3A_1602], %swap3A_1605 {strides = array<i32>} : memref<64xi32, #tpu.memory_space<vmem>>, vector<16xi32>,
    %dma_start3A_1606 = arith.constant 0 : i32
    %dma_start3A_1607 = arith.constant 0 : i32
    %dma_start3A_1608 = tpu.memref_slice %arg17[%dma_start3A_1606, %dma_start3A_1607] : memref<10240x128xf32, #tpu.memory_space<vmem_shared>> -> memref<10240x128xf32, #tpu.memory_space<vmem_shared>>
    tpu.enqueue_indirect_dma source(%dma_start3A_1608 : memref<10240x128xf32, #tpu.memory_space<vmem_shared>>) target(%arg15 : memref<64x128xf32, #tpu.memory_space<vmem>>) offsets(%arg9 : memref<64xi32, #tpu.memory_space<vmem>>) semaphore(%arg18 : memref<!tpu.dma_semaphore, #tpu.memory_space<semaphore_mem>>)
    %dma_wait3A_1609 = arith.constant 0 : i32
    %dma_wait3A_1610 = arith.constant 0 : i32
    %dma_wait3A_1611 = tpu.memref_slice %arg17[%dma_wait3A_1609, %dma_wait3A_1610] : memref<10240x128xf32, #tpu.memory_space<vmem_shared>> -> memref<10240x128xf32, #tpu.memory_space<vmem_shared>>
    tpu.wait_indirect_dma semaphore(%arg18 : memref<!tpu.dma_semaphore, #tpu.memory_space<semaphore_mem>>) src(%dma_wait3A_1611 : memref<10240x128xf32, #tpu.memory_space<vmem_shared>>) dst(%arg15 : memref<64x128xf32, #tpu.memory_space<vmem>>)
    "tpu.region"() ({
      %run_scoped3A = tpu.sem_alloc : memref<!tpu.dma_semaphore, #tpu.memory_space<semaphore_mem>>
      %dma_start3A_2008 = arith.constant 0 : i32
      %dma_start3A_2009 = tpu.memref_slice %arg7[%arg0, %add3A_1569, %dma_start3A_2008] : memref<2x10240x128xf32, #tpu.memory_space<hbm>> -> memref<1x64x128xf32, #tpu.memory_space<hbm>>
      %dma_start3A_2010 = tpu.memref_squeeze %dma_start3A_2009 : memref<1x64x128xf32, #tpu.memory_space<hbm>> -> memref<64x128xf32, #tpu.memory_space<hbm>>
      %dma_start3A_2011 = arith.constant 0 : i32
      %dma_start3A_2012 = tpu.memref_slice %arg7[%arg0, %add3A_1569, %dma_start3A_2011] : memref<2x10240x128xf32, #tpu.memory_space<hbm>> -> memref<1x64x128xf32, #tpu.memory_space<hbm>>
      %dma_start3A_2013 = tpu.memref_squeeze %dma_start3A_2012 : memref<1x64x128xf32, #tpu.memory_space<hbm>> -> memref<64x128xf32, #tpu.memory_space<hbm>>
      tpu.enqueue_dma source(%arg15 : memref<64x128xf32, #tpu.memory_space<vmem>>) target(%dma_start3A_2013 : memref<64x128xf32, #tpu.memory_space<hbm>>) target_semaphore(%run_scoped3A : memref<!tpu.dma_semaphore, #tpu.memory_space<semaphore_mem>>)
      %dma_wait3A_2014 = arith.constant 0 : i32
      %dma_wait3A_2015 = tpu.memref_slice %arg7[%arg0, %add3A_1569, %dma_wait3A_2014] : memref<2x10240x128xf32, #tpu.memory_space<hbm>> -> memref<1x64x128xf32, #tpu.memory_space<hbm>>
      %dma_wait3A_2016 = tpu.memref_squeeze %dma_wait3A_2015 : memref<1x64x128xf32, #tpu.memory_space<hbm>> -> memref<64x128xf32, #tpu.memory_space<hbm>>
      %dma_wait3A_2017 = arith.constant 0 : i32
      %dma_wait3A_2018 = tpu.memref_slice %arg7[%arg0, %add3A_1569, %dma_wait3A_2017] : memref<2x10240x128xf32, #tpu.memory_space<hbm>> -> memref<1x64x128xf32, #tpu.memory_space<hbm>>
      %dma_wait3A_2019 = tpu.memref_squeeze %dma_wait3A_2018 : memref<1x64x128xf32, #tpu.memory_space<hbm>> -> memref<64x128xf32, #tpu.memory_space<hbm>>
      tpu.wait_dma2 semaphore(%run_scoped3A : memref<!tpu.dma_semaphore, #tpu.memory_space<semaphore_mem>>) src(%arg15 : memref<64x128xf32, #tpu.memory_space<vmem>>) dst(%dma_wait3A_2019 : memref<64x128xf32, #tpu.memory_space<hbm>>)
      tpu.yield
    }) : () -> ()
    %add3A_1612 = arith.constant 64 : i32
    %add3A_1613 = arith.addi %mul3A_2, %add3A_1612 : i32
    %iota3A_1614 = tpu.iota {dimensions = array<i32: 0>} : vector<16xi32>
    %add3A_1615 = arith.constant 0 : i32
    %add3A_1616 = arith.addi %add3A_1613, %add3A_1615 : i32
    %add3A_1617 = vector.broadcast %add3A_1616 : i32 to vector<16xi32>
    %add3A_1618 = arith.addi %iota3A_1614, %add3A_1617 : vector<16xi32>
    %swap3A_1619 = arith.constant 0 : index
    %swap3A_1620 = tpu.vector_load %arg9[%swap3A_1619] {strides = array<i32>} : memref<64xi32, #tpu.memory_space<vmem>>, vector<16xi32>,
    %swap3A_1621 = vector.shape_cast %swap3A_1620 : vector<16xi32> to vector<16xi32>
    %swap3A_1622 = vector.shape_cast %add3A_1618 : vector<16xi32> to vector<16xi32>
    tpu.vector_store %arg9[%swap3A_1619], %swap3A_1622 {strides = array<i32>} : memref<64xi32, #tpu.memory_space<vmem>>, vector<16xi32>,
    %iota3A_1623 = tpu.iota {dimensions = array<i32: 0>} : vector<16xi32>
    %add3A_1624 = arith.constant 16 : i32
    %add3A_1625 = arith.addi %add3A_1613, %add3A_1624 : i32
    %add3A_1626 = vector.broadcast %add3A_1625 : i32 to vector<16xi32>
    %add3A_1627 = arith.addi %iota3A_1623, %add3A_1626 : vector<16xi32>
    %swap3A_1628 = arith.constant 16 : index
    %swap3A_1629 = tpu.vector_load %arg9[%swap3A_1628] {strides = array<i32>} : memref<64xi32, #tpu.memory_space<vmem>>, vector<16xi32>,
    %swap3A_1630 = vector.shape_cast %swap3A_1629 : vector<16xi32> to vector<16xi32>
    %swap3A_1631 = vector.shape_cast %add3A_1627 : vector<16xi32> to vector<16xi32>
    tpu.vector_store %arg9[%swap3A_1628], %swap3A_1631 {strides = array<i32>} : memref<64xi32, #tpu.memory_space<vmem>>, vector<16xi32>,
    %iota3A_1632 = tpu.iota {dimensions = array<i32: 0>} : vector<16xi32>
    %add3A_1633 = arith.constant 32 : i32
    %add3A_1634 = arith.addi %add3A_1613, %add3A_1633 : i32
    %add3A_1635 = vector.broadcast %add3A_1634 : i32 to vector<16xi32>
    %add3A_1636 = arith.addi %iota3A_1632, %add3A_1635 : vector<16xi32>
    %swap3A_1637 = arith.constant 32 : index
    %swap3A_1638 = tpu.vector_load %arg9[%swap3A_1637] {strides = array<i32>} : memref<64xi32, #tpu.memory_space<vmem>>, vector<16xi32>,
    %swap3A_1639 = vector.shape_cast %swap3A_1638 : vector<16xi32> to vector<16xi32>
    %swap3A_1640 = vector.shape_cast %add3A_1636 : vector<16xi32> to vector<16xi32>
    tpu.vector_store %arg9[%swap3A_1637], %swap3A_1640 {strides = array<i32>} : memref<64xi32, #tpu.memory_space<vmem>>, vector<16xi32>,
    %iota3A_1641 = tpu.iota {dimensions = array<i32: 0>} : vector<16xi32>
    %add3A_1642 = arith.constant 48 : i32
    %add3A_1643 = arith.addi %add3A_1613, %add3A_1642 : i32
    %add3A_1644 = vector.broadcast %add3A_1643 : i32 to vector<16xi32>
    %add3A_1645 = arith.addi %iota3A_1641, %add3A_1644 : vector<16xi32>
    %swap3A_1646 = arith.constant 48 : index
    %swap3A_1647 = tpu.vector_load %arg9[%swap3A_1646] {strides = array<i32>} : memref<64xi32, #tpu.memory_space<vmem>>, vector<16xi32>,
    %swap3A_1648 = vector.shape_cast %swap3A_1647 : vector<16xi32> to vector<16xi32>
    %swap3A_1649 = vector.shape_cast %add3A_1645 : vector<16xi32> to vector<16xi32>
    tpu.vector_store %arg9[%swap3A_1646], %swap3A_1649 {strides = array<i32>} : memref<64xi32, #tpu.memory_space<vmem>>, vector<16xi32>,
    %dma_start3A_1650 = arith.constant 0 : i32
    %dma_start3A_1651 = arith.constant 0 : i32
    %dma_start3A_1652 = tpu.memref_slice %arg17[%dma_start3A_1650, %dma_start3A_1651] : memref<10240x128xf32, #tpu.memory_space<vmem_shared>> -> memref<10240x128xf32, #tpu.memory_space<vmem_shared>>
    tpu.enqueue_indirect_dma source(%dma_start3A_1652 : memref<10240x128xf32, #tpu.memory_space<vmem_shared>>) target(%arg15 : memref<64x128xf32, #tpu.memory_space<vmem>>) offsets(%arg9 : memref<64xi32, #tpu.memory_space<vmem>>) semaphore(%arg18 : memref<!tpu.dma_semaphore, #tpu.memory_space<semaphore_mem>>)
    %dma_wait3A_1653 = arith.constant 0 : i32
    %dma_wait3A_1654 = arith.constant 0 : i32
    %dma_wait3A_1655 = tpu.memref_slice %arg17[%dma_wait3A_1653, %dma_wait3A_1654] : memref<10240x128xf32, #tpu.memory_space<vmem_shared>> -> memref<10240x128xf32, #tpu.memory_space<vmem_shared>>
    tpu.wait_indirect_dma semaphore(%arg18 : memref<!tpu.dma_semaphore, #tpu.memory_space<semaphore_mem>>) src(%dma_wait3A_1655 : memref<10240x128xf32, #tpu.memory_space<vmem_shared>>) dst(%arg15 : memref<64x128xf32, #tpu.memory_space<vmem>>)
    "tpu.region"() ({
      %run_scoped3A = tpu.sem_alloc : memref<!tpu.dma_semaphore, #tpu.memory_space<semaphore_mem>>
      %dma_start3A_2008 = arith.constant 0 : i32
      %dma_start3A_2009 = tpu.memref_slice %arg7[%arg0, %add3A_1613, %dma_start3A_2008] : memref<2x10240x128xf32, #tpu.memory_space<hbm>> -> memref<1x64x128xf32, #tpu.memory_space<hbm>>
      %dma_start3A_2010 = tpu.memref_squeeze %dma_start3A_2009 : memref<1x64x128xf32, #tpu.memory_space<hbm>> -> memref<64x128xf32, #tpu.memory_space<hbm>>
      %dma_start3A_2011 = arith.constant 0 : i32
      %dma_start3A_2012 = tpu.memref_slice %arg7[%arg0, %add3A_1613, %dma_start3A_2011] : memref<2x10240x128xf32, #tpu.memory_space<hbm>> -> memref<1x64x128xf32, #tpu.memory_space<hbm>>
      %dma_start3A_2013 = tpu.memref_squeeze %dma_start3A_2012 : memref<1x64x128xf32, #tpu.memory_space<hbm>> -> memref<64x128xf32, #tpu.memory_space<hbm>>
      tpu.enqueue_dma source(%arg15 : memref<64x128xf32, #tpu.memory_space<vmem>>) target(%dma_start3A_2013 : memref<64x128xf32, #tpu.memory_space<hbm>>) target_semaphore(%run_scoped3A : memref<!tpu.dma_semaphore, #tpu.memory_space<semaphore_mem>>)
      %dma_wait3A_2014 = arith.constant 0 : i32
      %dma_wait3A_2015 = tpu.memref_slice %arg7[%arg0, %add3A_1613, %dma_wait3A_2014] : memref<2x10240x128xf32, #tpu.memory_space<hbm>> -> memref<1x64x128xf32, #tpu.memory_space<hbm>>
      %dma_wait3A_2016 = tpu.memref_squeeze %dma_wait3A_2015 : memref<1x64x128xf32, #tpu.memory_space<hbm>> -> memref<64x128xf32, #tpu.memory_space<hbm>>
      %dma_wait3A_2017 = arith.constant 0 : i32
      %dma_wait3A_2018 = tpu.memref_slice %arg7[%arg0, %add3A_1613, %dma_wait3A_2017] : memref<2x10240x128xf32, #tpu.memory_space<hbm>> -> memref<1x64x128xf32, #tpu.memory_space<hbm>>
      %dma_wait3A_2019 = tpu.memref_squeeze %dma_wait3A_2018 : memref<1x64x128xf32, #tpu.memory_space<hbm>> -> memref<64x128xf32, #tpu.memory_space<hbm>>
      tpu.wait_dma2 semaphore(%run_scoped3A : memref<!tpu.dma_semaphore, #tpu.memory_space<semaphore_mem>>) src(%arg15 : memref<64x128xf32, #tpu.memory_space<vmem>>) dst(%dma_wait3A_2019 : memref<64x128xf32, #tpu.memory_space<hbm>>)
      tpu.yield
    }) : () -> ()
    %add3A_1656 = arith.constant 128 : i32
    %add3A_1657 = arith.addi %mul3A_2, %add3A_1656 : i32
    %iota3A_1658 = tpu.iota {dimensions = array<i32: 0>} : vector<16xi32>
    %add3A_1659 = arith.constant 0 : i32
    %add3A_1660 = arith.addi %add3A_1657, %add3A_1659 : i32
    %add3A_1661 = vector.broadcast %add3A_1660 : i32 to vector<16xi32>
    %add3A_1662 = arith.addi %iota3A_1658, %add3A_1661 : vector<16xi32>
    %swap3A_1663 = arith.constant 0 : index
    %swap3A_1664 = tpu.vector_load %arg9[%swap3A_1663] {strides = array<i32>} : memref<64xi32, #tpu.memory_space<vmem>>, vector<16xi32>,
    %swap3A_1665 = vector.shape_cast %swap3A_1664 : vector<16xi32> to vector<16xi32>
    %swap3A_1666 = vector.shape_cast %add3A_1662 : vector<16xi32> to vector<16xi32>
    tpu.vector_store %arg9[%swap3A_1663], %swap3A_1666 {strides = array<i32>} : memref<64xi32, #tpu.memory_space<vmem>>, vector<16xi32>,
    %iota3A_1667 = tpu.iota {dimensions = array<i32: 0>} : vector<16xi32>
    %add3A_1668 = arith.constant 16 : i32
    %add3A_1669 = arith.addi %add3A_1657, %add3A_1668 : i32
    %add3A_1670 = vector.broadcast %add3A_1669 : i32 to vector<16xi32>
    %add3A_1671 = arith.addi %iota3A_1667, %add3A_1670 : vector<16xi32>
    %swap3A_1672 = arith.constant 16 : index
    %swap3A_1673 = tpu.vector_load %arg9[%swap3A_1672] {strides = array<i32>} : memref<64xi32, #tpu.memory_space<vmem>>, vector<16xi32>,
    %swap3A_1674 = vector.shape_cast %swap3A_1673 : vector<16xi32> to vector<16xi32>
    %swap3A_1675 = vector.shape_cast %add3A_1671 : vector<16xi32> to vector<16xi32>
    tpu.vector_store %arg9[%swap3A_1672], %swap3A_1675 {strides = array<i32>} : memref<64xi32, #tpu.memory_space<vmem>>, vector<16xi32>,
    %iota3A_1676 = tpu.iota {dimensions = array<i32: 0>} : vector<16xi32>
    %add3A_1677 = arith.constant 32 : i32
    %add3A_1678 = arith.addi %add3A_1657, %add3A_1677 : i32
    %add3A_1679 = vector.broadcast %add3A_1678 : i32 to vector<16xi32>
    %add3A_1680 = arith.addi %iota3A_1676, %add3A_1679 : vector<16xi32>
    %swap3A_1681 = arith.constant 32 : index
    %swap3A_1682 = tpu.vector_load %arg9[%swap3A_1681] {strides = array<i32>} : memref<64xi32, #tpu.memory_space<vmem>>, vector<16xi32>,
    %swap3A_1683 = vector.shape_cast %swap3A_1682 : vector<16xi32> to vector<16xi32>
    %swap3A_1684 = vector.shape_cast %add3A_1680 : vector<16xi32> to vector<16xi32>
    tpu.vector_store %arg9[%swap3A_1681], %swap3A_1684 {strides = array<i32>} : memref<64xi32, #tpu.memory_space<vmem>>, vector<16xi32>,
    %iota3A_1685 = tpu.iota {dimensions = array<i32: 0>} : vector<16xi32>
    %add3A_1686 = arith.constant 48 : i32
    %add3A_1687 = arith.addi %add3A_1657, %add3A_1686 : i32
    %add3A_1688 = vector.broadcast %add3A_1687 : i32 to vector<16xi32>
    %add3A_1689 = arith.addi %iota3A_1685, %add3A_1688 : vector<16xi32>
    %swap3A_1690 = arith.constant 48 : index
    %swap3A_1691 = tpu.vector_load %arg9[%swap3A_1690] {strides = array<i32>} : memref<64xi32, #tpu.memory_space<vmem>>, vector<16xi32>,
    %swap3A_1692 = vector.shape_cast %swap3A_1691 : vector<16xi32> to vector<16xi32>
    %swap3A_1693 = vector.shape_cast %add3A_1689 : vector<16xi32> to vector<16xi32>
    tpu.vector_store %arg9[%swap3A_1690], %swap3A_1693 {strides = array<i32>} : memref<64xi32, #tpu.memory_space<vmem>>, vector<16xi32>,
    %dma_start3A_1694 = arith.constant 0 : i32
    %dma_start3A_1695 = arith.constant 0 : i32
    %dma_start3A_1696 = tpu.memref_slice %arg17[%dma_start3A_1694, %dma_start3A_1695] : memref<10240x128xf32, #tpu.memory_space<vmem_shared>> -> memref<10240x128xf32, #tpu.memory_space<vmem_shared>>
    tpu.enqueue_indirect_dma source(%dma_start3A_1696 : memref<10240x128xf32, #tpu.memory_space<vmem_shared>>) target(%arg15 : memref<64x128xf32, #tpu.memory_space<vmem>>) offsets(%arg9 : memref<64xi32, #tpu.memory_space<vmem>>) semaphore(%arg18 : memref<!tpu.dma_semaphore, #tpu.memory_space<semaphore_mem>>)
    %dma_wait3A_1697 = arith.constant 0 : i32
    %dma_wait3A_1698 = arith.constant 0 : i32
    %dma_wait3A_1699 = tpu.memref_slice %arg17[%dma_wait3A_1697, %dma_wait3A_1698] : memref<10240x128xf32, #tpu.memory_space<vmem_shared>> -> memref<10240x128xf32, #tpu.memory_space<vmem_shared>>
    tpu.wait_indirect_dma semaphore(%arg18 : memref<!tpu.dma_semaphore, #tpu.memory_space<semaphore_mem>>) src(%dma_wait3A_1699 : memref<10240x128xf32, #tpu.memory_space<vmem_shared>>) dst(%arg15 : memref<64x128xf32, #tpu.memory_space<vmem>>)
    "tpu.region"() ({
      %run_scoped3A = tpu.sem_alloc : memref<!tpu.dma_semaphore, #tpu.memory_space<semaphore_mem>>
      %dma_start3A_2008 = arith.constant 0 : i32
      %dma_start3A_2009 = tpu.memref_slice %arg7[%arg0, %add3A_1657, %dma_start3A_2008] : memref<2x10240x128xf32, #tpu.memory_space<hbm>> -> memref<1x64x128xf32, #tpu.memory_space<hbm>>
      %dma_start3A_2010 = tpu.memref_squeeze %dma_start3A_2009 : memref<1x64x128xf32, #tpu.memory_space<hbm>> -> memref<64x128xf32, #tpu.memory_space<hbm>>
      %dma_start3A_2011 = arith.constant 0 : i32
      %dma_start3A_2012 = tpu.memref_slice %arg7[%arg0, %add3A_1657, %dma_start3A_2011] : memref<2x10240x128xf32, #tpu.memory_space<hbm>> -> memref<1x64x128xf32, #tpu.memory_space<hbm>>
      %dma_start3A_2013 = tpu.memref_squeeze %dma_start3A_2012 : memref<1x64x128xf32, #tpu.memory_space<hbm>> -> memref<64x128xf32, #tpu.memory_space<hbm>>
      tpu.enqueue_dma source(%arg15 : memref<64x128xf32, #tpu.memory_space<vmem>>) target(%dma_start3A_2013 : memref<64x128xf32, #tpu.memory_space<hbm>>) target_semaphore(%run_scoped3A : memref<!tpu.dma_semaphore, #tpu.memory_space<semaphore_mem>>)
      %dma_wait3A_2014 = arith.constant 0 : i32
      %dma_wait3A_2015 = tpu.memref_slice %arg7[%arg0, %add3A_1657, %dma_wait3A_2014] : memref<2x10240x128xf32, #tpu.memory_space<hbm>> -> memref<1x64x128xf32, #tpu.memory_space<hbm>>
      %dma_wait3A_2016 = tpu.memref_squeeze %dma_wait3A_2015 : memref<1x64x128xf32, #tpu.memory_space<hbm>> -> memref<64x128xf32, #tpu.memory_space<hbm>>
      %dma_wait3A_2017 = arith.constant 0 : i32
      %dma_wait3A_2018 = tpu.memref_slice %arg7[%arg0, %add3A_1657, %dma_wait3A_2017] : memref<2x10240x128xf32, #tpu.memory_space<hbm>> -> memref<1x64x128xf32, #tpu.memory_space<hbm>>
      %dma_wait3A_2019 = tpu.memref_squeeze %dma_wait3A_2018 : memref<1x64x128xf32, #tpu.memory_space<hbm>> -> memref<64x128xf32, #tpu.memory_space<hbm>>
      tpu.wait_dma2 semaphore(%run_scoped3A : memref<!tpu.dma_semaphore, #tpu.memory_space<semaphore_mem>>) src(%arg15 : memref<64x128xf32, #tpu.memory_space<vmem>>) dst(%dma_wait3A_2019 : memref<64x128xf32, #tpu.memory_space<hbm>>)
      tpu.yield
    }) : () -> ()
    %add3A_1700 = arith.constant 192 : i32
    %add3A_1701 = arith.addi %mul3A_2, %add3A_1700 : i32
    %iota3A_1702 = tpu.iota {dimensions = array<i32: 0>} : vector<16xi32>
    %add3A_1703 = arith.constant 0 : i32
    %add3A_1704 = arith.addi %add3A_1701, %add3A_1703 : i32
    %add3A_1705 = vector.broadcast %add3A_1704 : i32 to vector<16xi32>
    %add3A_1706 = arith.addi %iota3A_1702, %add3A_1705 : vector<16xi32>
    %swap3A_1707 = arith.constant 0 : index
    %swap3A_1708 = tpu.vector_load %arg9[%swap3A_1707] {strides = array<i32>} : memref<64xi32, #tpu.memory_space<vmem>>, vector<16xi32>,
    %swap3A_1709 = vector.shape_cast %swap3A_1708 : vector<16xi32> to vector<16xi32>
    %swap3A_1710 = vector.shape_cast %add3A_1706 : vector<16xi32> to vector<16xi32>
    tpu.vector_store %arg9[%swap3A_1707], %swap3A_1710 {strides = array<i32>} : memref<64xi32, #tpu.memory_space<vmem>>, vector<16xi32>,
    %iota3A_1711 = tpu.iota {dimensions = array<i32: 0>} : vector<16xi32>
    %add3A_1712 = arith.constant 16 : i32
    %add3A_1713 = arith.addi %add3A_1701, %add3A_1712 : i32
    %add3A_1714 = vector.broadcast %add3A_1713 : i32 to vector<16xi32>
    %add3A_1715 = arith.addi %iota3A_1711, %add3A_1714 : vector<16xi32>
    %swap3A_1716 = arith.constant 16 : index
    %swap3A_1717 = tpu.vector_load %arg9[%swap3A_1716] {strides = array<i32>} : memref<64xi32, #tpu.memory_space<vmem>>, vector<16xi32>,
    %swap3A_1718 = vector.shape_cast %swap3A_1717 : vector<16xi32> to vector<16xi32>
    %swap3A_1719 = vector.shape_cast %add3A_1715 : vector<16xi32> to vector<16xi32>
    tpu.vector_store %arg9[%swap3A_1716], %swap3A_1719 {strides = array<i32>} : memref<64xi32, #tpu.memory_space<vmem>>, vector<16xi32>,
    %iota3A_1720 = tpu.iota {dimensions = array<i32: 0>} : vector<16xi32>
    %add3A_1721 = arith.constant 32 : i32
    %add3A_1722 = arith.addi %add3A_1701, %add3A_1721 : i32
    %add3A_1723 = vector.broadcast %add3A_1722 : i32 to vector<16xi32>
    %add3A_1724 = arith.addi %iota3A_1720, %add3A_1723 : vector<16xi32>
    %swap3A_1725 = arith.constant 32 : index
    %swap3A_1726 = tpu.vector_load %arg9[%swap3A_1725] {strides = array<i32>} : memref<64xi32, #tpu.memory_space<vmem>>, vector<16xi32>,
    %swap3A_1727 = vector.shape_cast %swap3A_1726 : vector<16xi32> to vector<16xi32>
    %swap3A_1728 = vector.shape_cast %add3A_1724 : vector<16xi32> to vector<16xi32>
    tpu.vector_store %arg9[%swap3A_1725], %swap3A_1728 {strides = array<i32>} : memref<64xi32, #tpu.memory_space<vmem>>, vector<16xi32>,
    %iota3A_1729 = tpu.iota {dimensions = array<i32: 0>} : vector<16xi32>
    %add3A_1730 = arith.constant 48 : i32
    %add3A_1731 = arith.addi %add3A_1701, %add3A_1730 : i32
    %add3A_1732 = vector.broadcast %add3A_1731 : i32 to vector<16xi32>
    %add3A_1733 = arith.addi %iota3A_1729, %add3A_1732 : vector<16xi32>
    %swap3A_1734 = arith.constant 48 : index
    %swap3A_1735 = tpu.vector_load %arg9[%swap3A_1734] {strides = array<i32>} : memref<64xi32, #tpu.memory_space<vmem>>, vector<16xi32>,
    %swap3A_1736 = vector.shape_cast %swap3A_1735 : vector<16xi32> to vector<16xi32>
    %swap3A_1737 = vector.shape_cast %add3A_1733 : vector<16xi32> to vector<16xi32>
    tpu.vector_store %arg9[%swap3A_1734], %swap3A_1737 {strides = array<i32>} : memref<64xi32, #tpu.memory_space<vmem>>, vector<16xi32>,
    %dma_start3A_1738 = arith.constant 0 : i32
    %dma_start3A_1739 = arith.constant 0 : i32
    %dma_start3A_1740 = tpu.memref_slice %arg17[%dma_start3A_1738, %dma_start3A_1739] : memref<10240x128xf32, #tpu.memory_space<vmem_shared>> -> memref<10240x128xf32, #tpu.memory_space<vmem_shared>>
    tpu.enqueue_indirect_dma source(%dma_start3A_1740 : memref<10240x128xf32, #tpu.memory_space<vmem_shared>>) target(%arg15 : memref<64x128xf32, #tpu.memory_space<vmem>>) offsets(%arg9 : memref<64xi32, #tpu.memory_space<vmem>>) semaphore(%arg18 : memref<!tpu.dma_semaphore, #tpu.memory_space<semaphore_mem>>)
    %dma_wait3A_1741 = arith.constant 0 : i32
    %dma_wait3A_1742 = arith.constant 0 : i32
    %dma_wait3A_1743 = tpu.memref_slice %arg17[%dma_wait3A_1741, %dma_wait3A_1742] : memref<10240x128xf32, #tpu.memory_space<vmem_shared>> -> memref<10240x128xf32, #tpu.memory_space<vmem_shared>>
    tpu.wait_indirect_dma semaphore(%arg18 : memref<!tpu.dma_semaphore, #tpu.memory_space<semaphore_mem>>) src(%dma_wait3A_1743 : memref<10240x128xf32, #tpu.memory_space<vmem_shared>>) dst(%arg15 : memref<64x128xf32, #tpu.memory_space<vmem>>)
    "tpu.region"() ({
      %run_scoped3A = tpu.sem_alloc : memref<!tpu.dma_semaphore, #tpu.memory_space<semaphore_mem>>
      %dma_start3A_2008 = arith.constant 0 : i32
      %dma_start3A_2009 = tpu.memref_slice %arg7[%arg0, %add3A_1701, %dma_start3A_2008] : memref<2x10240x128xf32, #tpu.memory_space<hbm>> -> memref<1x64x128xf32, #tpu.memory_space<hbm>>
      %dma_start3A_2010 = tpu.memref_squeeze %dma_start3A_2009 : memref<1x64x128xf32, #tpu.memory_space<hbm>> -> memref<64x128xf32, #tpu.memory_space<hbm>>
      %dma_start3A_2011 = arith.constant 0 : i32
      %dma_start3A_2012 = tpu.memref_slice %arg7[%arg0, %add3A_1701, %dma_start3A_2011] : memref<2x10240x128xf32, #tpu.memory_space<hbm>> -> memref<1x64x128xf32, #tpu.memory_space<hbm>>
      %dma_start3A_2013 = tpu.memref_squeeze %dma_start3A_2012 : memref<1x64x128xf32, #tpu.memory_space<hbm>> -> memref<64x128xf32, #tpu.memory_space<hbm>>
      tpu.enqueue_dma source(%arg15 : memref<64x128xf32, #tpu.memory_space<vmem>>) target(%dma_start3A_2013 : memref<64x128xf32, #tpu.memory_space<hbm>>) target_semaphore(%run_scoped3A : memref<!tpu.dma_semaphore, #tpu.memory_space<semaphore_mem>>)
      %dma_wait3A_2014 = arith.constant 0 : i32
      %dma_wait3A_2015 = tpu.memref_slice %arg7[%arg0, %add3A_1701, %dma_wait3A_2014] : memref<2x10240x128xf32, #tpu.memory_space<hbm>> -> memref<1x64x128xf32, #tpu.memory_space<hbm>>
      %dma_wait3A_2016 = tpu.memref_squeeze %dma_wait3A_2015 : memref<1x64x128xf32, #tpu.memory_space<hbm>> -> memref<64x128xf32, #tpu.memory_space<hbm>>
      %dma_wait3A_2017 = arith.constant 0 : i32
      %dma_wait3A_2018 = tpu.memref_slice %arg7[%arg0, %add3A_1701, %dma_wait3A_2017] : memref<2x10240x128xf32, #tpu.memory_space<hbm>> -> memref<1x64x128xf32, #tpu.memory_space<hbm>>
      %dma_wait3A_2019 = tpu.memref_squeeze %dma_wait3A_2018 : memref<1x64x128xf32, #tpu.memory_space<hbm>> -> memref<64x128xf32, #tpu.memory_space<hbm>>
      tpu.wait_dma2 semaphore(%run_scoped3A : memref<!tpu.dma_semaphore, #tpu.memory_space<semaphore_mem>>) src(%arg15 : memref<64x128xf32, #tpu.memory_space<vmem>>) dst(%dma_wait3A_2019 : memref<64x128xf32, #tpu.memory_space<hbm>>)
      tpu.yield
    }) : () -> ()
    %add3A_1744 = arith.constant 256 : i32
    %add3A_1745 = arith.addi %mul3A_2, %add3A_1744 : i32
    %iota3A_1746 = tpu.iota {dimensions = array<i32: 0>} : vector<16xi32>
    %add3A_1747 = arith.constant 0 : i32
    %add3A_1748 = arith.addi %add3A_1745, %add3A_1747 : i32
    %add3A_1749 = vector.broadcast %add3A_1748 : i32 to vector<16xi32>
    %add3A_1750 = arith.addi %iota3A_1746, %add3A_1749 : vector<16xi32>
    %swap3A_1751 = arith.constant 0 : index
    %swap3A_1752 = tpu.vector_load %arg9[%swap3A_1751] {strides = array<i32>} : memref<64xi32, #tpu.memory_space<vmem>>, vector<16xi32>,
    %swap3A_1753 = vector.shape_cast %swap3A_1752 : vector<16xi32> to vector<16xi32>
    %swap3A_1754 = vector.shape_cast %add3A_1750 : vector<16xi32> to vector<16xi32>
    tpu.vector_store %arg9[%swap3A_1751], %swap3A_1754 {strides = array<i32>} : memref<64xi32, #tpu.memory_space<vmem>>, vector<16xi32>,
    %iota3A_1755 = tpu.iota {dimensions = array<i32: 0>} : vector<16xi32>
    %add3A_1756 = arith.constant 16 : i32
    %add3A_1757 = arith.addi %add3A_1745, %add3A_1756 : i32
    %add3A_1758 = vector.broadcast %add3A_1757 : i32 to vector<16xi32>
    %add3A_1759 = arith.addi %iota3A_1755, %add3A_1758 : vector<16xi32>
    %swap3A_1760 = arith.constant 16 : index
    %swap3A_1761 = tpu.vector_load %arg9[%swap3A_1760] {strides = array<i32>} : memref<64xi32, #tpu.memory_space<vmem>>, vector<16xi32>,
    %swap3A_1762 = vector.shape_cast %swap3A_1761 : vector<16xi32> to vector<16xi32>
    %swap3A_1763 = vector.shape_cast %add3A_1759 : vector<16xi32> to vector<16xi32>
    tpu.vector_store %arg9[%swap3A_1760], %swap3A_1763 {strides = array<i32>} : memref<64xi32, #tpu.memory_space<vmem>>, vector<16xi32>,
    %iota3A_1764 = tpu.iota {dimensions = array<i32: 0>} : vector<16xi32>
    %add3A_1765 = arith.constant 32 : i32
    %add3A_1766 = arith.addi %add3A_1745, %add3A_1765 : i32
    %add3A_1767 = vector.broadcast %add3A_1766 : i32 to vector<16xi32>
    %add3A_1768 = arith.addi %iota3A_1764, %add3A_1767 : vector<16xi32>
    %swap3A_1769 = arith.constant 32 : index
    %swap3A_1770 = tpu.vector_load %arg9[%swap3A_1769] {strides = array<i32>} : memref<64xi32, #tpu.memory_space<vmem>>, vector<16xi32>,
    %swap3A_1771 = vector.shape_cast %swap3A_1770 : vector<16xi32> to vector<16xi32>
    %swap3A_1772 = vector.shape_cast %add3A_1768 : vector<16xi32> to vector<16xi32>
    tpu.vector_store %arg9[%swap3A_1769], %swap3A_1772 {strides = array<i32>} : memref<64xi32, #tpu.memory_space<vmem>>, vector<16xi32>,
    %iota3A_1773 = tpu.iota {dimensions = array<i32: 0>} : vector<16xi32>
    %add3A_1774 = arith.constant 48 : i32
    %add3A_1775 = arith.addi %add3A_1745, %add3A_1774 : i32
    %add3A_1776 = vector.broadcast %add3A_1775 : i32 to vector<16xi32>
    %add3A_1777 = arith.addi %iota3A_1773, %add3A_1776 : vector<16xi32>
    %swap3A_1778 = arith.constant 48 : index
    %swap3A_1779 = tpu.vector_load %arg9[%swap3A_1778] {strides = array<i32>} : memref<64xi32, #tpu.memory_space<vmem>>, vector<16xi32>,
    %swap3A_1780 = vector.shape_cast %swap3A_1779 : vector<16xi32> to vector<16xi32>
    %swap3A_1781 = vector.shape_cast %add3A_1777 : vector<16xi32> to vector<16xi32>
    tpu.vector_store %arg9[%swap3A_1778], %swap3A_1781 {strides = array<i32>} : memref<64xi32, #tpu.memory_space<vmem>>, vector<16xi32>,
    %dma_start3A_1782 = arith.constant 0 : i32
    %dma_start3A_1783 = arith.constant 0 : i32
    %dma_start3A_1784 = tpu.memref_slice %arg17[%dma_start3A_1782, %dma_start3A_1783] : memref<10240x128xf32, #tpu.memory_space<vmem_shared>> -> memref<10240x128xf32, #tpu.memory_space<vmem_shared>>
    tpu.enqueue_indirect_dma source(%dma_start3A_1784 : memref<10240x128xf32, #tpu.memory_space<vmem_shared>>) target(%arg15 : memref<64x128xf32, #tpu.memory_space<vmem>>) offsets(%arg9 : memref<64xi32, #tpu.memory_space<vmem>>) semaphore(%arg18 : memref<!tpu.dma_semaphore, #tpu.memory_space<semaphore_mem>>)
    %dma_wait3A_1785 = arith.constant 0 : i32
    %dma_wait3A_1786 = arith.constant 0 : i32
    %dma_wait3A_1787 = tpu.memref_slice %arg17[%dma_wait3A_1785, %dma_wait3A_1786] : memref<10240x128xf32, #tpu.memory_space<vmem_shared>> -> memref<10240x128xf32, #tpu.memory_space<vmem_shared>>
    tpu.wait_indirect_dma semaphore(%arg18 : memref<!tpu.dma_semaphore, #tpu.memory_space<semaphore_mem>>) src(%dma_wait3A_1787 : memref<10240x128xf32, #tpu.memory_space<vmem_shared>>) dst(%arg15 : memref<64x128xf32, #tpu.memory_space<vmem>>)
    "tpu.region"() ({
      %run_scoped3A = tpu.sem_alloc : memref<!tpu.dma_semaphore, #tpu.memory_space<semaphore_mem>>
      %dma_start3A_2008 = arith.constant 0 : i32
      %dma_start3A_2009 = tpu.memref_slice %arg7[%arg0, %add3A_1745, %dma_start3A_2008] : memref<2x10240x128xf32, #tpu.memory_space<hbm>> -> memref<1x64x128xf32, #tpu.memory_space<hbm>>
      %dma_start3A_2010 = tpu.memref_squeeze %dma_start3A_2009 : memref<1x64x128xf32, #tpu.memory_space<hbm>> -> memref<64x128xf32, #tpu.memory_space<hbm>>
      %dma_start3A_2011 = arith.constant 0 : i32
      %dma_start3A_2012 = tpu.memref_slice %arg7[%arg0, %add3A_1745, %dma_start3A_2011] : memref<2x10240x128xf32, #tpu.memory_space<hbm>> -> memref<1x64x128xf32, #tpu.memory_space<hbm>>
      %dma_start3A_2013 = tpu.memref_squeeze %dma_start3A_2012 : memref<1x64x128xf32, #tpu.memory_space<hbm>> -> memref<64x128xf32, #tpu.memory_space<hbm>>
      tpu.enqueue_dma source(%arg15 : memref<64x128xf32, #tpu.memory_space<vmem>>) target(%dma_start3A_2013 : memref<64x128xf32, #tpu.memory_space<hbm>>) target_semaphore(%run_scoped3A : memref<!tpu.dma_semaphore, #tpu.memory_space<semaphore_mem>>)
      %dma_wait3A_2014 = arith.constant 0 : i32
      %dma_wait3A_2015 = tpu.memref_slice %arg7[%arg0, %add3A_1745, %dma_wait3A_2014] : memref<2x10240x128xf32, #tpu.memory_space<hbm>> -> memref<1x64x128xf32, #tpu.memory_space<hbm>>
      %dma_wait3A_2016 = tpu.memref_squeeze %dma_wait3A_2015 : memref<1x64x128xf32, #tpu.memory_space<hbm>> -> memref<64x128xf32, #tpu.memory_space<hbm>>
      %dma_wait3A_2017 = arith.constant 0 : i32
      %dma_wait3A_2018 = tpu.memref_slice %arg7[%arg0, %add3A_1745, %dma_wait3A_2017] : memref<2x10240x128xf32, #tpu.memory_space<hbm>> -> memref<1x64x128xf32, #tpu.memory_space<hbm>>
      %dma_wait3A_2019 = tpu.memref_squeeze %dma_wait3A_2018 : memref<1x64x128xf32, #tpu.memory_space<hbm>> -> memref<64x128xf32, #tpu.memory_space<hbm>>
      tpu.wait_dma2 semaphore(%run_scoped3A : memref<!tpu.dma_semaphore, #tpu.memory_space<semaphore_mem>>) src(%arg15 : memref<64x128xf32, #tpu.memory_space<vmem>>) dst(%dma_wait3A_2019 : memref<64x128xf32, #tpu.memory_space<hbm>>)
      tpu.yield
    }) : () -> ()
    %add3A_1788 = arith.constant 320 : i32
    %add3A_1789 = arith.addi %mul3A_2, %add3A_1788 : i32
    %iota3A_1790 = tpu.iota {dimensions = array<i32: 0>} : vector<16xi32>
    %add3A_1791 = arith.constant 0 : i32
    %add3A_1792 = arith.addi %add3A_1789, %add3A_1791 : i32
    %add3A_1793 = vector.broadcast %add3A_1792 : i32 to vector<16xi32>
    %add3A_1794 = arith.addi %iota3A_1790, %add3A_1793 : vector<16xi32>
    %swap3A_1795 = arith.constant 0 : index
    %swap3A_1796 = tpu.vector_load %arg9[%swap3A_1795] {strides = array<i32>} : memref<64xi32, #tpu.memory_space<vmem>>, vector<16xi32>,
    %swap3A_1797 = vector.shape_cast %swap3A_1796 : vector<16xi32> to vector<16xi32>
    %swap3A_1798 = vector.shape_cast %add3A_1794 : vector<16xi32> to vector<16xi32>
    tpu.vector_store %arg9[%swap3A_1795], %swap3A_1798 {strides = array<i32>} : memref<64xi32, #tpu.memory_space<vmem>>, vector<16xi32>,
    %iota3A_1799 = tpu.iota {dimensions = array<i32: 0>} : vector<16xi32>
    %add3A_1800 = arith.constant 16 : i32
    %add3A_1801 = arith.addi %add3A_1789, %add3A_1800 : i32
    %add3A_1802 = vector.broadcast %add3A_1801 : i32 to vector<16xi32>
    %add3A_1803 = arith.addi %iota3A_1799, %add3A_1802 : vector<16xi32>
    %swap3A_1804 = arith.constant 16 : index
    %swap3A_1805 = tpu.vector_load %arg9[%swap3A_1804] {strides = array<i32>} : memref<64xi32, #tpu.memory_space<vmem>>, vector<16xi32>,
    %swap3A_1806 = vector.shape_cast %swap3A_1805 : vector<16xi32> to vector<16xi32>
    %swap3A_1807 = vector.shape_cast %add3A_1803 : vector<16xi32> to vector<16xi32>
    tpu.vector_store %arg9[%swap3A_1804], %swap3A_1807 {strides = array<i32>} : memref<64xi32, #tpu.memory_space<vmem>>, vector<16xi32>,
    %iota3A_1808 = tpu.iota {dimensions = array<i32: 0>} : vector<16xi32>
    %add3A_1809 = arith.constant 32 : i32
    %add3A_1810 = arith.addi %add3A_1789, %add3A_1809 : i32
    %add3A_1811 = vector.broadcast %add3A_1810 : i32 to vector<16xi32>
    %add3A_1812 = arith.addi %iota3A_1808, %add3A_1811 : vector<16xi32>
    %swap3A_1813 = arith.constant 32 : index
    %swap3A_1814 = tpu.vector_load %arg9[%swap3A_1813] {strides = array<i32>} : memref<64xi32, #tpu.memory_space<vmem>>, vector<16xi32>,
    %swap3A_1815 = vector.shape_cast %swap3A_1814 : vector<16xi32> to vector<16xi32>
    %swap3A_1816 = vector.shape_cast %add3A_1812 : vector<16xi32> to vector<16xi32>
    tpu.vector_store %arg9[%swap3A_1813], %swap3A_1816 {strides = array<i32>} : memref<64xi32, #tpu.memory_space<vmem>>, vector<16xi32>,
    %iota3A_1817 = tpu.iota {dimensions = array<i32: 0>} : vector<16xi32>
    %add3A_1818 = arith.constant 48 : i32
    %add3A_1819 = arith.addi %add3A_1789, %add3A_1818 : i32
    %add3A_1820 = vector.broadcast %add3A_1819 : i32 to vector<16xi32>
    %add3A_1821 = arith.addi %iota3A_1817, %add3A_1820 : vector<16xi32>
    %swap3A_1822 = arith.constant 48 : index
    %swap3A_1823 = tpu.vector_load %arg9[%swap3A_1822] {strides = array<i32>} : memref<64xi32, #tpu.memory_space<vmem>>, vector<16xi32>,
    %swap3A_1824 = vector.shape_cast %swap3A_1823 : vector<16xi32> to vector<16xi32>
    %swap3A_1825 = vector.shape_cast %add3A_1821 : vector<16xi32> to vector<16xi32>
    tpu.vector_store %arg9[%swap3A_1822], %swap3A_1825 {strides = array<i32>} : memref<64xi32, #tpu.memory_space<vmem>>, vector<16xi32>,
    %dma_start3A_1826 = arith.constant 0 : i32
    %dma_start3A_1827 = arith.constant 0 : i32
    %dma_start3A_1828 = tpu.memref_slice %arg17[%dma_start3A_1826, %dma_start3A_1827] : memref<10240x128xf32, #tpu.memory_space<vmem_shared>> -> memref<10240x128xf32, #tpu.memory_space<vmem_shared>>
    tpu.enqueue_indirect_dma source(%dma_start3A_1828 : memref<10240x128xf32, #tpu.memory_space<vmem_shared>>) target(%arg15 : memref<64x128xf32, #tpu.memory_space<vmem>>) offsets(%arg9 : memref<64xi32, #tpu.memory_space<vmem>>) semaphore(%arg18 : memref<!tpu.dma_semaphore, #tpu.memory_space<semaphore_mem>>)
    %dma_wait3A_1829 = arith.constant 0 : i32
    %dma_wait3A_1830 = arith.constant 0 : i32
    %dma_wait3A_1831 = tpu.memref_slice %arg17[%dma_wait3A_1829, %dma_wait3A_1830] : memref<10240x128xf32, #tpu.memory_space<vmem_shared>> -> memref<10240x128xf32, #tpu.memory_space<vmem_shared>>
    tpu.wait_indirect_dma semaphore(%arg18 : memref<!tpu.dma_semaphore, #tpu.memory_space<semaphore_mem>>) src(%dma_wait3A_1831 : memref<10240x128xf32, #tpu.memory_space<vmem_shared>>) dst(%arg15 : memref<64x128xf32, #tpu.memory_space<vmem>>)
    "tpu.region"() ({
      %run_scoped3A = tpu.sem_alloc : memref<!tpu.dma_semaphore, #tpu.memory_space<semaphore_mem>>
      %dma_start3A_2008 = arith.constant 0 : i32
      %dma_start3A_2009 = tpu.memref_slice %arg7[%arg0, %add3A_1789, %dma_start3A_2008] : memref<2x10240x128xf32, #tpu.memory_space<hbm>> -> memref<1x64x128xf32, #tpu.memory_space<hbm>>
      %dma_start3A_2010 = tpu.memref_squeeze %dma_start3A_2009 : memref<1x64x128xf32, #tpu.memory_space<hbm>> -> memref<64x128xf32, #tpu.memory_space<hbm>>
      %dma_start3A_2011 = arith.constant 0 : i32
      %dma_start3A_2012 = tpu.memref_slice %arg7[%arg0, %add3A_1789, %dma_start3A_2011] : memref<2x10240x128xf32, #tpu.memory_space<hbm>> -> memref<1x64x128xf32, #tpu.memory_space<hbm>>
      %dma_start3A_2013 = tpu.memref_squeeze %dma_start3A_2012 : memref<1x64x128xf32, #tpu.memory_space<hbm>> -> memref<64x128xf32, #tpu.memory_space<hbm>>
      tpu.enqueue_dma source(%arg15 : memref<64x128xf32, #tpu.memory_space<vmem>>) target(%dma_start3A_2013 : memref<64x128xf32, #tpu.memory_space<hbm>>) target_semaphore(%run_scoped3A : memref<!tpu.dma_semaphore, #tpu.memory_space<semaphore_mem>>)
      %dma_wait3A_2014 = arith.constant 0 : i32
      %dma_wait3A_2015 = tpu.memref_slice %arg7[%arg0, %add3A_1789, %dma_wait3A_2014] : memref<2x10240x128xf32, #tpu.memory_space<hbm>> -> memref<1x64x128xf32, #tpu.memory_space<hbm>>
      %dma_wait3A_2016 = tpu.memref_squeeze %dma_wait3A_2015 : memref<1x64x128xf32, #tpu.memory_space<hbm>> -> memref<64x128xf32, #tpu.memory_space<hbm>>
      %dma_wait3A_2017 = arith.constant 0 : i32
      %dma_wait3A_2018 = tpu.memref_slice %arg7[%arg0, %add3A_1789, %dma_wait3A_2017] : memref<2x10240x128xf32, #tpu.memory_space<hbm>> -> memref<1x64x128xf32, #tpu.memory_space<hbm>>
      %dma_wait3A_2019 = tpu.memref_squeeze %dma_wait3A_2018 : memref<1x64x128xf32, #tpu.memory_space<hbm>> -> memref<64x128xf32, #tpu.memory_space<hbm>>
      tpu.wait_dma2 semaphore(%run_scoped3A : memref<!tpu.dma_semaphore, #tpu.memory_space<semaphore_mem>>) src(%arg15 : memref<64x128xf32, #tpu.memory_space<vmem>>) dst(%dma_wait3A_2019 : memref<64x128xf32, #tpu.memory_space<hbm>>)
      tpu.yield
    }) : () -> ()
    %add3A_1832 = arith.constant 384 : i32
    %add3A_1833 = arith.addi %mul3A_2, %add3A_1832 : i32
    %iota3A_1834 = tpu.iota {dimensions = array<i32: 0>} : vector<16xi32>
    %add3A_1835 = arith.constant 0 : i32
    %add3A_1836 = arith.addi %add3A_1833, %add3A_1835 : i32
    %add3A_1837 = vector.broadcast %add3A_1836 : i32 to vector<16xi32>
    %add3A_1838 = arith.addi %iota3A_1834, %add3A_1837 : vector<16xi32>
    %swap3A_1839 = arith.constant 0 : index
    %swap3A_1840 = tpu.vector_load %arg9[%swap3A_1839] {strides = array<i32>} : memref<64xi32, #tpu.memory_space<vmem>>, vector<16xi32>,
    %swap3A_1841 = vector.shape_cast %swap3A_1840 : vector<16xi32> to vector<16xi32>
    %swap3A_1842 = vector.shape_cast %add3A_1838 : vector<16xi32> to vector<16xi32>
    tpu.vector_store %arg9[%swap3A_1839], %swap3A_1842 {strides = array<i32>} : memref<64xi32, #tpu.memory_space<vmem>>, vector<16xi32>,
    %iota3A_1843 = tpu.iota {dimensions = array<i32: 0>} : vector<16xi32>
    %add3A_1844 = arith.constant 16 : i32
    %add3A_1845 = arith.addi %add3A_1833, %add3A_1844 : i32
    %add3A_1846 = vector.broadcast %add3A_1845 : i32 to vector<16xi32>
    %add3A_1847 = arith.addi %iota3A_1843, %add3A_1846 : vector<16xi32>
    %swap3A_1848 = arith.constant 16 : index
    %swap3A_1849 = tpu.vector_load %arg9[%swap3A_1848] {strides = array<i32>} : memref<64xi32, #tpu.memory_space<vmem>>, vector<16xi32>,
    %swap3A_1850 = vector.shape_cast %swap3A_1849 : vector<16xi32> to vector<16xi32>
    %swap3A_1851 = vector.shape_cast %add3A_1847 : vector<16xi32> to vector<16xi32>
    tpu.vector_store %arg9[%swap3A_1848], %swap3A_1851 {strides = array<i32>} : memref<64xi32, #tpu.memory_space<vmem>>, vector<16xi32>,
    %iota3A_1852 = tpu.iota {dimensions = array<i32: 0>} : vector<16xi32>
    %add3A_1853 = arith.constant 32 : i32
    %add3A_1854 = arith.addi %add3A_1833, %add3A_1853 : i32
    %add3A_1855 = vector.broadcast %add3A_1854 : i32 to vector<16xi32>
    %add3A_1856 = arith.addi %iota3A_1852, %add3A_1855 : vector<16xi32>
    %swap3A_1857 = arith.constant 32 : index
    %swap3A_1858 = tpu.vector_load %arg9[%swap3A_1857] {strides = array<i32>} : memref<64xi32, #tpu.memory_space<vmem>>, vector<16xi32>,
    %swap3A_1859 = vector.shape_cast %swap3A_1858 : vector<16xi32> to vector<16xi32>
    %swap3A_1860 = vector.shape_cast %add3A_1856 : vector<16xi32> to vector<16xi32>
    tpu.vector_store %arg9[%swap3A_1857], %swap3A_1860 {strides = array<i32>} : memref<64xi32, #tpu.memory_space<vmem>>, vector<16xi32>,
    %iota3A_1861 = tpu.iota {dimensions = array<i32: 0>} : vector<16xi32>
    %add3A_1862 = arith.constant 48 : i32
    %add3A_1863 = arith.addi %add3A_1833, %add3A_1862 : i32
    %add3A_1864 = vector.broadcast %add3A_1863 : i32 to vector<16xi32>
    %add3A_1865 = arith.addi %iota3A_1861, %add3A_1864 : vector<16xi32>
    %swap3A_1866 = arith.constant 48 : index
    %swap3A_1867 = tpu.vector_load %arg9[%swap3A_1866] {strides = array<i32>} : memref<64xi32, #tpu.memory_space<vmem>>, vector<16xi32>,
    %swap3A_1868 = vector.shape_cast %swap3A_1867 : vector<16xi32> to vector<16xi32>
    %swap3A_1869 = vector.shape_cast %add3A_1865 : vector<16xi32> to vector<16xi32>
    tpu.vector_store %arg9[%swap3A_1866], %swap3A_1869 {strides = array<i32>} : memref<64xi32, #tpu.memory_space<vmem>>, vector<16xi32>,
    %dma_start3A_1870 = arith.constant 0 : i32
    %dma_start3A_1871 = arith.constant 0 : i32
    %dma_start3A_1872 = tpu.memref_slice %arg17[%dma_start3A_1870, %dma_start3A_1871] : memref<10240x128xf32, #tpu.memory_space<vmem_shared>> -> memref<10240x128xf32, #tpu.memory_space<vmem_shared>>
    tpu.enqueue_indirect_dma source(%dma_start3A_1872 : memref<10240x128xf32, #tpu.memory_space<vmem_shared>>) target(%arg15 : memref<64x128xf32, #tpu.memory_space<vmem>>) offsets(%arg9 : memref<64xi32, #tpu.memory_space<vmem>>) semaphore(%arg18 : memref<!tpu.dma_semaphore, #tpu.memory_space<semaphore_mem>>)
    %dma_wait3A_1873 = arith.constant 0 : i32
    %dma_wait3A_1874 = arith.constant 0 : i32
    %dma_wait3A_1875 = tpu.memref_slice %arg17[%dma_wait3A_1873, %dma_wait3A_1874] : memref<10240x128xf32, #tpu.memory_space<vmem_shared>> -> memref<10240x128xf32, #tpu.memory_space<vmem_shared>>
    tpu.wait_indirect_dma semaphore(%arg18 : memref<!tpu.dma_semaphore, #tpu.memory_space<semaphore_mem>>) src(%dma_wait3A_1875 : memref<10240x128xf32, #tpu.memory_space<vmem_shared>>) dst(%arg15 : memref<64x128xf32, #tpu.memory_space<vmem>>)
    "tpu.region"() ({
      %run_scoped3A = tpu.sem_alloc : memref<!tpu.dma_semaphore, #tpu.memory_space<semaphore_mem>>
      %dma_start3A_2008 = arith.constant 0 : i32
      %dma_start3A_2009 = tpu.memref_slice %arg7[%arg0, %add3A_1833, %dma_start3A_2008] : memref<2x10240x128xf32, #tpu.memory_space<hbm>> -> memref<1x64x128xf32, #tpu.memory_space<hbm>>
      %dma_start3A_2010 = tpu.memref_squeeze %dma_start3A_2009 : memref<1x64x128xf32, #tpu.memory_space<hbm>> -> memref<64x128xf32, #tpu.memory_space<hbm>>
      %dma_start3A_2011 = arith.constant 0 : i32
      %dma_start3A_2012 = tpu.memref_slice %arg7[%arg0, %add3A_1833, %dma_start3A_2011] : memref<2x10240x128xf32, #tpu.memory_space<hbm>> -> memref<1x64x128xf32, #tpu.memory_space<hbm>>
      %dma_start3A_2013 = tpu.memref_squeeze %dma_start3A_2012 : memref<1x64x128xf32, #tpu.memory_space<hbm>> -> memref<64x128xf32, #tpu.memory_space<hbm>>
      tpu.enqueue_dma source(%arg15 : memref<64x128xf32, #tpu.memory_space<vmem>>) target(%dma_start3A_2013 : memref<64x128xf32, #tpu.memory_space<hbm>>) target_semaphore(%run_scoped3A : memref<!tpu.dma_semaphore, #tpu.memory_space<semaphore_mem>>)
      %dma_wait3A_2014 = arith.constant 0 : i32
      %dma_wait3A_2015 = tpu.memref_slice %arg7[%arg0, %add3A_1833, %dma_wait3A_2014] : memref<2x10240x128xf32, #tpu.memory_space<hbm>> -> memref<1x64x128xf32, #tpu.memory_space<hbm>>
      %dma_wait3A_2016 = tpu.memref_squeeze %dma_wait3A_2015 : memref<1x64x128xf32, #tpu.memory_space<hbm>> -> memref<64x128xf32, #tpu.memory_space<hbm>>
      %dma_wait3A_2017 = arith.constant 0 : i32
      %dma_wait3A_2018 = tpu.memref_slice %arg7[%arg0, %add3A_1833, %dma_wait3A_2017] : memref<2x10240x128xf32, #tpu.memory_space<hbm>> -> memref<1x64x128xf32, #tpu.memory_space<hbm>>
      %dma_wait3A_2019 = tpu.memref_squeeze %dma_wait3A_2018 : memref<1x64x128xf32, #tpu.memory_space<hbm>> -> memref<64x128xf32, #tpu.memory_space<hbm>>
      tpu.wait_dma2 semaphore(%run_scoped3A : memref<!tpu.dma_semaphore, #tpu.memory_space<semaphore_mem>>) src(%arg15 : memref<64x128xf32, #tpu.memory_space<vmem>>) dst(%dma_wait3A_2019 : memref<64x128xf32, #tpu.memory_space<hbm>>)
      tpu.yield
    }) : () -> ()
    %add3A_1876 = arith.constant 448 : i32
    %add3A_1877 = arith.addi %mul3A_2, %add3A_1876 : i32
    %iota3A_1878 = tpu.iota {dimensions = array<i32: 0>} : vector<16xi32>
    %add3A_1879 = arith.constant 0 : i32
    %add3A_1880 = arith.addi %add3A_1877, %add3A_1879 : i32
    %add3A_1881 = vector.broadcast %add3A_1880 : i32 to vector<16xi32>
    %add3A_1882 = arith.addi %iota3A_1878, %add3A_1881 : vector<16xi32>
    %swap3A_1883 = arith.constant 0 : index
    %swap3A_1884 = tpu.vector_load %arg9[%swap3A_1883] {strides = array<i32>} : memref<64xi32, #tpu.memory_space<vmem>>, vector<16xi32>,
    %swap3A_1885 = vector.shape_cast %swap3A_1884 : vector<16xi32> to vector<16xi32>
    %swap3A_1886 = vector.shape_cast %add3A_1882 : vector<16xi32> to vector<16xi32>
    tpu.vector_store %arg9[%swap3A_1883], %swap3A_1886 {strides = array<i32>} : memref<64xi32, #tpu.memory_space<vmem>>, vector<16xi32>,
    %iota3A_1887 = tpu.iota {dimensions = array<i32: 0>} : vector<16xi32>
    %add3A_1888 = arith.constant 16 : i32
    %add3A_1889 = arith.addi %add3A_1877, %add3A_1888 : i32
    %add3A_1890 = vector.broadcast %add3A_1889 : i32 to vector<16xi32>
    %add3A_1891 = arith.addi %iota3A_1887, %add3A_1890 : vector<16xi32>
    %swap3A_1892 = arith.constant 16 : index
    %swap3A_1893 = tpu.vector_load %arg9[%swap3A_1892] {strides = array<i32>} : memref<64xi32, #tpu.memory_space<vmem>>, vector<16xi32>,
    %swap3A_1894 = vector.shape_cast %swap3A_1893 : vector<16xi32> to vector<16xi32>
    %swap3A_1895 = vector.shape_cast %add3A_1891 : vector<16xi32> to vector<16xi32>
    tpu.vector_store %arg9[%swap3A_1892], %swap3A_1895 {strides = array<i32>} : memref<64xi32, #tpu.memory_space<vmem>>, vector<16xi32>,
    %iota3A_1896 = tpu.iota {dimensions = array<i32: 0>} : vector<16xi32>
    %add3A_1897 = arith.constant 32 : i32
    %add3A_1898 = arith.addi %add3A_1877, %add3A_1897 : i32
    %add3A_1899 = vector.broadcast %add3A_1898 : i32 to vector<16xi32>
    %add3A_1900 = arith.addi %iota3A_1896, %add3A_1899 : vector<16xi32>
    %swap3A_1901 = arith.constant 32 : index
    %swap3A_1902 = tpu.vector_load %arg9[%swap3A_1901] {strides = array<i32>} : memref<64xi32, #tpu.memory_space<vmem>>, vector<16xi32>,
    %swap3A_1903 = vector.shape_cast %swap3A_1902 : vector<16xi32> to vector<16xi32>
    %swap3A_1904 = vector.shape_cast %add3A_1900 : vector<16xi32> to vector<16xi32>
    tpu.vector_store %arg9[%swap3A_1901], %swap3A_1904 {strides = array<i32>} : memref<64xi32, #tpu.memory_space<vmem>>, vector<16xi32>,
    %iota3A_1905 = tpu.iota {dimensions = array<i32: 0>} : vector<16xi32>
    %add3A_1906 = arith.constant 48 : i32
    %add3A_1907 = arith.addi %add3A_1877, %add3A_1906 : i32
    %add3A_1908 = vector.broadcast %add3A_1907 : i32 to vector<16xi32>
    %add3A_1909 = arith.addi %iota3A_1905, %add3A_1908 : vector<16xi32>
    %swap3A_1910 = arith.constant 48 : index
    %swap3A_1911 = tpu.vector_load %arg9[%swap3A_1910] {strides = array<i32>} : memref<64xi32, #tpu.memory_space<vmem>>, vector<16xi32>,
    %swap3A_1912 = vector.shape_cast %swap3A_1911 : vector<16xi32> to vector<16xi32>
    %swap3A_1913 = vector.shape_cast %add3A_1909 : vector<16xi32> to vector<16xi32>
    tpu.vector_store %arg9[%swap3A_1910], %swap3A_1913 {strides = array<i32>} : memref<64xi32, #tpu.memory_space<vmem>>, vector<16xi32>,
    %dma_start3A_1914 = arith.constant 0 : i32
    %dma_start3A_1915 = arith.constant 0 : i32
    %dma_start3A_1916 = tpu.memref_slice %arg17[%dma_start3A_1914, %dma_start3A_1915] : memref<10240x128xf32, #tpu.memory_space<vmem_shared>> -> memref<10240x128xf32, #tpu.memory_space<vmem_shared>>
    tpu.enqueue_indirect_dma source(%dma_start3A_1916 : memref<10240x128xf32, #tpu.memory_space<vmem_shared>>) target(%arg15 : memref<64x128xf32, #tpu.memory_space<vmem>>) offsets(%arg9 : memref<64xi32, #tpu.memory_space<vmem>>) semaphore(%arg18 : memref<!tpu.dma_semaphore, #tpu.memory_space<semaphore_mem>>)
    %dma_wait3A_1917 = arith.constant 0 : i32
    %dma_wait3A_1918 = arith.constant 0 : i32
    %dma_wait3A_1919 = tpu.memref_slice %arg17[%dma_wait3A_1917, %dma_wait3A_1918] : memref<10240x128xf32, #tpu.memory_space<vmem_shared>> -> memref<10240x128xf32, #tpu.memory_space<vmem_shared>>
    tpu.wait_indirect_dma semaphore(%arg18 : memref<!tpu.dma_semaphore, #tpu.memory_space<semaphore_mem>>) src(%dma_wait3A_1919 : memref<10240x128xf32, #tpu.memory_space<vmem_shared>>) dst(%arg15 : memref<64x128xf32, #tpu.memory_space<vmem>>)
    "tpu.region"() ({
      %run_scoped3A = tpu.sem_alloc : memref<!tpu.dma_semaphore, #tpu.memory_space<semaphore_mem>>
      %dma_start3A_2008 = arith.constant 0 : i32
      %dma_start3A_2009 = tpu.memref_slice %arg7[%arg0, %add3A_1877, %dma_start3A_2008] : memref<2x10240x128xf32, #tpu.memory_space<hbm>> -> memref<1x64x128xf32, #tpu.memory_space<hbm>>
      %dma_start3A_2010 = tpu.memref_squeeze %dma_start3A_2009 : memref<1x64x128xf32, #tpu.memory_space<hbm>> -> memref<64x128xf32, #tpu.memory_space<hbm>>
      %dma_start3A_2011 = arith.constant 0 : i32
      %dma_start3A_2012 = tpu.memref_slice %arg7[%arg0, %add3A_1877, %dma_start3A_2011] : memref<2x10240x128xf32, #tpu.memory_space<hbm>> -> memref<1x64x128xf32, #tpu.memory_space<hbm>>
      %dma_start3A_2013 = tpu.memref_squeeze %dma_start3A_2012 : memref<1x64x128xf32, #tpu.memory_space<hbm>> -> memref<64x128xf32, #tpu.memory_space<hbm>>
      tpu.enqueue_dma source(%arg15 : memref<64x128xf32, #tpu.memory_space<vmem>>) target(%dma_start3A_2013 : memref<64x128xf32, #tpu.memory_space<hbm>>) target_semaphore(%run_scoped3A : memref<!tpu.dma_semaphore, #tpu.memory_space<semaphore_mem>>)
      %dma_wait3A_2014 = arith.constant 0 : i32
      %dma_wait3A_2015 = tpu.memref_slice %arg7[%arg0, %add3A_1877, %dma_wait3A_2014] : memref<2x10240x128xf32, #tpu.memory_space<hbm>> -> memref<1x64x128xf32, #tpu.memory_space<hbm>>
      %dma_wait3A_2016 = tpu.memref_squeeze %dma_wait3A_2015 : memref<1x64x128xf32, #tpu.memory_space<hbm>> -> memref<64x128xf32, #tpu.memory_space<hbm>>
      %dma_wait3A_2017 = arith.constant 0 : i32
      %dma_wait3A_2018 = tpu.memref_slice %arg7[%arg0, %add3A_1877, %dma_wait3A_2017] : memref<2x10240x128xf32, #tpu.memory_space<hbm>> -> memref<1x64x128xf32, #tpu.memory_space<hbm>>
      %dma_wait3A_2019 = tpu.memref_squeeze %dma_wait3A_2018 : memref<1x64x128xf32, #tpu.memory_space<hbm>> -> memref<64x128xf32, #tpu.memory_space<hbm>>
      tpu.wait_dma2 semaphore(%run_scoped3A : memref<!tpu.dma_semaphore, #tpu.memory_space<semaphore_mem>>) src(%arg15 : memref<64x128xf32, #tpu.memory_space<vmem>>) dst(%dma_wait3A_2019 : memref<64x128xf32, #tpu.memory_space<hbm>>)
      tpu.yield
    }) : () -> ()
    %add3A_1920 = arith.constant 512 : i32
    %add3A_1921 = arith.addi %mul3A_2, %add3A_1920 : i32
    %iota3A_1922 = tpu.iota {dimensions = array<i32: 0>} : vector<16xi32>
    %add3A_1923 = arith.constant 0 : i32
    %add3A_1924 = arith.addi %add3A_1921, %add3A_1923 : i32
    %add3A_1925 = vector.broadcast %add3A_1924 : i32 to vector<16xi32>
    %add3A_1926 = arith.addi %iota3A_1922, %add3A_1925 : vector<16xi32>
    %swap3A_1927 = arith.constant 0 : index
    %swap3A_1928 = tpu.vector_load %arg9[%swap3A_1927] {strides = array<i32>} : memref<64xi32, #tpu.memory_space<vmem>>, vector<16xi32>,
    %swap3A_1929 = vector.shape_cast %swap3A_1928 : vector<16xi32> to vector<16xi32>
    %swap3A_1930 = vector.shape_cast %add3A_1926 : vector<16xi32> to vector<16xi32>
    tpu.vector_store %arg9[%swap3A_1927], %swap3A_1930 {strides = array<i32>} : memref<64xi32, #tpu.memory_space<vmem>>, vector<16xi32>,
    %iota3A_1931 = tpu.iota {dimensions = array<i32: 0>} : vector<16xi32>
    %add3A_1932 = arith.constant 16 : i32
    %add3A_1933 = arith.addi %add3A_1921, %add3A_1932 : i32
    %add3A_1934 = vector.broadcast %add3A_1933 : i32 to vector<16xi32>
    %add3A_1935 = arith.addi %iota3A_1931, %add3A_1934 : vector<16xi32>
    %swap3A_1936 = arith.constant 16 : index
    %swap3A_1937 = tpu.vector_load %arg9[%swap3A_1936] {strides = array<i32>} : memref<64xi32, #tpu.memory_space<vmem>>, vector<16xi32>,
    %swap3A_1938 = vector.shape_cast %swap3A_1937 : vector<16xi32> to vector<16xi32>
    %swap3A_1939 = vector.shape_cast %add3A_1935 : vector<16xi32> to vector<16xi32>
    tpu.vector_store %arg9[%swap3A_1936], %swap3A_1939 {strides = array<i32>} : memref<64xi32, #tpu.memory_space<vmem>>, vector<16xi32>,
    %iota3A_1940 = tpu.iota {dimensions = array<i32: 0>} : vector<16xi32>
    %add3A_1941 = arith.constant 32 : i32
    %add3A_1942 = arith.addi %add3A_1921, %add3A_1941 : i32
    %add3A_1943 = vector.broadcast %add3A_1942 : i32 to vector<16xi32>
    %add3A_1944 = arith.addi %iota3A_1940, %add3A_1943 : vector<16xi32>
    %swap3A_1945 = arith.constant 32 : index
    %swap3A_1946 = tpu.vector_load %arg9[%swap3A_1945] {strides = array<i32>} : memref<64xi32, #tpu.memory_space<vmem>>, vector<16xi32>,
    %swap3A_1947 = vector.shape_cast %swap3A_1946 : vector<16xi32> to vector<16xi32>
    %swap3A_1948 = vector.shape_cast %add3A_1944 : vector<16xi32> to vector<16xi32>
    tpu.vector_store %arg9[%swap3A_1945], %swap3A_1948 {strides = array<i32>} : memref<64xi32, #tpu.memory_space<vmem>>, vector<16xi32>,
    %iota3A_1949 = tpu.iota {dimensions = array<i32: 0>} : vector<16xi32>
    %add3A_1950 = arith.constant 48 : i32
    %add3A_1951 = arith.addi %add3A_1921, %add3A_1950 : i32
    %add3A_1952 = vector.broadcast %add3A_1951 : i32 to vector<16xi32>
    %add3A_1953 = arith.addi %iota3A_1949, %add3A_1952 : vector<16xi32>
    %swap3A_1954 = arith.constant 48 : index
    %swap3A_1955 = tpu.vector_load %arg9[%swap3A_1954] {strides = array<i32>} : memref<64xi32, #tpu.memory_space<vmem>>, vector<16xi32>,
    %swap3A_1956 = vector.shape_cast %swap3A_1955 : vector<16xi32> to vector<16xi32>
    %swap3A_1957 = vector.shape_cast %add3A_1953 : vector<16xi32> to vector<16xi32>
    tpu.vector_store %arg9[%swap3A_1954], %swap3A_1957 {strides = array<i32>} : memref<64xi32, #tpu.memory_space<vmem>>, vector<16xi32>,
    %dma_start3A_1958 = arith.constant 0 : i32
    %dma_start3A_1959 = arith.constant 0 : i32
    %dma_start3A_1960 = tpu.memref_slice %arg17[%dma_start3A_1958, %dma_start3A_1959] : memref<10240x128xf32, #tpu.memory_space<vmem_shared>> -> memref<10240x128xf32, #tpu.memory_space<vmem_shared>>
    tpu.enqueue_indirect_dma source(%dma_start3A_1960 : memref<10240x128xf32, #tpu.memory_space<vmem_shared>>) target(%arg15 : memref<64x128xf32, #tpu.memory_space<vmem>>) offsets(%arg9 : memref<64xi32, #tpu.memory_space<vmem>>) semaphore(%arg18 : memref<!tpu.dma_semaphore, #tpu.memory_space<semaphore_mem>>)
    %dma_wait3A_1961 = arith.constant 0 : i32
    %dma_wait3A_1962 = arith.constant 0 : i32
    %dma_wait3A_1963 = tpu.memref_slice %arg17[%dma_wait3A_1961, %dma_wait3A_1962] : memref<10240x128xf32, #tpu.memory_space<vmem_shared>> -> memref<10240x128xf32, #tpu.memory_space<vmem_shared>>
    tpu.wait_indirect_dma semaphore(%arg18 : memref<!tpu.dma_semaphore, #tpu.memory_space<semaphore_mem>>) src(%dma_wait3A_1963 : memref<10240x128xf32, #tpu.memory_space<vmem_shared>>) dst(%arg15 : memref<64x128xf32, #tpu.memory_space<vmem>>)
    "tpu.region"() ({
      %run_scoped3A = tpu.sem_alloc : memref<!tpu.dma_semaphore, #tpu.memory_space<semaphore_mem>>
      %dma_start3A_2008 = arith.constant 0 : i32
      %dma_start3A_2009 = tpu.memref_slice %arg7[%arg0, %add3A_1921, %dma_start3A_2008] : memref<2x10240x128xf32, #tpu.memory_space<hbm>> -> memref<1x64x128xf32, #tpu.memory_space<hbm>>
      %dma_start3A_2010 = tpu.memref_squeeze %dma_start3A_2009 : memref<1x64x128xf32, #tpu.memory_space<hbm>> -> memref<64x128xf32, #tpu.memory_space<hbm>>
      %dma_start3A_2011 = arith.constant 0 : i32
      %dma_start3A_2012 = tpu.memref_slice %arg7[%arg0, %add3A_1921, %dma_start3A_2011] : memref<2x10240x128xf32, #tpu.memory_space<hbm>> -> memref<1x64x128xf32, #tpu.memory_space<hbm>>
      %dma_start3A_2013 = tpu.memref_squeeze %dma_start3A_2012 : memref<1x64x128xf32, #tpu.memory_space<hbm>> -> memref<64x128xf32, #tpu.memory_space<hbm>>
      tpu.enqueue_dma source(%arg15 : memref<64x128xf32, #tpu.memory_space<vmem>>) target(%dma_start3A_2013 : memref<64x128xf32, #tpu.memory_space<hbm>>) target_semaphore(%run_scoped3A : memref<!tpu.dma_semaphore, #tpu.memory_space<semaphore_mem>>)
      %dma_wait3A_2014 = arith.constant 0 : i32
      %dma_wait3A_2015 = tpu.memref_slice %arg7[%arg0, %add3A_1921, %dma_wait3A_2014] : memref<2x10240x128xf32, #tpu.memory_space<hbm>> -> memref<1x64x128xf32, #tpu.memory_space<hbm>>
      %dma_wait3A_2016 = tpu.memref_squeeze %dma_wait3A_2015 : memref<1x64x128xf32, #tpu.memory_space<hbm>> -> memref<64x128xf32, #tpu.memory_space<hbm>>
      %dma_wait3A_2017 = arith.constant 0 : i32
      %dma_wait3A_2018 = tpu.memref_slice %arg7[%arg0, %add3A_1921, %dma_wait3A_2017] : memref<2x10240x128xf32, #tpu.memory_space<hbm>> -> memref<1x64x128xf32, #tpu.memory_space<hbm>>
      %dma_wait3A_2019 = tpu.memref_squeeze %dma_wait3A_2018 : memref<1x64x128xf32, #tpu.memory_space<hbm>> -> memref<64x128xf32, #tpu.memory_space<hbm>>
      tpu.wait_dma2 semaphore(%run_scoped3A : memref<!tpu.dma_semaphore, #tpu.memory_space<semaphore_mem>>) src(%arg15 : memref<64x128xf32, #tpu.memory_space<vmem>>) dst(%dma_wait3A_2019 : memref<64x128xf32, #tpu.memory_space<hbm>>)
      tpu.yield
    }) : () -> ()
    %add3A_1964 = arith.constant 576 : i32
    %add3A_1965 = arith.addi %mul3A_2, %add3A_1964 : i32
    %iota3A_1966 = tpu.iota {dimensions = array<i32: 0>} : vector<16xi32>
    %add3A_1967 = arith.constant 0 : i32
    %add3A_1968 = arith.addi %add3A_1965, %add3A_1967 : i32
    %add3A_1969 = vector.broadcast %add3A_1968 : i32 to vector<16xi32>
    %add3A_1970 = arith.addi %iota3A_1966, %add3A_1969 : vector<16xi32>
    %swap3A_1971 = arith.constant 0 : index
    %swap3A_1972 = tpu.vector_load %arg9[%swap3A_1971] {strides = array<i32>} : memref<64xi32, #tpu.memory_space<vmem>>, vector<16xi32>,
    %swap3A_1973 = vector.shape_cast %swap3A_1972 : vector<16xi32> to vector<16xi32>
    %swap3A_1974 = vector.shape_cast %add3A_1970 : vector<16xi32> to vector<16xi32>
    tpu.vector_store %arg9[%swap3A_1971], %swap3A_1974 {strides = array<i32>} : memref<64xi32, #tpu.memory_space<vmem>>, vector<16xi32>,
    %iota3A_1975 = tpu.iota {dimensions = array<i32: 0>} : vector<16xi32>
    %add3A_1976 = arith.constant 16 : i32
    %add3A_1977 = arith.addi %add3A_1965, %add3A_1976 : i32
    %add3A_1978 = vector.broadcast %add3A_1977 : i32 to vector<16xi32>
    %add3A_1979 = arith.addi %iota3A_1975, %add3A_1978 : vector<16xi32>
    %swap3A_1980 = arith.constant 16 : index
    %swap3A_1981 = tpu.vector_load %arg9[%swap3A_1980] {strides = array<i32>} : memref<64xi32, #tpu.memory_space<vmem>>, vector<16xi32>,
    %swap3A_1982 = vector.shape_cast %swap3A_1981 : vector<16xi32> to vector<16xi32>
    %swap3A_1983 = vector.shape_cast %add3A_1979 : vector<16xi32> to vector<16xi32>
    tpu.vector_store %arg9[%swap3A_1980], %swap3A_1983 {strides = array<i32>} : memref<64xi32, #tpu.memory_space<vmem>>, vector<16xi32>,
    %iota3A_1984 = tpu.iota {dimensions = array<i32: 0>} : vector<16xi32>
    %add3A_1985 = arith.constant 32 : i32
    %add3A_1986 = arith.addi %add3A_1965, %add3A_1985 : i32
    %add3A_1987 = vector.broadcast %add3A_1986 : i32 to vector<16xi32>
    %add3A_1988 = arith.addi %iota3A_1984, %add3A_1987 : vector<16xi32>
    %swap3A_1989 = arith.constant 32 : index
    %swap3A_1990 = tpu.vector_load %arg9[%swap3A_1989] {strides = array<i32>} : memref<64xi32, #tpu.memory_space<vmem>>, vector<16xi32>,
    %swap3A_1991 = vector.shape_cast %swap3A_1990 : vector<16xi32> to vector<16xi32>
    %swap3A_1992 = vector.shape_cast %add3A_1988 : vector<16xi32> to vector<16xi32>
    tpu.vector_store %arg9[%swap3A_1989], %swap3A_1992 {strides = array<i32>} : memref<64xi32, #tpu.memory_space<vmem>>, vector<16xi32>,
    %iota3A_1993 = tpu.iota {dimensions = array<i32: 0>} : vector<16xi32>
    %add3A_1994 = arith.constant 48 : i32
    %add3A_1995 = arith.addi %add3A_1965, %add3A_1994 : i32
    %add3A_1996 = vector.broadcast %add3A_1995 : i32 to vector<16xi32>
    %add3A_1997 = arith.addi %iota3A_1993, %add3A_1996 : vector<16xi32>
    %swap3A_1998 = arith.constant 48 : index
    %swap3A_1999 = tpu.vector_load %arg9[%swap3A_1998] {strides = array<i32>} : memref<64xi32, #tpu.memory_space<vmem>>, vector<16xi32>,
    %swap3A_2000 = vector.shape_cast %swap3A_1999 : vector<16xi32> to vector<16xi32>
    %swap3A_2001 = vector.shape_cast %add3A_1997 : vector<16xi32> to vector<16xi32>
    tpu.vector_store %arg9[%swap3A_1998], %swap3A_2001 {strides = array<i32>} : memref<64xi32, #tpu.memory_space<vmem>>, vector<16xi32>,
    %dma_start3A_2002 = arith.constant 0 : i32
    %dma_start3A_2003 = arith.constant 0 : i32
    %dma_start3A_2004 = tpu.memref_slice %arg17[%dma_start3A_2002, %dma_start3A_2003] : memref<10240x128xf32, #tpu.memory_space<vmem_shared>> -> memref<10240x128xf32, #tpu.memory_space<vmem_shared>>
    tpu.enqueue_indirect_dma source(%dma_start3A_2004 : memref<10240x128xf32, #tpu.memory_space<vmem_shared>>) target(%arg15 : memref<64x128xf32, #tpu.memory_space<vmem>>) offsets(%arg9 : memref<64xi32, #tpu.memory_space<vmem>>) semaphore(%arg18 : memref<!tpu.dma_semaphore, #tpu.memory_space<semaphore_mem>>)
    %dma_wait3A_2005 = arith.constant 0 : i32
    %dma_wait3A_2006 = arith.constant 0 : i32
    %dma_wait3A_2007 = tpu.memref_slice %arg17[%dma_wait3A_2005, %dma_wait3A_2006] : memref<10240x128xf32, #tpu.memory_space<vmem_shared>> -> memref<10240x128xf32, #tpu.memory_space<vmem_shared>>
    tpu.wait_indirect_dma semaphore(%arg18 : memref<!tpu.dma_semaphore, #tpu.memory_space<semaphore_mem>>) src(%dma_wait3A_2007 : memref<10240x128xf32, #tpu.memory_space<vmem_shared>>) dst(%arg15 : memref<64x128xf32, #tpu.memory_space<vmem>>)
    "tpu.region"() ({
      %run_scoped3A = tpu.sem_alloc : memref<!tpu.dma_semaphore, #tpu.memory_space<semaphore_mem>>
      %dma_start3A_2008 = arith.constant 0 : i32
      %dma_start3A_2009 = tpu.memref_slice %arg7[%arg0, %add3A_1965, %dma_start3A_2008] : memref<2x10240x128xf32, #tpu.memory_space<hbm>> -> memref<1x64x128xf32, #tpu.memory_space<hbm>>
      %dma_start3A_2010 = tpu.memref_squeeze %dma_start3A_2009 : memref<1x64x128xf32, #tpu.memory_space<hbm>> -> memref<64x128xf32, #tpu.memory_space<hbm>>
      %dma_start3A_2011 = arith.constant 0 : i32
      %dma_start3A_2012 = tpu.memref_slice %arg7[%arg0, %add3A_1965, %dma_start3A_2011] : memref<2x10240x128xf32, #tpu.memory_space<hbm>> -> memref<1x64x128xf32, #tpu.memory_space<hbm>>
      %dma_start3A_2013 = tpu.memref_squeeze %dma_start3A_2012 : memref<1x64x128xf32, #tpu.memory_space<hbm>> -> memref<64x128xf32, #tpu.memory_space<hbm>>
      tpu.enqueue_dma source(%arg15 : memref<64x128xf32, #tpu.memory_space<vmem>>) target(%dma_start3A_2013 : memref<64x128xf32, #tpu.memory_space<hbm>>) target_semaphore(%run_scoped3A : memref<!tpu.dma_semaphore, #tpu.memory_space<semaphore_mem>>)
      %dma_wait3A_2014 = arith.constant 0 : i32
      %dma_wait3A_2015 = tpu.memref_slice %arg7[%arg0, %add3A_1965, %dma_wait3A_2014] : memref<2x10240x128xf32, #tpu.memory_space<hbm>> -> memref<1x64x128xf32, #tpu.memory_space<hbm>>
      %dma_wait3A_2016 = tpu.memref_squeeze %dma_wait3A_2015 : memref<1x64x128xf32, #tpu.memory_space<hbm>> -> memref<64x128xf32, #tpu.memory_space<hbm>>
      %dma_wait3A_2017 = arith.constant 0 : i32
      %dma_wait3A_2018 = tpu.memref_slice %arg7[%arg0, %add3A_1965, %dma_wait3A_2017] : memref<2x10240x128xf32, #tpu.memory_space<hbm>> -> memref<1x64x128xf32, #tpu.memory_space<hbm>>
      %dma_wait3A_2019 = tpu.memref_squeeze %dma_wait3A_2018 : memref<1x64x128xf32, #tpu.memory_space<hbm>> -> memref<64x128xf32, #tpu.memory_space<hbm>>
      tpu.wait_dma2 semaphore(%run_scoped3A : memref<!tpu.dma_semaphore, #tpu.memory_space<semaphore_mem>>) src(%arg15 : memref<64x128xf32, #tpu.memory_space<vmem>>) dst(%dma_wait3A_2019 : memref<64x128xf32, #tpu.memory_space<hbm>>)
      tpu.yield
    }) : () -> ()
    return
  }
}

module attributes {stable_mosaic.version = 14 : i64} {
  func.func @_tc_body(%arg0: i32, %arg1: memref<2048x128xf32, #tpu.memory_space<vmem>>, %arg2: memref<2x2048x128xf32, #tpu.memory_space<vmem>>, %arg3: memref<2x2048x128xf32, #tpu.memory_space<vmem>>, %arg4: memref<256x128xf32, #tpu.memory_space<vmem>>, %arg5: memref<128xf32, #tpu.memory_space<vmem>>, %arg6: memref<2048x128xf32, #tpu.memory_space<vmem>>) attributes {dimension_semantics = [#tpu.dimension_semantics<arbitrary>], iteration_bounds = array<i64: 5>, scalar_prefetch = 0 : i64, scratch_operands = 0 : i64, tpu.core_type = #tpu.core_type<tc>, window_params = [{transform_indices = @transform_0, window_bounds = array<i64: 2048, 128>}, {transform_indices = @transform_1, window_bounds = array<i64: 2, 2048, 128>}, {transform_indices = @transform_2, window_bounds = array<i64: 2, 2048, 128>}, {pipeline_mode = #tpu.pipeline_mode<synchronous>, transform_indices = @transform_3, window_bounds = array<i64: 256, 128>}, {pipeline_mode = #tpu.pipeline_mode<synchronous>, transform_indices = @transform_4, window_bounds = array<i64: 128>}, {transform_indices = @transform_5, window_bounds = array<i64: 2048, 128>}]} {
    %get3A = arith.constant 0 : index
    %get3A_0 = arith.constant 0 : index
    %get3A_1 = arith.constant 0 : index
    %get3A_2 = vector.load %arg2[%get3A, %get3A_0, %get3A_1] : memref<2x2048x128xf32, #tpu.memory_space<vmem>>, vector<1x2048x128xf32>
    %get3A_3 = vector.shape_cast %get3A_2 : vector<1x2048x128xf32> to vector<2048x128xf32>
    %get3A_4 = arith.constant 1 : index
    %get3A_5 = arith.constant 0 : index
    %get3A_6 = arith.constant 0 : index
    %get3A_7 = vector.load %arg2[%get3A_4, %get3A_5, %get3A_6] : memref<2x2048x128xf32, #tpu.memory_space<vmem>>, vector<1x2048x128xf32>
    %get3A_8 = vector.shape_cast %get3A_7 : vector<1x2048x128xf32> to vector<2048x128xf32>
    %add3A = arith.addf %get3A_3, %get3A_8 : vector<2048x128xf32>
    %get3A_9 = arith.constant 0 : index
    %get3A_10 = arith.constant 0 : index
    %get3A_11 = arith.constant 0 : index
    %get3A_12 = vector.load %arg3[%get3A_9, %get3A_10, %get3A_11] : memref<2x2048x128xf32, #tpu.memory_space<vmem>>, vector<1x2048x1xf32>
    %get3A_13 = vector.shape_cast %get3A_12 : vector<1x2048x1xf32> to vector<2048x1xf32>
    %get3A_14 = arith.constant 1 : index
    %get3A_15 = arith.constant 0 : index
    %get3A_16 = arith.constant 0 : index
    %get3A_17 = vector.load %arg3[%get3A_14, %get3A_15, %get3A_16] : memref<2x2048x128xf32, #tpu.memory_space<vmem>>, vector<1x2048x1xf32>
    %get3A_18 = vector.shape_cast %get3A_17 : vector<1x2048x1xf32> to vector<2048x1xf32>
    %add3A_19 = arith.addf %get3A_13, %get3A_18 : vector<2048x1xf32>
    %max3A = arith.constant 1.000000e+00 : f32
    %max3A_20 = vector.broadcast %max3A : f32 to vector<2048x1xf32>
    %max3A_21 = arith.maximumf %add3A_19, %max3A_20 : vector<2048x1xf32>
    %div3A = vector.broadcast %max3A_21 : vector<2048x1xf32> to vector<2048x128xf32>
    %div3A_22 = arith.divf %add3A, %div3A : vector<2048x128xf32>
    %get3A_23 = arith.constant 0 : index
    %get3A_24 = arith.constant 0 : index
    %get3A_25 = vector.load %arg1[%get3A_23, %get3A_24] : memref<2048x128xf32, #tpu.memory_space<vmem>>, vector<2048x128xf32>
    %get3A_26 = arith.constant 0 : index
    %get3A_27 = arith.constant 0 : index
    %get3A_28 = vector.load %arg4[%get3A_26, %get3A_27] : memref<256x128xf32, #tpu.memory_space<vmem>>, vector<128x128xf32>
    %dot_general3A = arith.constant dense<0.000000e+00> : vector<2048x128xf32>
    %dot_general3A_29 = tpu.matmul %get3A_25, %get3A_28, %dot_general3A {dimension_numbers = #tpu.dot_dimension_numbers<[1], [0], [0], [1], [0, 0, 1, 1], [], []>, transpose_lhs_hint = false} : vector<2048x128xf32>, vector<128x128xf32>, vector<2048x128xf32> -> vector<2048x128xf32>
    %get3A_30 = arith.constant 128 : index
    %get3A_31 = arith.constant 0 : index
    %get3A_32 = vector.load %arg4[%get3A_30, %get3A_31] : memref<256x128xf32, #tpu.memory_space<vmem>>, vector<128x128xf32>
    %dot_general3A_33 = arith.constant dense<0.000000e+00> : vector<2048x128xf32>
    %dot_general3A_34 = tpu.matmul %div3A_22, %get3A_32, %dot_general3A_33 {dimension_numbers = #tpu.dot_dimension_numbers<[1], [0], [0], [1], [0, 0, 1, 1], [], []>, transpose_lhs_hint = false} : vector<2048x128xf32>, vector<128x128xf32>, vector<2048x128xf32> -> vector<2048x128xf32>
    %add3A_35 = arith.addf %dot_general3A_29, %dot_general3A_34 : vector<2048x128xf32>
    %get3A_36 = arith.constant 0 : index
    %get3A_37 = vector.load %arg5[%get3A_36] : memref<128xf32, #tpu.memory_space<vmem>>, vector<128xf32>
    %broadcast_in_dim3A = vector.shape_cast %get3A_37 : vector<128xf32> to vector<1x128xf32>
    %add3A_38 = vector.broadcast %broadcast_in_dim3A : vector<1x128xf32> to vector<2048x128xf32>
    %add3A_39 = arith.addf %add3A_35, %add3A_38 : vector<2048x128xf32>
    %max3A_40 = arith.constant 0.000000e+00 : f32
    %max3A_41 = vector.broadcast %max3A_40 : f32 to vector<2048x128xf32>
    %max3A_42 = arith.maximumf %add3A_39, %max3A_41 : vector<2048x128xf32>
    %swap3A = arith.constant 0 : index
    %swap3A_43 = arith.constant 0 : index
    %swap3A_44 = vector.load %arg6[%swap3A, %swap3A_43] : memref<2048x128xf32, #tpu.memory_space<vmem>>, vector<2048x128xf32>
    tpu.vector_store %arg6[%swap3A, %swap3A_43], %max3A_42 {strides = array<i32>} : memref<2048x128xf32, #tpu.memory_space<vmem>>, vector<2048x128xf32>,
    return
  }
  func.func @transform_0(%arg0: i32) -> (i32, i32) {
    %c0_i32 = arith.constant 0 : i32
    %c0_i32_0 = arith.constant 0 : i32
    return %arg0, %c0_i32 : i32, i32
  }
  func.func @transform_1(%arg0: i32) -> (i32, i32, i32) {
    %c0_i32 = arith.constant 0 : i32
    %c0_i32_0 = arith.constant 0 : i32
    %c0_i32_1 = arith.constant 0 : i32
    return %c0_i32, %arg0, %c0_i32_0 : i32, i32, i32
  }
  func.func @transform_2(%arg0: i32) -> (i32, i32, i32) {
    %c0_i32 = arith.constant 0 : i32
    %c0_i32_0 = arith.constant 0 : i32
    %c0_i32_1 = arith.constant 0 : i32
    return %c0_i32, %arg0, %c0_i32_0 : i32, i32, i32
  }
  func.func @transform_3(%arg0: i32) -> (i32, i32) {
    %c0_i32 = arith.constant 0 : i32
    %c0_i32_0 = arith.constant 0 : i32
    %c0_i32_1 = arith.constant 0 : i32
    return %c0_i32, %c0_i32_0 : i32, i32
  }
  func.func @transform_4(%arg0: i32) -> i32 {
    %c0_i32 = arith.constant 0 : i32
    %c0_i32_0 = arith.constant 0 : i32
    return %c0_i32 : i32
  }
  func.func @transform_5(%arg0: i32) -> (i32, i32) {
    %c0_i32 = arith.constant 0 : i32
    %c0_i32_0 = arith.constant 0 : i32
    return %arg0, %c0_i32 : i32, i32
  }
}

</mosaic_0001>

<sc_bundles>
// kernel: kernel.4.cloned.1.call-start
scs
__scs_entry_jumppad:
0x0: {  	(pc) =	sbr.rel $0x88, $3  }
0x1: {  	(tag) =	ssettag $0x0;
	lr =	simm.s32 $0x1  }
0x2: {  	[smem:$0x3F9C] =	sst lr;
	_ =	strace $0xD0000000  }
0x3: {  	_ = 	snop  }
0x4: {  	_ = 	snop  }
0x5: {  	_ = 	snop  }
0x6: {  	_ = 	snop  }
0x7: {  	_ = 	snop  }
__scs_overlays_trampoline_lowered:
0x8: {  	[smem:$0x3FAB] =	sst s0  }
0x9: {  	[smem:$0x3FAC] =	sst s1  }
0xa: {  	[smem:$0x3FAD] =	sst s2  }
0xb: {  	[smem:$0x3FAE] =	sst s3  }
0xc: {  	[smem:$0x3FAF] =	sst s4  }
0xd: {  	[smem:$0x3FB0] =	sst s5  }
0xe: {  	[smem:$0x3FB1] =	sst s6  }
0xf: {  	[smem:$0x3FB2] =	sst s7  }
0x10: {  	[smem:$0x3FB3] =	sst s8  }
0x11: {  	[smem:$0x3FB4] =	sst s9;
	s0 =	simm.s32 @!p0 $0x0  }
0x12: {  	s1 =	sld [smem:$0x3F9A];
	s0 =	simm.s32 @p0 $0x1  }
0x13: {  	[smem:$0x3FB5] =	sst s0;
	s0 =	simm.s32 @!p1 $0x0  }
0x14: {  	s2 =	sld [smem:$0x3F99];
	s0 =	simm.s32 @p1 $0x1  }
0x15: {  	[smem:$0x3FB6] =	sst s0;
	s0 =	simm.s32 @!p2 $0x0  }
0x16: {  	s3 =	sld [smem:$0x3FDB];
	s0 =	simm.s32 @p2 $0x1  }
0x17: {  	s4 =	simm.s32 $0x1BF5;
	[smem:$0x3FB8] =	sst s0  }
0x18: {  	s0 =	sld [smem:$0x3F9B];
	_ =	swait.ge [sflag:s4], $0x0  }
0x19: {  	s7 =	sld [smem:$0x3F9C]  }
0x1a: {  	s8 =	sadd.s32 $0xFFFFE003, lr  }
0x1b: {  	s9 =	sadd.s32 $0xFFFFFEF7, lr;
	s5 =	simm.s32 $0xFFFFFFFF;
	p2 =	slt.u32 s8, $0xFFFFF086  }
0x1c: {  	p1 =	slt.u32 s9, $0xF7A;
	s5 =	simm.s32 @!p2 $0x0  }
0x1d: {  	s5 =	simm.s32 @p1 $0x1;
	p0 =	seq.s32 s7, s2  }
0x1e: {  	s7 =	smul.u32 @!p0 $0xF7A, s2;
	p2 =	seq.s32 @!p0 s5, $0x0  }
0x1f: {  	s9 =	smul.u32 $0xF7A, s1;
	s8 =	simm.s32 @!p0 $0x1BF5;
	p2 =	por !p2, p0  }
0x20: {  	[sflag:s8] =	ssyncset.s32 @!p0 $0xFFFFF086;
	s6 =	sadd.s32 @!p0 s3, s7;
	s7 =	simm.s32 @!p0 $0x108  }
0x21: {  	s3 =	sadd.s32 s3, s9;
	s6 =	sadd.s32 @!p0 $0x88, s6;
	s7 =	simm.s32 @p2 $0x1082  }
0x22: {  	[simem:s7], [sflag:s8] =	dma.local @!p0 [hbm:s6], $0xF7A  }
0x23: {  	s9 =	sor.u32 $0xD0000000, s2;
	s6 =	simm.s32 $0x108;
	_ =	swait.ge @!p0 [sflag:s8], $0x0  }
0x24: {  	s3 =	sadd.s32 $0x88, s3;
	s6 =	simm.s32 @!p1 $0x1082;
	[sflag:s4] =	ssyncset.s32 $0xFFFFF086  }
0x25: {  	[simem:s6], [sflag:s4] =	dma.local [hbm:s3], $0xF7A  }
0x26: {  	[smem:$0x3F9C] =	sst s1;
	(tag) =	ssettag s2;
	_ =	strace s9  }
0x27: {  	s1 =	sld [smem:$0x3FAC]  }
0x28: {  	s2 =	sld [smem:$0x3FAD]  }
0x29: {  	s4 =	sld [smem:$0x3FAF]  }
0x2a: {  	p0 =	seq.s32 s5, $0x0;
	s5 =	sld [smem:$0x3FB0]  }
0x2b: {  	s6 =	sld [smem:$0x3FB1]  }
0x2c: {  	s7 =	sld [smem:$0x3FB2]  }
0x2d: {  	s3 =	simm.s32 $0x108;
	s8 =	sld [smem:$0x3FB3]  }
0x2e: {  	s3 =	simm.s32 @!p0 $0x1082;
	s9 =	sld [smem:$0x3FB4]  }
0x2f: {  	lr =	sadd.s32 s0, s3;
	s0 =	sld [smem:$0x3FAB]  }
0x30: {  	s3 =	sld [smem:$0x3FAE]  }
0x31: {  	[smem:$0x3FB7] =	sst s10  }
0x32: {  	s10 =	sld [smem:$0x3FB5];
	_ =	sdelay $0x3  }
0x33: {  	p0 =	seq.s32 s10, $0x1;
	s10 =	sld [smem:$0x3FB7];
	_ =	sdelay $0x3  }
0x34: {  	[smem:$0x3FB7] =	sst s10  }
0x35: {  	s10 =	sld [smem:$0x3FB6];
	_ =	sdelay $0x3  }
0x36: {  	p1 =	seq.s32 s10, $0x1;
	s10 =	sld [smem:$0x3FB7];
	_ =	sdelay $0x3  }
0x37: {  	[smem:$0x3FB7] =	sst s10  }
0x38: {  	s10 =	sld [smem:$0x3FB8]  }
0x39: {  	_ = 	snop;
	(pc) =	sbr.ind lr, $3  }
0x3a: {  	_ = 	snop  }
0x3b: {  	_ = 	snop  }
0x3c: {  	p2 =	seq.s32 s10, $0x1;
	s10 =	sld [smem:$0x3FB7]  }
0x3d: {  	_ =	shalt  }
0x3e: {  	_ =	shalt  }
0x3f: {  	_ =	shalt  }
0x40: {  	_ =	shalt  }
0x41: {  	_ =	shalt  }
0x42: {  	_ =	shalt  }
0x43: {  	_ =	shalt  }
0x44: {  	_ =	shalt  }
0x45: {  	_ =	shalt  }
0x46: {  	_ =	shalt  }
0x47: {  	_ =	shalt  }
0x48: {  	_ =	shalt  }
0x49: {  	_ =	shalt  }
0x4a: {  	_ =	shalt  }
0x4b: {  	_ =	shalt  }
0x4c: {  	_ =	shalt  }
0x4d: {  	_ =	shalt  }
0x4e: {  	_ =	shalt  }
0x4f: {  	_ =	shalt  }
0x50: {  	_ =	shalt  }
0x51: {  	_ =	shalt  }
0x52: {  	_ =	shalt  }
0x53: {  	_ =	shalt  }
0x54: {  	_ =	shalt  }
0x55: {  	_ =	shalt  }
0x56: {  	_ =	shalt  }
0x57: {  	_ =	shalt  }
0x58: {  	_ =	shalt  }
0x59: {  	_ =	shalt  }
0x5a: {  	_ =	shalt  }
0x5b: {  	_ =	shalt  }
0x5c: {  	_ =	shalt  }
0x5d: {  	_ =	shalt  }
0x5e: {  	_ =	shalt  }
0x5f: {  	_ =	shalt  }
0x60: {  	_ =	shalt  }
0x61: {  	_ =	shalt  }
0x62: {  	_ =	shalt  }
0x63: {  	_ =	shalt  }
0x64: {  	_ =	shalt  }
0x65: {  	_ =	shalt  }
0x66: {  	_ =	shalt  }
0x67: {  	_ =	shalt  }
0x68: {  	_ =	shalt  }
0x69: {  	_ =	shalt  }
0x6a: {  	_ =	shalt  }
0x6b: {  	_ =	shalt  }
0x6c: {  	_ =	shalt  }
0x6d: {  	_ =	shalt  }
0x6e: {  	_ =	shalt  }
0x6f: {  	_ =	shalt  }
0x70: {  	_ =	shalt  }
0x71: {  	_ =	shalt  }
0x72: {  	_ =	shalt  }
0x73: {  	_ =	shalt  }
0x74: {  	_ =	shalt  }
0x75: {  	_ =	shalt  }
0x76: {  	_ =	shalt  }
0x77: {  	_ =	shalt  }
0x78: {  	_ =	shalt  }
0x79: {  	_ =	shalt  }
0x7a: {  	_ =	shalt  }
0x7b: {  	_ =	shalt  }
0x7c: {  	_ =	shalt  }
0x7d: {  	_ =	shalt  }
0x7e: {  	_ =	shalt  }
0x7f: {  	_ =	shalt  }
0x80: {  	_ =	shalt  }
0x81: {  	_ =	shalt  }
0x82: {  	_ =	shalt  }
0x83: {  	_ =	shalt  }
0x84: {  	_ =	shalt  }
0x85: {  	_ =	shalt  }
0x86: {  	_ =	shalt  }
0x87: {  	_ =	shalt  }
.Lfunc_end0:
.L_simem_size_0:
called_computation_lowered:
.L_overlay_start_0:
0x88: {  	s2 =	sld [smem:$0x3FD9]  }
0x89: {  	s3 =	sld [smem:$0x3FFE];
	_ =	sdelay $0x1  }
0x8a: {  	s1 =	srdreg.scid  }
0x8b: {  	s0 =	sand.u32 $0x1, s1  }
0x8c: {  	s17 =	sshll.u32 s0, $0xA;
	s2 =	sadd.s32 s3, s2  }
0x8d: {  	s2 =	sadd.s32 s2, s17  }
0x8e: {  	[smem:$0x3FC3] =	sst s2  }
0x8f: {  	_ = 	snop  }
0x90: {  	s2 =	sld [smem:$0x3FC9]  }
0x91: {  	s18 =	sld [smem:$0x3FD0];
	(tm) =	ssettm $0x1  }
0x92: {  	s4 =	sld [smem:$0x3FFB];
	_ =	sdelay $0x3  }
0x93: {  	_ =	strace s4  }
0x94: {  	s4 =	sld [smem:$0x3FFC];
	_ =	sdelay $0x3  }
0x95: {  	_ =	strace s4  }
0x96: {  	s4 =	sld [smem:$0x3FFD];
	_ =	sdelay $0x3  }
0x97: {  	_ =	strace s4  }
0x98: {  	_ =	strace $0x8FFFFFFF  }
0x99: {  	s19 =	sld [smem:$0x3FDB];
	_ =	sdelay $0x1  }
0x9a: {  	s5 =	simm.s32 $_scs_section_size  }
0x9b: {  	s6 =	simm.s32 $_size__tile_overlayer_lowered;
	s7 =	simm.s32 $_tile_overlayer_lowered  }
0x9c: {  	s22 =	simm.s32 $0x1BFF;
	s21 =	sshll.u32 s7, $0x1;
	s4 =	sadd.s32 s5, s19  }
0x9d: {  	s8 =	simm.s32 $0x0;
	s20 =	sshll.u32 s6, $0x1;
	s6 =	sadd.s32 s21, s4  }
0x9e: {  	[timem:s8], [sflag:s22] =	dma.local [hbm:s6], s20  }
0x9f: {  	_ =	swait.ge [sflag:s22], s20  }
0xa0: {  	s5 =	ssub.s32 $0x0, s20;
	[sflag:s22] =	ssyncset.done $0x0  }
0xa1: {  	[sflag:s22] =	ssyncadd.s32 s5;
	_ =	sdelay $0x1  }
0xa2: {  	s23 =	simm.s32 $0x1B8B  }
0xa3: {  	_ =	swait.ge [sflag:s23], $0x1  }
0xa4: {  	[sflag:s23] =	ssyncset.done $0x0  }
0xa5: {  	s25 =	simm.s32 $0x1B8E;
	s24 =	sld [smem:$0x3FFE];
	[sflag:s23] =	ssyncadd.s32 $0xFFFFFFFF  }
0xa6: {  	s26 =	simm.s32 $execute0_lowered;
	[smem:$0x3FD2] =	sst s25  }
0xa7: {  	s6 =	sshll.u32 s26, $0x1;
	_ =	strace $0x80000046;
	[dreg:$0x1] =	wrdreg $0xFFFFFFFF  }
0xa8: {  	s28 =	simm.s32 $_size_execute0_lowered;
	s4 =	sadd.s32 s4, s6;
	[dreg:$0x0] =	wrdreg $0x0  }
0xa9: {  	s6 =	sshll.u32 s28, $0x1;
	[dreg:$0x2] =	wrdreg s4  }
0xaa: {  	[dreg:$0x3] =	wrdreg s6  }
0xab: {  	[dreg:$0x4] =	wrdreg $0xC0  }
0xac: {  	_ =	task [dreg:s8], $0x5FFFF  }
0xad: {  	[dreg:$0x1] =	wrdreg $0xFFFFFFFF  }
0xae: {  	[dreg:$0x0] =	wrdreg $0x60  }
0xaf: {  	[dreg:$0x2] =	wrdreg s2  }
0xb0: {  	[dreg:$0x3] =	wrdreg s18  }
0xb1: {  	[dreg:$0x4] =	wrdreg s24  }
0xb2: {  	[dreg:$0x5] =	wrdreg $0x43800  }
0xb3: {  	[dreg:$0x6] =	wrdreg $0x9  }
0xb4: {  	_ =	task.clear_ibuf [dreg:s8], $0x7FFFF;
	_ =	strace $0x90000046  }
0xb5: {  	s29 =	simm.s32 $0x9;
	_ =	strace $0x80000048  }
0xb6: {  	_ =	swait.ge [sflag:s29], $0x1  }
0xb7: {  	[sflag:s29] =	ssyncadd.s32 $0xFFFFFFFF  }
0xb8: {  	_ =	strace $0x90000048  }
0xb9: {  	_ =	sfence  }
0xba: {  	s30 =	sld [smem:$0x0];
	_ =	sdelay $0x2  }
0xbb: {  	s31 =	sshll.u32 s1, $0xD;
	s1 =	sshrl.u32 s1, $0x2  }
0xbc: {  	s3 =	sand.u32 $0x4000, s31;
	s1 =	sadd.s32 s1, s30  }
0xbd: {  	s0 =	sor.u32 s3, s0;
	s1 =	sshll.u32 s1, $0x11  }
0xbe: {  	s0 =	sor.u32 s1, s0  }
0xbf: {  	s0 =	sadd.s32 $0x8F2B, s0  }
0xc0: {  	[sflag:s0] =	ssyncadd.remote.s32 $0x1  }
0xc1: {  	_ =	sfence.sel $0xFFFF  }
0xc2: {  	[dreg:$0x0] =	wrdreg $0xFFFFFFFF;
	(pc) =	sbr.abs _section_cstart, $3  }
0xc3: {  	[dreg:$0x1] =	wrdreg $0xFFFFFFFF  }
0xc4: {  	_ =	task.clear_ibuf [dreg:s8], $0x2FFFF;
	_ =	strace $0x9FFFFFFF  }
0xc5: {  	(tm) =	ssettm $0x7FFFFFFF  }
tec
execute0_lowered:
.L_overlay_start_1:
0x0: {  	(tag) =	ssettag $0x1  }
0x1: {  	s0 =	srdreg.scid;
	s4 =	stileid.u32  }
0x2: {  	s12 =	sand.u32 $0x1, s0;
	s0 =	smul.u32 $0x280, s4  }
0x3: {  	s15 =	smul.u32 $0x8C, s4  }
0x4: {  	s6 =	smul.u32 $0x14, s4  }
0x5: {  	s13 =	rddreg [dreg:$0x2];
	s1 =	simm.s32 $0x0;
	s17 =	smul.u32 $0x14000, s4  }
0x6: {  	[smem:$0x7FF] =	sst s1;
	s28 =	sadd.s32 $0x1600, s13;
	s2 =	ssub.s32 $0x2, s12  }
0x7: {  	s16 =	smul.u32 $0x140000, s12;
	p0 =	seq.s32 s12, $0x0;
	s3 =	sshrl.u32 s2, $0x1  }
0x8: {  	s10 =	sor.u32 $0x40, s0;
	s9 =	sadd.s32 $0x80, s0;
	s8 =	sadd.s32 $0xC0, s0  }
0x9: {  	s11 =	sadd.s32 $0x100, s0;
	s14 =	sadd.s32 $0x140, s0;
	s5 =	sadd.s32 $0x180, s0  }
0xa: {  	s24 =	sadd.s32 $0x1C0, s0;
	s7 =	sadd.s32 $0x8C0, s6;
	[dreg:$0x1e] =	wrdreg s14  }
0xb: {  	s25 =	sadd.s32 $0x200, s0;
	s29 =	sadd.s32 $0x240, s0;
	[dreg:$0x1d] =	wrdreg s5  }
0xc: {  	s30 =	sadd.s32 $0xD0, s0;
	s31 =	sadd.s32 $0xE0, s0;
	[dreg:$0x1c] =	wrdreg s24  }
0xd: {  	s2 =	ssub.s32 s2, s3;
	[dreg:$0x1b] =	wrdreg s25;
	s7 =	smov.u32 @p0 s15  }
0xe: {  	s6 =	sadd.s32 s17, s16;
	s26 =	sshll.u32 s10, $0x7;
	s18 =	sshll.u32 s9, $0x7  }
0xf: {  	s19 =	sshll.u32 s8, $0x7;
	s20 =	sshll.u32 s11, $0x7;
	s21 =	sshll.u32 s14, $0x7  }
0x10: {  	s22 =	sshll.u32 s5, $0x7;
	s23 =	sshll.u32 s24, $0x7;
	s24 =	sshll.u32 s25, $0x7  }
0x11: {  	s25 =	sshll.u32 s29, $0x7;
	s17 =	sadd.s32 s16, s26;
	s18 =	sadd.s32 s16, s18  }
0x12: {  	s19 =	sadd.s32 s16, s19;
	s20 =	sadd.s32 s16, s20;
	s21 =	sadd.s32 s16, s21  }
0x13: {  	s22 =	sadd.s32 s16, s22;
	s23 =	sadd.s32 s16, s23;
	s24 =	sadd.s32 s16, s24  }
0x14: {  	s16 =	sadd.s32 s16, s25;
	s15 =	sshrl.u32 s6, $0x3;
	s25 =	sadd.s32 $0x1A00, s13  }
0x15: {  	[dreg:$0x1a] =	wrdreg s2;
	s17 =	sshrl.u32 s17, $0x3;
	s6 =	sadd.s32 s25, s15  }
0x16: {  	s18 =	sshrl.u32 s18, $0x3;
	[dreg:$0x5] =	wrdreg s6;
	s14 =	sadd.s32 s25, s17  }
0x17: {  	s19 =	sshrl.u32 s19, $0x3;
	s26 =	sadd.s32 s25, s18;
	[dreg:$0x6] =	wrdreg s14  }
0x18: {  	s20 =	sshrl.u32 s20, $0x3;
	s3 =	sadd.s32 s25, s19;
	[dreg:$0x7] =	wrdreg s26  }
0x19: {  	s21 =	sshrl.u32 s21, $0x3;
	s5 =	sadd.s32 s25, s20;
	[dreg:$0x8] =	wrdreg s3  }
0x1a: {  	s22 =	sshrl.u32 s22, $0x3;
	s6 =	sadd.s32 s25, s21;
	[dreg:$0x9] =	wrdreg s5  }
0x1b: {  	s23 =	sshrl.u32 s23, $0x3;
	[dreg:$0xa] =	wrdreg s6;
	s14 =	sadd.s32 s25, s22  }
0x1c: {  	s24 =	sshrl.u32 s24, $0x3;
	s26 =	sadd.s32 s25, s23;
	[dreg:$0xb] =	wrdreg s14  }
0x1d: {  	s16 =	sshrl.u32 s16, $0x3;
	s3 =	sadd.s32 s25, s24;
	[dreg:$0xc] =	wrdreg s26  }
0x1e: {  	v39 =	vlaneseq.u32;
	s5 =	sadd.s32 s25, s16;
	s6 =	sadd.s32 $0x51A00, s13;
	[dreg:$0xd] =	wrdreg s3  }
0x1f: {  	v3 =	vor.u32 s10, v39;
	s10 =	sadd.s32 $0x170, s0;
	[dreg:$0xe] =	wrdreg s5;
	s14 =	sadd.s32 s6, s15  }
0x20: {  	v7 =	vor.u32 s9, v39;
	s9 =	sadd.s32 $0x250, s0;
	s15 =	sadd.s32 s6, s17;
	[dreg:$0xf] =	wrdreg s14  }
0x21: {  	v12 =	vor.u32 s30, v39;
	s30 =	simm.s32 $0x8B;
	s17 =	sadd.s32 s6, s18;
	[dreg:$0x10] =	wrdreg s15  }
0x22: {  	s2 =	sadd.s32 $0xF0, s0;
	s18 =	sadd.s32 s6, s19;
	[dreg:$0x11] =	wrdreg s17  }
0x23: {  	s30 =	simm.s32 @!p0 $0x13;
	s19 =	sadd.s32 s6, s20;
	[dreg:$0x12] =	wrdreg s18  }
0x24: {  	v11 =	vor.u32 s8, v39;
	s8 =	sshll.u32 s7, $0x4;
	s7 =	simm.s32 $0x80;
	[dreg:$0x13] =	wrdreg s19  }
0x25: {  	v23 =	vor.u32 s10, v39;
	s10 =	simm.s32 $0x180;
	s20 =	sadd.s32 s6, s21;
	s17 =	rddreg [dreg:$0x0]  }
0x26: {  	s25 =	sadd.s32 $0xB0, s0;
	s21 =	smul.u32 $0x5000, s12;
	[dreg:$0x14] =	wrdreg s20  }
0x27: {  	s22 =	sadd.s32 s6, s22;
	s26 =	smul.u32 $0x500, s4;
	s19 =	rddreg [dreg:$0x1]  }
0x28: {  	s3 =	sadd.s32 s6, s23;
	s5 =	sadd.s32 s6, s24;
	[dreg:$0x15] =	wrdreg s22  }
0x29: {  	s6 =	sadd.s32 s6, s16;
	s12 =	sshll.u32 s12, $0x4;
	s22 =	rddreg [dreg:$0x3]  }
0x2a: {  	s16 =	sor.u32 $0x20, s0;
	s23 =	sor.u32 $0x70, s0;
	[dreg:$0x16] =	wrdreg s3  }
0x2b: {  	s24 =	sadd.s32 $0x90, s0;
	v10 =	vor.u32 s25, v39;
	s25 =	sadd.s32 $0x260, s0;
	[dreg:$0x17] =	wrdreg s5  }
0x2c: {  	[dreg:$0x18] =	wrdreg s6;
	s14 =	sadd.s32 $0x1200, s13;
	s12 =	sor.u32 s4, s12  }
0x2d: {  	s15 =	sor.u32 $0x10, s0;
	s18 =	sor.u32 $0x30, s0;
	s20 =	sor.u32 $0x50, s0  }
0x2e: {  	s3 =	sadd.s32 $0x110, s0;
	s4 =	sadd.s32 $0x120, s0;
	s13 =	sadd.s32 $0x130, s0  }
0x2f: {  	s5 =	sadd.s32 $0x150, s0;
	_ =	strace $0x80000047;
	[dreg:$0x19] =	wrdreg s14  }
0x30: {  	s6 =	sadd.s32 $0x160, s0;
	v1 =	vor.u32 s16, v39;
	s16 =	sadd.s32 $0x1A0, s0;
	[dreg:$0x1f] =	wrdreg s9  }
0x31: {  	v6 =	vor.u32 s23, v39;
	v8 =	vor.u32 s24, v39;
	s23 =	sadd.s32 $0x1F0, s0;
	s24 =	sadd.s32 $0x210, s0;
	[smem:$0x7FC] =	sst s25  }
0x32: {  	v16 =	vor.u32 s11, v39;
	s26 =	sadd.s32 s26, s21;
	s21 =	sor.u32 $0x60, s0;
	s11 =	rddreg [dreg:$0x1e]  }
0x33: {  	v14 =	vor.u32 s2, v39;
	s14 =	sadd.s32 $0xA0, s0;
	s2 =	smul.u32 $0x500, s12;
	s12 =	rddreg [dreg:$0x1d]  }
0x34: {  	v0 =	vor.u32 s15, v39;
	v2 =	vor.u32 s18, v39;
	s15 =	sadd.s32 $0x190, s0;
	s18 =	sadd.s32 $0x1B0, s0;
	v19 =	vor.u32 s13, v39;
	s13 =	rddreg [dreg:$0x1a]  }
0x35: {  	v4 =	vor.u32 s20, v39;
	s20 =	sadd.s32 $0x1D0, s0;
	s9 =	sadd.s32 $0x10, s19;
	v27 =	vor.u32 s18, v39;
	s18 =	rddreg [dreg:$0x1c]  }
0x36: {  	v13 =	vor.u32 s31, v39;
	v18 =	vor.u32 s4, v39;
	s31 =	sadd.s32 s19, s8;
	s4 =	simm.s32 $0x380;
	v29 =	vor.u32 s20, v39;
	s20 =	rddreg [dreg:$0x1b]  }
0x37: {  	v21 =	vor.u32 s5, v39;
	v22 =	vor.u32 s6, v39;
	s5 =	simm.s32 $0x6;
	s6 =	simm.s32 $0x40;
	v31 =	vor.u32 s23, v39;
	s23 =	rddreg [dreg:$0x1f]  }
0x38: {  	v33 =	vor.u32 s24, v39;
	v5 =	vor.u32 s21, v39;
	s21 =	sadd.s32 $0x1E0, s0;
	v9 =	vor.u32 s14, v39;
	s14 =	sadd.s32 $0x220, s0;
	s24 =	sld [smem:$0x7FC]  }
0x39: {  	v15 =	vor.u32 s0, v39;
	[smem:$0x7FB] =	sst s14;
	s14 =	sadd.s32 $0x230, s0;
	s0 =	sadd.s32 $0x270, s0  }
0x3a: {  	v26 =	vor.u32 s16, v39;
	s16 =	simm.s32 $0x300;
	s25 =	sadd.s32 s8, s9;
	[smem:$0x7FD] =	sst s0  }
0x3b: {  	v25 =	vor.u32 s15, v39;
	s8 =	simm.s32 $0x1;
	s15 =	simm.s32 $0x280;
	v30 =	vor.u32 s21, v39;
	s21 =	sld [smem:$0x7FB]  }
0x3c: {  	v36 =	vor.u32 s29, v39;
	v17 =	vor.u32 s3, v39;
	v20 =	vor.u32 s11, v39;
	s3 =	smax.u32 s13, $0x1;
	s11 =	simm.s32 $0x2380;
	s29 =	sld [smem:$0x7FD]  }
0x3d: {  	v24 =	vor.u32 s12, v39;
	v28 =	vor.u32 s18, v39;
	s12 =	simm.s32 $0x200;
	s13 =	simm.s32 $0x2;
	s18 =	simm.s32 $0x4  }
0x3e: {  	v32 =	vor.u32 s20, v39;
	v37 =	vor.u32 s23, v39;
	s23 =	simm.s32 $0x0;
	s0 =	sadd.s32 s2, s9;
	s2 =	sadd.s32 s19, s2;
	v35 =	vor.u32 s14, v39  }
0x3f: {  	s9 =	simm.s32 $0x100;
	s14 =	simm.s32 $0x3;
	v38 =	vor.u32 s24, v39;
	v34 =	vor.u32 s21, v39;
	s21 =	simm.s32 $0x5;
	v39 =	vor.u32 s29, v39  }
.LBB2_1:
0x40: {  	[tilespmem:s4], [sflag:$0x6] =	stream.linear.gather [hbm4b:s28+s1], $0x2000, $0x38;
	[tilespmem:$0x18380] =	vst v63  }
0x41: {  	_ =	swait.ge [sflag:s5], $0x2000  }
0x42: {  	[sflag:s5] =	ssyncset.done $0x0  }
0x43: {  	[sflag:s5] =	ssyncadd.s32 $0xFFFFE000  }
0x44: {  	[tilespmem:$0x80] =	vst v15  }
0x45: {  	[tilespmem:$0x90] =	vst v0  }
0x46: {  	[tilespmem:$0xA0] =	vst v1  }
0x47: {  	[tilespmem:$0xB0] =	vst v2  }
0x48: {  	[spmem:s22] =	stream.indirect.scatter [tilespmem:s4], [sflag:$0x6], $0x80, s7, s6, $0xb8;
	[tilespmem:$0x18380] =	vst v63  }
0x49: {  	_ =	swait.ge [sflag:s5], $0x2000  }
0x4a: {  	[sflag:s5] =	ssyncset.done $0x0  }
0x4b: {  	[sflag:s5] =	ssyncadd.s32 $0xFFFFE000  }
0x4c: {  	[tilespmem:$0x80] =	vst v3  }
0x4d: {  	[tilespmem:$0x90] =	vst v4  }
0x4e: {  	[tilespmem:$0xA0] =	vst v5  }
0x4f: {  	[tilespmem:$0xB0] =	vst v6  }
0x50: {  	[spmem:s22] =	stream.indirect.scatter [tilespmem:s4], [sflag:$0x6], $0x80, s7, s6, $0xb8;
	[tilespmem:$0x18380] =	vst v63  }
0x51: {  	_ =	swait.ge [sflag:s5], $0x2000  }
0x52: {  	[sflag:s5] =	ssyncset.done $0x0  }
0x53: {  	[sflag:s5] =	ssyncadd.s32 $0xFFFFE000  }
0x54: {  	[tilespmem:$0x80] =	vst v7  }
0x55: {  	[tilespmem:$0x90] =	vst v8  }
0x56: {  	[tilespmem:$0xA0] =	vst v9  }
0x57: {  	[tilespmem:$0xB0] =	vst v10  }
0x58: {  	[spmem:s22] =	stream.indirect.scatter [tilespmem:s4], [sflag:$0x6], $0x80, s7, s6, $0xb8;
	[tilespmem:$0x18380] =	vst v63  }
0x59: {  	_ =	swait.ge [sflag:s5], $0x2000  }
0x5a: {  	[sflag:s5] =	ssyncset.done $0x0  }
0x5b: {  	[sflag:s5] =	ssyncadd.s32 $0xFFFFE000  }
0x5c: {  	[tilespmem:$0x80] =	vst v11  }
0x5d: {  	[tilespmem:$0x90] =	vst v12  }
0x5e: {  	[tilespmem:$0xA0] =	vst v13  }
0x5f: {  	[tilespmem:$0xB0] =	vst v14  }
0x60: {  	[spmem:s22] =	stream.indirect.scatter [tilespmem:s4], [sflag:$0x6], $0x80, s7, s6, $0xb8;
	[tilespmem:$0x18380] =	vst v63  }
0x61: {  	_ =	swait.ge [sflag:s5], $0x2000  }
0x62: {  	[sflag:s5] =	ssyncset.done $0x0  }
0x63: {  	[sflag:s5] =	ssyncadd.s32 $0xFFFFE000  }
0x64: {  	[tilespmem:$0x80] =	vst v16  }
0x65: {  	[tilespmem:$0x90] =	vst v17  }
0x66: {  	[tilespmem:$0xA0] =	vst v18  }
0x67: {  	[tilespmem:$0xB0] =	vst v19  }
0x68: {  	[spmem:s22] =	stream.indirect.scatter [tilespmem:s4], [sflag:$0x6], $0x80, s7, s6, $0xb8;
	[tilespmem:$0x18380] =	vst v63  }
0x69: {  	_ =	swait.ge [sflag:s5], $0x2000  }
0x6a: {  	[sflag:s5] =	ssyncset.done $0x0  }
0x6b: {  	[sflag:s5] =	ssyncadd.s32 $0xFFFFE000  }
0x6c: {  	[tilespmem:$0x80] =	vst v20  }
0x6d: {  	[tilespmem:$0x90] =	vst v21  }
0x6e: {  	[tilespmem:$0xA0] =	vst v22  }
0x6f: {  	[tilespmem:$0xB0] =	vst v23  }
0x70: {  	[spmem:s22] =	stream.indirect.scatter [tilespmem:s4], [sflag:$0x6], $0x80, s7, s6, $0xb8;
	[tilespmem:$0x18380] =	vst v63  }
0x71: {  	_ =	swait.ge [sflag:s5], $0x2000  }
0x72: {  	[sflag:s5] =	ssyncset.done $0x0  }
0x73: {  	[sflag:s5] =	ssyncadd.s32 $0xFFFFE000  }
0x74: {  	[tilespmem:$0x80] =	vst v24  }
0x75: {  	[tilespmem:$0x90] =	vst v25  }
0x76: {  	[tilespmem:$0xA0] =	vst v26  }
0x77: {  	[tilespmem:$0xB0] =	vst v27  }
0x78: {  	[spmem:s22] =	stream.indirect.scatter [tilespmem:s4], [sflag:$0x6], $0x80, s7, s6, $0xb8;
	[tilespmem:$0x18380] =	vst v63  }
0x79: {  	_ =	swait.ge [sflag:s5], $0x2000  }
0x7a: {  	[sflag:s5] =	ssyncset.done $0x0  }
0x7b: {  	[sflag:s5] =	ssyncadd.s32 $0xFFFFE000  }
0x7c: {  	[tilespmem:$0x80] =	vst v28  }
0x7d: {  	[tilespmem:$0x90] =	vst v29  }
0x7e: {  	[tilespmem:$0xA0] =	vst v30  }
0x7f: {  	[tilespmem:$0xB0] =	vst v31  }
0x80: {  	[spmem:s22] =	stream.indirect.scatter [tilespmem:s4], [sflag:$0x6], $0x80, s7, s6, $0xb8;
	[tilespmem:$0x18380] =	vst v63  }
0x81: {  	_ =	swait.ge [sflag:s5], $0x2000  }
0x82: {  	[sflag:s5] =	ssyncset.done $0x0  }
0x83: {  	[sflag:s5] =	ssyncadd.s32 $0xFFFFE000  }
0x84: {  	[tilespmem:$0x80] =	vst v32  }
0x85: {  	[tilespmem:$0x90] =	vst v33  }
0x86: {  	[tilespmem:$0xA0] =	vst v34  }
0x87: {  	[tilespmem:$0xB0] =	vst v35  }
0x88: {  	[spmem:s22] =	stream.indirect.scatter [tilespmem:s4], [sflag:$0x6], $0x80, s7, s6, $0xb8;
	[tilespmem:$0x18380] =	vst v63  }
0x89: {  	_ =	swait.ge [sflag:s5], $0x2000  }
0x8a: {  	[sflag:s5] =	ssyncset.done $0x0  }
0x8b: {  	[sflag:s5] =	ssyncadd.s32 $0xFFFFE000  }
0x8c: {  	[tilespmem:$0x80] =	vst v36  }
0x8d: {  	[tilespmem:$0x90] =	vst v37  }
0x8e: {  	[tilespmem:$0xA0] =	vst v38  }
0x8f: {  	[tilespmem:$0xB0] =	vst v39  }
0x90: {  	[spmem:s22] =	stream.indirect.scatter [tilespmem:s4], [sflag:$0x6], $0x80, s7, s6, $0xb8;
	[tilespmem:$0x18380] =	vst v63  }
0x91: {  	_ =	swait.ge [sflag:s5], $0x2000  }
0x92: {  	[sflag:s5] =	ssyncset.done $0x0  }
0x93: {  	[sflag:s5] =	ssyncadd.s32 $0xFFFFE000  }
0x94: {  	[bflag:$0x0] =	sbarrier.arrive $0xFFFF  }
0x95: {  	[tilespmem:s1], [sflag:$0x6] =	stream.linear.gather [hbm4b:s31+s1], $0x80, $0x38;
	[tilespmem:$0x18380] =	vst v63  }
0x96: {  	_ =	swait.ge [sflag:s5], $0x80  }
0x97: {  	[sflag:s5] =	ssyncset.done $0x0  }
0x98: {  	[sflag:s5] =	ssyncadd.s32 $0xFFFFFF80  }
0x99: {  	v40 =	vld [tilespmem:$0x0];
	_ =	sdelay $0x1  }
0x9a: {  	v41 =	vld [tilespmem:$0x10];
	_ =	sdelay $0x1  }
0x9b: {  	v42 =	vld [tilespmem:$0x20]  }
0x9c: {  	v43 =	vshrl.u32 v40, $0xE  }
0x9d: {  	v51 =	vld [tilespmem:$0x30];
	v40 =	vand.u32 $0x3FFF, v40;
	[tilespmem:$0x80] =	vst v43  }
0x9e: {  	v52 =	vshrl.u32 v41, $0xE;
	[tilespmem:$0x100] =	vst v40  }
0x9f: {  	v53 =	vand.u32 $0x3FFF, v41;
	[tilespmem:$0x90] =	vst v52  }
0xa0: {  	v54 =	vshrl.u32 v42, $0xE;
	[tilespmem:$0x110] =	vst v53  }
0xa1: {  	v55 =	vand.u32 $0x3FFF, v42;
	[tilespmem:$0xA0] =	vst v54  }
0xa2: {  	v56 =	vshrl.u32 v51, $0xE;
	[tilespmem:$0x120] =	vst v55  }
0xa3: {  	v57 =	vand.u32 $0x3FFF, v51;
	[tilespmem:$0xB0] =	vst v56  }
0xa4: {  	[tilespmem:$0x130] =	vst v57  }
0xa5: {  	[tilespmem:s4], [sflag:$0x1] =	stream.indirect.gather [hbm4b:s17+s6], $0x80, s7, s6, $0xb8;
	[tilespmem:$0x18380] =	vst v63  }
0xa6: {  	v58 =	vld [tilespmem:$0x40];
	_ =	sdelay $0x1  }
0xa7: {  	v59 =	vld [tilespmem:$0x50];
	_ =	sdelay $0x1  }
0xa8: {  	v60 =	vld [tilespmem:$0x60]  }
0xa9: {  	v61 =	vshrl.u32 v58, $0xE  }
0xaa: {  	v62 =	vld [tilespmem:$0x70];
	v40 =	vand.u32 $0x3FFF, v58;
	[tilespmem:$0x180] =	vst v61  }
0xab: {  	v63 =	vshrl.u32 v59, $0xE;
	[tilespmem:$0x200] =	vst v40  }
0xac: {  	v44 =	vand.u32 $0x3FFF, v59;
	[tilespmem:$0x190] =	vst v63  }
0xad: {  	v45 =	vshrl.u32 v60, $0xE;
	[tilespmem:$0x210] =	vst v44  }
0xae: {  	v46 =	vand.u32 $0x3FFF, v60;
	[tilespmem:$0x1A0] =	vst v45  }
0xaf: {  	v47 =	vshrl.u32 v62, $0xE;
	[tilespmem:$0x220] =	vst v46  }
0xb0: {  	v48 =	vand.u32 $0x3FFF, v62;
	[tilespmem:$0x1B0] =	vst v47  }
0xb1: {  	[tilespmem:$0x230] =	vst v48  }
0xb2: {  	_ =	swait.ge [sflag:s8], $0x2000  }
0xb3: {  	[sflag:s8] =	ssyncset.done $0x0  }
0xb4: {  	[sflag:s8] =	ssyncadd.s32 $0xFFFFE000  }
0xb5: {  	[spmem:s22] =	stream.indirect.scatter.add.f32 [tilespmem:s4], [sflag:$0x2], $0x80, s9, s6, $0xb8;
	[tilespmem:$0x18380] =	vst v63  }
0xb6: {  	_ = 	snop  }
0xb7: {  	[tilespmem:s11], [sflag:$0x1] =	stream.indirect.gather [hbm4b:s17+s6], $0x80, s10, s6, $0xb8;
	[tilespmem:$0x18380] =	vst v63  }
0xb8: {  	_ =	swait.ge [sflag:s8], $0x2000  }
0xb9: {  	[sflag:s8] =	ssyncset.done $0x0  }
0xba: {  	[sflag:s8] =	ssyncadd.s32 $0xFFFFE000  }
0xbb: {  	[spmem:s22] =	stream.indirect.scatter.add.f32 [tilespmem:s11], [sflag:$0x3], $0x80, s12, s6, $0xb8;
	[tilespmem:$0x18380] =	vst v63  }
0xbc: {  	_ =	swait.ge [sflag:s13], $0x2000  }
0xbd: {  	[sflag:s13] =	ssyncset.done $0x0  }
0xbe: {  	[sflag:s13] =	ssyncadd.s32 $0xFFFFE000  }
0xbf: {  	[tilespmem:s1], [sflag:$0x6] =	stream.linear.gather [hbm4b:s25+s1], $0x80, $0x38;
	[tilespmem:$0x18380] =	vst v63  }
0xc0: {  	_ =	swait.ge [sflag:s5], $0x80  }
0xc1: {  	[sflag:s5] =	ssyncset.done $0x0  }
0xc2: {  	[sflag:s5] =	ssyncadd.s32 $0xFFFFFF80  }
0xc3: {  	v49 =	vld [tilespmem:$0x30];
	_ =	sdelay $0x1  }
0xc4: {  	v50 =	vld [tilespmem:$0x20]  }
0xc5: {  	v51 =	vld [tilespmem:$0x0]  }
0xc6: {  	v52 =	vld [tilespmem:$0x10]  }
0xc7: {  	v44 =	vshrl.u32 v49, $0xE  }
0xc8: {  	v40 =	vand.u32 $0x3FFF, v49;
	[tilespmem:$0xB0] =	vst v44  }
0xc9: {  	v53 =	vshrl.u32 v50, $0xE;
	[tilespmem:$0x130] =	vst v40  }
0xca: {  	v54 =	vshrl.u32 v51, $0xE;
	[tilespmem:$0xA0] =	vst v53  }
0xcb: {  	v55 =	vand.u32 $0x3FFF, v52;
	[tilespmem:$0x80] =	vst v54  }
0xcc: {  	v56 =	vand.u32 $0x3FFF, v51;
	[tilespmem:$0x110] =	vst v55  }
0xcd: {  	v41 =	vand.u32 $0x3FFF, v50;
	[tilespmem:$0x100] =	vst v56  }
0xce: {  	v57 =	vshrl.u32 v52, $0xE;
	[tilespmem:$0x120] =	vst v41  }
0xcf: {  	[tilespmem:$0x90] =	vst v57  }
0xd0: {  	[tilespmem:s4], [sflag:$0x1] =	stream.indirect.gather [hbm4b:s17+s6], $0x80, s7, s6, $0xb8;
	[tilespmem:$0x18380] =	vst v63  }
0xd1: {  	_ =	swait.ge [sflag:s14], $0x2000  }
0xd2: {  	[sflag:s14] =	ssyncset.done $0x0  }
0xd3: {  	[sflag:s14] =	ssyncadd.s32 $0xFFFFE000  }
0xd4: {  	v58 =	vld [tilespmem:$0x40]  }
0xd5: {  	v59 =	vld [tilespmem:$0x50]  }
0xd6: {  	v60 =	vld [tilespmem:$0x60]  }
0xd7: {  	p0 =	sne.s32 s30, $0x1;
	v61 =	vld [tilespmem:$0x70]  }
.Ltmp0:
0xd8: {  	_ = 	snop;
	(pc) =	sbr.rel @!p0 .LBB2_3-.Ltmp0, $4  }
0xd9: {  	v62 =	vshrl.u32 v58, $0xE  }
0xda: {  	v63 =	vshrl.u32 v59, $0xE;
	[tilespmem:$0x180] =	vst v62  }
0xdb: {  	v45 =	vand.u32 $0x3FFF, v58;
	v40 =	vand.u32 $0x3FFF, v59;
	v41 =	vshrl.u32 v60, $0xE;
	[tilespmem:$0x190] =	vst v63  }
0xdc: {  	s24 =	sadd.s32 $0xFFFFFFFF, s30;
	s20 =	smov.u32 s25;
	v43 =	vand.u32 $0x3FFF, v60;
	v42 =	vshrl.u32 v61, $0xE;
	v44 =	vand.u32 $0x3FFF, v61;
	[tilespmem:$0x200] =	vst v45  }
.LBB2_2:
0xdd: {  	p0 =	sne.s32 s24, $0x1;
	s24 =	sadd.s32 $0xFFFFFFFF, s24;
	[tilespmem:$0x230] =	vst v44;
	s20 =	sadd.s32 $0x10, s20  }
0xde: {  	[tilespmem:$0x220] =	vst v43  }
0xdf: {  	[tilespmem:$0x1B0] =	vst v42  }
0xe0: {  	[tilespmem:$0x1A0] =	vst v41  }
0xe1: {  	[tilespmem:$0x210] =	vst v40  }
0xe2: {  	_ =	swait.ge [sflag:s8], $0x2000  }
0xe3: {  	[sflag:s8] =	ssyncset.done $0x0  }
0xe4: {  	[sflag:s8] =	ssyncadd.s32 $0xFFFFE000  }
0xe5: {  	[spmem:s22] =	stream.indirect.scatter.add.f32 [tilespmem:s4], [sflag:$0x2], $0x80, s9, s6, $0xb8;
	[tilespmem:$0x18380] =	vst v63  }
0xe6: {  	_ = 	snop  }
0xe7: {  	[tilespmem:s11], [sflag:$0x1] =	stream.indirect.gather [hbm4b:s17+s6], $0x80, s10, s6, $0xb8;
	[tilespmem:$0x18380] =	vst v63  }
0xe8: {  	_ =	swait.ge [sflag:s8], $0x2000  }
0xe9: {  	[sflag:s8] =	ssyncset.done $0x0  }
0xea: {  	[sflag:s8] =	ssyncadd.s32 $0xFFFFE000  }
0xeb: {  	[spmem:s22] =	stream.indirect.scatter.add.f32 [tilespmem:s11], [sflag:$0x3], $0x80, s12, s6, $0xb8;
	[tilespmem:$0x18380] =	vst v63  }
0xec: {  	_ =	swait.ge [sflag:s13], $0x2000  }
0xed: {  	[sflag:s13] =	ssyncset.done $0x0  }
0xee: {  	[sflag:s13] =	ssyncadd.s32 $0xFFFFE000  }
0xef: {  	[tilespmem:s1], [sflag:$0x6] =	stream.linear.gather [hbm4b:s20+s1], $0x80, $0x38;
	[tilespmem:$0x18380] =	vst v63  }
0xf0: {  	_ =	swait.ge [sflag:s5], $0x80  }
0xf1: {  	[sflag:s5] =	ssyncset.done $0x0  }
0xf2: {  	[sflag:s5] =	ssyncadd.s32 $0xFFFFFF80  }
0xf3: {  	v40 =	vld [tilespmem:$0x30]  }
0xf4: {  	v41 =	vld [tilespmem:$0x20]  }
0xf5: {  	v42 =	vld [tilespmem:$0x0]  }
0xf6: {  	v43 =	vld [tilespmem:$0x10];
	_ =	sdelay $0x1  }
0xf7: {  	v44 =	vshrl.u32 v40, $0xE;
	v40 =	vand.u32 $0x3FFF, v40  }
0xf8: {  	v45 =	vshrl.u32 v41, $0xE;
	v41 =	vand.u32 $0x3FFF, v41;
	[tilespmem:$0xB0] =	vst v44  }
0xf9: {  	v44 =	vshrl.u32 v42, $0xE;
	v42 =	vand.u32 $0x3FFF, v42;
	[tilespmem:$0x130] =	vst v40  }
0xfa: {  	v40 =	vshrl.u32 v43, $0xE;
	v43 =	vand.u32 $0x3FFF, v43;
	[tilespmem:$0xA0] =	vst v45  }
0xfb: {  	[tilespmem:$0x80] =	vst v44  }
0xfc: {  	[tilespmem:$0x110] =	vst v43  }
0xfd: {  	[tilespmem:$0x100] =	vst v42  }
0xfe: {  	[tilespmem:$0x120] =	vst v41  }
0xff: {  	[tilespmem:$0x90] =	vst v40  }
0x100: {  	[tilespmem:s4], [sflag:$0x1] =	stream.indirect.gather [hbm4b:s17+s6], $0x80, s7, s6, $0xb8;
	[tilespmem:$0x18380] =	vst v63  }
0x101: {  	_ =	swait.ge [sflag:s14], $0x2000  }
0x102: {  	[sflag:s14] =	ssyncset.done $0x0  }
0x103: {  	[sflag:s14] =	ssyncadd.s32 $0xFFFFE000  }
0x104: {  	v40 =	vld [tilespmem:$0x40]  }
0x105: {  	v41 =	vld [tilespmem:$0x50]  }
0x106: {  	v42 =	vld [tilespmem:$0x60]  }
0x107: {  	v44 =	vld [tilespmem:$0x70]  }
.Ltmp1:
0x108: {  	(pc) =	sbr.rel @p0 .LBB2_2-.Ltmp1, $4  }
0x109: {  	v43 =	vshrl.u32 v40, $0xE;
	v45 =	vand.u32 $0x3FFF, v40  }
0x10a: {  	[tilespmem:$0x180] =	vst v43;
	v43 =	vshrl.u32 v41, $0xE;
	v40 =	vand.u32 $0x3FFF, v41  }
0x10b: {  	[tilespmem:$0x190] =	vst v43;
	v41 =	vshrl.u32 v42, $0xE  }
0x10c: {  	v43 =	vand.u32 $0x3FFF, v42;
	[tilespmem:$0x200] =	vst v45;
	v42 =	vshrl.u32 v44, $0xE;
	v44 =	vand.u32 $0x3FFF, v44  }
.LBB2_3:
0x10d: {  	[tilespmem:$0x230] =	vst v44  }
0x10e: {  	[tilespmem:$0x220] =	vst v43  }
0x10f: {  	[tilespmem:$0x1B0] =	vst v42  }
0x110: {  	[tilespmem:$0x1A0] =	vst v41  }
0x111: {  	[tilespmem:$0x210] =	vst v40  }
0x112: {  	_ =	swait.ge [sflag:s8], $0x2000  }
0x113: {  	[sflag:s8] =	ssyncset.done $0x0  }
0x114: {  	[sflag:s8] =	ssyncadd.s32 $0xFFFFE000  }
0x115: {  	[spmem:s22] =	stream.indirect.scatter.add.f32 [tilespmem:s4], [sflag:$0x2], $0x80, s9, s6, $0xb8;
	[tilespmem:$0x18380] =	vst v63  }
0x116: {  	_ = 	snop  }
0x117: {  	[tilespmem:s11], [sflag:$0x1] =	stream.indirect.gather [hbm4b:s17+s6], $0x80, s10, s6, $0xb8;
	[tilespmem:$0x18380] =	vst v63  }
0x118: {  	_ =	swait.ge [sflag:s8], $0x2000  }
0x119: {  	[sflag:s8] =	ssyncset.done $0x0  }
0x11a: {  	[sflag:s8] =	ssyncadd.s32 $0xFFFFE000  }
0x11b: {  	[spmem:s22] =	stream.indirect.scatter.add.f32 [tilespmem:s11], [sflag:$0x3], $0x80, s12, s6, $0xb8;
	[tilespmem:$0x18380] =	vst v63  }
0x11c: {  	_ =	swait.ge [sflag:s13], $0x2000  }
0x11d: {  	[sflag:s13] =	ssyncset.done $0x0  }
0x11e: {  	[sflag:s13] =	ssyncadd.s32 $0xFFFFE000  }
0x11f: {  	_ =	swait.ge [sflag:s14], $0x2000  }
0x120: {  	[sflag:s14] =	ssyncset.done $0x0  }
0x121: {  	[sflag:s14] =	ssyncadd.s32 $0xFFFFE000  }
0x122: {  	[bflag:$0x0] =	sbarrier.arrive $0xFFFF  }
0x123: {  	[tilespmem:$0x80] =	vst v15  }
0x124: {  	[tilespmem:$0x90] =	vst v0  }
0x125: {  	[tilespmem:$0xA0] =	vst v1  }
0x126: {  	[tilespmem:$0xB0] =	vst v2  }
0x127: {  	[tilespmem:s4], [sflag:$0x1] =	stream.indirect.gather [spmem:s22], $0x80, s7, s6, $0xb8;
	[tilespmem:$0x18380] =	vst v63  }
0x128: {  	_ =	swait.ge [sflag:s8], $0x2000  }
0x129: {  	[sflag:s8] =	ssyncset.done $0x0  }
0x12a: {  	s20 =	rddreg [dreg:$0x5];
	[sflag:s8] =	ssyncadd.s32 $0xFFFFE000  }
0x12b: {  	[hbm4b:s20+s1] =	stream.linear.scatter [tilespmem:s4], [sflag:$0x6], $0x2000, $0x38;
	[tilespmem:$0x18380] =	vst v63  }
0x12c: {  	_ =	swait.ge [sflag:s5], $0x2000  }
0x12d: {  	[sflag:s5] =	ssyncset.done $0x0  }
0x12e: {  	[sflag:s5] =	ssyncadd.s32 $0xFFFFE000  }
0x12f: {  	[tilespmem:$0x80] =	vst v3  }
0x130: {  	[tilespmem:$0x90] =	vst v4  }
0x131: {  	[tilespmem:$0xA0] =	vst v5  }
0x132: {  	[tilespmem:$0xB0] =	vst v6  }
0x133: {  	[tilespmem:s4], [sflag:$0x1] =	stream.indirect.gather [spmem:s22], $0x80, s7, s6, $0xb8;
	[tilespmem:$0x18380] =	vst v63  }
0x134: {  	_ =	swait.ge [sflag:s8], $0x2000  }
0x135: {  	[sflag:s8] =	ssyncset.done $0x0  }
0x136: {  	s29 =	rddreg [dreg:$0x6];
	[sflag:s8] =	ssyncadd.s32 $0xFFFFE000  }
0x137: {  	[hbm4b:s29+s1] =	stream.linear.scatter [tilespmem:s4], [sflag:$0x6], $0x2000, $0x38;
	[tilespmem:$0x18380] =	vst v63  }
0x138: {  	_ =	swait.ge [sflag:s5], $0x2000  }
0x139: {  	[sflag:s5] =	ssyncset.done $0x0  }
0x13a: {  	[sflag:s5] =	ssyncadd.s32 $0xFFFFE000  }
0x13b: {  	[tilespmem:$0x80] =	vst v7  }
0x13c: {  	[tilespmem:$0x90] =	vst v8  }
0x13d: {  	[tilespmem:$0xA0] =	vst v9  }
0x13e: {  	[tilespmem:$0xB0] =	vst v10  }
0x13f: {  	[tilespmem:s4], [sflag:$0x1] =	stream.indirect.gather [spmem:s22], $0x80, s7, s6, $0xb8;
	[tilespmem:$0x18380] =	vst v63  }
0x140: {  	_ =	swait.ge [sflag:s8], $0x2000  }
0x141: {  	[sflag:s8] =	ssyncset.done $0x0  }
0x142: {  	s24 =	rddreg [dreg:$0x7];
	[sflag:s8] =	ssyncadd.s32 $0xFFFFE000  }
0x143: {  	[hbm4b:s24+s1] =	stream.linear.scatter [tilespmem:s4], [sflag:$0x6], $0x2000, $0x38;
	[tilespmem:$0x18380] =	vst v63  }
0x144: {  	_ =	swait.ge [sflag:s5], $0x2000  }
0x145: {  	[sflag:s5] =	ssyncset.done $0x0  }
0x146: {  	[sflag:s5] =	ssyncadd.s32 $0xFFFFE000  }
0x147: {  	[tilespmem:$0x80] =	vst v11  }
0x148: {  	[tilespmem:$0x90] =	vst v12  }
0x149: {  	[tilespmem:$0xA0] =	vst v13  }
0x14a: {  	[tilespmem:$0xB0] =	vst v14  }
0x14b: {  	[tilespmem:s4], [sflag:$0x1] =	stream.indirect.gather [spmem:s22], $0x80, s7, s6, $0xb8;
	[tilespmem:$0x18380] =	vst v63  }
0x14c: {  	_ =	swait.ge [sflag:s8], $0x2000  }
0x14d: {  	[sflag:s8] =	ssyncset.done $0x0  }
0x14e: {  	s29 =	rddreg [dreg:$0x8];
	[sflag:s8] =	ssyncadd.s32 $0xFFFFE000  }
0x14f: {  	[hbm4b:s29+s1] =	stream.linear.scatter [tilespmem:s4], [sflag:$0x6], $0x2000, $0x38;
	[tilespmem:$0x18380] =	vst v63  }
0x150: {  	_ =	swait.ge [sflag:s5], $0x2000  }
0x151: {  	[sflag:s5] =	ssyncset.done $0x0  }
0x152: {  	[sflag:s5] =	ssyncadd.s32 $0xFFFFE000  }
0x153: {  	[tilespmem:$0x80] =	vst v16  }
0x154: {  	[tilespmem:$0x90] =	vst v17  }
0x155: {  	[tilespmem:$0xA0] =	vst v18  }
0x156: {  	[tilespmem:$0xB0] =	vst v19  }
0x157: {  	[tilespmem:s4], [sflag:$0x1] =	stream.indirect.gather [spmem:s22], $0x80, s7, s6, $0xb8;
	[tilespmem:$0x18380] =	vst v63  }
0x158: {  	_ =	swait.ge [sflag:s8], $0x2000  }
0x159: {  	[sflag:s8] =	ssyncset.done $0x0  }
0x15a: {  	s24 =	rddreg [dreg:$0x9];
	[sflag:s8] =	ssyncadd.s32 $0xFFFFE000  }
0x15b: {  	[hbm4b:s24+s1] =	stream.linear.scatter [tilespmem:s4], [sflag:$0x6], $0x2000, $0x38;
	[tilespmem:$0x18380] =	vst v63  }
0x15c: {  	_ =	swait.ge [sflag:s5], $0x2000  }
0x15d: {  	[sflag:s5] =	ssyncset.done $0x0  }
0x15e: {  	[sflag:s5] =	ssyncadd.s32 $0xFFFFE000  }
0x15f: {  	[tilespmem:$0x80] =	vst v20  }
0x160: {  	[tilespmem:$0x90] =	vst v21  }
0x161: {  	[tilespmem:$0xA0] =	vst v22  }
0x162: {  	[tilespmem:$0xB0] =	vst v23  }
0x163: {  	[tilespmem:s4], [sflag:$0x1] =	stream.indirect.gather [spmem:s22], $0x80, s7, s6, $0xb8;
	[tilespmem:$0x18380] =	vst v63  }
0x164: {  	_ =	swait.ge [sflag:s8], $0x2000  }
0x165: {  	[sflag:s8] =	ssyncset.done $0x0  }
0x166: {  	s29 =	rddreg [dreg:$0xa];
	[sflag:s8] =	ssyncadd.s32 $0xFFFFE000  }
0x167: {  	[hbm4b:s29+s1] =	stream.linear.scatter [tilespmem:s4], [sflag:$0x6], $0x2000, $0x38;
	[tilespmem:$0x18380] =	vst v63  }
0x168: {  	_ =	swait.ge [sflag:s5], $0x2000  }
0x169: {  	[sflag:s5] =	ssyncset.done $0x0  }
0x16a: {  	[sflag:s5] =	ssyncadd.s32 $0xFFFFE000  }
0x16b: {  	[tilespmem:$0x80] =	vst v24  }
0x16c: {  	[tilespmem:$0x90] =	vst v25  }
0x16d: {  	[tilespmem:$0xA0] =	vst v26  }
0x16e: {  	[tilespmem:$0xB0] =	vst v27  }
0x16f: {  	[tilespmem:s4], [sflag:$0x1] =	stream.indirect.gather [spmem:s22], $0x80, s7, s6, $0xb8;
	[tilespmem:$0x18380] =	vst v63  }
0x170: {  	_ =	swait.ge [sflag:s8], $0x2000  }
0x171: {  	[sflag:s8] =	ssyncset.done $0x0  }
0x172: {  	s24 =	rddreg [dreg:$0xb];
	[sflag:s8] =	ssyncadd.s32 $0xFFFFE000  }
0x173: {  	[hbm4b:s24+s1] =	stream.linear.scatter [tilespmem:s4], [sflag:$0x6], $0x2000, $0x38;
	[tilespmem:$0x18380] =	vst v63  }
0x174: {  	_ =	swait.ge [sflag:s5], $0x2000  }
0x175: {  	[sflag:s5] =	ssyncset.done $0x0  }
0x176: {  	[sflag:s5] =	ssyncadd.s32 $0xFFFFE000  }
0x177: {  	[tilespmem:$0x80] =	vst v28  }
0x178: {  	[tilespmem:$0x90] =	vst v29  }
0x179: {  	[tilespmem:$0xA0] =	vst v30  }
0x17a: {  	[tilespmem:$0xB0] =	vst v31  }
0x17b: {  	[tilespmem:s4], [sflag:$0x1] =	stream.indirect.gather [spmem:s22], $0x80, s7, s6, $0xb8;
	[tilespmem:$0x18380] =	vst v63  }
0x17c: {  	_ =	swait.ge [sflag:s8], $0x2000  }
0x17d: {  	[sflag:s8] =	ssyncset.done $0x0  }
0x17e: {  	s29 =	rddreg [dreg:$0xc];
	[sflag:s8] =	ssyncadd.s32 $0xFFFFE000  }
0x17f: {  	[hbm4b:s29+s1] =	stream.linear.scatter [tilespmem:s4], [sflag:$0x6], $0x2000, $0x38;
	[tilespmem:$0x18380] =	vst v63  }
0x180: {  	_ =	swait.ge [sflag:s5], $0x2000  }
0x181: {  	[sflag:s5] =	ssyncset.done $0x0  }
0x182: {  	[sflag:s5] =	ssyncadd.s32 $0xFFFFE000  }
0x183: {  	[tilespmem:$0x80] =	vst v32  }
0x184: {  	[tilespmem:$0x90] =	vst v33  }
0x185: {  	[tilespmem:$0xA0] =	vst v34  }
0x186: {  	[tilespmem:$0xB0] =	vst v35  }
0x187: {  	[tilespmem:s4], [sflag:$0x1] =	stream.indirect.gather [spmem:s22], $0x80, s7, s6, $0xb8;
	[tilespmem:$0x18380] =	vst v63  }
0x188: {  	_ =	swait.ge [sflag:s8], $0x2000  }
0x189: {  	[sflag:s8] =	ssyncset.done $0x0  }
0x18a: {  	s24 =	rddreg [dreg:$0xd];
	[sflag:s8] =	ssyncadd.s32 $0xFFFFE000  }
0x18b: {  	[hbm4b:s24+s1] =	stream.linear.scatter [tilespmem:s4], [sflag:$0x6], $0x2000, $0x38;
	[tilespmem:$0x18380] =	vst v63  }
0x18c: {  	_ =	swait.ge [sflag:s5], $0x2000  }
0x18d: {  	[sflag:s5] =	ssyncset.done $0x0  }
0x18e: {  	[sflag:s5] =	ssyncadd.s32 $0xFFFFE000  }
0x18f: {  	[tilespmem:$0x80] =	vst v36  }
0x190: {  	[tilespmem:$0x90] =	vst v37  }
0x191: {  	[tilespmem:$0xA0] =	vst v38  }
0x192: {  	[tilespmem:$0xB0] =	vst v39  }
0x193: {  	[tilespmem:s4], [sflag:$0x1] =	stream.indirect.gather [spmem:s22], $0x80, s7, s6, $0xb8;
	[tilespmem:$0x18380] =	vst v63  }
0x194: {  	_ =	swait.ge [sflag:s8], $0x2000  }
0x195: {  	[sflag:s8] =	ssyncset.done $0x0  }
0x196: {  	s29 =	rddreg [dreg:$0xe];
	[sflag:s8] =	ssyncadd.s32 $0xFFFFE000  }
0x197: {  	[hbm4b:s29+s1] =	stream.linear.scatter [tilespmem:s4], [sflag:$0x6], $0x2000, $0x38;
	[tilespmem:$0x18380] =	vst v63  }
0x198: {  	_ =	swait.ge [sflag:s5], $0x2000  }
0x199: {  	[sflag:s5] =	ssyncset.done $0x0  }
0x19a: {  	[sflag:s5] =	ssyncadd.s32 $0xFFFFE000  }
0x19b: {  	[bflag:$0x0] =	sbarrier.arrive $0xFFFF  }
0x19c: {  	[tilespmem:s4], [sflag:$0x6] =	stream.linear.gather [hbm4b:s28+s1], $0x2000, $0x38;
	[tilespmem:$0x18380] =	vst v63  }
0x19d: {  	_ =	swait.ge [sflag:s5], $0x2000  }
0x19e: {  	[sflag:s5] =	ssyncset.done $0x0  }
0x19f: {  	[sflag:s5] =	ssyncadd.s32 $0xFFFFE000  }
0x1a0: {  	[tilespmem:$0x80] =	vst v15  }
0x1a1: {  	[tilespmem:$0x90] =	vst v0  }
0x1a2: {  	[tilespmem:$0xA0] =	vst v1  }
0x1a3: {  	[tilespmem:$0xB0] =	vst v2  }
0x1a4: {  	[spmem:s22] =	stream.indirect.scatter [tilespmem:s4], [sflag:$0x6], $0x80, s7, s6, $0xb8;
	[tilespmem:$0x18380] =	vst v63  }
0x1a5: {  	_ =	swait.ge [sflag:s5], $0x2000  }
0x1a6: {  	[sflag:s5] =	ssyncset.done $0x0  }
0x1a7: {  	[sflag:s5] =	ssyncadd.s32 $0xFFFFE000  }
0x1a8: {  	[tilespmem:$0x80] =	vst v3  }
0x1a9: {  	[tilespmem:$0x90] =	vst v4  }
0x1aa: {  	[tilespmem:$0xA0] =	vst v5  }
0x1ab: {  	[tilespmem:$0xB0] =	vst v6  }
0x1ac: {  	[spmem:s22] =	stream.indirect.scatter [tilespmem:s4], [sflag:$0x6], $0x80, s7, s6, $0xb8;
	[tilespmem:$0x18380] =	vst v63  }
0x1ad: {  	_ =	swait.ge [sflag:s5], $0x2000  }
0x1ae: {  	[sflag:s5] =	ssyncset.done $0x0  }
0x1af: {  	[sflag:s5] =	ssyncadd.s32 $0xFFFFE000  }
0x1b0: {  	[tilespmem:$0x80] =	vst v7  }
0x1b1: {  	[tilespmem:$0x90] =	vst v8  }
0x1b2: {  	[tilespmem:$0xA0] =	vst v9  }
0x1b3: {  	[tilespmem:$0xB0] =	vst v10  }
0x1b4: {  	[spmem:s22] =	stream.indirect.scatter [tilespmem:s4], [sflag:$0x6], $0x80, s7, s6, $0xb8;
	[tilespmem:$0x18380] =	vst v63  }
0x1b5: {  	_ =	swait.ge [sflag:s5], $0x2000  }
0x1b6: {  	[sflag:s5] =	ssyncset.done $0x0  }
0x1b7: {  	[sflag:s5] =	ssyncadd.s32 $0xFFFFE000  }
0x1b8: {  	[tilespmem:$0x80] =	vst v11  }
0x1b9: {  	[tilespmem:$0x90] =	vst v12  }
0x1ba: {  	[tilespmem:$0xA0] =	vst v13  }
0x1bb: {  	[tilespmem:$0xB0] =	vst v14  }
0x1bc: {  	[spmem:s22] =	stream.indirect.scatter [tilespmem:s4], [sflag:$0x6], $0x80, s7, s6, $0xb8;
	[tilespmem:$0x18380] =	vst v63  }
0x1bd: {  	_ =	swait.ge [sflag:s5], $0x2000  }
0x1be: {  	[sflag:s5] =	ssyncset.done $0x0  }
0x1bf: {  	[sflag:s5] =	ssyncadd.s32 $0xFFFFE000  }
0x1c0: {  	[tilespmem:$0x80] =	vst v16  }
0x1c1: {  	[tilespmem:$0x90] =	vst v17  }
0x1c2: {  	[tilespmem:$0xA0] =	vst v18  }
0x1c3: {  	[tilespmem:$0xB0] =	vst v19  }
0x1c4: {  	[spmem:s22] =	stream.indirect.scatter [tilespmem:s4], [sflag:$0x6], $0x80, s7, s6, $0xb8;
	[tilespmem:$0x18380] =	vst v63  }
0x1c5: {  	_ =	swait.ge [sflag:s5], $0x2000  }
0x1c6: {  	[sflag:s5] =	ssyncset.done $0x0  }
0x1c7: {  	[sflag:s5] =	ssyncadd.s32 $0xFFFFE000  }
0x1c8: {  	[tilespmem:$0x80] =	vst v20  }
0x1c9: {  	[tilespmem:$0x90] =	vst v21  }
0x1ca: {  	[tilespmem:$0xA0] =	vst v22  }
0x1cb: {  	[tilespmem:$0xB0] =	vst v23  }
0x1cc: {  	[spmem:s22] =	stream.indirect.scatter [tilespmem:s4], [sflag:$0x6], $0x80, s7, s6, $0xb8;
	[tilespmem:$0x18380] =	vst v63  }
0x1cd: {  	_ =	swait.ge [sflag:s5], $0x2000  }
0x1ce: {  	[sflag:s5] =	ssyncset.done $0x0  }
0x1cf: {  	[sflag:s5] =	ssyncadd.s32 $0xFFFFE000  }
0x1d0: {  	[tilespmem:$0x80] =	vst v24  }
0x1d1: {  	[tilespmem:$0x90] =	vst v25  }
0x1d2: {  	[tilespmem:$0xA0] =	vst v26  }
0x1d3: {  	[tilespmem:$0xB0] =	vst v27  }
0x1d4: {  	[spmem:s22] =	stream.indirect.scatter [tilespmem:s4], [sflag:$0x6], $0x80, s7, s6, $0xb8;
	[tilespmem:$0x18380] =	vst v63  }
0x1d5: {  	_ =	swait.ge [sflag:s5], $0x2000  }
0x1d6: {  	[sflag:s5] =	ssyncset.done $0x0  }
0x1d7: {  	[sflag:s5] =	ssyncadd.s32 $0xFFFFE000  }
0x1d8: {  	[tilespmem:$0x80] =	vst v28  }
0x1d9: {  	[tilespmem:$0x90] =	vst v29  }
0x1da: {  	[tilespmem:$0xA0] =	vst v30  }
0x1db: {  	[tilespmem:$0xB0] =	vst v31  }
0x1dc: {  	[spmem:s22] =	stream.indirect.scatter [tilespmem:s4], [sflag:$0x6], $0x80, s7, s6, $0xb8;
	[tilespmem:$0x18380] =	vst v63  }
0x1dd: {  	_ =	swait.ge [sflag:s5], $0x2000  }
0x1de: {  	[sflag:s5] =	ssyncset.done $0x0  }
0x1df: {  	[sflag:s5] =	ssyncadd.s32 $0xFFFFE000  }
0x1e0: {  	[tilespmem:$0x80] =	vst v32  }
0x1e1: {  	[tilespmem:$0x90] =	vst v33  }
0x1e2: {  	[tilespmem:$0xA0] =	vst v34  }
0x1e3: {  	[tilespmem:$0xB0] =	vst v35  }
0x1e4: {  	[spmem:s22] =	stream.indirect.scatter [tilespmem:s4], [sflag:$0x6], $0x80, s7, s6, $0xb8;
	[tilespmem:$0x18380] =	vst v63  }
0x1e5: {  	_ =	swait.ge [sflag:s5], $0x2000  }
0x1e6: {  	[sflag:s5] =	ssyncset.done $0x0  }
0x1e7: {  	[sflag:s5] =	ssyncadd.s32 $0xFFFFE000  }
0x1e8: {  	[tilespmem:$0x80] =	vst v36  }
0x1e9: {  	[tilespmem:$0x90] =	vst v37  }
0x1ea: {  	[tilespmem:$0xA0] =	vst v38  }
0x1eb: {  	[tilespmem:$0xB0] =	vst v39  }
0x1ec: {  	[spmem:s22] =	stream.indirect.scatter [tilespmem:s4], [sflag:$0x6], $0x80, s7, s6, $0xb8;
	[tilespmem:$0x18380] =	vst v63  }
0x1ed: {  	_ =	swait.ge [sflag:s5], $0x2000  }
0x1ee: {  	[sflag:s5] =	ssyncset.done $0x0  }
0x1ef: {  	[sflag:s5] =	ssyncadd.s32 $0xFFFFE000  }
0x1f0: {  	[bflag:$0x0] =	sbarrier.arrive $0xFFFF  }
0x1f1: {  	s24 =	rddreg [dreg:$0x19]  }
0x1f2: {  	[tilespmem:s4], [sflag:$0x6] =	stream.linear.gather [hbm4b:s24+s1], $0x2000, $0x38;
	[tilespmem:$0x18380] =	vst v63  }
0x1f3: {  	_ =	swait.ge [sflag:s5], $0x2000  }
0x1f4: {  	[sflag:s5] =	ssyncset.done $0x0  }
0x1f5: {  	[sflag:s5] =	ssyncadd.s32 $0xFFFFE000  }
0x1f6: {  	[tilespmem:s1], [sflag:$0x6] =	stream.linear.gather [hbm4b:s2+s1], $0x80, $0x38;
	[tilespmem:$0x18380] =	vst v63  }
0x1f7: {  	_ =	swait.ge [sflag:s5], $0x80  }
0x1f8: {  	[sflag:s5] =	ssyncset.done $0x0  }
0x1f9: {  	[sflag:s5] =	ssyncadd.s32 $0xFFFFFF80  }
0x1fa: {  	v61 =	vld [tilespmem:$0x0]  }
0x1fb: {  	v62 =	vld [tilespmem:$0x10]  }
0x1fc: {  	v63 =	vld [tilespmem:$0x20]  }
0x1fd: {  	v45 =	vld [tilespmem:$0x30];
	_ =	sdelay $0x1  }
0x1fe: {  	v40 =	vand.u32 $0x3FFF, v61  }
0x1ff: {  	v46 =	vand.u32 $0x3FFF, v62;
	[tilespmem:$0x100] =	vst v40  }
0x200: {  	v47 =	vand.u32 $0x3FFF, v63;
	[tilespmem:$0x110] =	vst v46  }
0x201: {  	v48 =	vand.u32 $0x3FFF, v45;
	[tilespmem:$0x120] =	vst v47  }
0x202: {  	[tilespmem:$0x130] =	vst v48  }
0x203: {  	[spmem:s22] =	stream.indirect.scatter.add.f32 [tilespmem:s4], [sflag:$0x2], $0x80, s9, s6, $0xb8;
	[tilespmem:$0x18380] =	vst v63  }
0x204: {  	v49 =	vld [tilespmem:$0x40]  }
0x205: {  	v50 =	vld [tilespmem:$0x50]  }
0x206: {  	v51 =	vld [tilespmem:$0x60]  }
0x207: {  	v52 =	vld [tilespmem:$0x70];
	_ =	sdelay $0x1  }
0x208: {  	v40 =	vand.u32 $0x3FFF, v49  }
0x209: {  	v53 =	vand.u32 $0x3FFF, v50;
	[tilespmem:$0x200] =	vst v40  }
0x20a: {  	v54 =	vand.u32 $0x3FFF, v51;
	[tilespmem:$0x210] =	vst v53  }
0x20b: {  	v55 =	vand.u32 $0x3FFF, v52;
	[tilespmem:$0x220] =	vst v54  }
0x20c: {  	[tilespmem:$0x230] =	vst v55  }
0x20d: {  	[spmem:s22] =	stream.indirect.scatter.add.f32 [tilespmem:s4], [sflag:$0x3], $0x80, s12, s6, $0xb8;
	[tilespmem:$0x18380] =	vst v63  }
0x20e: {  	_ = 	snop  }
0x20f: {  	[tilespmem:s1], [sflag:$0x6] =	stream.linear.gather [hbm4b:s0+s1], $0x80, $0x38;
	[tilespmem:$0x18380] =	vst v63  }
0x210: {  	_ =	swait.ge [sflag:s5], $0x80  }
0x211: {  	[sflag:s5] =	ssyncset.done $0x0  }
0x212: {  	[sflag:s5] =	ssyncadd.s32 $0xFFFFFF80  }
0x213: {  	v56 =	vld [tilespmem:$0x0]  }
0x214: {  	v57 =	vld [tilespmem:$0x10]  }
0x215: {  	v58 =	vld [tilespmem:$0x20]  }
0x216: {  	v59 =	vld [tilespmem:$0x30];
	_ =	sdelay $0x1  }
0x217: {  	v40 =	vand.u32 $0x3FFF, v56  }
0x218: {  	v60 =	vand.u32 $0x3FFF, v57;
	[tilespmem:$0x280] =	vst v40  }
0x219: {  	v61 =	vand.u32 $0x3FFF, v58;
	[tilespmem:$0x290] =	vst v60  }
0x21a: {  	v62 =	vand.u32 $0x3FFF, v59;
	[tilespmem:$0x2A0] =	vst v61  }
0x21b: {  	[tilespmem:$0x2B0] =	vst v62  }
0x21c: {  	[spmem:s22] =	stream.indirect.scatter.add.f32 [tilespmem:s4], [sflag:$0x4], $0x80, s15, s6, $0xb8;
	[tilespmem:$0x18380] =	vst v63  }
0x21d: {  	v63 =	vld [tilespmem:$0x40]  }
0x21e: {  	v45 =	vld [tilespmem:$0x50]  }
0x21f: {  	v46 =	vld [tilespmem:$0x60]  }
0x220: {  	v47 =	vld [tilespmem:$0x70];
	_ =	sdelay $0x1  }
0x221: {  	v40 =	vand.u32 $0x3FFF, v63  }
0x222: {  	v48 =	vand.u32 $0x3FFF, v45;
	[tilespmem:$0x300] =	vst v40  }
0x223: {  	s29 =	simm.s32 $0x20;
	v49 =	vand.u32 $0x3FFF, v46;
	[tilespmem:$0x310] =	vst v48  }
0x224: {  	s20 =	sand.u32 $0x60, s29;
	s24 =	sadd.s32 $0x20, s26;
	v50 =	vand.u32 $0x3FFF, v47;
	[tilespmem:$0x320] =	vst v49  }
0x225: {  	s20 =	sadd.s32 s19, s20;
	s24 =	sand.u32 $0x1FF80, s24;
	[tilespmem:$0x330] =	vst v50  }
0x226: {  	[spmem:s22] =	stream.indirect.scatter.add.f32 [tilespmem:s4], [sflag:$0x5], $0x80, s16, s6, $0xb8;
	[tilespmem:$0x18380] =	vst v63  }
0x227: {  	s20 =	sadd.s32 s24, s20  }
0x228: {  	[tilespmem:s1], [sflag:$0x6] =	stream.linear.gather [hbm4b:s20+s1], $0x80, $0x38;
	[tilespmem:$0x18380] =	vst v63  }
0x229: {  	_ =	swait.ge [sflag:s5], $0x80  }
0x22a: {  	[sflag:s5] =	ssyncset.done $0x0  }
0x22b: {  	[sflag:s5] =	ssyncadd.s32 $0xFFFFFF80  }
0x22c: {  	_ =	swait.ge [sflag:s13], $0x2000  }
0x22d: {  	[sflag:s13] =	ssyncset.done $0x0  }
0x22e: {  	[sflag:s13] =	ssyncadd.s32 $0xFFFFE000  }
0x22f: {  	v51 =	vld [tilespmem:$0x30]  }
0x230: {  	v52 =	vld [tilespmem:$0x20]  }
0x231: {  	v53 =	vld [tilespmem:$0x10]  }
0x232: {  	v54 =	vld [tilespmem:$0x0];
	_ =	sdelay $0x1  }
0x233: {  	v40 =	vand.u32 $0x3FFF, v51  }
0x234: {  	v41 =	vand.u32 $0x3FFF, v52;
	[tilespmem:$0x130] =	vst v40  }
0x235: {  	v55 =	vand.u32 $0x3FFF, v53;
	[tilespmem:$0x120] =	vst v41  }
0x236: {  	v56 =	vand.u32 $0x3FFF, v54;
	[tilespmem:$0x110] =	vst v55  }
0x237: {  	[tilespmem:$0x100] =	vst v56  }
0x238: {  	[spmem:s22] =	stream.indirect.scatter.add.f32 [tilespmem:s4], [sflag:$0x2], $0x80, s9, s6, $0xb8;
	[tilespmem:$0x18380] =	vst v63  }
0x239: {  	_ =	swait.ge [sflag:s14], $0x2000  }
0x23a: {  	[sflag:s14] =	ssyncset.done $0x0  }
0x23b: {  	[sflag:s14] =	ssyncadd.s32 $0xFFFFE000  }
0x23c: {  	v57 =	vld [tilespmem:$0x40]  }
0x23d: {  	v58 =	vld [tilespmem:$0x50]  }
0x23e: {  	v59 =	vld [tilespmem:$0x60]  }
0x23f: {  	v60 =	vld [tilespmem:$0x70];
	_ =	sdelay $0x1  }
0x240: {  	v40 =	vand.u32 $0x3FFF, v57  }
0x241: {  	v61 =	vand.u32 $0x3FFF, v58;
	[tilespmem:$0x200] =	vst v40  }
0x242: {  	v62 =	vand.u32 $0x3FFF, v59;
	[tilespmem:$0x210] =	vst v61  }
0x243: {  	v63 =	vand.u32 $0x3FFF, v60;
	[tilespmem:$0x220] =	vst v62  }
0x244: {  	[tilespmem:$0x230] =	vst v63  }
0x245: {  	[spmem:s22] =	stream.indirect.scatter.add.f32 [tilespmem:s4], [sflag:$0x3], $0x80, s12, s6, $0xb8;
	[tilespmem:$0x18380] =	vst v63  }
0x246: {  	s20 =	sadd.s32 $0x10, s20  }
0x247: {  	[tilespmem:s1], [sflag:$0x6] =	stream.linear.gather [hbm4b:s20+s1], $0x80, $0x38;
	[tilespmem:$0x18380] =	vst v63  }
0x248: {  	_ =	swait.ge [sflag:s5], $0x80  }
0x249: {  	[sflag:s5] =	ssyncset.done $0x0  }
0x24a: {  	[sflag:s5] =	ssyncadd.s32 $0xFFFFFF80  }
0x24b: {  	_ =	swait.ge [sflag:s18], $0x2000  }
0x24c: {  	[sflag:s18] =	ssyncset.done $0x0  }
0x24d: {  	[sflag:s18] =	ssyncadd.s32 $0xFFFFE000  }
0x24e: {  	s24 =	simm.s32 $0x40;
	v40 =	vld [tilespmem:$0x0]  }
.LBB2_4:
0x24f: {  	p0 =	sne.s32 s24, $0x4E0;
	v41 =	vld [tilespmem:$0x10];
	s20 =	smov.u32 s24;
	s24 =	sadd.s32 $0x20, s24  }
0x250: {  	v42 =	vld [tilespmem:$0x20]  }
0x251: {  	v43 =	vld [tilespmem:$0x30];
	_ =	sdelay $0x1  }
0x252: {  	v40 =	vand.u32 $0x3FFF, v40  }
0x253: {  	[tilespmem:$0x280] =	vst v40;
	v40 =	vand.u32 $0x3FFF, v41  }
0x254: {  	[tilespmem:$0x290] =	vst v40;
	v40 =	vand.u32 $0x3FFF, v42  }
0x255: {  	[tilespmem:$0x2A0] =	vst v40;
	v40 =	vand.u32 $0x3FFF, v43  }
0x256: {  	[tilespmem:$0x2B0] =	vst v40  }
0x257: {  	[spmem:s22] =	stream.indirect.scatter.add.f32 [tilespmem:s4], [sflag:$0x4], $0x80, s15, s6, $0xb8;
	[tilespmem:$0x18380] =	vst v63  }
0x258: {  	_ =	swait.ge [sflag:s21], $0x2000  }
0x259: {  	s29 =	sadd.s32 s20, s26;
	s20 =	sand.u32 $0x60, s20;
	[sflag:s21] =	ssyncset.done $0x0  }
0x25a: {  	s29 =	sand.u32 $0x1FF80, s29;
	s20 =	sadd.s32 s19, s20;
	[sflag:s21] =	ssyncadd.s32 $0xFFFFE000  }
0x25b: {  	s20 =	sadd.s32 s29, s20;
	v40 =	vld [tilespmem:$0x40]  }
0x25c: {  	v41 =	vld [tilespmem:$0x50]  }
0x25d: {  	v42 =	vld [tilespmem:$0x60]  }
0x25e: {  	v43 =	vld [tilespmem:$0x70];
	_ =	sdelay $0x1  }
0x25f: {  	v40 =	vand.u32 $0x3FFF, v40  }
0x260: {  	[tilespmem:$0x300] =	vst v40;
	v40 =	vand.u32 $0x3FFF, v41  }
0x261: {  	[tilespmem:$0x310] =	vst v40;
	v40 =	vand.u32 $0x3FFF, v42  }
0x262: {  	[tilespmem:$0x320] =	vst v40;
	v40 =	vand.u32 $0x3FFF, v43  }
0x263: {  	[tilespmem:$0x330] =	vst v40  }
0x264: {  	[spmem:s22] =	stream.indirect.scatter.add.f32 [tilespmem:s4], [sflag:$0x5], $0x80, s16, s6, $0xb8;
	[tilespmem:$0x18380] =	vst v63  }
0x265: {  	_ = 	snop  }
0x266: {  	[tilespmem:s1], [sflag:$0x6] =	stream.linear.gather [hbm4b:s20+s1], $0x80, $0x38;
	[tilespmem:$0x18380] =	vst v63  }
0x267: {  	_ =	swait.ge [sflag:s5], $0x80  }
0x268: {  	[sflag:s5] =	ssyncset.done $0x0  }
0x269: {  	[sflag:s5] =	ssyncadd.s32 $0xFFFFFF80  }
0x26a: {  	_ =	swait.ge [sflag:s13], $0x2000  }
0x26b: {  	[sflag:s13] =	ssyncset.done $0x0  }
0x26c: {  	[sflag:s13] =	ssyncadd.s32 $0xFFFFE000  }
0x26d: {  	v40 =	vld [tilespmem:$0x30]  }
0x26e: {  	v41 =	vld [tilespmem:$0x20]  }
0x26f: {  	v42 =	vld [tilespmem:$0x10]  }
0x270: {  	v43 =	vld [tilespmem:$0x0];
	_ =	sdelay $0x1  }
0x271: {  	v40 =	vand.u32 $0x3FFF, v40  }
0x272: {  	v41 =	vand.u32 $0x3FFF, v41;
	[tilespmem:$0x130] =	vst v40  }
0x273: {  	v40 =	vand.u32 $0x3FFF, v42;
	[tilespmem:$0x120] =	vst v41  }
0x274: {  	v41 =	vand.u32 $0x3FFF, v43;
	[tilespmem:$0x110] =	vst v40  }
0x275: {  	[tilespmem:$0x100] =	vst v41  }
0x276: {  	[spmem:s22] =	stream.indirect.scatter.add.f32 [tilespmem:s4], [sflag:$0x2], $0x80, s9, s6, $0xb8;
	[tilespmem:$0x18380] =	vst v63  }
0x277: {  	_ =	swait.ge [sflag:s14], $0x2000  }
0x278: {  	[sflag:s14] =	ssyncset.done $0x0  }
0x279: {  	[sflag:s14] =	ssyncadd.s32 $0xFFFFE000  }
0x27a: {  	v40 =	vld [tilespmem:$0x40]  }
0x27b: {  	v41 =	vld [tilespmem:$0x50]  }
0x27c: {  	v42 =	vld [tilespmem:$0x60]  }
0x27d: {  	v43 =	vld [tilespmem:$0x70];
	_ =	sdelay $0x1  }
0x27e: {  	v40 =	vand.u32 $0x3FFF, v40  }
0x27f: {  	[tilespmem:$0x200] =	vst v40;
	v40 =	vand.u32 $0x3FFF, v41  }
0x280: {  	[tilespmem:$0x210] =	vst v40;
	v40 =	vand.u32 $0x3FFF, v42  }
0x281: {  	[tilespmem:$0x220] =	vst v40;
	v40 =	vand.u32 $0x3FFF, v43  }
0x282: {  	[tilespmem:$0x230] =	vst v40  }
0x283: {  	[spmem:s22] =	stream.indirect.scatter.add.f32 [tilespmem:s4], [sflag:$0x3], $0x80, s12, s6, $0xb8;
	[tilespmem:$0x18380] =	vst v63  }
0x284: {  	s20 =	sadd.s32 $0x10, s20  }
0x285: {  	[tilespmem:s1], [sflag:$0x6] =	stream.linear.gather [hbm4b:s20+s1], $0x80, $0x38;
	[tilespmem:$0x18380] =	vst v63  }
0x286: {  	_ =	swait.ge [sflag:s5], $0x80  }
0x287: {  	[sflag:s5] =	ssyncset.done $0x0  }
.Ltmp2:
0x288: {  	[sflag:s5] =	ssyncadd.s32 $0xFFFFFF80;
	(pc) =	sbr.rel @p0 .LBB2_4-.Ltmp2, $4  }
0x289: {  	_ =	swait.ge [sflag:s18], $0x2000  }
0x28a: {  	[sflag:s18] =	ssyncset.done $0x0  }
0x28b: {  	[sflag:s18] =	ssyncadd.s32 $0xFFFFE000  }
0x28c: {  	v40 =	vld [tilespmem:$0x0]  }
0x28d: {  	v41 =	vld [tilespmem:$0x10]  }
0x28e: {  	v42 =	vld [tilespmem:$0x20]  }
0x28f: {  	v43 =	vld [tilespmem:$0x30];
	_ =	sdelay $0x1  }
0x290: {  	v40 =	vand.u32 $0x3FFF, v40  }
0x291: {  	[tilespmem:$0x280] =	vst v40;
	v54 =	vand.u32 $0x3FFF, v41  }
0x292: {  	v55 =	vand.u32 $0x3FFF, v42;
	[tilespmem:$0x290] =	vst v54  }
0x293: {  	v56 =	vand.u32 $0x3FFF, v43;
	[tilespmem:$0x2A0] =	vst v55  }
0x294: {  	[tilespmem:$0x2B0] =	vst v56  }
0x295: {  	[spmem:s22] =	stream.indirect.scatter.add.f32 [tilespmem:s4], [sflag:$0x4], $0x80, s15, s6, $0xb8;
	[tilespmem:$0x18380] =	vst v63  }
0x296: {  	_ =	swait.ge [sflag:s21], $0x2000  }
0x297: {  	[sflag:s21] =	ssyncset.done $0x0  }
0x298: {  	[sflag:s21] =	ssyncadd.s32 $0xFFFFE000  }
0x299: {  	v57 =	vld [tilespmem:$0x40]  }
0x29a: {  	v58 =	vld [tilespmem:$0x50]  }
0x29b: {  	v59 =	vld [tilespmem:$0x60]  }
0x29c: {  	v60 =	vld [tilespmem:$0x70];
	_ =	sdelay $0x1  }
0x29d: {  	v40 =	vand.u32 $0x3FFF, v57  }
0x29e: {  	v61 =	vand.u32 $0x3FFF, v58;
	[tilespmem:$0x300] =	vst v40  }
0x29f: {  	v62 =	vand.u32 $0x3FFF, v59;
	[tilespmem:$0x310] =	vst v61  }
0x2a0: {  	v63 =	vand.u32 $0x3FFF, v60;
	[tilespmem:$0x320] =	vst v62  }
0x2a1: {  	[tilespmem:$0x330] =	vst v63  }
0x2a2: {  	[spmem:s22] =	stream.indirect.scatter.add.f32 [tilespmem:s4], [sflag:$0x5], $0x80, s16, s6, $0xb8;
	[tilespmem:$0x18380] =	vst v63  }
0x2a3: {  	_ =	swait.ge [sflag:s13], $0x2000  }
0x2a4: {  	[sflag:s13] =	ssyncset.done $0x0  }
0x2a5: {  	[sflag:s13] =	ssyncadd.s32 $0xFFFFE000  }
0x2a6: {  	_ =	swait.ge [sflag:s14], $0x2000  }
0x2a7: {  	[sflag:s14] =	ssyncset.done $0x0  }
0x2a8: {  	[sflag:s14] =	ssyncadd.s32 $0xFFFFE000  }
0x2a9: {  	_ =	swait.ge [sflag:s18], $0x2000  }
0x2aa: {  	[sflag:s18] =	ssyncset.done $0x0  }
0x2ab: {  	[sflag:s18] =	ssyncadd.s32 $0xFFFFE000  }
0x2ac: {  	_ =	swait.ge [sflag:s21], $0x2000  }
0x2ad: {  	[sflag:s21] =	ssyncset.done $0x0  }
0x2ae: {  	[sflag:s21] =	ssyncadd.s32 $0xFFFFE000  }
0x2af: {  	[bflag:$0x0] =	sbarrier.arrive $0xFFFF  }
0x2b0: {  	[tilespmem:$0x80] =	vst v15  }
0x2b1: {  	[tilespmem:$0x90] =	vst v0  }
0x2b2: {  	[tilespmem:$0xA0] =	vst v1  }
0x2b3: {  	[tilespmem:$0xB0] =	vst v2  }
0x2b4: {  	[tilespmem:s4], [sflag:$0x1] =	stream.indirect.gather [spmem:s22], $0x80, s7, s6, $0xb8;
	[tilespmem:$0x18380] =	vst v63  }
0x2b5: {  	_ =	swait.ge [sflag:s8], $0x2000  }
0x2b6: {  	[sflag:s8] =	ssyncset.done $0x0  }
0x2b7: {  	s20 =	rddreg [dreg:$0xf];
	[sflag:s8] =	ssyncadd.s32 $0xFFFFE000  }
0x2b8: {  	[hbm4b:s20+s1] =	stream.linear.scatter [tilespmem:s4], [sflag:$0x6], $0x2000, $0x38;
	[tilespmem:$0x18380] =	vst v63  }
0x2b9: {  	_ =	swait.ge [sflag:s5], $0x2000  }
0x2ba: {  	[sflag:s5] =	ssyncset.done $0x0  }
0x2bb: {  	[sflag:s5] =	ssyncadd.s32 $0xFFFFE000  }
0x2bc: {  	[tilespmem:$0x80] =	vst v3  }
0x2bd: {  	[tilespmem:$0x90] =	vst v4  }
0x2be: {  	[tilespmem:$0xA0] =	vst v5  }
0x2bf: {  	[tilespmem:$0xB0] =	vst v6  }
0x2c0: {  	[tilespmem:s4], [sflag:$0x1] =	stream.indirect.gather [spmem:s22], $0x80, s7, s6, $0xb8;
	[tilespmem:$0x18380] =	vst v63  }
0x2c1: {  	_ =	swait.ge [sflag:s8], $0x2000  }
0x2c2: {  	[sflag:s8] =	ssyncset.done $0x0  }
0x2c3: {  	s29 =	rddreg [dreg:$0x10];
	[sflag:s8] =	ssyncadd.s32 $0xFFFFE000  }
0x2c4: {  	[hbm4b:s29+s1] =	stream.linear.scatter [tilespmem:s4], [sflag:$0x6], $0x2000, $0x38;
	[tilespmem:$0x18380] =	vst v63  }
0x2c5: {  	_ =	swait.ge [sflag:s5], $0x2000  }
0x2c6: {  	[sflag:s5] =	ssyncset.done $0x0  }
0x2c7: {  	[sflag:s5] =	ssyncadd.s32 $0xFFFFE000  }
0x2c8: {  	[tilespmem:$0x80] =	vst v7  }
0x2c9: {  	[tilespmem:$0x90] =	vst v8  }
0x2ca: {  	[tilespmem:$0xA0] =	vst v9  }
0x2cb: {  	[tilespmem:$0xB0] =	vst v10  }
0x2cc: {  	[tilespmem:s4], [sflag:$0x1] =	stream.indirect.gather [spmem:s22], $0x80, s7, s6, $0xb8;
	[tilespmem:$0x18380] =	vst v63  }
0x2cd: {  	_ =	swait.ge [sflag:s8], $0x2000  }
0x2ce: {  	[sflag:s8] =	ssyncset.done $0x0  }
0x2cf: {  	s24 =	rddreg [dreg:$0x11];
	[sflag:s8] =	ssyncadd.s32 $0xFFFFE000  }
0x2d0: {  	[hbm4b:s24+s1] =	stream.linear.scatter [tilespmem:s4], [sflag:$0x6], $0x2000, $0x38;
	[tilespmem:$0x18380] =	vst v63  }
0x2d1: {  	_ =	swait.ge [sflag:s5], $0x2000  }
0x2d2: {  	[sflag:s5] =	ssyncset.done $0x0  }
0x2d3: {  	[sflag:s5] =	ssyncadd.s32 $0xFFFFE000  }
0x2d4: {  	[tilespmem:$0x80] =	vst v11  }
0x2d5: {  	[tilespmem:$0x90] =	vst v12  }
0x2d6: {  	[tilespmem:$0xA0] =	vst v13  }
0x2d7: {  	[tilespmem:$0xB0] =	vst v14  }
0x2d8: {  	[tilespmem:s4], [sflag:$0x1] =	stream.indirect.gather [spmem:s22], $0x80, s7, s6, $0xb8;
	[tilespmem:$0x18380] =	vst v63  }
0x2d9: {  	_ =	swait.ge [sflag:s8], $0x2000  }
0x2da: {  	[sflag:s8] =	ssyncset.done $0x0  }
0x2db: {  	s29 =	rddreg [dreg:$0x12];
	[sflag:s8] =	ssyncadd.s32 $0xFFFFE000  }
0x2dc: {  	[hbm4b:s29+s1] =	stream.linear.scatter [tilespmem:s4], [sflag:$0x6], $0x2000, $0x38;
	[tilespmem:$0x18380] =	vst v63  }
0x2dd: {  	_ =	swait.ge [sflag:s5], $0x2000  }
0x2de: {  	[sflag:s5] =	ssyncset.done $0x0  }
0x2df: {  	[sflag:s5] =	ssyncadd.s32 $0xFFFFE000  }
0x2e0: {  	[tilespmem:$0x80] =	vst v16  }
0x2e1: {  	[tilespmem:$0x90] =	vst v17  }
0x2e2: {  	[tilespmem:$0xA0] =	vst v18  }
0x2e3: {  	[tilespmem:$0xB0] =	vst v19  }
0x2e4: {  	[tilespmem:s4], [sflag:$0x1] =	stream.indirect.gather [spmem:s22], $0x80, s7, s6, $0xb8;
	[tilespmem:$0x18380] =	vst v63  }
0x2e5: {  	_ =	swait.ge [sflag:s8], $0x2000  }
0x2e6: {  	[sflag:s8] =	ssyncset.done $0x0  }
0x2e7: {  	s24 =	rddreg [dreg:$0x13];
	[sflag:s8] =	ssyncadd.s32 $0xFFFFE000  }
0x2e8: {  	[hbm4b:s24+s1] =	stream.linear.scatter [tilespmem:s4], [sflag:$0x6], $0x2000, $0x38;
	[tilespmem:$0x18380] =	vst v63  }
0x2e9: {  	_ =	swait.ge [sflag:s5], $0x2000  }
0x2ea: {  	[sflag:s5] =	ssyncset.done $0x0  }
0x2eb: {  	[sflag:s5] =	ssyncadd.s32 $0xFFFFE000  }
0x2ec: {  	[tilespmem:$0x80] =	vst v20  }
0x2ed: {  	[tilespmem:$0x90] =	vst v21  }
0x2ee: {  	[tilespmem:$0xA0] =	vst v22  }
0x2ef: {  	[tilespmem:$0xB0] =	vst v23  }
0x2f0: {  	[tilespmem:s4], [sflag:$0x1] =	stream.indirect.gather [spmem:s22], $0x80, s7, s6, $0xb8;
	[tilespmem:$0x18380] =	vst v63  }
0x2f1: {  	_ =	swait.ge [sflag:s8], $0x2000  }
0x2f2: {  	[sflag:s8] =	ssyncset.done $0x0  }
0x2f3: {  	s29 =	rddreg [dreg:$0x14];
	[sflag:s8] =	ssyncadd.s32 $0xFFFFE000  }
0x2f4: {  	[hbm4b:s29+s1] =	stream.linear.scatter [tilespmem:s4], [sflag:$0x6], $0x2000, $0x38;
	[tilespmem:$0x18380] =	vst v63  }
0x2f5: {  	_ =	swait.ge [sflag:s5], $0x2000  }
0x2f6: {  	[sflag:s5] =	ssyncset.done $0x0  }
0x2f7: {  	[sflag:s5] =	ssyncadd.s32 $0xFFFFE000  }
0x2f8: {  	[tilespmem:$0x80] =	vst v24  }
0x2f9: {  	[tilespmem:$0x90] =	vst v25  }
0x2fa: {  	[tilespmem:$0xA0] =	vst v26  }
0x2fb: {  	[tilespmem:$0xB0] =	vst v27  }
0x2fc: {  	[tilespmem:s4], [sflag:$0x1] =	stream.indirect.gather [spmem:s22], $0x80, s7, s6, $0xb8;
	[tilespmem:$0x18380] =	vst v63  }
0x2fd: {  	_ =	swait.ge [sflag:s8], $0x2000  }
0x2fe: {  	[sflag:s8] =	ssyncset.done $0x0  }
0x2ff: {  	s24 =	rddreg [dreg:$0x15];
	[sflag:s8] =	ssyncadd.s32 $0xFFFFE000  }
0x300: {  	[hbm4b:s24+s1] =	stream.linear.scatter [tilespmem:s4], [sflag:$0x6], $0x2000, $0x38;
	[tilespmem:$0x18380] =	vst v63  }
0x301: {  	_ =	swait.ge [sflag:s5], $0x2000  }
0x302: {  	[sflag:s5] =	ssyncset.done $0x0  }
0x303: {  	[sflag:s5] =	ssyncadd.s32 $0xFFFFE000  }
0x304: {  	[tilespmem:$0x80] =	vst v28  }
0x305: {  	[tilespmem:$0x90] =	vst v29  }
0x306: {  	[tilespmem:$0xA0] =	vst v30  }
0x307: {  	[tilespmem:$0xB0] =	vst v31  }
0x308: {  	[tilespmem:s4], [sflag:$0x1] =	stream.indirect.gather [spmem:s22], $0x80, s7, s6, $0xb8;
	[tilespmem:$0x18380] =	vst v63  }
0x309: {  	_ =	swait.ge [sflag:s8], $0x2000  }
0x30a: {  	[sflag:s8] =	ssyncset.done $0x0  }
0x30b: {  	s29 =	rddreg [dreg:$0x16];
	[sflag:s8] =	ssyncadd.s32 $0xFFFFE000  }
0x30c: {  	[hbm4b:s29+s1] =	stream.linear.scatter [tilespmem:s4], [sflag:$0x6], $0x2000, $0x38;
	[tilespmem:$0x18380] =	vst v63  }
0x30d: {  	_ =	swait.ge [sflag:s5], $0x2000  }
0x30e: {  	[sflag:s5] =	ssyncset.done $0x0  }
0x30f: {  	[sflag:s5] =	ssyncadd.s32 $0xFFFFE000  }
0x310: {  	[tilespmem:$0x80] =	vst v32  }
0x311: {  	[tilespmem:$0x90] =	vst v33  }
0x312: {  	[tilespmem:$0xA0] =	vst v34  }
0x313: {  	[tilespmem:$0xB0] =	vst v35  }
0x314: {  	[tilespmem:s4], [sflag:$0x1] =	stream.indirect.gather [spmem:s22], $0x80, s7, s6, $0xb8;
	[tilespmem:$0x18380] =	vst v63  }
0x315: {  	_ =	swait.ge [sflag:s8], $0x2000  }
0x316: {  	[sflag:s8] =	ssyncset.done $0x0  }
0x317: {  	s24 =	rddreg [dreg:$0x17];
	[sflag:s8] =	ssyncadd.s32 $0xFFFFE000  }
0x318: {  	[hbm4b:s24+s1] =	stream.linear.scatter [tilespmem:s4], [sflag:$0x6], $0x2000, $0x38;
	[tilespmem:$0x18380] =	vst v63  }
0x319: {  	_ =	swait.ge [sflag:s5], $0x2000  }
0x31a: {  	[sflag:s5] =	ssyncset.done $0x0  }
0x31b: {  	[sflag:s5] =	ssyncadd.s32 $0xFFFFE000  }
0x31c: {  	[tilespmem:$0x80] =	vst v36  }
0x31d: {  	[tilespmem:$0x90] =	vst v37  }
0x31e: {  	[tilespmem:$0xA0] =	vst v38  }
0x31f: {  	[tilespmem:$0xB0] =	vst v39  }
0x320: {  	[tilespmem:s4], [sflag:$0x1] =	stream.indirect.gather [spmem:s22], $0x80, s7, s6, $0xb8;
	[tilespmem:$0x18380] =	vst v63  }
0x321: {  	s23 =	sadd.s32 $0x1, s23;
	_ =	swait.ge [sflag:s8], $0x2000  }
0x322: {  	p0 =	sne.s32 s23, s3;
	[sflag:s8] =	ssyncset.done $0x0  }
.Ltmp3:
0x323: {  	s29 =	rddreg [dreg:$0x18];
	[sflag:s8] =	ssyncadd.s32 $0xFFFFE000;
	(pc) =	sbr.rel @p0 .LBB2_1-.Ltmp3, $4  }
0x324: {  	[hbm4b:s29+s1] =	stream.linear.scatter [tilespmem:s4], [sflag:$0x6], $0x2000, $0x38;
	[tilespmem:$0x18380] =	vst v63  }
0x325: {  	_ =	swait.ge [sflag:s5], $0x2000  }
0x326: {  	[sflag:s5] =	ssyncset.done $0x0  }
0x327: {  	[sflag:s5] =	ssyncadd.s32 $0xFFFFE000  }
0x328: {  	_ =	sfence.sel $0x180000  }
0x329: {  	[bflag:$0x0] =	sbarrier.arrive $0xFFFF  }
0x32a: {  	_ =	strace $0x90000047  }
0x32b: {  	s0 =	stileid.u32;
	[bflag:$0x2] =	sbarrier.arrive $0xFFFF  }
0x32c: {  	p0 =	sne.s32 s0, $0x0;
	s0 =	rddreg [dreg:$0x4]  }
0x32d: {  	s0 =	sadd.s32 @!p0 $0x100000, s0  }
0x32e: {  	[sflag:s0] =	ssyncadd.tile.s32 @!p0 $0x1;
	_ =	shalt  }
.Lfunc_end2:
_tile_overlayer_lowered:
.L_overlay_start_2:
0x32f: {  	(tag) =	ssettag $0x2  }
0x330: {  	s0 =	rddreg [dreg:$0x0];
	s2 =	stileid.u32  }
0x331: {  	s1 =	rddreg [dreg:$0x1];
	p0 =	sne.s32 s2, $0x0  }
0x332: {  	s3 =	rddreg [dreg:$0x2];
	[bflag:$0x3] =	sbarrier.arrive $0xFFFF;
	s2 =	simm.s32 @!p0 $0x1C06  }
0x333: {  	[timem:s3], [sflag:s2] =	dma.local @!p0 [hbm:s0], s1  }
0x334: {  	s0 =	simm.s32 @!p0 $0x6  }
0x335: {  	_ =	swait.ge @!p0 [sflag:s0], s1  }
0x336: {  	s1 =	ssub.s32 @!p0 $0x0, s1;
	[sflag:s0] =	ssyncset.done @!p0 $0x0  }
0x337: {  	[sflag:s0] =	ssyncadd.s32 @!p0 s1  }
0x338: {  	[bflag:$0x3] =	sbarrier.arrive $0xFFFF  }
0x339: {  	_ =	shalt  }

</sc_bundles>
